<compile_context>
chip_gen: v7x
topology: tpu7x:2x2x1
jax: 0.10.2.dev20260603
libtpu: 0.0.44.dev20260713+nightly
codegen_flags: <defaults>
</compile_context>

<pallas_src>
import functools

import jax
import jax.numpy as jnp
import numpy as np
from jax import lax
from jax.experimental import pallas as pl
from jax.experimental.pallas import tpu as pltpu
from jax.experimental.pallas import tpu_sc as plsc

HID = 896
N_HEADS = 14
KV_HEADS = 2
HEAD_DIM = 64
INTER = 4864
N_EXP = 4
TOP_K = 2
RMS_EPS = 1e-05
S = 2048


ROWB = 256


def _qkv_body(x_ref, w1_ref, qw_ref, qb_ref, kw_ref, kb_ref, vw_ref, vb_ref,
              q_ref, k_ref, v_ref):
    x = x_ref[...]
    var = jnp.mean(jnp.square(x), axis=-1, keepdims=True)
    h = (x * jax.lax.rsqrt(var + RMS_EPS)) * w1_ref[...]
    hb = h.astype(jnp.bfloat16)
    q = jnp.dot(hb, qw_ref[...].astype(jnp.bfloat16),
                preferred_element_type=jnp.float32) + qb_ref[...]
    k = jnp.dot(hb, kw_ref[...].astype(jnp.bfloat16),
                preferred_element_type=jnp.float32) + kb_ref[...]
    v = jnp.dot(hb, vw_ref[...].astype(jnp.bfloat16),
                preferred_element_type=jnp.float32) + vb_ref[...]
    q_ref[...] = q
    k_ref[...] = k
    v_ref[...] = v


def _qkv(x, rms1_w, q_w, q_b, k_w, k_b, v_w, v_b):
    nrb = S // ROWB
    return pl.pallas_call(
        _qkv_body,
        grid=(nrb,),
        in_specs=[
            pl.BlockSpec((ROWB, HID), lambda r: (r, 0)),
            pl.BlockSpec((1, HID), lambda r: (0, 0)),
            pl.BlockSpec((HID, N_HEADS * HEAD_DIM), lambda r: (0, 0)),
            pl.BlockSpec((1, N_HEADS * HEAD_DIM), lambda r: (0, 0)),
            pl.BlockSpec((HID, KV_HEADS * HEAD_DIM), lambda r: (0, 0)),
            pl.BlockSpec((1, KV_HEADS * HEAD_DIM), lambda r: (0, 0)),
            pl.BlockSpec((HID, KV_HEADS * HEAD_DIM), lambda r: (0, 0)),
            pl.BlockSpec((1, KV_HEADS * HEAD_DIM), lambda r: (0, 0)),
        ],
        out_specs=[
            pl.BlockSpec((ROWB, N_HEADS * HEAD_DIM), lambda r: (r, 0)),
            pl.BlockSpec((ROWB, KV_HEADS * HEAD_DIM), lambda r: (r, 0)),
            pl.BlockSpec((ROWB, KV_HEADS * HEAD_DIM), lambda r: (r, 0)),
        ],
        out_shape=[
            jax.ShapeDtypeStruct((S, N_HEADS * HEAD_DIM), jnp.float32),
            jax.ShapeDtypeStruct((S, KV_HEADS * HEAD_DIM), jnp.float32),
            jax.ShapeDtypeStruct((S, KV_HEADS * HEAD_DIM), jnp.float32),
        ],
    )(x, rms1_w, q_w, q_b, k_w, k_b, v_w, v_b)



QB = 512
REP = N_HEADS // KV_HEADS


def _attn_body(q_ref, k_ref, v_ref, o_ref):
    s = jax.lax.dot_general(q_ref[0], k_ref[0], (((1,), (1,)), ((), ())),
                            preferred_element_type=jnp.float32)
    s = s * np.float32(1.0 / np.sqrt(HEAD_DIM))
    p = jnp.exp(s)
    l = jnp.sum(p, axis=-1, keepdims=True)
    pv = jnp.dot(p.astype(jnp.bfloat16), v_ref[0].astype(jnp.bfloat16),
                 preferred_element_type=jnp.float32)
    o_ref[0] = pv * (1.0 / l)


def _attention(q, k, v):
    nqb = S // QB
    return pl.pallas_call(
        _attn_body,
        grid=(N_HEADS, nqb),
        in_specs=[
            pl.BlockSpec((1, QB, HEAD_DIM), lambda h, r: (h, r, 0)),
            pl.BlockSpec((1, S, HEAD_DIM), lambda h, r: (h // REP, 0, 0)),
            pl.BlockSpec((1, S, HEAD_DIM), lambda h, r: (h // REP, 0, 0)),
        ],
        out_specs=pl.BlockSpec((1, QB, HEAD_DIM), lambda h, r: (h, r, 0)),
        out_shape=jax.ShapeDtypeStruct((N_HEADS, S, HEAD_DIM), jnp.float32),
    )(q, k, v)




NCHUNK = S // 64
HPAD = 1024
HV = HPAD // 2


def _post_body(attn_ref, res_ref, ow_ref, w2_ref, gw_ref, hid_ref, h2_ref,
               re_ref, rw_ref, cnt_ref):
    a = attn_ref[...].astype(jnp.bfloat16)
    ao = jnp.dot(a, ow_ref[...].astype(jnp.bfloat16),
                 preferred_element_type=jnp.float32)
    hid = res_ref[...] + ao
    hid_ref[...] = hid
    var = jnp.mean(jnp.square(hid), axis=-1, keepdims=True)
    h2 = (hid * jax.lax.rsqrt(var + RMS_EPS)) * w2_ref[...]
    h2_ref[...] = h2
    logits = jnp.dot(h2.astype(jnp.bfloat16), gw_ref[...].astype(jnp.bfloat16),
                     preferred_element_type=jnp.float32)[:, :N_EXP]
    lmax = jnp.max(logits, axis=-1, keepdims=True)
    pe = jnp.exp(logits - lmax)
    probs = pe / jnp.sum(pe, axis=-1, keepdims=True)
    c = [probs[:, e:e + 1] for e in range(N_EXP)]
    rank = []
    for e in range(N_EXP):
        r = jnp.zeros_like(c[0], dtype=jnp.int32)
        for j in range(N_EXP):
            if j < e:
                r += (c[j] >= c[e]).astype(jnp.int32)
            elif j > e:
                r += (c[j] > c[e]).astype(jnp.int32)
        rank.append(r)
    sel = [(rank[e] < TOP_K) for e in range(N_EXP)]
    denom = sum(jnp.where(sel[e], c[e], 0.0) for e in range(N_EXP))
    e0 = sum(jnp.where(rank[e] == 0, e, 0) for e in range(N_EXP))
    e1 = sum(jnp.where(rank[e] == 1, e, 0) for e in range(N_EXP))
    w0 = sum(jnp.where(rank[e] == 0, c[e], 0.0) for e in range(N_EXP)) / denom
    w1 = sum(jnp.where(rank[e] == 1, c[e], 0.0) for e in range(N_EXP)) / denom
    re_ref[...] = jnp.concatenate([e0, e1], axis=-1)
    rw_ref[...] = jnp.concatenate([w0, w1], axis=-1)
    self_f = jnp.concatenate([s.astype(jnp.float32) for s in sel], axis=-1)
    seg = (jax.lax.broadcasted_iota(jnp.int32, (4, ROWB), 1) // 64
           == jax.lax.broadcasted_iota(jnp.int32, (4, ROWB), 0)
           ).astype(jnp.float32)
    cnt_ref[0] = jnp.dot(seg, self_f, preferred_element_type=jnp.float32)


def _post_attn(attn, x, o_w, rms2_w, gate_w_pad):
    nrb = S // ROWB
    return pl.pallas_call(
        _post_body,
        grid=(nrb,),
        in_specs=[
            pl.BlockSpec((ROWB, N_HEADS * HEAD_DIM), lambda r: (r, 0)),
            pl.BlockSpec((ROWB, HID), lambda r: (r, 0)),
            pl.BlockSpec((N_HEADS * HEAD_DIM, HID), lambda r: (0, 0)),
            pl.BlockSpec((1, HID), lambda r: (0, 0)),
            pl.BlockSpec((HID, 128), lambda r: (0, 0)),
        ],
        out_specs=[
            pl.BlockSpec((ROWB, HID), lambda r: (r, 0)),
            pl.BlockSpec((ROWB, HID), lambda r: (r, 0)),
            pl.BlockSpec((ROWB, 2), lambda r: (r, 0)),
            pl.BlockSpec((ROWB, 2), lambda r: (r, 0)),
            pl.BlockSpec((1, 4, N_EXP), lambda r: (r, 0, 0)),
        ],
        out_shape=[
            jax.ShapeDtypeStruct((S, HID), jnp.float32),
            jax.ShapeDtypeStruct((S, HID), jnp.float32),
            jax.ShapeDtypeStruct((S, 2), jnp.int32),
            jax.ShapeDtypeStruct((S, 2), jnp.float32),
            jax.ShapeDtypeStruct((S // ROWB, 4, N_EXP), jnp.float32),
        ],
    )(attn, x, o_w, rms2_w, gate_w_pad)



IB = 256
N_IB = INTER // IB
BLK = 512
NBLK = 2 * S // BLK + N_EXP - 1
NSLOT = NBLK * BLK
NC_SC = 2
NS_SC = 16


def _sc_gather(h2, re0, re1, counts):
    mesh = plsc.VectorSubcoreMesh(core_axis_name="c", subcore_axis_name="s")

    @functools.partial(
        pl.kernel, mesh=mesh,
        out_type=[
            jax.ShapeDtypeStruct((NSLOT, HID), jnp.float32),
            jax.ShapeDtypeStruct((S,), jnp.int32),
            jax.ShapeDtypeStruct((S,), jnp.int32),
        ],
        scratch_types=[
            pltpu.VMEM((64,), jnp.int32),
            pltpu.VMEM((64,), jnp.int32),
            pltpu.VMEM((128,), jnp.float32),
            pltpu.VMEM((64,), jnp.int32),
            pltpu.VMEM((64,), jnp.int32),
            pltpu.VMEM((64, HID), jnp.float32),
            pltpu.SemaphoreType.DMA,
        ],
        compiler_params=pltpu.CompilerParams(needs_layout_passes=False),
    )
    def k(h2_hbm, re0_hbm, re1_hbm, cnt_hbm, xs_hbm, sl0_hbm, sl1_hbm,
          re0_v, re1_v, cnt_v, dst0_v, dst1_v, rows_v, sem):
        wid = lax.axis_index("s") * NC_SC + lax.axis_index("c")
        tb = wid * 64
        pltpu.sync_copy(re0_hbm.at[pl.ds(tb, 64)], re0_v)
        pltpu.sync_copy(re1_hbm.at[pl.ds(tb, 64)], re1_v)
        pltpu.sync_copy(cnt_hbm, cnt_v)
        tot = [jnp.float32(0.0)] * N_EXP
        pre = [jnp.float32(0.0)] * N_EXP
        widv = jnp.full((16,), wid, jnp.int32)
        for i in range(8):
            v = cnt_v[pl.ds(i * 16, 16)]
            idx = lax.iota(jnp.int32, 16) + i * 16
            e_lane = idx % N_EXP
            sc_lane = idx // N_EXP
            for e in range(N_EXP):
                m = e_lane == e
                tot[e] = tot[e] + jnp.sum(jnp.where(m, v, 0.0))
                pre[e] = pre[e] + jnp.sum(
                    jnp.where(m & (sc_lane < widv), v, 0.0))
        run = []
        pb = jnp.int32(0)
        for e in range(N_EXP):
            run.append(jnp.full((16,), pb + pre[e].astype(jnp.int32),
                                jnp.int32))
            nb_e = (tot[e].astype(jnp.int32) + (BLK - 1)) // BLK
            pb = pb + nb_e * BLK
        for rv, dv in ((re0_v, dst0_v), (re1_v, dst1_v)):
            for i in range(4):
                v = rv[pl.ds(i * 16, 16)]
                dst = jnp.zeros((16,), jnp.int32)
                for e in range(N_EXP):
                    m = v == e
                    mi = m.astype(jnp.int32)
                    pos = run[e] + plsc.cumsum(mi) - 1
                    dst = jnp.where(m, pos, dst)
                    run[e] = run[e] + jnp.full((16,), jnp.sum(mi), jnp.int32)
                dv[pl.ds(i * 16, 16)] = dst
        pltpu.sync_copy(dst0_v, sl0_hbm.at[pl.ds(tb, 64)])
        pltpu.sync_copy(dst1_v, sl1_hbm.at[pl.ds(tb, 64)])
        pltpu.sync_copy(h2_hbm.at[pl.ds(tb, 64)], rows_v)
        pltpu.async_copy(rows_v, xs_hbm.at[dst0_v], sem).wait()
        pltpu.async_copy(rows_v, xs_hbm.at[dst1_v], sem).wait()

    return k(h2, re0, re1, counts)




def _moeg_body(be_ref, xs_ref, gw_ref, uw_ref, dw_ref, ys_ref):
    i = pl.program_id(0)
    b = pl.program_id(1)

    @pl.when(b < be_ref[NBLK])
    def _compute():
        xb = xs_ref[pl.ds(b * BLK, BLK), :].astype(jnp.bfloat16)
        g = jnp.dot(xb, gw_ref[0].astype(jnp.bfloat16),
                    preferred_element_type=jnp.float32)
        u = jnp.dot(xb, uw_ref[0].astype(jnp.bfloat16),
                    preferred_element_type=jnp.float32)
        p = ((g / (1.0 + jnp.exp(-g))) * u).astype(jnp.bfloat16)
        contrib = jnp.dot(p, dw_ref[0].astype(jnp.bfloat16),
                          preferred_element_type=jnp.float32)

        @pl.when(i == 0)
        def _init():
            ys_ref[pl.ds(b * BLK, BLK), :] = contrib

        @pl.when(i > 0)
        def _acc():
            ys_ref[pl.ds(b * BLK, BLK), :] += contrib


def _moe_grouped(blk_expert, xs, exp_gate_w, exp_up_w, exp_down_w):
    grid_spec = pltpu.PrefetchScalarGridSpec(
        num_scalar_prefetch=1,
        grid=(N_IB, NBLK),
        in_specs=[
            pl.BlockSpec((NSLOT, HID), lambda i, b, be: (0, 0)),
            pl.BlockSpec((1, HID, IB), lambda i, b, be: (be[b], 0, i)),
            pl.BlockSpec((1, HID, IB), lambda i, b, be: (be[b], 0, i)),
            pl.BlockSpec((1, IB, HID), lambda i, b, be: (be[b], i, 0)),
        ],
        out_specs=pl.BlockSpec((NSLOT, HID), lambda i, b, be: (0, 0)),
        scratch_shapes=[],
    )
    return pl.pallas_call(
        _moeg_body,
        grid_spec=grid_spec,
        out_shape=jax.ShapeDtypeStruct((NSLOT, HID), jnp.float32),
        compiler_params=pltpu.CompilerParams(
            dimension_semantics=("arbitrary", "arbitrary")),
    )(blk_expert, xs, exp_gate_w, exp_up_w, exp_down_w)




def _sc_ygather(ys, sl0, sl1):
    mesh = plsc.VectorSubcoreMesh(core_axis_name="c", subcore_axis_name="s")

    @functools.partial(
        pl.kernel, mesh=mesh,
        out_type=[
            jax.ShapeDtypeStruct((S, HID), jnp.float32),
            jax.ShapeDtypeStruct((S, HID), jnp.float32),
        ],
        scratch_types=[
            pltpu.VMEM((64,), jnp.int32),
            pltpu.VMEM((64,), jnp.int32),
            pltpu.VMEM((64, HID), jnp.float32),
            pltpu.SemaphoreType.DMA,
        ],
        compiler_params=pltpu.CompilerParams(needs_layout_passes=False),
    )
    def k(ys_hbm, sl0_hbm, sl1_hbm, yg0_hbm, yg1_hbm,
          sl0_v, sl1_v, rows_v, sem):
        wid = lax.axis_index("s") * NC_SC + lax.axis_index("c")
        tb = wid * 64
        pltpu.sync_copy(sl0_hbm.at[pl.ds(tb, 64)], sl0_v)
        pltpu.sync_copy(sl1_hbm.at[pl.ds(tb, 64)], sl1_v)
        pltpu.async_copy(ys_hbm.at[sl0_v], rows_v, sem).wait()
        pltpu.sync_copy(rows_v, yg0_hbm.at[pl.ds(tb, 64)])
        pltpu.async_copy(ys_hbm.at[sl1_v], rows_v, sem).wait()
        pltpu.sync_copy(rows_v, yg1_hbm.at[pl.ds(tb, 64)])

    return k(ys, sl0, sl1)




def _comb_body(hid_ref, y0_ref, y1_ref, rw_ref, out_ref):
    w = rw_ref[...]
    out_ref[...] = (hid_ref[...] + w[:, :1] * y0_ref[...]
                    + w[:, 1:2] * y1_ref[...])


def _combine(hidden, yg0, yg1, route_w):
    nrb = S // ROWB
    return pl.pallas_call(
        _comb_body,
        grid=(nrb,),
        in_specs=[
            pl.BlockSpec((ROWB, HID), lambda r: (r, 0)),
            pl.BlockSpec((ROWB, HID), lambda r: (r, 0)),
            pl.BlockSpec((ROWB, HID), lambda r: (r, 0)),
            pl.BlockSpec((ROWB, 2), lambda r: (r, 0)),
        ],
        out_specs=pl.BlockSpec((ROWB, HID), lambda r: (r, 0)),
        out_shape=jax.ShapeDtypeStruct((S, HID), jnp.float32),
    )(hidden, yg0, yg1, route_w)




def kernel(hidden_states, position_ids, rms1_w, q_w, q_b, k_w, k_b, v_w, v_b,
           o_w, rms2_w, gate_w, exp_gate_w, exp_up_w, exp_down_w):
    del position_ids
    x = hidden_states.reshape(S, HID)
    q, k, v = _qkv(x, rms1_w.reshape(1, HID), q_w, q_b.reshape(1, -1),
                   k_w, k_b.reshape(1, -1), v_w, v_b.reshape(1, -1))
    q3 = q.reshape(S, N_HEADS, HEAD_DIM).transpose(1, 0, 2)
    k3 = k.reshape(S, KV_HEADS, HEAD_DIM).transpose(1, 0, 2)
    v3 = v.reshape(S, KV_HEADS, HEAD_DIM).transpose(1, 0, 2)
    attn = _attention(q3, k3, v3).transpose(1, 0, 2).reshape(S, N_HEADS * HEAD_DIM)
    gate_w_pad = jnp.pad(gate_w, ((0, 0), (0, 128 - N_EXP)))
    hidden, h2b, route_e, route_w, counts = _post_attn(
        attn, x, o_w, rms2_w.reshape(1, HID), gate_w_pad)
    tot = counts.reshape(NCHUNK, N_EXP).sum(axis=0).astype(jnp.int32)
    nb = (tot + (BLK - 1)) // BLK
    cum = jnp.cumsum(nb)
    be = jnp.minimum(
        jnp.sum((jnp.arange(NBLK)[:, None] >= cum[None, :]).astype(jnp.int32),
                axis=1), N_EXP - 1).astype(jnp.int32)
    be = jnp.concatenate([be, cum[-1:]])
    xs, sl0, sl1 = _sc_gather(h2b, route_e[:, 0], route_e[:, 1],
                              counts.reshape(NCHUNK * N_EXP))
    ys = _moe_grouped(be, xs, exp_gate_w, exp_up_w, exp_down_w)
    yg0, yg1 = _sc_ygather(ys, sl0, sl1)
    out = _combine(hidden, yg0, yg1, route_w)
    return out.reshape(1, S, HID)

# --- scband reference (transcript-rebuilt; emitter-appended) ---
"""Pipeline reference for scband-decoder-layer-40570261078624 (READ-ONLY COPY).

The authoritative reference and input builder live on the scoring server;
editing this copy changes nothing except your own understanding.
"""

import jax, jax.numpy as jnp
import numpy as np

HID = 896
N_HEADS = 14
KV_HEADS = 2
HEAD_DIM = 64
INTER = 4864
N_EXP = 4
TOP_K = 2
RMS_EPS = 1e-05
B, S = 1, 2048


def setup_inputs(seed: int = 0):
    key = jax.random.key(seed)
    ks = jax.random.split(key, 16)
    s = 0.02
    inp = {}
    inp['hidden_states'] = jax.random.normal(ks[0], (B, S, HID), dtype=jnp.float32)
    inp['position_ids'] = jnp.arange(S, dtype=jnp.int32)
    inp['rms1_w'] = jnp.ones((HID,), dtype=jnp.float32)
    inp['q_w'] = jax.random.normal(ks[1], (HID, N_HEADS * HEAD_DIM), dtype=jnp.float32) * s
    inp['q_b'] = jnp.zeros((N_HEADS * HEAD_DIM,), dtype=jnp.float32)
    inp['k_w'] = jax.random.normal(ks[2], (HID, KV_HEADS * HEAD_DIM), dtype=jnp.float32) * s
    inp['k_b'] = jnp.zeros((KV_HEADS * HEAD_DIM,), dtype=jnp.float32)
    inp['v_w'] = jax.random.normal(ks[3], (HID, KV_HEADS * HEAD_DIM), dtype=jnp.float32) * s
    inp['v_b'] = jnp.zeros((KV_HEADS * HEAD_DIM,), dtype=jnp.float32)
    inp['o_w'] = jax.random.normal(ks[4], (N_HEADS * HEAD_DIM, HID), dtype=jnp.float32) * s
    inp['rms2_w'] = jnp.ones((HID,), dtype=jnp.float32)
    inp['gate_w'] = jax.random.normal(ks[5], (HID, N_EXP), dtype=jnp.float32) * s
    inp['exp_gate_w'] = jax.random.normal(ks[6], (N_EXP, HID, INTER), dtype=jnp.float32) * s
    inp['exp_up_w'] = jax.random.normal(ks[7], (N_EXP, HID, INTER), dtype=jnp.float32) * s
    inp['exp_down_w'] = jax.random.normal(ks[8], (N_EXP, INTER, HID), dtype=jnp.float32) * s
    return inp


def _rmsnorm(x, w):
    var = jnp.mean(jnp.square(x), axis=-1, keepdims=True)
    return w * (x * jax.lax.rsqrt(var + RMS_EPS))


def _forward(hidden_states, rms1_w, q_w, q_b, k_w, k_b, v_w, v_b, o_w, rms2_w, gate_w, exp_gate_w, exp_up_w, exp_down_w):
    b, s, _ = hidden_states.shape
    # --- self attention block (pre-norm, residual) ---
    residual = hidden_states
    h = _rmsnorm(hidden_states, rms1_w)
    q = (h @ q_w + q_b).reshape(b, s, N_HEADS, HEAD_DIM).transpose(0, 2, 1, 3)
    k = (h @ k_w + k_b).reshape(b, s, KV_HEADS, HEAD_DIM).transpose(0, 2, 1, 3)
    v = (h @ v_w + v_b).reshape(b, s, KV_HEADS, HEAD_DIM).transpose(0, 2, 1, 3)
    rep = N_HEADS // KV_HEADS
    k = jnp.repeat(k, rep, axis=1)
    v = jnp.repeat(v, rep, axis=1)
    scale = 1.0 / np.sqrt(HEAD_DIM)
    scores = jnp.einsum('bhqd,bhkd->bhqk', q, k) * scale
    probs = jax.nn.softmax(scores, axis=-1)
    attn = jnp.einsum('bhqk,bhkd->bhqd', probs, v)
    attn = attn.transpose(0, 2, 1, 3).reshape(b, s, N_HEADS * HEAD_DIM)
    attn_out = attn @ o_w
    hidden = residual + attn_out
    # --- MoE block (pre-norm, residual) ---
    residual2 = hidden
    h2 = _rmsnorm(hidden, rms2_w)
    x = h2.reshape(-1, HID)
    logits = x @ gate_w
    rw = jax.nn.softmax(logits.astype(jnp.float32), axis=-1)
    top_w, top_idx = jax.lax.top_k(rw, TOP_K)
    top_w = top_w / jnp.sum(top_w, axis=-1, keepdims=True)
    out = jnp.zeros_like(x)
    for e in range(N_EXP):
        w_e = jnp.sum(top_w * (top_idx == e).astype(top_w.dtype), axis=-1, keepdims=True)
        g = x @ exp_gate_w[e]
        u = x @ exp_up_w[e]
        eo = (jax.nn.silu(g) * u) @ exp_down_w[e]
        out = out + w_e.astype(x.dtype) * eo
    hidden = residual2 + out.reshape(residual2.shape)
    return hidden


def reference(hidden_states, position_ids, rms1_w, q_w, q_b, k_w, k_b, v_w, v_b, o_w, rms2_w, gate_w, exp_gate_w, exp_up_w, exp_down_w):
    # position_ids are accepted by the torch Attention but never used (no RoPE applied)
    del position_ids
    return _forward(hidden_states, rms1_w, q_w, q_b, k_w, k_b, v_w, v_b, o_w, rms2_w, gate_w, exp_gate_w, exp_up_w, exp_down_w)

if __name__ == "__main__":
    import jax
    _d = setup_inputs()
    print(jax.jit(kernel)(*tuple(_d.values())))

</pallas_src>

<mosaic_0001>
#map = affine_map<(d0, d1) -> (0, 0)>
#map1 = affine_map<(d0, d1) -> (0)>
module attributes {stable_mosaic.version = 14 : i64} {
  func.func @k(%arg0: i32, %arg1: i32, %arg2: memref<2048x896xf32, #tpu.memory_space<hbm>>, %arg3: memref<2048xi32, #tpu.memory_space<hbm>>, %arg4: memref<2048xi32, #tpu.memory_space<hbm>>, %arg5: memref<128xf32, #tpu.memory_space<hbm>>, %arg6: memref<5632x896xf32, #tpu.memory_space<hbm>>, %arg7: memref<2048xi32, #tpu.memory_space<hbm>>, %arg8: memref<2048xi32, #tpu.memory_space<hbm>>, %arg9: memref<64xi32, #tpu.memory_space<vmem>>, %arg10: memref<64xi32, #tpu.memory_space<vmem>>, %arg11: memref<128xf32, #tpu.memory_space<vmem>>, %arg12: memref<64xi32, #tpu.memory_space<vmem>>, %arg13: memref<64xi32, #tpu.memory_space<vmem>>, %arg14: memref<64x896xf32, #tpu.memory_space<vmem>>, %arg15: memref<!tpu.dma_semaphore, #tpu.memory_space<semaphore_mem>>) attributes {dimension_semantics = [#tpu.dimension_semantics<core_parallel>, #tpu.dimension_semantics<subcore_parallel>], iteration_bounds = array<i64: 2, 16>, scalar_prefetch = 0 : i64, scratch_operands = 7 : i64, tpu.core_type = #tpu.core_type<sc_vector_subcore>, window_params = [{transform_indices = #map}, {transform_indices = #map1}, {transform_indices = #map1}, {transform_indices = #map1}, {transform_indices = #map}, {transform_indices = #map1}, {transform_indices = #map1}]} {
    %mul3A = arith.constant 2 : i32
    %mul3A_0 = arith.muli %arg1, %mul3A : i32
    %add3A = arith.addi %mul3A_0, %arg0 : i32
    %mul3A_1 = arith.constant 64 : i32
    %mul3A_2 = arith.muli %add3A, %mul3A_1 : i32
    "tpu.region"() ({
      %run_scoped3A = tpu.sem_alloc : memref<!tpu.dma_semaphore, #tpu.memory_space<semaphore_mem>>
      %dma_start3A_1907 = tpu.memref_slice %arg3[%mul3A_2] : memref<2048xi32, #tpu.memory_space<hbm>> -> memref<64xi32, #tpu.memory_space<hbm>>
      %dma_start3A_1908 = tpu.memref_slice %arg3[%mul3A_2] : memref<2048xi32, #tpu.memory_space<hbm>> -> memref<64xi32, #tpu.memory_space<hbm>>
      tpu.enqueue_dma source(%dma_start3A_1908 : memref<64xi32, #tpu.memory_space<hbm>>) target(%arg9 : memref<64xi32, #tpu.memory_space<vmem>>) target_semaphore(%run_scoped3A : memref<!tpu.dma_semaphore, #tpu.memory_space<semaphore_mem>>)
      %dma_wait3A_1909 = tpu.memref_slice %arg3[%mul3A_2] : memref<2048xi32, #tpu.memory_space<hbm>> -> memref<64xi32, #tpu.memory_space<hbm>>
      %dma_wait3A_1910 = tpu.memref_slice %arg3[%mul3A_2] : memref<2048xi32, #tpu.memory_space<hbm>> -> memref<64xi32, #tpu.memory_space<hbm>>
      tpu.wait_dma2 semaphore(%run_scoped3A : memref<!tpu.dma_semaphore, #tpu.memory_space<semaphore_mem>>) src(%dma_wait3A_1910 : memref<64xi32, #tpu.memory_space<hbm>>) dst(%arg9 : memref<64xi32, #tpu.memory_space<vmem>>)
      tpu.yield
    }) : () -> ()
    "tpu.region"() ({
      %run_scoped3A = tpu.sem_alloc : memref<!tpu.dma_semaphore, #tpu.memory_space<semaphore_mem>>
      %dma_start3A_1907 = tpu.memref_slice %arg4[%mul3A_2] : memref<2048xi32, #tpu.memory_space<hbm>> -> memref<64xi32, #tpu.memory_space<hbm>>
      %dma_start3A_1908 = tpu.memref_slice %arg4[%mul3A_2] : memref<2048xi32, #tpu.memory_space<hbm>> -> memref<64xi32, #tpu.memory_space<hbm>>
      tpu.enqueue_dma source(%dma_start3A_1908 : memref<64xi32, #tpu.memory_space<hbm>>) target(%arg10 : memref<64xi32, #tpu.memory_space<vmem>>) target_semaphore(%run_scoped3A : memref<!tpu.dma_semaphore, #tpu.memory_space<semaphore_mem>>)
      %dma_wait3A_1909 = tpu.memref_slice %arg4[%mul3A_2] : memref<2048xi32, #tpu.memory_space<hbm>> -> memref<64xi32, #tpu.memory_space<hbm>>
      %dma_wait3A_1910 = tpu.memref_slice %arg4[%mul3A_2] : memref<2048xi32, #tpu.memory_space<hbm>> -> memref<64xi32, #tpu.memory_space<hbm>>
      tpu.wait_dma2 semaphore(%run_scoped3A : memref<!tpu.dma_semaphore, #tpu.memory_space<semaphore_mem>>) src(%dma_wait3A_1910 : memref<64xi32, #tpu.memory_space<hbm>>) dst(%arg10 : memref<64xi32, #tpu.memory_space<vmem>>)
      tpu.yield
    }) : () -> ()
    "tpu.region"() ({
      %run_scoped3A = tpu.sem_alloc : memref<!tpu.dma_semaphore, #tpu.memory_space<semaphore_mem>>
      tpu.enqueue_dma source(%arg5 : memref<128xf32, #tpu.memory_space<hbm>>) target(%arg11 : memref<128xf32, #tpu.memory_space<vmem>>) target_semaphore(%run_scoped3A : memref<!tpu.dma_semaphore, #tpu.memory_space<semaphore_mem>>)
      tpu.wait_dma2 semaphore(%run_scoped3A : memref<!tpu.dma_semaphore, #tpu.memory_space<semaphore_mem>>) src(%arg5 : memref<128xf32, #tpu.memory_space<hbm>>) dst(%arg11 : memref<128xf32, #tpu.memory_space<vmem>>)
      tpu.yield
    }) : () -> ()
    %broadcast_in_dim3A = vector.broadcast %add3A : i32 to vector<16xi32>
    %get3A = arith.constant 0 : index
    %get3A_3 = tpu.vector_load %arg11[%get3A] {strides = array<i32>} : memref<128xf32, #tpu.memory_space<vmem>>, vector<16xf32>,
    %iota3A = tpu.iota {dimensions = array<i32: 0>} : vector<16xi32>
    %add3A_4 = arith.constant 0 : i32
    %add3A_5 = vector.broadcast %add3A_4 : i32 to vector<16xi32>
    %add3A_6 = arith.addi %iota3A, %add3A_5 : vector<16xi32>
    %jit3A = arith.constant 4 : i32
    %eq3A = arith.constant 0 : i32
    %eq3A_7 = arith.cmpi eq, %jit3A, %eq3A : i32
    %jit3A_8 = arith.constant 1 : i32
    %select_n3A = arith.select %eq3A_7, %jit3A_8, %jit3A : i32
    %rem3A = vector.broadcast %select_n3A : i32 to vector<16xi32>
    %rem3A_9 = arith.remsi %add3A_6, %rem3A : vector<16xi32>
    %ne3A = arith.constant 0 : i32
    %ne3A_10 = vector.broadcast %ne3A : i32 to vector<16xi32>
    %ne3A_11 = arith.cmpi ne, %rem3A_9, %ne3A_10 : vector<16xi32>
    %lt3A = arith.constant 0 : i32
    %lt3A_12 = vector.broadcast %lt3A : i32 to vector<16xi32>
    %lt3A_13 = arith.cmpi slt, %rem3A_9, %lt3A_12 : vector<16xi32>
    %lt3A_14 = arith.constant 0 : i32
    %lt3A_15 = arith.cmpi slt, %select_n3A, %lt3A_14 : i32
    %ne3A_16 = vector.broadcast %lt3A_15 : i1 to vector<16xi1>
    %ne3A_17 = vector.broadcast %ne3A_16 : vector<16xi1> to vector<16xi1>
    %ne3A_18 = arith.xori %lt3A_13, %ne3A_17 : vector<16xi1>
    %and3A = arith.andi %ne3A_18, %ne3A_11 : vector<16xi1>
    %add3A_19 = vector.broadcast %select_n3A : i32 to vector<16xi32>
    %add3A_20 = arith.addi %rem3A_9, %add3A_19 : vector<16xi32>
    %select_n3A_21 = arith.select %and3A, %add3A_20, %rem3A_9 : vector<16xi1>, vector<16xi32>
    %jit3A_22 = arith.constant 4 : i32
    %div3A = vector.broadcast %jit3A_22 : i32 to vector<16xi32>
    %div3A_23 = arith.divsi %add3A_6, %div3A : vector<16xi32>
    %sign3A = arith.constant 0 : i32
    %sign3A_24 = vector.broadcast %sign3A : i32 to vector<16xi32>
    %sign3A_25 = arith.cmpi sgt, %add3A_6, %sign3A_24 : vector<16xi32>
    %sign3A_26 = arith.extui %sign3A_25 : vector<16xi1> to vector<16xi32>
    %sign3A_27 = arith.constant 0 : i32
    %sign3A_28 = vector.broadcast %sign3A_27 : i32 to vector<16xi32>
    %sign3A_29 = arith.cmpi slt, %add3A_6, %sign3A_28 : vector<16xi32>
    %sign3A_30 = arith.extui %sign3A_29 : vector<16xi1> to vector<16xi32>
    %sign3A_31 = arith.subi %sign3A_26, %sign3A_30 : vector<16xi32>
    %sign3A_32 = arith.constant 0 : i32
    %sign3A_33 = arith.cmpi sgt, %jit3A_22, %sign3A_32 : i32
    %sign3A_34 = arith.extui %sign3A_33 : i1 to i32
    %sign3A_35 = arith.constant 0 : i32
    %sign3A_36 = arith.cmpi slt, %jit3A_22, %sign3A_35 : i32
    %sign3A_37 = arith.extui %sign3A_36 : i1 to i32
    %sign3A_38 = arith.subi %sign3A_34, %sign3A_37 : i32
    %ne3A_39 = vector.broadcast %sign3A_38 : i32 to vector<16xi32>
    %ne3A_40 = arith.cmpi ne, %sign3A_31, %ne3A_39 : vector<16xi32>
    %rem3A_41 = vector.broadcast %jit3A_22 : i32 to vector<16xi32>
    %rem3A_42 = arith.remsi %add3A_6, %rem3A_41 : vector<16xi32>
    %ne3A_43 = arith.constant 0 : i32
    %ne3A_44 = vector.broadcast %ne3A_43 : i32 to vector<16xi32>
    %ne3A_45 = arith.cmpi ne, %rem3A_42, %ne3A_44 : vector<16xi32>
    %and3A_46 = arith.andi %ne3A_40, %ne3A_45 : vector<16xi1>
    %sub3A = arith.constant 1 : i32
    %sub3A_47 = vector.broadcast %sub3A : i32 to vector<16xi32>
    %sub3A_48 = arith.subi %div3A_23, %sub3A_47 : vector<16xi32>
    %select_n3A_49 = arith.select %and3A_46, %sub3A_48, %div3A_23 : vector<16xi1>, vector<16xi32>
    %eq3A_50 = arith.constant 0 : i32
    %eq3A_51 = vector.broadcast %eq3A_50 : i32 to vector<16xi32>
    %eq3A_52 = arith.cmpi eq, %select_n3A_21, %eq3A_51 : vector<16xi32>
    %jit3A_53 = arith.constant 0.000000e+00 : f32
    %broadcast_in_dim3A_54 = vector.broadcast %jit3A_53 : f32 to vector<16xf32>
    %select_n3A_55 = arith.select %eq3A_52, %get3A_3, %broadcast_in_dim3A_54 : vector<16xi1>, vector<16xf32>
    %reduce_sum3A = arith.constant true
    %reduce_sum3A_56 = vector.broadcast %reduce_sum3A : i1 to vector<16xi1>
    %reduce_sum3A_57 = tpu.scan <sum>, %select_n3A_55 masked %reduce_sum3A_56 : vector<16xf32>, vector<16xi1> -> vector<16xf32>
    %reduce_sum3A_58 = vector.extract %reduce_sum3A_57[15] : f32 from vector<16xf32>
    %add3A_59 = arith.constant 0.000000e+00 : f32
    %add3A_60 = arith.addf %add3A_59, %reduce_sum3A_58 : f32
    %lt3A_61 = arith.cmpi slt, %select_n3A_49, %broadcast_in_dim3A : vector<16xi32>
    %and3A_62 = arith.andi %eq3A_52, %lt3A_61 : vector<16xi1>
    %jit3A_63 = arith.constant 0.000000e+00 : f32
    %broadcast_in_dim3A_64 = vector.broadcast %jit3A_63 : f32 to vector<16xf32>
    %select_n3A_65 = arith.select %and3A_62, %get3A_3, %broadcast_in_dim3A_64 : vector<16xi1>, vector<16xf32>
    %reduce_sum3A_66 = arith.constant true
    %reduce_sum3A_67 = vector.broadcast %reduce_sum3A_66 : i1 to vector<16xi1>
    %reduce_sum3A_68 = tpu.scan <sum>, %select_n3A_65 masked %reduce_sum3A_67 : vector<16xf32>, vector<16xi1> -> vector<16xf32>
    %reduce_sum3A_69 = vector.extract %reduce_sum3A_68[15] : f32 from vector<16xf32>
    %add3A_70 = arith.constant 0.000000e+00 : f32
    %add3A_71 = arith.addf %add3A_70, %reduce_sum3A_69 : f32
    %eq3A_72 = arith.constant 1 : i32
    %eq3A_73 = vector.broadcast %eq3A_72 : i32 to vector<16xi32>
    %eq3A_74 = arith.cmpi eq, %select_n3A_21, %eq3A_73 : vector<16xi32>
    %jit3A_75 = arith.constant 0.000000e+00 : f32
    %broadcast_in_dim3A_76 = vector.broadcast %jit3A_75 : f32 to vector<16xf32>
    %select_n3A_77 = arith.select %eq3A_74, %get3A_3, %broadcast_in_dim3A_76 : vector<16xi1>, vector<16xf32>
    %reduce_sum3A_78 = arith.constant true
    %reduce_sum3A_79 = vector.broadcast %reduce_sum3A_78 : i1 to vector<16xi1>
    %reduce_sum3A_80 = tpu.scan <sum>, %select_n3A_77 masked %reduce_sum3A_79 : vector<16xf32>, vector<16xi1> -> vector<16xf32>
    %reduce_sum3A_81 = vector.extract %reduce_sum3A_80[15] : f32 from vector<16xf32>
    %add3A_82 = arith.constant 0.000000e+00 : f32
    %add3A_83 = arith.addf %add3A_82, %reduce_sum3A_81 : f32
    %lt3A_84 = arith.cmpi slt, %select_n3A_49, %broadcast_in_dim3A : vector<16xi32>
    %and3A_85 = arith.andi %eq3A_74, %lt3A_84 : vector<16xi1>
    %jit3A_86 = arith.constant 0.000000e+00 : f32
    %broadcast_in_dim3A_87 = vector.broadcast %jit3A_86 : f32 to vector<16xf32>
    %select_n3A_88 = arith.select %and3A_85, %get3A_3, %broadcast_in_dim3A_87 : vector<16xi1>, vector<16xf32>
    %reduce_sum3A_89 = arith.constant true
    %reduce_sum3A_90 = vector.broadcast %reduce_sum3A_89 : i1 to vector<16xi1>
    %reduce_sum3A_91 = tpu.scan <sum>, %select_n3A_88 masked %reduce_sum3A_90 : vector<16xf32>, vector<16xi1> -> vector<16xf32>
    %reduce_sum3A_92 = vector.extract %reduce_sum3A_91[15] : f32 from vector<16xf32>
    %add3A_93 = arith.constant 0.000000e+00 : f32
    %add3A_94 = arith.addf %add3A_93, %reduce_sum3A_92 : f32
    %eq3A_95 = arith.constant 2 : i32
    %eq3A_96 = vector.broadcast %eq3A_95 : i32 to vector<16xi32>
    %eq3A_97 = arith.cmpi eq, %select_n3A_21, %eq3A_96 : vector<16xi32>
    %jit3A_98 = arith.constant 0.000000e+00 : f32
    %broadcast_in_dim3A_99 = vector.broadcast %jit3A_98 : f32 to vector<16xf32>
    %select_n3A_100 = arith.select %eq3A_97, %get3A_3, %broadcast_in_dim3A_99 : vector<16xi1>, vector<16xf32>
    %reduce_sum3A_101 = arith.constant true
    %reduce_sum3A_102 = vector.broadcast %reduce_sum3A_101 : i1 to vector<16xi1>
    %reduce_sum3A_103 = tpu.scan <sum>, %select_n3A_100 masked %reduce_sum3A_102 : vector<16xf32>, vector<16xi1> -> vector<16xf32>
    %reduce_sum3A_104 = vector.extract %reduce_sum3A_103[15] : f32 from vector<16xf32>
    %add3A_105 = arith.constant 0.000000e+00 : f32
    %add3A_106 = arith.addf %add3A_105, %reduce_sum3A_104 : f32
    %lt3A_107 = arith.cmpi slt, %select_n3A_49, %broadcast_in_dim3A : vector<16xi32>
    %and3A_108 = arith.andi %eq3A_97, %lt3A_107 : vector<16xi1>
    %jit3A_109 = arith.constant 0.000000e+00 : f32
    %broadcast_in_dim3A_110 = vector.broadcast %jit3A_109 : f32 to vector<16xf32>
    %select_n3A_111 = arith.select %and3A_108, %get3A_3, %broadcast_in_dim3A_110 : vector<16xi1>, vector<16xf32>
    %reduce_sum3A_112 = arith.constant true
    %reduce_sum3A_113 = vector.broadcast %reduce_sum3A_112 : i1 to vector<16xi1>
    %reduce_sum3A_114 = tpu.scan <sum>, %select_n3A_111 masked %reduce_sum3A_113 : vector<16xf32>, vector<16xi1> -> vector<16xf32>
    %reduce_sum3A_115 = vector.extract %reduce_sum3A_114[15] : f32 from vector<16xf32>
    %add3A_116 = arith.constant 0.000000e+00 : f32
    %add3A_117 = arith.addf %add3A_116, %reduce_sum3A_115 : f32
    %eq3A_118 = arith.constant 3 : i32
    %eq3A_119 = vector.broadcast %eq3A_118 : i32 to vector<16xi32>
    %eq3A_120 = arith.cmpi eq, %select_n3A_21, %eq3A_119 : vector<16xi32>
    %jit3A_121 = arith.constant 0.000000e+00 : f32
    %broadcast_in_dim3A_122 = vector.broadcast %jit3A_121 : f32 to vector<16xf32>
    %select_n3A_123 = arith.select %eq3A_120, %get3A_3, %broadcast_in_dim3A_122 : vector<16xi1>, vector<16xf32>
    %reduce_sum3A_124 = arith.constant true
    %reduce_sum3A_125 = vector.broadcast %reduce_sum3A_124 : i1 to vector<16xi1>
    %reduce_sum3A_126 = tpu.scan <sum>, %select_n3A_123 masked %reduce_sum3A_125 : vector<16xf32>, vector<16xi1> -> vector<16xf32>
    %reduce_sum3A_127 = vector.extract %reduce_sum3A_126[15] : f32 from vector<16xf32>
    %add3A_128 = arith.constant 0.000000e+00 : f32
    %add3A_129 = arith.addf %add3A_128, %reduce_sum3A_127 : f32
    %lt3A_130 = arith.cmpi slt, %select_n3A_49, %broadcast_in_dim3A : vector<16xi32>
    %and3A_131 = arith.andi %eq3A_120, %lt3A_130 : vector<16xi1>
    %jit3A_132 = arith.constant 0.000000e+00 : f32
    %broadcast_in_dim3A_133 = vector.broadcast %jit3A_132 : f32 to vector<16xf32>
    %select_n3A_134 = arith.select %and3A_131, %get3A_3, %broadcast_in_dim3A_133 : vector<16xi1>, vector<16xf32>
    %reduce_sum3A_135 = arith.constant true
    %reduce_sum3A_136 = vector.broadcast %reduce_sum3A_135 : i1 to vector<16xi1>
    %reduce_sum3A_137 = tpu.scan <sum>, %select_n3A_134 masked %reduce_sum3A_136 : vector<16xf32>, vector<16xi1> -> vector<16xf32>
    %reduce_sum3A_138 = vector.extract %reduce_sum3A_137[15] : f32 from vector<16xf32>
    %add3A_139 = arith.constant 0.000000e+00 : f32
    %add3A_140 = arith.addf %add3A_139, %reduce_sum3A_138 : f32
    %get3A_141 = arith.constant 16 : index
    %get3A_142 = tpu.vector_load %arg11[%get3A_141] {strides = array<i32>} : memref<128xf32, #tpu.memory_space<vmem>>, vector<16xf32>,
    %iota3A_143 = tpu.iota {dimensions = array<i32: 0>} : vector<16xi32>
    %add3A_144 = arith.constant 16 : i32
    %add3A_145 = vector.broadcast %add3A_144 : i32 to vector<16xi32>
    %add3A_146 = arith.addi %iota3A_143, %add3A_145 : vector<16xi32>
    %jit3A_147 = arith.constant 4 : i32
    %eq3A_148 = arith.constant 0 : i32
    %eq3A_149 = arith.cmpi eq, %jit3A_147, %eq3A_148 : i32
    %jit3A_150 = arith.constant 1 : i32
    %select_n3A_151 = arith.select %eq3A_149, %jit3A_150, %jit3A_147 : i32
    %rem3A_152 = vector.broadcast %select_n3A_151 : i32 to vector<16xi32>
    %rem3A_153 = arith.remsi %add3A_146, %rem3A_152 : vector<16xi32>
    %ne3A_154 = arith.constant 0 : i32
    %ne3A_155 = vector.broadcast %ne3A_154 : i32 to vector<16xi32>
    %ne3A_156 = arith.cmpi ne, %rem3A_153, %ne3A_155 : vector<16xi32>
    %lt3A_157 = arith.constant 0 : i32
    %lt3A_158 = vector.broadcast %lt3A_157 : i32 to vector<16xi32>
    %lt3A_159 = arith.cmpi slt, %rem3A_153, %lt3A_158 : vector<16xi32>
    %lt3A_160 = arith.constant 0 : i32
    %lt3A_161 = arith.cmpi slt, %select_n3A_151, %lt3A_160 : i32
    %ne3A_162 = vector.broadcast %lt3A_161 : i1 to vector<16xi1>
    %ne3A_163 = vector.broadcast %ne3A_162 : vector<16xi1> to vector<16xi1>
    %ne3A_164 = arith.xori %lt3A_159, %ne3A_163 : vector<16xi1>
    %and3A_165 = arith.andi %ne3A_164, %ne3A_156 : vector<16xi1>
    %add3A_166 = vector.broadcast %select_n3A_151 : i32 to vector<16xi32>
    %add3A_167 = arith.addi %rem3A_153, %add3A_166 : vector<16xi32>
    %select_n3A_168 = arith.select %and3A_165, %add3A_167, %rem3A_153 : vector<16xi1>, vector<16xi32>
    %jit3A_169 = arith.constant 4 : i32
    %div3A_170 = vector.broadcast %jit3A_169 : i32 to vector<16xi32>
    %div3A_171 = arith.divsi %add3A_146, %div3A_170 : vector<16xi32>
    %sign3A_172 = arith.constant 0 : i32
    %sign3A_173 = vector.broadcast %sign3A_172 : i32 to vector<16xi32>
    %sign3A_174 = arith.cmpi sgt, %add3A_146, %sign3A_173 : vector<16xi32>
    %sign3A_175 = arith.extui %sign3A_174 : vector<16xi1> to vector<16xi32>
    %sign3A_176 = arith.constant 0 : i32
    %sign3A_177 = vector.broadcast %sign3A_176 : i32 to vector<16xi32>
    %sign3A_178 = arith.cmpi slt, %add3A_146, %sign3A_177 : vector<16xi32>
    %sign3A_179 = arith.extui %sign3A_178 : vector<16xi1> to vector<16xi32>
    %sign3A_180 = arith.subi %sign3A_175, %sign3A_179 : vector<16xi32>
    %sign3A_181 = arith.constant 0 : i32
    %sign3A_182 = arith.cmpi sgt, %jit3A_169, %sign3A_181 : i32
    %sign3A_183 = arith.extui %sign3A_182 : i1 to i32
    %sign3A_184 = arith.constant 0 : i32
    %sign3A_185 = arith.cmpi slt, %jit3A_169, %sign3A_184 : i32
    %sign3A_186 = arith.extui %sign3A_185 : i1 to i32
    %sign3A_187 = arith.subi %sign3A_183, %sign3A_186 : i32
    %ne3A_188 = vector.broadcast %sign3A_187 : i32 to vector<16xi32>
    %ne3A_189 = arith.cmpi ne, %sign3A_180, %ne3A_188 : vector<16xi32>
    %rem3A_190 = vector.broadcast %jit3A_169 : i32 to vector<16xi32>
    %rem3A_191 = arith.remsi %add3A_146, %rem3A_190 : vector<16xi32>
    %ne3A_192 = arith.constant 0 : i32
    %ne3A_193 = vector.broadcast %ne3A_192 : i32 to vector<16xi32>
    %ne3A_194 = arith.cmpi ne, %rem3A_191, %ne3A_193 : vector<16xi32>
    %and3A_195 = arith.andi %ne3A_189, %ne3A_194 : vector<16xi1>
    %sub3A_196 = arith.constant 1 : i32
    %sub3A_197 = vector.broadcast %sub3A_196 : i32 to vector<16xi32>
    %sub3A_198 = arith.subi %div3A_171, %sub3A_197 : vector<16xi32>
    %select_n3A_199 = arith.select %and3A_195, %sub3A_198, %div3A_171 : vector<16xi1>, vector<16xi32>
    %eq3A_200 = arith.constant 0 : i32
    %eq3A_201 = vector.broadcast %eq3A_200 : i32 to vector<16xi32>
    %eq3A_202 = arith.cmpi eq, %select_n3A_168, %eq3A_201 : vector<16xi32>
    %jit3A_203 = arith.constant 0.000000e+00 : f32
    %broadcast_in_dim3A_204 = vector.broadcast %jit3A_203 : f32 to vector<16xf32>
    %select_n3A_205 = arith.select %eq3A_202, %get3A_142, %broadcast_in_dim3A_204 : vector<16xi1>, vector<16xf32>
    %reduce_sum3A_206 = arith.constant true
    %reduce_sum3A_207 = vector.broadcast %reduce_sum3A_206 : i1 to vector<16xi1>
    %reduce_sum3A_208 = tpu.scan <sum>, %select_n3A_205 masked %reduce_sum3A_207 : vector<16xf32>, vector<16xi1> -> vector<16xf32>
    %reduce_sum3A_209 = vector.extract %reduce_sum3A_208[15] : f32 from vector<16xf32>
    %add3A_210 = arith.addf %add3A_60, %reduce_sum3A_209 : f32
    %lt3A_211 = arith.cmpi slt, %select_n3A_199, %broadcast_in_dim3A : vector<16xi32>
    %and3A_212 = arith.andi %eq3A_202, %lt3A_211 : vector<16xi1>
    %jit3A_213 = arith.constant 0.000000e+00 : f32
    %broadcast_in_dim3A_214 = vector.broadcast %jit3A_213 : f32 to vector<16xf32>
    %select_n3A_215 = arith.select %and3A_212, %get3A_142, %broadcast_in_dim3A_214 : vector<16xi1>, vector<16xf32>
    %reduce_sum3A_216 = arith.constant true
    %reduce_sum3A_217 = vector.broadcast %reduce_sum3A_216 : i1 to vector<16xi1>
    %reduce_sum3A_218 = tpu.scan <sum>, %select_n3A_215 masked %reduce_sum3A_217 : vector<16xf32>, vector<16xi1> -> vector<16xf32>
    %reduce_sum3A_219 = vector.extract %reduce_sum3A_218[15] : f32 from vector<16xf32>
    %add3A_220 = arith.addf %add3A_71, %reduce_sum3A_219 : f32
    %eq3A_221 = arith.constant 1 : i32
    %eq3A_222 = vector.broadcast %eq3A_221 : i32 to vector<16xi32>
    %eq3A_223 = arith.cmpi eq, %select_n3A_168, %eq3A_222 : vector<16xi32>
    %jit3A_224 = arith.constant 0.000000e+00 : f32
    %broadcast_in_dim3A_225 = vector.broadcast %jit3A_224 : f32 to vector<16xf32>
    %select_n3A_226 = arith.select %eq3A_223, %get3A_142, %broadcast_in_dim3A_225 : vector<16xi1>, vector<16xf32>
    %reduce_sum3A_227 = arith.constant true
    %reduce_sum3A_228 = vector.broadcast %reduce_sum3A_227 : i1 to vector<16xi1>
    %reduce_sum3A_229 = tpu.scan <sum>, %select_n3A_226 masked %reduce_sum3A_228 : vector<16xf32>, vector<16xi1> -> vector<16xf32>
    %reduce_sum3A_230 = vector.extract %reduce_sum3A_229[15] : f32 from vector<16xf32>
    %add3A_231 = arith.addf %add3A_83, %reduce_sum3A_230 : f32
    %lt3A_232 = arith.cmpi slt, %select_n3A_199, %broadcast_in_dim3A : vector<16xi32>
    %and3A_233 = arith.andi %eq3A_223, %lt3A_232 : vector<16xi1>
    %jit3A_234 = arith.constant 0.000000e+00 : f32
    %broadcast_in_dim3A_235 = vector.broadcast %jit3A_234 : f32 to vector<16xf32>
    %select_n3A_236 = arith.select %and3A_233, %get3A_142, %broadcast_in_dim3A_235 : vector<16xi1>, vector<16xf32>
    %reduce_sum3A_237 = arith.constant true
    %reduce_sum3A_238 = vector.broadcast %reduce_sum3A_237 : i1 to vector<16xi1>
    %reduce_sum3A_239 = tpu.scan <sum>, %select_n3A_236 masked %reduce_sum3A_238 : vector<16xf32>, vector<16xi1> -> vector<16xf32>
    %reduce_sum3A_240 = vector.extract %reduce_sum3A_239[15] : f32 from vector<16xf32>
    %add3A_241 = arith.addf %add3A_94, %reduce_sum3A_240 : f32
    %eq3A_242 = arith.constant 2 : i32
    %eq3A_243 = vector.broadcast %eq3A_242 : i32 to vector<16xi32>
    %eq3A_244 = arith.cmpi eq, %select_n3A_168, %eq3A_243 : vector<16xi32>
    %jit3A_245 = arith.constant 0.000000e+00 : f32
    %broadcast_in_dim3A_246 = vector.broadcast %jit3A_245 : f32 to vector<16xf32>
    %select_n3A_247 = arith.select %eq3A_244, %get3A_142, %broadcast_in_dim3A_246 : vector<16xi1>, vector<16xf32>
    %reduce_sum3A_248 = arith.constant true
    %reduce_sum3A_249 = vector.broadcast %reduce_sum3A_248 : i1 to vector<16xi1>
    %reduce_sum3A_250 = tpu.scan <sum>, %select_n3A_247 masked %reduce_sum3A_249 : vector<16xf32>, vector<16xi1> -> vector<16xf32>
    %reduce_sum3A_251 = vector.extract %reduce_sum3A_250[15] : f32 from vector<16xf32>
    %add3A_252 = arith.addf %add3A_106, %reduce_sum3A_251 : f32
    %lt3A_253 = arith.cmpi slt, %select_n3A_199, %broadcast_in_dim3A : vector<16xi32>
    %and3A_254 = arith.andi %eq3A_244, %lt3A_253 : vector<16xi1>
    %jit3A_255 = arith.constant 0.000000e+00 : f32
    %broadcast_in_dim3A_256 = vector.broadcast %jit3A_255 : f32 to vector<16xf32>
    %select_n3A_257 = arith.select %and3A_254, %get3A_142, %broadcast_in_dim3A_256 : vector<16xi1>, vector<16xf32>
    %reduce_sum3A_258 = arith.constant true
    %reduce_sum3A_259 = vector.broadcast %reduce_sum3A_258 : i1 to vector<16xi1>
    %reduce_sum3A_260 = tpu.scan <sum>, %select_n3A_257 masked %reduce_sum3A_259 : vector<16xf32>, vector<16xi1> -> vector<16xf32>
    %reduce_sum3A_261 = vector.extract %reduce_sum3A_260[15] : f32 from vector<16xf32>
    %add3A_262 = arith.addf %add3A_117, %reduce_sum3A_261 : f32
    %eq3A_263 = arith.constant 3 : i32
    %eq3A_264 = vector.broadcast %eq3A_263 : i32 to vector<16xi32>
    %eq3A_265 = arith.cmpi eq, %select_n3A_168, %eq3A_264 : vector<16xi32>
    %jit3A_266 = arith.constant 0.000000e+00 : f32
    %broadcast_in_dim3A_267 = vector.broadcast %jit3A_266 : f32 to vector<16xf32>
    %select_n3A_268 = arith.select %eq3A_265, %get3A_142, %broadcast_in_dim3A_267 : vector<16xi1>, vector<16xf32>
    %reduce_sum3A_269 = arith.constant true
    %reduce_sum3A_270 = vector.broadcast %reduce_sum3A_269 : i1 to vector<16xi1>
    %reduce_sum3A_271 = tpu.scan <sum>, %select_n3A_268 masked %reduce_sum3A_270 : vector<16xf32>, vector<16xi1> -> vector<16xf32>
    %reduce_sum3A_272 = vector.extract %reduce_sum3A_271[15] : f32 from vector<16xf32>
    %add3A_273 = arith.addf %add3A_129, %reduce_sum3A_272 : f32
    %lt3A_274 = arith.cmpi slt, %select_n3A_199, %broadcast_in_dim3A : vector<16xi32>
    %and3A_275 = arith.andi %eq3A_265, %lt3A_274 : vector<16xi1>
    %jit3A_276 = arith.constant 0.000000e+00 : f32
    %broadcast_in_dim3A_277 = vector.broadcast %jit3A_276 : f32 to vector<16xf32>
    %select_n3A_278 = arith.select %and3A_275, %get3A_142, %broadcast_in_dim3A_277 : vector<16xi1>, vector<16xf32>
    %reduce_sum3A_279 = arith.constant true
    %reduce_sum3A_280 = vector.broadcast %reduce_sum3A_279 : i1 to vector<16xi1>
    %reduce_sum3A_281 = tpu.scan <sum>, %select_n3A_278 masked %reduce_sum3A_280 : vector<16xf32>, vector<16xi1> -> vector<16xf32>
    %reduce_sum3A_282 = vector.extract %reduce_sum3A_281[15] : f32 from vector<16xf32>
    %add3A_283 = arith.addf %add3A_140, %reduce_sum3A_282 : f32
    %get3A_284 = arith.constant 32 : index
    %get3A_285 = tpu.vector_load %arg11[%get3A_284] {strides = array<i32>} : memref<128xf32, #tpu.memory_space<vmem>>, vector<16xf32>,
    %iota3A_286 = tpu.iota {dimensions = array<i32: 0>} : vector<16xi32>
    %add3A_287 = arith.constant 32 : i32
    %add3A_288 = vector.broadcast %add3A_287 : i32 to vector<16xi32>
    %add3A_289 = arith.addi %iota3A_286, %add3A_288 : vector<16xi32>
    %jit3A_290 = arith.constant 4 : i32
    %eq3A_291 = arith.constant 0 : i32
    %eq3A_292 = arith.cmpi eq, %jit3A_290, %eq3A_291 : i32
    %jit3A_293 = arith.constant 1 : i32
    %select_n3A_294 = arith.select %eq3A_292, %jit3A_293, %jit3A_290 : i32
    %rem3A_295 = vector.broadcast %select_n3A_294 : i32 to vector<16xi32>
    %rem3A_296 = arith.remsi %add3A_289, %rem3A_295 : vector<16xi32>
    %ne3A_297 = arith.constant 0 : i32
    %ne3A_298 = vector.broadcast %ne3A_297 : i32 to vector<16xi32>
    %ne3A_299 = arith.cmpi ne, %rem3A_296, %ne3A_298 : vector<16xi32>
    %lt3A_300 = arith.constant 0 : i32
    %lt3A_301 = vector.broadcast %lt3A_300 : i32 to vector<16xi32>
    %lt3A_302 = arith.cmpi slt, %rem3A_296, %lt3A_301 : vector<16xi32>
    %lt3A_303 = arith.constant 0 : i32
    %lt3A_304 = arith.cmpi slt, %select_n3A_294, %lt3A_303 : i32
    %ne3A_305 = vector.broadcast %lt3A_304 : i1 to vector<16xi1>
    %ne3A_306 = vector.broadcast %ne3A_305 : vector<16xi1> to vector<16xi1>
    %ne3A_307 = arith.xori %lt3A_302, %ne3A_306 : vector<16xi1>
    %and3A_308 = arith.andi %ne3A_307, %ne3A_299 : vector<16xi1>
    %add3A_309 = vector.broadcast %select_n3A_294 : i32 to vector<16xi32>
    %add3A_310 = arith.addi %rem3A_296, %add3A_309 : vector<16xi32>
    %select_n3A_311 = arith.select %and3A_308, %add3A_310, %rem3A_296 : vector<16xi1>, vector<16xi32>
    %jit3A_312 = arith.constant 4 : i32
    %div3A_313 = vector.broadcast %jit3A_312 : i32 to vector<16xi32>
    %div3A_314 = arith.divsi %add3A_289, %div3A_313 : vector<16xi32>
    %sign3A_315 = arith.constant 0 : i32
    %sign3A_316 = vector.broadcast %sign3A_315 : i32 to vector<16xi32>
    %sign3A_317 = arith.cmpi sgt, %add3A_289, %sign3A_316 : vector<16xi32>
    %sign3A_318 = arith.extui %sign3A_317 : vector<16xi1> to vector<16xi32>
    %sign3A_319 = arith.constant 0 : i32
    %sign3A_320 = vector.broadcast %sign3A_319 : i32 to vector<16xi32>
    %sign3A_321 = arith.cmpi slt, %add3A_289, %sign3A_320 : vector<16xi32>
    %sign3A_322 = arith.extui %sign3A_321 : vector<16xi1> to vector<16xi32>
    %sign3A_323 = arith.subi %sign3A_318, %sign3A_322 : vector<16xi32>
    %sign3A_324 = arith.constant 0 : i32
    %sign3A_325 = arith.cmpi sgt, %jit3A_312, %sign3A_324 : i32
    %sign3A_326 = arith.extui %sign3A_325 : i1 to i32
    %sign3A_327 = arith.constant 0 : i32
    %sign3A_328 = arith.cmpi slt, %jit3A_312, %sign3A_327 : i32
    %sign3A_329 = arith.extui %sign3A_328 : i1 to i32
    %sign3A_330 = arith.subi %sign3A_326, %sign3A_329 : i32
    %ne3A_331 = vector.broadcast %sign3A_330 : i32 to vector<16xi32>
    %ne3A_332 = arith.cmpi ne, %sign3A_323, %ne3A_331 : vector<16xi32>
    %rem3A_333 = vector.broadcast %jit3A_312 : i32 to vector<16xi32>
    %rem3A_334 = arith.remsi %add3A_289, %rem3A_333 : vector<16xi32>
    %ne3A_335 = arith.constant 0 : i32
    %ne3A_336 = vector.broadcast %ne3A_335 : i32 to vector<16xi32>
    %ne3A_337 = arith.cmpi ne, %rem3A_334, %ne3A_336 : vector<16xi32>
    %and3A_338 = arith.andi %ne3A_332, %ne3A_337 : vector<16xi1>
    %sub3A_339 = arith.constant 1 : i32
    %sub3A_340 = vector.broadcast %sub3A_339 : i32 to vector<16xi32>
    %sub3A_341 = arith.subi %div3A_314, %sub3A_340 : vector<16xi32>
    %select_n3A_342 = arith.select %and3A_338, %sub3A_341, %div3A_314 : vector<16xi1>, vector<16xi32>
    %eq3A_343 = arith.constant 0 : i32
    %eq3A_344 = vector.broadcast %eq3A_343 : i32 to vector<16xi32>
    %eq3A_345 = arith.cmpi eq, %select_n3A_311, %eq3A_344 : vector<16xi32>
    %jit3A_346 = arith.constant 0.000000e+00 : f32
    %broadcast_in_dim3A_347 = vector.broadcast %jit3A_346 : f32 to vector<16xf32>
    %select_n3A_348 = arith.select %eq3A_345, %get3A_285, %broadcast_in_dim3A_347 : vector<16xi1>, vector<16xf32>
    %reduce_sum3A_349 = arith.constant true
    %reduce_sum3A_350 = vector.broadcast %reduce_sum3A_349 : i1 to vector<16xi1>
    %reduce_sum3A_351 = tpu.scan <sum>, %select_n3A_348 masked %reduce_sum3A_350 : vector<16xf32>, vector<16xi1> -> vector<16xf32>
    %reduce_sum3A_352 = vector.extract %reduce_sum3A_351[15] : f32 from vector<16xf32>
    %add3A_353 = arith.addf %add3A_210, %reduce_sum3A_352 : f32
    %lt3A_354 = arith.cmpi slt, %select_n3A_342, %broadcast_in_dim3A : vector<16xi32>
    %and3A_355 = arith.andi %eq3A_345, %lt3A_354 : vector<16xi1>
    %jit3A_356 = arith.constant 0.000000e+00 : f32
    %broadcast_in_dim3A_357 = vector.broadcast %jit3A_356 : f32 to vector<16xf32>
    %select_n3A_358 = arith.select %and3A_355, %get3A_285, %broadcast_in_dim3A_357 : vector<16xi1>, vector<16xf32>
    %reduce_sum3A_359 = arith.constant true
    %reduce_sum3A_360 = vector.broadcast %reduce_sum3A_359 : i1 to vector<16xi1>
    %reduce_sum3A_361 = tpu.scan <sum>, %select_n3A_358 masked %reduce_sum3A_360 : vector<16xf32>, vector<16xi1> -> vector<16xf32>
    %reduce_sum3A_362 = vector.extract %reduce_sum3A_361[15] : f32 from vector<16xf32>
    %add3A_363 = arith.addf %add3A_220, %reduce_sum3A_362 : f32
    %eq3A_364 = arith.constant 1 : i32
    %eq3A_365 = vector.broadcast %eq3A_364 : i32 to vector<16xi32>
    %eq3A_366 = arith.cmpi eq, %select_n3A_311, %eq3A_365 : vector<16xi32>
    %jit3A_367 = arith.constant 0.000000e+00 : f32
    %broadcast_in_dim3A_368 = vector.broadcast %jit3A_367 : f32 to vector<16xf32>
    %select_n3A_369 = arith.select %eq3A_366, %get3A_285, %broadcast_in_dim3A_368 : vector<16xi1>, vector<16xf32>
    %reduce_sum3A_370 = arith.constant true
    %reduce_sum3A_371 = vector.broadcast %reduce_sum3A_370 : i1 to vector<16xi1>
    %reduce_sum3A_372 = tpu.scan <sum>, %select_n3A_369 masked %reduce_sum3A_371 : vector<16xf32>, vector<16xi1> -> vector<16xf32>
    %reduce_sum3A_373 = vector.extract %reduce_sum3A_372[15] : f32 from vector<16xf32>
    %add3A_374 = arith.addf %add3A_231, %reduce_sum3A_373 : f32
    %lt3A_375 = arith.cmpi slt, %select_n3A_342, %broadcast_in_dim3A : vector<16xi32>
    %and3A_376 = arith.andi %eq3A_366, %lt3A_375 : vector<16xi1>
    %jit3A_377 = arith.constant 0.000000e+00 : f32
    %broadcast_in_dim3A_378 = vector.broadcast %jit3A_377 : f32 to vector<16xf32>
    %select_n3A_379 = arith.select %and3A_376, %get3A_285, %broadcast_in_dim3A_378 : vector<16xi1>, vector<16xf32>
    %reduce_sum3A_380 = arith.constant true
    %reduce_sum3A_381 = vector.broadcast %reduce_sum3A_380 : i1 to vector<16xi1>
    %reduce_sum3A_382 = tpu.scan <sum>, %select_n3A_379 masked %reduce_sum3A_381 : vector<16xf32>, vector<16xi1> -> vector<16xf32>
    %reduce_sum3A_383 = vector.extract %reduce_sum3A_382[15] : f32 from vector<16xf32>
    %add3A_384 = arith.addf %add3A_241, %reduce_sum3A_383 : f32
    %eq3A_385 = arith.constant 2 : i32
    %eq3A_386 = vector.broadcast %eq3A_385 : i32 to vector<16xi32>
    %eq3A_387 = arith.cmpi eq, %select_n3A_311, %eq3A_386 : vector<16xi32>
    %jit3A_388 = arith.constant 0.000000e+00 : f32
    %broadcast_in_dim3A_389 = vector.broadcast %jit3A_388 : f32 to vector<16xf32>
    %select_n3A_390 = arith.select %eq3A_387, %get3A_285, %broadcast_in_dim3A_389 : vector<16xi1>, vector<16xf32>
    %reduce_sum3A_391 = arith.constant true
    %reduce_sum3A_392 = vector.broadcast %reduce_sum3A_391 : i1 to vector<16xi1>
    %reduce_sum3A_393 = tpu.scan <sum>, %select_n3A_390 masked %reduce_sum3A_392 : vector<16xf32>, vector<16xi1> -> vector<16xf32>
    %reduce_sum3A_394 = vector.extract %reduce_sum3A_393[15] : f32 from vector<16xf32>
    %add3A_395 = arith.addf %add3A_252, %reduce_sum3A_394 : f32
    %lt3A_396 = arith.cmpi slt, %select_n3A_342, %broadcast_in_dim3A : vector<16xi32>
    %and3A_397 = arith.andi %eq3A_387, %lt3A_396 : vector<16xi1>
    %jit3A_398 = arith.constant 0.000000e+00 : f32
    %broadcast_in_dim3A_399 = vector.broadcast %jit3A_398 : f32 to vector<16xf32>
    %select_n3A_400 = arith.select %and3A_397, %get3A_285, %broadcast_in_dim3A_399 : vector<16xi1>, vector<16xf32>
    %reduce_sum3A_401 = arith.constant true
    %reduce_sum3A_402 = vector.broadcast %reduce_sum3A_401 : i1 to vector<16xi1>
    %reduce_sum3A_403 = tpu.scan <sum>, %select_n3A_400 masked %reduce_sum3A_402 : vector<16xf32>, vector<16xi1> -> vector<16xf32>
    %reduce_sum3A_404 = vector.extract %reduce_sum3A_403[15] : f32 from vector<16xf32>
    %add3A_405 = arith.addf %add3A_262, %reduce_sum3A_404 : f32
    %eq3A_406 = arith.constant 3 : i32
    %eq3A_407 = vector.broadcast %eq3A_406 : i32 to vector<16xi32>
    %eq3A_408 = arith.cmpi eq, %select_n3A_311, %eq3A_407 : vector<16xi32>
    %jit3A_409 = arith.constant 0.000000e+00 : f32
    %broadcast_in_dim3A_410 = vector.broadcast %jit3A_409 : f32 to vector<16xf32>
    %select_n3A_411 = arith.select %eq3A_408, %get3A_285, %broadcast_in_dim3A_410 : vector<16xi1>, vector<16xf32>
    %reduce_sum3A_412 = arith.constant true
    %reduce_sum3A_413 = vector.broadcast %reduce_sum3A_412 : i1 to vector<16xi1>
    %reduce_sum3A_414 = tpu.scan <sum>, %select_n3A_411 masked %reduce_sum3A_413 : vector<16xf32>, vector<16xi1> -> vector<16xf32>
    %reduce_sum3A_415 = vector.extract %reduce_sum3A_414[15] : f32 from vector<16xf32>
    %add3A_416 = arith.addf %add3A_273, %reduce_sum3A_415 : f32
    %lt3A_417 = arith.cmpi slt, %select_n3A_342, %broadcast_in_dim3A : vector<16xi32>
    %and3A_418 = arith.andi %eq3A_408, %lt3A_417 : vector<16xi1>
    %jit3A_419 = arith.constant 0.000000e+00 : f32
    %broadcast_in_dim3A_420 = vector.broadcast %jit3A_419 : f32 to vector<16xf32>
    %select_n3A_421 = arith.select %and3A_418, %get3A_285, %broadcast_in_dim3A_420 : vector<16xi1>, vector<16xf32>
    %reduce_sum3A_422 = arith.constant true
    %reduce_sum3A_423 = vector.broadcast %reduce_sum3A_422 : i1 to vector<16xi1>
    %reduce_sum3A_424 = tpu.scan <sum>, %select_n3A_421 masked %reduce_sum3A_423 : vector<16xf32>, vector<16xi1> -> vector<16xf32>
    %reduce_sum3A_425 = vector.extract %reduce_sum3A_424[15] : f32 from vector<16xf32>
    %add3A_426 = arith.addf %add3A_283, %reduce_sum3A_425 : f32
    %get3A_427 = arith.constant 48 : index
    %get3A_428 = tpu.vector_load %arg11[%get3A_427] {strides = array<i32>} : memref<128xf32, #tpu.memory_space<vmem>>, vector<16xf32>,
    %iota3A_429 = tpu.iota {dimensions = array<i32: 0>} : vector<16xi32>
    %add3A_430 = arith.constant 48 : i32
    %add3A_431 = vector.broadcast %add3A_430 : i32 to vector<16xi32>
    %add3A_432 = arith.addi %iota3A_429, %add3A_431 : vector<16xi32>
    %jit3A_433 = arith.constant 4 : i32
    %eq3A_434 = arith.constant 0 : i32
    %eq3A_435 = arith.cmpi eq, %jit3A_433, %eq3A_434 : i32
    %jit3A_436 = arith.constant 1 : i32
    %select_n3A_437 = arith.select %eq3A_435, %jit3A_436, %jit3A_433 : i32
    %rem3A_438 = vector.broadcast %select_n3A_437 : i32 to vector<16xi32>
    %rem3A_439 = arith.remsi %add3A_432, %rem3A_438 : vector<16xi32>
    %ne3A_440 = arith.constant 0 : i32
    %ne3A_441 = vector.broadcast %ne3A_440 : i32 to vector<16xi32>
    %ne3A_442 = arith.cmpi ne, %rem3A_439, %ne3A_441 : vector<16xi32>
    %lt3A_443 = arith.constant 0 : i32
    %lt3A_444 = vector.broadcast %lt3A_443 : i32 to vector<16xi32>
    %lt3A_445 = arith.cmpi slt, %rem3A_439, %lt3A_444 : vector<16xi32>
    %lt3A_446 = arith.constant 0 : i32
    %lt3A_447 = arith.cmpi slt, %select_n3A_437, %lt3A_446 : i32
    %ne3A_448 = vector.broadcast %lt3A_447 : i1 to vector<16xi1>
    %ne3A_449 = vector.broadcast %ne3A_448 : vector<16xi1> to vector<16xi1>
    %ne3A_450 = arith.xori %lt3A_445, %ne3A_449 : vector<16xi1>
    %and3A_451 = arith.andi %ne3A_450, %ne3A_442 : vector<16xi1>
    %add3A_452 = vector.broadcast %select_n3A_437 : i32 to vector<16xi32>
    %add3A_453 = arith.addi %rem3A_439, %add3A_452 : vector<16xi32>
    %select_n3A_454 = arith.select %and3A_451, %add3A_453, %rem3A_439 : vector<16xi1>, vector<16xi32>
    %jit3A_455 = arith.constant 4 : i32
    %div3A_456 = vector.broadcast %jit3A_455 : i32 to vector<16xi32>
    %div3A_457 = arith.divsi %add3A_432, %div3A_456 : vector<16xi32>
    %sign3A_458 = arith.constant 0 : i32
    %sign3A_459 = vector.broadcast %sign3A_458 : i32 to vector<16xi32>
    %sign3A_460 = arith.cmpi sgt, %add3A_432, %sign3A_459 : vector<16xi32>
    %sign3A_461 = arith.extui %sign3A_460 : vector<16xi1> to vector<16xi32>
    %sign3A_462 = arith.constant 0 : i32
    %sign3A_463 = vector.broadcast %sign3A_462 : i32 to vector<16xi32>
    %sign3A_464 = arith.cmpi slt, %add3A_432, %sign3A_463 : vector<16xi32>
    %sign3A_465 = arith.extui %sign3A_464 : vector<16xi1> to vector<16xi32>
    %sign3A_466 = arith.subi %sign3A_461, %sign3A_465 : vector<16xi32>
    %sign3A_467 = arith.constant 0 : i32
    %sign3A_468 = arith.cmpi sgt, %jit3A_455, %sign3A_467 : i32
    %sign3A_469 = arith.extui %sign3A_468 : i1 to i32
    %sign3A_470 = arith.constant 0 : i32
    %sign3A_471 = arith.cmpi slt, %jit3A_455, %sign3A_470 : i32
    %sign3A_472 = arith.extui %sign3A_471 : i1 to i32
    %sign3A_473 = arith.subi %sign3A_469, %sign3A_472 : i32
    %ne3A_474 = vector.broadcast %sign3A_473 : i32 to vector<16xi32>
    %ne3A_475 = arith.cmpi ne, %sign3A_466, %ne3A_474 : vector<16xi32>
    %rem3A_476 = vector.broadcast %jit3A_455 : i32 to vector<16xi32>
    %rem3A_477 = arith.remsi %add3A_432, %rem3A_476 : vector<16xi32>
    %ne3A_478 = arith.constant 0 : i32
    %ne3A_479 = vector.broadcast %ne3A_478 : i32 to vector<16xi32>
    %ne3A_480 = arith.cmpi ne, %rem3A_477, %ne3A_479 : vector<16xi32>
    %and3A_481 = arith.andi %ne3A_475, %ne3A_480 : vector<16xi1>
    %sub3A_482 = arith.constant 1 : i32
    %sub3A_483 = vector.broadcast %sub3A_482 : i32 to vector<16xi32>
    %sub3A_484 = arith.subi %div3A_457, %sub3A_483 : vector<16xi32>
    %select_n3A_485 = arith.select %and3A_481, %sub3A_484, %div3A_457 : vector<16xi1>, vector<16xi32>
    %eq3A_486 = arith.constant 0 : i32
    %eq3A_487 = vector.broadcast %eq3A_486 : i32 to vector<16xi32>
    %eq3A_488 = arith.cmpi eq, %select_n3A_454, %eq3A_487 : vector<16xi32>
    %jit3A_489 = arith.constant 0.000000e+00 : f32
    %broadcast_in_dim3A_490 = vector.broadcast %jit3A_489 : f32 to vector<16xf32>
    %select_n3A_491 = arith.select %eq3A_488, %get3A_428, %broadcast_in_dim3A_490 : vector<16xi1>, vector<16xf32>
    %reduce_sum3A_492 = arith.constant true
    %reduce_sum3A_493 = vector.broadcast %reduce_sum3A_492 : i1 to vector<16xi1>
    %reduce_sum3A_494 = tpu.scan <sum>, %select_n3A_491 masked %reduce_sum3A_493 : vector<16xf32>, vector<16xi1> -> vector<16xf32>
    %reduce_sum3A_495 = vector.extract %reduce_sum3A_494[15] : f32 from vector<16xf32>
    %add3A_496 = arith.addf %add3A_353, %reduce_sum3A_495 : f32
    %lt3A_497 = arith.cmpi slt, %select_n3A_485, %broadcast_in_dim3A : vector<16xi32>
    %and3A_498 = arith.andi %eq3A_488, %lt3A_497 : vector<16xi1>
    %jit3A_499 = arith.constant 0.000000e+00 : f32
    %broadcast_in_dim3A_500 = vector.broadcast %jit3A_499 : f32 to vector<16xf32>
    %select_n3A_501 = arith.select %and3A_498, %get3A_428, %broadcast_in_dim3A_500 : vector<16xi1>, vector<16xf32>
    %reduce_sum3A_502 = arith.constant true
    %reduce_sum3A_503 = vector.broadcast %reduce_sum3A_502 : i1 to vector<16xi1>
    %reduce_sum3A_504 = tpu.scan <sum>, %select_n3A_501 masked %reduce_sum3A_503 : vector<16xf32>, vector<16xi1> -> vector<16xf32>
    %reduce_sum3A_505 = vector.extract %reduce_sum3A_504[15] : f32 from vector<16xf32>
    %add3A_506 = arith.addf %add3A_363, %reduce_sum3A_505 : f32
    %eq3A_507 = arith.constant 1 : i32
    %eq3A_508 = vector.broadcast %eq3A_507 : i32 to vector<16xi32>
    %eq3A_509 = arith.cmpi eq, %select_n3A_454, %eq3A_508 : vector<16xi32>
    %jit3A_510 = arith.constant 0.000000e+00 : f32
    %broadcast_in_dim3A_511 = vector.broadcast %jit3A_510 : f32 to vector<16xf32>
    %select_n3A_512 = arith.select %eq3A_509, %get3A_428, %broadcast_in_dim3A_511 : vector<16xi1>, vector<16xf32>
    %reduce_sum3A_513 = arith.constant true
    %reduce_sum3A_514 = vector.broadcast %reduce_sum3A_513 : i1 to vector<16xi1>
    %reduce_sum3A_515 = tpu.scan <sum>, %select_n3A_512 masked %reduce_sum3A_514 : vector<16xf32>, vector<16xi1> -> vector<16xf32>
    %reduce_sum3A_516 = vector.extract %reduce_sum3A_515[15] : f32 from vector<16xf32>
    %add3A_517 = arith.addf %add3A_374, %reduce_sum3A_516 : f32
    %lt3A_518 = arith.cmpi slt, %select_n3A_485, %broadcast_in_dim3A : vector<16xi32>
    %and3A_519 = arith.andi %eq3A_509, %lt3A_518 : vector<16xi1>
    %jit3A_520 = arith.constant 0.000000e+00 : f32
    %broadcast_in_dim3A_521 = vector.broadcast %jit3A_520 : f32 to vector<16xf32>
    %select_n3A_522 = arith.select %and3A_519, %get3A_428, %broadcast_in_dim3A_521 : vector<16xi1>, vector<16xf32>
    %reduce_sum3A_523 = arith.constant true
    %reduce_sum3A_524 = vector.broadcast %reduce_sum3A_523 : i1 to vector<16xi1>
    %reduce_sum3A_525 = tpu.scan <sum>, %select_n3A_522 masked %reduce_sum3A_524 : vector<16xf32>, vector<16xi1> -> vector<16xf32>
    %reduce_sum3A_526 = vector.extract %reduce_sum3A_525[15] : f32 from vector<16xf32>
    %add3A_527 = arith.addf %add3A_384, %reduce_sum3A_526 : f32
    %eq3A_528 = arith.constant 2 : i32
    %eq3A_529 = vector.broadcast %eq3A_528 : i32 to vector<16xi32>
    %eq3A_530 = arith.cmpi eq, %select_n3A_454, %eq3A_529 : vector<16xi32>
    %jit3A_531 = arith.constant 0.000000e+00 : f32
    %broadcast_in_dim3A_532 = vector.broadcast %jit3A_531 : f32 to vector<16xf32>
    %select_n3A_533 = arith.select %eq3A_530, %get3A_428, %broadcast_in_dim3A_532 : vector<16xi1>, vector<16xf32>
    %reduce_sum3A_534 = arith.constant true
    %reduce_sum3A_535 = vector.broadcast %reduce_sum3A_534 : i1 to vector<16xi1>
    %reduce_sum3A_536 = tpu.scan <sum>, %select_n3A_533 masked %reduce_sum3A_535 : vector<16xf32>, vector<16xi1> -> vector<16xf32>
    %reduce_sum3A_537 = vector.extract %reduce_sum3A_536[15] : f32 from vector<16xf32>
    %add3A_538 = arith.addf %add3A_395, %reduce_sum3A_537 : f32
    %lt3A_539 = arith.cmpi slt, %select_n3A_485, %broadcast_in_dim3A : vector<16xi32>
    %and3A_540 = arith.andi %eq3A_530, %lt3A_539 : vector<16xi1>
    %jit3A_541 = arith.constant 0.000000e+00 : f32
    %broadcast_in_dim3A_542 = vector.broadcast %jit3A_541 : f32 to vector<16xf32>
    %select_n3A_543 = arith.select %and3A_540, %get3A_428, %broadcast_in_dim3A_542 : vector<16xi1>, vector<16xf32>
    %reduce_sum3A_544 = arith.constant true
    %reduce_sum3A_545 = vector.broadcast %reduce_sum3A_544 : i1 to vector<16xi1>
    %reduce_sum3A_546 = tpu.scan <sum>, %select_n3A_543 masked %reduce_sum3A_545 : vector<16xf32>, vector<16xi1> -> vector<16xf32>
    %reduce_sum3A_547 = vector.extract %reduce_sum3A_546[15] : f32 from vector<16xf32>
    %add3A_548 = arith.addf %add3A_405, %reduce_sum3A_547 : f32
    %eq3A_549 = arith.constant 3 : i32
    %eq3A_550 = vector.broadcast %eq3A_549 : i32 to vector<16xi32>
    %eq3A_551 = arith.cmpi eq, %select_n3A_454, %eq3A_550 : vector<16xi32>
    %jit3A_552 = arith.constant 0.000000e+00 : f32
    %broadcast_in_dim3A_553 = vector.broadcast %jit3A_552 : f32 to vector<16xf32>
    %select_n3A_554 = arith.select %eq3A_551, %get3A_428, %broadcast_in_dim3A_553 : vector<16xi1>, vector<16xf32>
    %reduce_sum3A_555 = arith.constant true
    %reduce_sum3A_556 = vector.broadcast %reduce_sum3A_555 : i1 to vector<16xi1>
    %reduce_sum3A_557 = tpu.scan <sum>, %select_n3A_554 masked %reduce_sum3A_556 : vector<16xf32>, vector<16xi1> -> vector<16xf32>
    %reduce_sum3A_558 = vector.extract %reduce_sum3A_557[15] : f32 from vector<16xf32>
    %add3A_559 = arith.addf %add3A_416, %reduce_sum3A_558 : f32
    %lt3A_560 = arith.cmpi slt, %select_n3A_485, %broadcast_in_dim3A : vector<16xi32>
    %and3A_561 = arith.andi %eq3A_551, %lt3A_560 : vector<16xi1>
    %jit3A_562 = arith.constant 0.000000e+00 : f32
    %broadcast_in_dim3A_563 = vector.broadcast %jit3A_562 : f32 to vector<16xf32>
    %select_n3A_564 = arith.select %and3A_561, %get3A_428, %broadcast_in_dim3A_563 : vector<16xi1>, vector<16xf32>
    %reduce_sum3A_565 = arith.constant true
    %reduce_sum3A_566 = vector.broadcast %reduce_sum3A_565 : i1 to vector<16xi1>
    %reduce_sum3A_567 = tpu.scan <sum>, %select_n3A_564 masked %reduce_sum3A_566 : vector<16xf32>, vector<16xi1> -> vector<16xf32>
    %reduce_sum3A_568 = vector.extract %reduce_sum3A_567[15] : f32 from vector<16xf32>
    %add3A_569 = arith.addf %add3A_426, %reduce_sum3A_568 : f32
    %get3A_570 = arith.constant 64 : index
    %get3A_571 = tpu.vector_load %arg11[%get3A_570] {strides = array<i32>} : memref<128xf32, #tpu.memory_space<vmem>>, vector<16xf32>,
    %iota3A_572 = tpu.iota {dimensions = array<i32: 0>} : vector<16xi32>
    %add3A_573 = arith.constant 64 : i32
    %add3A_574 = vector.broadcast %add3A_573 : i32 to vector<16xi32>
    %add3A_575 = arith.addi %iota3A_572, %add3A_574 : vector<16xi32>
    %jit3A_576 = arith.constant 4 : i32
    %eq3A_577 = arith.constant 0 : i32
    %eq3A_578 = arith.cmpi eq, %jit3A_576, %eq3A_577 : i32
    %jit3A_579 = arith.constant 1 : i32
    %select_n3A_580 = arith.select %eq3A_578, %jit3A_579, %jit3A_576 : i32
    %rem3A_581 = vector.broadcast %select_n3A_580 : i32 to vector<16xi32>
    %rem3A_582 = arith.remsi %add3A_575, %rem3A_581 : vector<16xi32>
    %ne3A_583 = arith.constant 0 : i32
    %ne3A_584 = vector.broadcast %ne3A_583 : i32 to vector<16xi32>
    %ne3A_585 = arith.cmpi ne, %rem3A_582, %ne3A_584 : vector<16xi32>
    %lt3A_586 = arith.constant 0 : i32
    %lt3A_587 = vector.broadcast %lt3A_586 : i32 to vector<16xi32>
    %lt3A_588 = arith.cmpi slt, %rem3A_582, %lt3A_587 : vector<16xi32>
    %lt3A_589 = arith.constant 0 : i32
    %lt3A_590 = arith.cmpi slt, %select_n3A_580, %lt3A_589 : i32
    %ne3A_591 = vector.broadcast %lt3A_590 : i1 to vector<16xi1>
    %ne3A_592 = vector.broadcast %ne3A_591 : vector<16xi1> to vector<16xi1>
    %ne3A_593 = arith.xori %lt3A_588, %ne3A_592 : vector<16xi1>
    %and3A_594 = arith.andi %ne3A_593, %ne3A_585 : vector<16xi1>
    %add3A_595 = vector.broadcast %select_n3A_580 : i32 to vector<16xi32>
    %add3A_596 = arith.addi %rem3A_582, %add3A_595 : vector<16xi32>
    %select_n3A_597 = arith.select %and3A_594, %add3A_596, %rem3A_582 : vector<16xi1>, vector<16xi32>
    %jit3A_598 = arith.constant 4 : i32
    %div3A_599 = vector.broadcast %jit3A_598 : i32 to vector<16xi32>
    %div3A_600 = arith.divsi %add3A_575, %div3A_599 : vector<16xi32>
    %sign3A_601 = arith.constant 0 : i32
    %sign3A_602 = vector.broadcast %sign3A_601 : i32 to vector<16xi32>
    %sign3A_603 = arith.cmpi sgt, %add3A_575, %sign3A_602 : vector<16xi32>
    %sign3A_604 = arith.extui %sign3A_603 : vector<16xi1> to vector<16xi32>
    %sign3A_605 = arith.constant 0 : i32
    %sign3A_606 = vector.broadcast %sign3A_605 : i32 to vector<16xi32>
    %sign3A_607 = arith.cmpi slt, %add3A_575, %sign3A_606 : vector<16xi32>
    %sign3A_608 = arith.extui %sign3A_607 : vector<16xi1> to vector<16xi32>
    %sign3A_609 = arith.subi %sign3A_604, %sign3A_608 : vector<16xi32>
    %sign3A_610 = arith.constant 0 : i32
    %sign3A_611 = arith.cmpi sgt, %jit3A_598, %sign3A_610 : i32
    %sign3A_612 = arith.extui %sign3A_611 : i1 to i32
    %sign3A_613 = arith.constant 0 : i32
    %sign3A_614 = arith.cmpi slt, %jit3A_598, %sign3A_613 : i32
    %sign3A_615 = arith.extui %sign3A_614 : i1 to i32
    %sign3A_616 = arith.subi %sign3A_612, %sign3A_615 : i32
    %ne3A_617 = vector.broadcast %sign3A_616 : i32 to vector<16xi32>
    %ne3A_618 = arith.cmpi ne, %sign3A_609, %ne3A_617 : vector<16xi32>
    %rem3A_619 = vector.broadcast %jit3A_598 : i32 to vector<16xi32>
    %rem3A_620 = arith.remsi %add3A_575, %rem3A_619 : vector<16xi32>
    %ne3A_621 = arith.constant 0 : i32
    %ne3A_622 = vector.broadcast %ne3A_621 : i32 to vector<16xi32>
    %ne3A_623 = arith.cmpi ne, %rem3A_620, %ne3A_622 : vector<16xi32>
    %and3A_624 = arith.andi %ne3A_618, %ne3A_623 : vector<16xi1>
    %sub3A_625 = arith.constant 1 : i32
    %sub3A_626 = vector.broadcast %sub3A_625 : i32 to vector<16xi32>
    %sub3A_627 = arith.subi %div3A_600, %sub3A_626 : vector<16xi32>
    %select_n3A_628 = arith.select %and3A_624, %sub3A_627, %div3A_600 : vector<16xi1>, vector<16xi32>
    %eq3A_629 = arith.constant 0 : i32
    %eq3A_630 = vector.broadcast %eq3A_629 : i32 to vector<16xi32>
    %eq3A_631 = arith.cmpi eq, %select_n3A_597, %eq3A_630 : vector<16xi32>
    %jit3A_632 = arith.constant 0.000000e+00 : f32
    %broadcast_in_dim3A_633 = vector.broadcast %jit3A_632 : f32 to vector<16xf32>
    %select_n3A_634 = arith.select %eq3A_631, %get3A_571, %broadcast_in_dim3A_633 : vector<16xi1>, vector<16xf32>
    %reduce_sum3A_635 = arith.constant true
    %reduce_sum3A_636 = vector.broadcast %reduce_sum3A_635 : i1 to vector<16xi1>
    %reduce_sum3A_637 = tpu.scan <sum>, %select_n3A_634 masked %reduce_sum3A_636 : vector<16xf32>, vector<16xi1> -> vector<16xf32>
    %reduce_sum3A_638 = vector.extract %reduce_sum3A_637[15] : f32 from vector<16xf32>
    %add3A_639 = arith.addf %add3A_496, %reduce_sum3A_638 : f32
    %lt3A_640 = arith.cmpi slt, %select_n3A_628, %broadcast_in_dim3A : vector<16xi32>
    %and3A_641 = arith.andi %eq3A_631, %lt3A_640 : vector<16xi1>
    %jit3A_642 = arith.constant 0.000000e+00 : f32
    %broadcast_in_dim3A_643 = vector.broadcast %jit3A_642 : f32 to vector<16xf32>
    %select_n3A_644 = arith.select %and3A_641, %get3A_571, %broadcast_in_dim3A_643 : vector<16xi1>, vector<16xf32>
    %reduce_sum3A_645 = arith.constant true
    %reduce_sum3A_646 = vector.broadcast %reduce_sum3A_645 : i1 to vector<16xi1>
    %reduce_sum3A_647 = tpu.scan <sum>, %select_n3A_644 masked %reduce_sum3A_646 : vector<16xf32>, vector<16xi1> -> vector<16xf32>
    %reduce_sum3A_648 = vector.extract %reduce_sum3A_647[15] : f32 from vector<16xf32>
    %add3A_649 = arith.addf %add3A_506, %reduce_sum3A_648 : f32
    %eq3A_650 = arith.constant 1 : i32
    %eq3A_651 = vector.broadcast %eq3A_650 : i32 to vector<16xi32>
    %eq3A_652 = arith.cmpi eq, %select_n3A_597, %eq3A_651 : vector<16xi32>
    %jit3A_653 = arith.constant 0.000000e+00 : f32
    %broadcast_in_dim3A_654 = vector.broadcast %jit3A_653 : f32 to vector<16xf32>
    %select_n3A_655 = arith.select %eq3A_652, %get3A_571, %broadcast_in_dim3A_654 : vector<16xi1>, vector<16xf32>
    %reduce_sum3A_656 = arith.constant true
    %reduce_sum3A_657 = vector.broadcast %reduce_sum3A_656 : i1 to vector<16xi1>
    %reduce_sum3A_658 = tpu.scan <sum>, %select_n3A_655 masked %reduce_sum3A_657 : vector<16xf32>, vector<16xi1> -> vector<16xf32>
    %reduce_sum3A_659 = vector.extract %reduce_sum3A_658[15] : f32 from vector<16xf32>
    %add3A_660 = arith.addf %add3A_517, %reduce_sum3A_659 : f32
    %lt3A_661 = arith.cmpi slt, %select_n3A_628, %broadcast_in_dim3A : vector<16xi32>
    %and3A_662 = arith.andi %eq3A_652, %lt3A_661 : vector<16xi1>
    %jit3A_663 = arith.constant 0.000000e+00 : f32
    %broadcast_in_dim3A_664 = vector.broadcast %jit3A_663 : f32 to vector<16xf32>
    %select_n3A_665 = arith.select %and3A_662, %get3A_571, %broadcast_in_dim3A_664 : vector<16xi1>, vector<16xf32>
    %reduce_sum3A_666 = arith.constant true
    %reduce_sum3A_667 = vector.broadcast %reduce_sum3A_666 : i1 to vector<16xi1>
    %reduce_sum3A_668 = tpu.scan <sum>, %select_n3A_665 masked %reduce_sum3A_667 : vector<16xf32>, vector<16xi1> -> vector<16xf32>
    %reduce_sum3A_669 = vector.extract %reduce_sum3A_668[15] : f32 from vector<16xf32>
    %add3A_670 = arith.addf %add3A_527, %reduce_sum3A_669 : f32
    %eq3A_671 = arith.constant 2 : i32
    %eq3A_672 = vector.broadcast %eq3A_671 : i32 to vector<16xi32>
    %eq3A_673 = arith.cmpi eq, %select_n3A_597, %eq3A_672 : vector<16xi32>
    %jit3A_674 = arith.constant 0.000000e+00 : f32
    %broadcast_in_dim3A_675 = vector.broadcast %jit3A_674 : f32 to vector<16xf32>
    %select_n3A_676 = arith.select %eq3A_673, %get3A_571, %broadcast_in_dim3A_675 : vector<16xi1>, vector<16xf32>
    %reduce_sum3A_677 = arith.constant true
    %reduce_sum3A_678 = vector.broadcast %reduce_sum3A_677 : i1 to vector<16xi1>
    %reduce_sum3A_679 = tpu.scan <sum>, %select_n3A_676 masked %reduce_sum3A_678 : vector<16xf32>, vector<16xi1> -> vector<16xf32>
    %reduce_sum3A_680 = vector.extract %reduce_sum3A_679[15] : f32 from vector<16xf32>
    %add3A_681 = arith.addf %add3A_538, %reduce_sum3A_680 : f32
    %lt3A_682 = arith.cmpi slt, %select_n3A_628, %broadcast_in_dim3A : vector<16xi32>
    %and3A_683 = arith.andi %eq3A_673, %lt3A_682 : vector<16xi1>
    %jit3A_684 = arith.constant 0.000000e+00 : f32
    %broadcast_in_dim3A_685 = vector.broadcast %jit3A_684 : f32 to vector<16xf32>
    %select_n3A_686 = arith.select %and3A_683, %get3A_571, %broadcast_in_dim3A_685 : vector<16xi1>, vector<16xf32>
    %reduce_sum3A_687 = arith.constant true
    %reduce_sum3A_688 = vector.broadcast %reduce_sum3A_687 : i1 to vector<16xi1>
    %reduce_sum3A_689 = tpu.scan <sum>, %select_n3A_686 masked %reduce_sum3A_688 : vector<16xf32>, vector<16xi1> -> vector<16xf32>
    %reduce_sum3A_690 = vector.extract %reduce_sum3A_689[15] : f32 from vector<16xf32>
    %add3A_691 = arith.addf %add3A_548, %reduce_sum3A_690 : f32
    %eq3A_692 = arith.constant 3 : i32
    %eq3A_693 = vector.broadcast %eq3A_692 : i32 to vector<16xi32>
    %eq3A_694 = arith.cmpi eq, %select_n3A_597, %eq3A_693 : vector<16xi32>
    %jit3A_695 = arith.constant 0.000000e+00 : f32
    %broadcast_in_dim3A_696 = vector.broadcast %jit3A_695 : f32 to vector<16xf32>
    %select_n3A_697 = arith.select %eq3A_694, %get3A_571, %broadcast_in_dim3A_696 : vector<16xi1>, vector<16xf32>
    %reduce_sum3A_698 = arith.constant true
    %reduce_sum3A_699 = vector.broadcast %reduce_sum3A_698 : i1 to vector<16xi1>
    %reduce_sum3A_700 = tpu.scan <sum>, %select_n3A_697 masked %reduce_sum3A_699 : vector<16xf32>, vector<16xi1> -> vector<16xf32>
    %reduce_sum3A_701 = vector.extract %reduce_sum3A_700[15] : f32 from vector<16xf32>
    %add3A_702 = arith.addf %add3A_559, %reduce_sum3A_701 : f32
    %lt3A_703 = arith.cmpi slt, %select_n3A_628, %broadcast_in_dim3A : vector<16xi32>
    %and3A_704 = arith.andi %eq3A_694, %lt3A_703 : vector<16xi1>
    %jit3A_705 = arith.constant 0.000000e+00 : f32
    %broadcast_in_dim3A_706 = vector.broadcast %jit3A_705 : f32 to vector<16xf32>
    %select_n3A_707 = arith.select %and3A_704, %get3A_571, %broadcast_in_dim3A_706 : vector<16xi1>, vector<16xf32>
    %reduce_sum3A_708 = arith.constant true
    %reduce_sum3A_709 = vector.broadcast %reduce_sum3A_708 : i1 to vector<16xi1>
    %reduce_sum3A_710 = tpu.scan <sum>, %select_n3A_707 masked %reduce_sum3A_709 : vector<16xf32>, vector<16xi1> -> vector<16xf32>
    %reduce_sum3A_711 = vector.extract %reduce_sum3A_710[15] : f32 from vector<16xf32>
    %add3A_712 = arith.addf %add3A_569, %reduce_sum3A_711 : f32
    %get3A_713 = arith.constant 80 : index
    %get3A_714 = tpu.vector_load %arg11[%get3A_713] {strides = array<i32>} : memref<128xf32, #tpu.memory_space<vmem>>, vector<16xf32>,
    %iota3A_715 = tpu.iota {dimensions = array<i32: 0>} : vector<16xi32>
    %add3A_716 = arith.constant 80 : i32
    %add3A_717 = vector.broadcast %add3A_716 : i32 to vector<16xi32>
    %add3A_718 = arith.addi %iota3A_715, %add3A_717 : vector<16xi32>
    %jit3A_719 = arith.constant 4 : i32
    %eq3A_720 = arith.constant 0 : i32
    %eq3A_721 = arith.cmpi eq, %jit3A_719, %eq3A_720 : i32
    %jit3A_722 = arith.constant 1 : i32
    %select_n3A_723 = arith.select %eq3A_721, %jit3A_722, %jit3A_719 : i32
    %rem3A_724 = vector.broadcast %select_n3A_723 : i32 to vector<16xi32>
    %rem3A_725 = arith.remsi %add3A_718, %rem3A_724 : vector<16xi32>
    %ne3A_726 = arith.constant 0 : i32
    %ne3A_727 = vector.broadcast %ne3A_726 : i32 to vector<16xi32>
    %ne3A_728 = arith.cmpi ne, %rem3A_725, %ne3A_727 : vector<16xi32>
    %lt3A_729 = arith.constant 0 : i32
    %lt3A_730 = vector.broadcast %lt3A_729 : i32 to vector<16xi32>
    %lt3A_731 = arith.cmpi slt, %rem3A_725, %lt3A_730 : vector<16xi32>
    %lt3A_732 = arith.constant 0 : i32
    %lt3A_733 = arith.cmpi slt, %select_n3A_723, %lt3A_732 : i32
    %ne3A_734 = vector.broadcast %lt3A_733 : i1 to vector<16xi1>
    %ne3A_735 = vector.broadcast %ne3A_734 : vector<16xi1> to vector<16xi1>
    %ne3A_736 = arith.xori %lt3A_731, %ne3A_735 : vector<16xi1>
    %and3A_737 = arith.andi %ne3A_736, %ne3A_728 : vector<16xi1>
    %add3A_738 = vector.broadcast %select_n3A_723 : i32 to vector<16xi32>
    %add3A_739 = arith.addi %rem3A_725, %add3A_738 : vector<16xi32>
    %select_n3A_740 = arith.select %and3A_737, %add3A_739, %rem3A_725 : vector<16xi1>, vector<16xi32>
    %jit3A_741 = arith.constant 4 : i32
    %div3A_742 = vector.broadcast %jit3A_741 : i32 to vector<16xi32>
    %div3A_743 = arith.divsi %add3A_718, %div3A_742 : vector<16xi32>
    %sign3A_744 = arith.constant 0 : i32
    %sign3A_745 = vector.broadcast %sign3A_744 : i32 to vector<16xi32>
    %sign3A_746 = arith.cmpi sgt, %add3A_718, %sign3A_745 : vector<16xi32>
    %sign3A_747 = arith.extui %sign3A_746 : vector<16xi1> to vector<16xi32>
    %sign3A_748 = arith.constant 0 : i32
    %sign3A_749 = vector.broadcast %sign3A_748 : i32 to vector<16xi32>
    %sign3A_750 = arith.cmpi slt, %add3A_718, %sign3A_749 : vector<16xi32>
    %sign3A_751 = arith.extui %sign3A_750 : vector<16xi1> to vector<16xi32>
    %sign3A_752 = arith.subi %sign3A_747, %sign3A_751 : vector<16xi32>
    %sign3A_753 = arith.constant 0 : i32
    %sign3A_754 = arith.cmpi sgt, %jit3A_741, %sign3A_753 : i32
    %sign3A_755 = arith.extui %sign3A_754 : i1 to i32
    %sign3A_756 = arith.constant 0 : i32
    %sign3A_757 = arith.cmpi slt, %jit3A_741, %sign3A_756 : i32
    %sign3A_758 = arith.extui %sign3A_757 : i1 to i32
    %sign3A_759 = arith.subi %sign3A_755, %sign3A_758 : i32
    %ne3A_760 = vector.broadcast %sign3A_759 : i32 to vector<16xi32>
    %ne3A_761 = arith.cmpi ne, %sign3A_752, %ne3A_760 : vector<16xi32>
    %rem3A_762 = vector.broadcast %jit3A_741 : i32 to vector<16xi32>
    %rem3A_763 = arith.remsi %add3A_718, %rem3A_762 : vector<16xi32>
    %ne3A_764 = arith.constant 0 : i32
    %ne3A_765 = vector.broadcast %ne3A_764 : i32 to vector<16xi32>
    %ne3A_766 = arith.cmpi ne, %rem3A_763, %ne3A_765 : vector<16xi32>
    %and3A_767 = arith.andi %ne3A_761, %ne3A_766 : vector<16xi1>
    %sub3A_768 = arith.constant 1 : i32
    %sub3A_769 = vector.broadcast %sub3A_768 : i32 to vector<16xi32>
    %sub3A_770 = arith.subi %div3A_743, %sub3A_769 : vector<16xi32>
    %select_n3A_771 = arith.select %and3A_767, %sub3A_770, %div3A_743 : vector<16xi1>, vector<16xi32>
    %eq3A_772 = arith.constant 0 : i32
    %eq3A_773 = vector.broadcast %eq3A_772 : i32 to vector<16xi32>
    %eq3A_774 = arith.cmpi eq, %select_n3A_740, %eq3A_773 : vector<16xi32>
    %jit3A_775 = arith.constant 0.000000e+00 : f32
    %broadcast_in_dim3A_776 = vector.broadcast %jit3A_775 : f32 to vector<16xf32>
    %select_n3A_777 = arith.select %eq3A_774, %get3A_714, %broadcast_in_dim3A_776 : vector<16xi1>, vector<16xf32>
    %reduce_sum3A_778 = arith.constant true
    %reduce_sum3A_779 = vector.broadcast %reduce_sum3A_778 : i1 to vector<16xi1>
    %reduce_sum3A_780 = tpu.scan <sum>, %select_n3A_777 masked %reduce_sum3A_779 : vector<16xf32>, vector<16xi1> -> vector<16xf32>
    %reduce_sum3A_781 = vector.extract %reduce_sum3A_780[15] : f32 from vector<16xf32>
    %add3A_782 = arith.addf %add3A_639, %reduce_sum3A_781 : f32
    %lt3A_783 = arith.cmpi slt, %select_n3A_771, %broadcast_in_dim3A : vector<16xi32>
    %and3A_784 = arith.andi %eq3A_774, %lt3A_783 : vector<16xi1>
    %jit3A_785 = arith.constant 0.000000e+00 : f32
    %broadcast_in_dim3A_786 = vector.broadcast %jit3A_785 : f32 to vector<16xf32>
    %select_n3A_787 = arith.select %and3A_784, %get3A_714, %broadcast_in_dim3A_786 : vector<16xi1>, vector<16xf32>
    %reduce_sum3A_788 = arith.constant true
    %reduce_sum3A_789 = vector.broadcast %reduce_sum3A_788 : i1 to vector<16xi1>
    %reduce_sum3A_790 = tpu.scan <sum>, %select_n3A_787 masked %reduce_sum3A_789 : vector<16xf32>, vector<16xi1> -> vector<16xf32>
    %reduce_sum3A_791 = vector.extract %reduce_sum3A_790[15] : f32 from vector<16xf32>
    %add3A_792 = arith.addf %add3A_649, %reduce_sum3A_791 : f32
    %eq3A_793 = arith.constant 1 : i32
    %eq3A_794 = vector.broadcast %eq3A_793 : i32 to vector<16xi32>
    %eq3A_795 = arith.cmpi eq, %select_n3A_740, %eq3A_794 : vector<16xi32>
    %jit3A_796 = arith.constant 0.000000e+00 : f32
    %broadcast_in_dim3A_797 = vector.broadcast %jit3A_796 : f32 to vector<16xf32>
    %select_n3A_798 = arith.select %eq3A_795, %get3A_714, %broadcast_in_dim3A_797 : vector<16xi1>, vector<16xf32>
    %reduce_sum3A_799 = arith.constant true
    %reduce_sum3A_800 = vector.broadcast %reduce_sum3A_799 : i1 to vector<16xi1>
    %reduce_sum3A_801 = tpu.scan <sum>, %select_n3A_798 masked %reduce_sum3A_800 : vector<16xf32>, vector<16xi1> -> vector<16xf32>
    %reduce_sum3A_802 = vector.extract %reduce_sum3A_801[15] : f32 from vector<16xf32>
    %add3A_803 = arith.addf %add3A_660, %reduce_sum3A_802 : f32
    %lt3A_804 = arith.cmpi slt, %select_n3A_771, %broadcast_in_dim3A : vector<16xi32>
    %and3A_805 = arith.andi %eq3A_795, %lt3A_804 : vector<16xi1>
    %jit3A_806 = arith.constant 0.000000e+00 : f32
    %broadcast_in_dim3A_807 = vector.broadcast %jit3A_806 : f32 to vector<16xf32>
    %select_n3A_808 = arith.select %and3A_805, %get3A_714, %broadcast_in_dim3A_807 : vector<16xi1>, vector<16xf32>
    %reduce_sum3A_809 = arith.constant true
    %reduce_sum3A_810 = vector.broadcast %reduce_sum3A_809 : i1 to vector<16xi1>
    %reduce_sum3A_811 = tpu.scan <sum>, %select_n3A_808 masked %reduce_sum3A_810 : vector<16xf32>, vector<16xi1> -> vector<16xf32>
    %reduce_sum3A_812 = vector.extract %reduce_sum3A_811[15] : f32 from vector<16xf32>
    %add3A_813 = arith.addf %add3A_670, %reduce_sum3A_812 : f32
    %eq3A_814 = arith.constant 2 : i32
    %eq3A_815 = vector.broadcast %eq3A_814 : i32 to vector<16xi32>
    %eq3A_816 = arith.cmpi eq, %select_n3A_740, %eq3A_815 : vector<16xi32>
    %jit3A_817 = arith.constant 0.000000e+00 : f32
    %broadcast_in_dim3A_818 = vector.broadcast %jit3A_817 : f32 to vector<16xf32>
    %select_n3A_819 = arith.select %eq3A_816, %get3A_714, %broadcast_in_dim3A_818 : vector<16xi1>, vector<16xf32>
    %reduce_sum3A_820 = arith.constant true
    %reduce_sum3A_821 = vector.broadcast %reduce_sum3A_820 : i1 to vector<16xi1>
    %reduce_sum3A_822 = tpu.scan <sum>, %select_n3A_819 masked %reduce_sum3A_821 : vector<16xf32>, vector<16xi1> -> vector<16xf32>
    %reduce_sum3A_823 = vector.extract %reduce_sum3A_822[15] : f32 from vector<16xf32>
    %add3A_824 = arith.addf %add3A_681, %reduce_sum3A_823 : f32
    %lt3A_825 = arith.cmpi slt, %select_n3A_771, %broadcast_in_dim3A : vector<16xi32>
    %and3A_826 = arith.andi %eq3A_816, %lt3A_825 : vector<16xi1>
    %jit3A_827 = arith.constant 0.000000e+00 : f32
    %broadcast_in_dim3A_828 = vector.broadcast %jit3A_827 : f32 to vector<16xf32>
    %select_n3A_829 = arith.select %and3A_826, %get3A_714, %broadcast_in_dim3A_828 : vector<16xi1>, vector<16xf32>
    %reduce_sum3A_830 = arith.constant true
    %reduce_sum3A_831 = vector.broadcast %reduce_sum3A_830 : i1 to vector<16xi1>
    %reduce_sum3A_832 = tpu.scan <sum>, %select_n3A_829 masked %reduce_sum3A_831 : vector<16xf32>, vector<16xi1> -> vector<16xf32>
    %reduce_sum3A_833 = vector.extract %reduce_sum3A_832[15] : f32 from vector<16xf32>
    %add3A_834 = arith.addf %add3A_691, %reduce_sum3A_833 : f32
    %eq3A_835 = arith.constant 3 : i32
    %eq3A_836 = vector.broadcast %eq3A_835 : i32 to vector<16xi32>
    %eq3A_837 = arith.cmpi eq, %select_n3A_740, %eq3A_836 : vector<16xi32>
    %jit3A_838 = arith.constant 0.000000e+00 : f32
    %broadcast_in_dim3A_839 = vector.broadcast %jit3A_838 : f32 to vector<16xf32>
    %select_n3A_840 = arith.select %eq3A_837, %get3A_714, %broadcast_in_dim3A_839 : vector<16xi1>, vector<16xf32>
    %reduce_sum3A_841 = arith.constant true
    %reduce_sum3A_842 = vector.broadcast %reduce_sum3A_841 : i1 to vector<16xi1>
    %reduce_sum3A_843 = tpu.scan <sum>, %select_n3A_840 masked %reduce_sum3A_842 : vector<16xf32>, vector<16xi1> -> vector<16xf32>
    %reduce_sum3A_844 = vector.extract %reduce_sum3A_843[15] : f32 from vector<16xf32>
    %add3A_845 = arith.addf %add3A_702, %reduce_sum3A_844 : f32
    %lt3A_846 = arith.cmpi slt, %select_n3A_771, %broadcast_in_dim3A : vector<16xi32>
    %and3A_847 = arith.andi %eq3A_837, %lt3A_846 : vector<16xi1>
    %jit3A_848 = arith.constant 0.000000e+00 : f32
    %broadcast_in_dim3A_849 = vector.broadcast %jit3A_848 : f32 to vector<16xf32>
    %select_n3A_850 = arith.select %and3A_847, %get3A_714, %broadcast_in_dim3A_849 : vector<16xi1>, vector<16xf32>
    %reduce_sum3A_851 = arith.constant true
    %reduce_sum3A_852 = vector.broadcast %reduce_sum3A_851 : i1 to vector<16xi1>
    %reduce_sum3A_853 = tpu.scan <sum>, %select_n3A_850 masked %reduce_sum3A_852 : vector<16xf32>, vector<16xi1> -> vector<16xf32>
    %reduce_sum3A_854 = vector.extract %reduce_sum3A_853[15] : f32 from vector<16xf32>
    %add3A_855 = arith.addf %add3A_712, %reduce_sum3A_854 : f32
    %get3A_856 = arith.constant 96 : index
    %get3A_857 = tpu.vector_load %arg11[%get3A_856] {strides = array<i32>} : memref<128xf32, #tpu.memory_space<vmem>>, vector<16xf32>,
    %iota3A_858 = tpu.iota {dimensions = array<i32: 0>} : vector<16xi32>
    %add3A_859 = arith.constant 96 : i32
    %add3A_860 = vector.broadcast %add3A_859 : i32 to vector<16xi32>
    %add3A_861 = arith.addi %iota3A_858, %add3A_860 : vector<16xi32>
    %jit3A_862 = arith.constant 4 : i32
    %eq3A_863 = arith.constant 0 : i32
    %eq3A_864 = arith.cmpi eq, %jit3A_862, %eq3A_863 : i32
    %jit3A_865 = arith.constant 1 : i32
    %select_n3A_866 = arith.select %eq3A_864, %jit3A_865, %jit3A_862 : i32
    %rem3A_867 = vector.broadcast %select_n3A_866 : i32 to vector<16xi32>
    %rem3A_868 = arith.remsi %add3A_861, %rem3A_867 : vector<16xi32>
    %ne3A_869 = arith.constant 0 : i32
    %ne3A_870 = vector.broadcast %ne3A_869 : i32 to vector<16xi32>
    %ne3A_871 = arith.cmpi ne, %rem3A_868, %ne3A_870 : vector<16xi32>
    %lt3A_872 = arith.constant 0 : i32
    %lt3A_873 = vector.broadcast %lt3A_872 : i32 to vector<16xi32>
    %lt3A_874 = arith.cmpi slt, %rem3A_868, %lt3A_873 : vector<16xi32>
    %lt3A_875 = arith.constant 0 : i32
    %lt3A_876 = arith.cmpi slt, %select_n3A_866, %lt3A_875 : i32
    %ne3A_877 = vector.broadcast %lt3A_876 : i1 to vector<16xi1>
    %ne3A_878 = vector.broadcast %ne3A_877 : vector<16xi1> to vector<16xi1>
    %ne3A_879 = arith.xori %lt3A_874, %ne3A_878 : vector<16xi1>
    %and3A_880 = arith.andi %ne3A_879, %ne3A_871 : vector<16xi1>
    %add3A_881 = vector.broadcast %select_n3A_866 : i32 to vector<16xi32>
    %add3A_882 = arith.addi %rem3A_868, %add3A_881 : vector<16xi32>
    %select_n3A_883 = arith.select %and3A_880, %add3A_882, %rem3A_868 : vector<16xi1>, vector<16xi32>
    %jit3A_884 = arith.constant 4 : i32
    %div3A_885 = vector.broadcast %jit3A_884 : i32 to vector<16xi32>
    %div3A_886 = arith.divsi %add3A_861, %div3A_885 : vector<16xi32>
    %sign3A_887 = arith.constant 0 : i32
    %sign3A_888 = vector.broadcast %sign3A_887 : i32 to vector<16xi32>
    %sign3A_889 = arith.cmpi sgt, %add3A_861, %sign3A_888 : vector<16xi32>
    %sign3A_890 = arith.extui %sign3A_889 : vector<16xi1> to vector<16xi32>
    %sign3A_891 = arith.constant 0 : i32
    %sign3A_892 = vector.broadcast %sign3A_891 : i32 to vector<16xi32>
    %sign3A_893 = arith.cmpi slt, %add3A_861, %sign3A_892 : vector<16xi32>
    %sign3A_894 = arith.extui %sign3A_893 : vector<16xi1> to vector<16xi32>
    %sign3A_895 = arith.subi %sign3A_890, %sign3A_894 : vector<16xi32>
    %sign3A_896 = arith.constant 0 : i32
    %sign3A_897 = arith.cmpi sgt, %jit3A_884, %sign3A_896 : i32
    %sign3A_898 = arith.extui %sign3A_897 : i1 to i32
    %sign3A_899 = arith.constant 0 : i32
    %sign3A_900 = arith.cmpi slt, %jit3A_884, %sign3A_899 : i32
    %sign3A_901 = arith.extui %sign3A_900 : i1 to i32
    %sign3A_902 = arith.subi %sign3A_898, %sign3A_901 : i32
    %ne3A_903 = vector.broadcast %sign3A_902 : i32 to vector<16xi32>
    %ne3A_904 = arith.cmpi ne, %sign3A_895, %ne3A_903 : vector<16xi32>
    %rem3A_905 = vector.broadcast %jit3A_884 : i32 to vector<16xi32>
    %rem3A_906 = arith.remsi %add3A_861, %rem3A_905 : vector<16xi32>
    %ne3A_907 = arith.constant 0 : i32
    %ne3A_908 = vector.broadcast %ne3A_907 : i32 to vector<16xi32>
    %ne3A_909 = arith.cmpi ne, %rem3A_906, %ne3A_908 : vector<16xi32>
    %and3A_910 = arith.andi %ne3A_904, %ne3A_909 : vector<16xi1>
    %sub3A_911 = arith.constant 1 : i32
    %sub3A_912 = vector.broadcast %sub3A_911 : i32 to vector<16xi32>
    %sub3A_913 = arith.subi %div3A_886, %sub3A_912 : vector<16xi32>
    %select_n3A_914 = arith.select %and3A_910, %sub3A_913, %div3A_886 : vector<16xi1>, vector<16xi32>
    %eq3A_915 = arith.constant 0 : i32
    %eq3A_916 = vector.broadcast %eq3A_915 : i32 to vector<16xi32>
    %eq3A_917 = arith.cmpi eq, %select_n3A_883, %eq3A_916 : vector<16xi32>
    %jit3A_918 = arith.constant 0.000000e+00 : f32
    %broadcast_in_dim3A_919 = vector.broadcast %jit3A_918 : f32 to vector<16xf32>
    %select_n3A_920 = arith.select %eq3A_917, %get3A_857, %broadcast_in_dim3A_919 : vector<16xi1>, vector<16xf32>
    %reduce_sum3A_921 = arith.constant true
    %reduce_sum3A_922 = vector.broadcast %reduce_sum3A_921 : i1 to vector<16xi1>
    %reduce_sum3A_923 = tpu.scan <sum>, %select_n3A_920 masked %reduce_sum3A_922 : vector<16xf32>, vector<16xi1> -> vector<16xf32>
    %reduce_sum3A_924 = vector.extract %reduce_sum3A_923[15] : f32 from vector<16xf32>
    %add3A_925 = arith.addf %add3A_782, %reduce_sum3A_924 : f32
    %lt3A_926 = arith.cmpi slt, %select_n3A_914, %broadcast_in_dim3A : vector<16xi32>
    %and3A_927 = arith.andi %eq3A_917, %lt3A_926 : vector<16xi1>
    %jit3A_928 = arith.constant 0.000000e+00 : f32
    %broadcast_in_dim3A_929 = vector.broadcast %jit3A_928 : f32 to vector<16xf32>
    %select_n3A_930 = arith.select %and3A_927, %get3A_857, %broadcast_in_dim3A_929 : vector<16xi1>, vector<16xf32>
    %reduce_sum3A_931 = arith.constant true
    %reduce_sum3A_932 = vector.broadcast %reduce_sum3A_931 : i1 to vector<16xi1>
    %reduce_sum3A_933 = tpu.scan <sum>, %select_n3A_930 masked %reduce_sum3A_932 : vector<16xf32>, vector<16xi1> -> vector<16xf32>
    %reduce_sum3A_934 = vector.extract %reduce_sum3A_933[15] : f32 from vector<16xf32>
    %add3A_935 = arith.addf %add3A_792, %reduce_sum3A_934 : f32
    %eq3A_936 = arith.constant 1 : i32
    %eq3A_937 = vector.broadcast %eq3A_936 : i32 to vector<16xi32>
    %eq3A_938 = arith.cmpi eq, %select_n3A_883, %eq3A_937 : vector<16xi32>
    %jit3A_939 = arith.constant 0.000000e+00 : f32
    %broadcast_in_dim3A_940 = vector.broadcast %jit3A_939 : f32 to vector<16xf32>
    %select_n3A_941 = arith.select %eq3A_938, %get3A_857, %broadcast_in_dim3A_940 : vector<16xi1>, vector<16xf32>
    %reduce_sum3A_942 = arith.constant true
    %reduce_sum3A_943 = vector.broadcast %reduce_sum3A_942 : i1 to vector<16xi1>
    %reduce_sum3A_944 = tpu.scan <sum>, %select_n3A_941 masked %reduce_sum3A_943 : vector<16xf32>, vector<16xi1> -> vector<16xf32>
    %reduce_sum3A_945 = vector.extract %reduce_sum3A_944[15] : f32 from vector<16xf32>
    %add3A_946 = arith.addf %add3A_803, %reduce_sum3A_945 : f32
    %lt3A_947 = arith.cmpi slt, %select_n3A_914, %broadcast_in_dim3A : vector<16xi32>
    %and3A_948 = arith.andi %eq3A_938, %lt3A_947 : vector<16xi1>
    %jit3A_949 = arith.constant 0.000000e+00 : f32
    %broadcast_in_dim3A_950 = vector.broadcast %jit3A_949 : f32 to vector<16xf32>
    %select_n3A_951 = arith.select %and3A_948, %get3A_857, %broadcast_in_dim3A_950 : vector<16xi1>, vector<16xf32>
    %reduce_sum3A_952 = arith.constant true
    %reduce_sum3A_953 = vector.broadcast %reduce_sum3A_952 : i1 to vector<16xi1>
    %reduce_sum3A_954 = tpu.scan <sum>, %select_n3A_951 masked %reduce_sum3A_953 : vector<16xf32>, vector<16xi1> -> vector<16xf32>
    %reduce_sum3A_955 = vector.extract %reduce_sum3A_954[15] : f32 from vector<16xf32>
    %add3A_956 = arith.addf %add3A_813, %reduce_sum3A_955 : f32
    %eq3A_957 = arith.constant 2 : i32
    %eq3A_958 = vector.broadcast %eq3A_957 : i32 to vector<16xi32>
    %eq3A_959 = arith.cmpi eq, %select_n3A_883, %eq3A_958 : vector<16xi32>
    %jit3A_960 = arith.constant 0.000000e+00 : f32
    %broadcast_in_dim3A_961 = vector.broadcast %jit3A_960 : f32 to vector<16xf32>
    %select_n3A_962 = arith.select %eq3A_959, %get3A_857, %broadcast_in_dim3A_961 : vector<16xi1>, vector<16xf32>
    %reduce_sum3A_963 = arith.constant true
    %reduce_sum3A_964 = vector.broadcast %reduce_sum3A_963 : i1 to vector<16xi1>
    %reduce_sum3A_965 = tpu.scan <sum>, %select_n3A_962 masked %reduce_sum3A_964 : vector<16xf32>, vector<16xi1> -> vector<16xf32>
    %reduce_sum3A_966 = vector.extract %reduce_sum3A_965[15] : f32 from vector<16xf32>
    %add3A_967 = arith.addf %add3A_824, %reduce_sum3A_966 : f32
    %lt3A_968 = arith.cmpi slt, %select_n3A_914, %broadcast_in_dim3A : vector<16xi32>
    %and3A_969 = arith.andi %eq3A_959, %lt3A_968 : vector<16xi1>
    %jit3A_970 = arith.constant 0.000000e+00 : f32
    %broadcast_in_dim3A_971 = vector.broadcast %jit3A_970 : f32 to vector<16xf32>
    %select_n3A_972 = arith.select %and3A_969, %get3A_857, %broadcast_in_dim3A_971 : vector<16xi1>, vector<16xf32>
    %reduce_sum3A_973 = arith.constant true
    %reduce_sum3A_974 = vector.broadcast %reduce_sum3A_973 : i1 to vector<16xi1>
    %reduce_sum3A_975 = tpu.scan <sum>, %select_n3A_972 masked %reduce_sum3A_974 : vector<16xf32>, vector<16xi1> -> vector<16xf32>
    %reduce_sum3A_976 = vector.extract %reduce_sum3A_975[15] : f32 from vector<16xf32>
    %add3A_977 = arith.addf %add3A_834, %reduce_sum3A_976 : f32
    %eq3A_978 = arith.constant 3 : i32
    %eq3A_979 = vector.broadcast %eq3A_978 : i32 to vector<16xi32>
    %eq3A_980 = arith.cmpi eq, %select_n3A_883, %eq3A_979 : vector<16xi32>
    %jit3A_981 = arith.constant 0.000000e+00 : f32
    %broadcast_in_dim3A_982 = vector.broadcast %jit3A_981 : f32 to vector<16xf32>
    %select_n3A_983 = arith.select %eq3A_980, %get3A_857, %broadcast_in_dim3A_982 : vector<16xi1>, vector<16xf32>
    %reduce_sum3A_984 = arith.constant true
    %reduce_sum3A_985 = vector.broadcast %reduce_sum3A_984 : i1 to vector<16xi1>
    %reduce_sum3A_986 = tpu.scan <sum>, %select_n3A_983 masked %reduce_sum3A_985 : vector<16xf32>, vector<16xi1> -> vector<16xf32>
    %reduce_sum3A_987 = vector.extract %reduce_sum3A_986[15] : f32 from vector<16xf32>
    %add3A_988 = arith.addf %add3A_845, %reduce_sum3A_987 : f32
    %lt3A_989 = arith.cmpi slt, %select_n3A_914, %broadcast_in_dim3A : vector<16xi32>
    %and3A_990 = arith.andi %eq3A_980, %lt3A_989 : vector<16xi1>
    %jit3A_991 = arith.constant 0.000000e+00 : f32
    %broadcast_in_dim3A_992 = vector.broadcast %jit3A_991 : f32 to vector<16xf32>
    %select_n3A_993 = arith.select %and3A_990, %get3A_857, %broadcast_in_dim3A_992 : vector<16xi1>, vector<16xf32>
    %reduce_sum3A_994 = arith.constant true
    %reduce_sum3A_995 = vector.broadcast %reduce_sum3A_994 : i1 to vector<16xi1>
    %reduce_sum3A_996 = tpu.scan <sum>, %select_n3A_993 masked %reduce_sum3A_995 : vector<16xf32>, vector<16xi1> -> vector<16xf32>
    %reduce_sum3A_997 = vector.extract %reduce_sum3A_996[15] : f32 from vector<16xf32>
    %add3A_998 = arith.addf %add3A_855, %reduce_sum3A_997 : f32
    %get3A_999 = arith.constant 112 : index
    %get3A_1000 = tpu.vector_load %arg11[%get3A_999] {strides = array<i32>} : memref<128xf32, #tpu.memory_space<vmem>>, vector<16xf32>,
    %iota3A_1001 = tpu.iota {dimensions = array<i32: 0>} : vector<16xi32>
    %add3A_1002 = arith.constant 112 : i32
    %add3A_1003 = vector.broadcast %add3A_1002 : i32 to vector<16xi32>
    %add3A_1004 = arith.addi %iota3A_1001, %add3A_1003 : vector<16xi32>
    %jit3A_1005 = arith.constant 4 : i32
    %eq3A_1006 = arith.constant 0 : i32
    %eq3A_1007 = arith.cmpi eq, %jit3A_1005, %eq3A_1006 : i32
    %jit3A_1008 = arith.constant 1 : i32
    %select_n3A_1009 = arith.select %eq3A_1007, %jit3A_1008, %jit3A_1005 : i32
    %rem3A_1010 = vector.broadcast %select_n3A_1009 : i32 to vector<16xi32>
    %rem3A_1011 = arith.remsi %add3A_1004, %rem3A_1010 : vector<16xi32>
    %ne3A_1012 = arith.constant 0 : i32
    %ne3A_1013 = vector.broadcast %ne3A_1012 : i32 to vector<16xi32>
    %ne3A_1014 = arith.cmpi ne, %rem3A_1011, %ne3A_1013 : vector<16xi32>
    %lt3A_1015 = arith.constant 0 : i32
    %lt3A_1016 = vector.broadcast %lt3A_1015 : i32 to vector<16xi32>
    %lt3A_1017 = arith.cmpi slt, %rem3A_1011, %lt3A_1016 : vector<16xi32>
    %lt3A_1018 = arith.constant 0 : i32
    %lt3A_1019 = arith.cmpi slt, %select_n3A_1009, %lt3A_1018 : i32
    %ne3A_1020 = vector.broadcast %lt3A_1019 : i1 to vector<16xi1>
    %ne3A_1021 = vector.broadcast %ne3A_1020 : vector<16xi1> to vector<16xi1>
    %ne3A_1022 = arith.xori %lt3A_1017, %ne3A_1021 : vector<16xi1>
    %and3A_1023 = arith.andi %ne3A_1022, %ne3A_1014 : vector<16xi1>
    %add3A_1024 = vector.broadcast %select_n3A_1009 : i32 to vector<16xi32>
    %add3A_1025 = arith.addi %rem3A_1011, %add3A_1024 : vector<16xi32>
    %select_n3A_1026 = arith.select %and3A_1023, %add3A_1025, %rem3A_1011 : vector<16xi1>, vector<16xi32>
    %jit3A_1027 = arith.constant 4 : i32
    %div3A_1028 = vector.broadcast %jit3A_1027 : i32 to vector<16xi32>
    %div3A_1029 = arith.divsi %add3A_1004, %div3A_1028 : vector<16xi32>
    %sign3A_1030 = arith.constant 0 : i32
    %sign3A_1031 = vector.broadcast %sign3A_1030 : i32 to vector<16xi32>
    %sign3A_1032 = arith.cmpi sgt, %add3A_1004, %sign3A_1031 : vector<16xi32>
    %sign3A_1033 = arith.extui %sign3A_1032 : vector<16xi1> to vector<16xi32>
    %sign3A_1034 = arith.constant 0 : i32
    %sign3A_1035 = vector.broadcast %sign3A_1034 : i32 to vector<16xi32>
    %sign3A_1036 = arith.cmpi slt, %add3A_1004, %sign3A_1035 : vector<16xi32>
    %sign3A_1037 = arith.extui %sign3A_1036 : vector<16xi1> to vector<16xi32>
    %sign3A_1038 = arith.subi %sign3A_1033, %sign3A_1037 : vector<16xi32>
    %sign3A_1039 = arith.constant 0 : i32
    %sign3A_1040 = arith.cmpi sgt, %jit3A_1027, %sign3A_1039 : i32
    %sign3A_1041 = arith.extui %sign3A_1040 : i1 to i32
    %sign3A_1042 = arith.constant 0 : i32
    %sign3A_1043 = arith.cmpi slt, %jit3A_1027, %sign3A_1042 : i32
    %sign3A_1044 = arith.extui %sign3A_1043 : i1 to i32
    %sign3A_1045 = arith.subi %sign3A_1041, %sign3A_1044 : i32
    %ne3A_1046 = vector.broadcast %sign3A_1045 : i32 to vector<16xi32>
    %ne3A_1047 = arith.cmpi ne, %sign3A_1038, %ne3A_1046 : vector<16xi32>
    %rem3A_1048 = vector.broadcast %jit3A_1027 : i32 to vector<16xi32>
    %rem3A_1049 = arith.remsi %add3A_1004, %rem3A_1048 : vector<16xi32>
    %ne3A_1050 = arith.constant 0 : i32
    %ne3A_1051 = vector.broadcast %ne3A_1050 : i32 to vector<16xi32>
    %ne3A_1052 = arith.cmpi ne, %rem3A_1049, %ne3A_1051 : vector<16xi32>
    %and3A_1053 = arith.andi %ne3A_1047, %ne3A_1052 : vector<16xi1>
    %sub3A_1054 = arith.constant 1 : i32
    %sub3A_1055 = vector.broadcast %sub3A_1054 : i32 to vector<16xi32>
    %sub3A_1056 = arith.subi %div3A_1029, %sub3A_1055 : vector<16xi32>
    %select_n3A_1057 = arith.select %and3A_1053, %sub3A_1056, %div3A_1029 : vector<16xi1>, vector<16xi32>
    %eq3A_1058 = arith.constant 0 : i32
    %eq3A_1059 = vector.broadcast %eq3A_1058 : i32 to vector<16xi32>
    %eq3A_1060 = arith.cmpi eq, %select_n3A_1026, %eq3A_1059 : vector<16xi32>
    %jit3A_1061 = arith.constant 0.000000e+00 : f32
    %broadcast_in_dim3A_1062 = vector.broadcast %jit3A_1061 : f32 to vector<16xf32>
    %select_n3A_1063 = arith.select %eq3A_1060, %get3A_1000, %broadcast_in_dim3A_1062 : vector<16xi1>, vector<16xf32>
    %reduce_sum3A_1064 = arith.constant true
    %reduce_sum3A_1065 = vector.broadcast %reduce_sum3A_1064 : i1 to vector<16xi1>
    %reduce_sum3A_1066 = tpu.scan <sum>, %select_n3A_1063 masked %reduce_sum3A_1065 : vector<16xf32>, vector<16xi1> -> vector<16xf32>
    %reduce_sum3A_1067 = vector.extract %reduce_sum3A_1066[15] : f32 from vector<16xf32>
    %add3A_1068 = arith.addf %add3A_925, %reduce_sum3A_1067 : f32
    %lt3A_1069 = arith.cmpi slt, %select_n3A_1057, %broadcast_in_dim3A : vector<16xi32>
    %and3A_1070 = arith.andi %eq3A_1060, %lt3A_1069 : vector<16xi1>
    %jit3A_1071 = arith.constant 0.000000e+00 : f32
    %broadcast_in_dim3A_1072 = vector.broadcast %jit3A_1071 : f32 to vector<16xf32>
    %select_n3A_1073 = arith.select %and3A_1070, %get3A_1000, %broadcast_in_dim3A_1072 : vector<16xi1>, vector<16xf32>
    %reduce_sum3A_1074 = arith.constant true
    %reduce_sum3A_1075 = vector.broadcast %reduce_sum3A_1074 : i1 to vector<16xi1>
    %reduce_sum3A_1076 = tpu.scan <sum>, %select_n3A_1073 masked %reduce_sum3A_1075 : vector<16xf32>, vector<16xi1> -> vector<16xf32>
    %reduce_sum3A_1077 = vector.extract %reduce_sum3A_1076[15] : f32 from vector<16xf32>
    %add3A_1078 = arith.addf %add3A_935, %reduce_sum3A_1077 : f32
    %eq3A_1079 = arith.constant 1 : i32
    %eq3A_1080 = vector.broadcast %eq3A_1079 : i32 to vector<16xi32>
    %eq3A_1081 = arith.cmpi eq, %select_n3A_1026, %eq3A_1080 : vector<16xi32>
    %jit3A_1082 = arith.constant 0.000000e+00 : f32
    %broadcast_in_dim3A_1083 = vector.broadcast %jit3A_1082 : f32 to vector<16xf32>
    %select_n3A_1084 = arith.select %eq3A_1081, %get3A_1000, %broadcast_in_dim3A_1083 : vector<16xi1>, vector<16xf32>
    %reduce_sum3A_1085 = arith.constant true
    %reduce_sum3A_1086 = vector.broadcast %reduce_sum3A_1085 : i1 to vector<16xi1>
    %reduce_sum3A_1087 = tpu.scan <sum>, %select_n3A_1084 masked %reduce_sum3A_1086 : vector<16xf32>, vector<16xi1> -> vector<16xf32>
    %reduce_sum3A_1088 = vector.extract %reduce_sum3A_1087[15] : f32 from vector<16xf32>
    %add3A_1089 = arith.addf %add3A_946, %reduce_sum3A_1088 : f32
    %lt3A_1090 = arith.cmpi slt, %select_n3A_1057, %broadcast_in_dim3A : vector<16xi32>
    %and3A_1091 = arith.andi %eq3A_1081, %lt3A_1090 : vector<16xi1>
    %jit3A_1092 = arith.constant 0.000000e+00 : f32
    %broadcast_in_dim3A_1093 = vector.broadcast %jit3A_1092 : f32 to vector<16xf32>
    %select_n3A_1094 = arith.select %and3A_1091, %get3A_1000, %broadcast_in_dim3A_1093 : vector<16xi1>, vector<16xf32>
    %reduce_sum3A_1095 = arith.constant true
    %reduce_sum3A_1096 = vector.broadcast %reduce_sum3A_1095 : i1 to vector<16xi1>
    %reduce_sum3A_1097 = tpu.scan <sum>, %select_n3A_1094 masked %reduce_sum3A_1096 : vector<16xf32>, vector<16xi1> -> vector<16xf32>
    %reduce_sum3A_1098 = vector.extract %reduce_sum3A_1097[15] : f32 from vector<16xf32>
    %add3A_1099 = arith.addf %add3A_956, %reduce_sum3A_1098 : f32
    %eq3A_1100 = arith.constant 2 : i32
    %eq3A_1101 = vector.broadcast %eq3A_1100 : i32 to vector<16xi32>
    %eq3A_1102 = arith.cmpi eq, %select_n3A_1026, %eq3A_1101 : vector<16xi32>
    %jit3A_1103 = arith.constant 0.000000e+00 : f32
    %broadcast_in_dim3A_1104 = vector.broadcast %jit3A_1103 : f32 to vector<16xf32>
    %select_n3A_1105 = arith.select %eq3A_1102, %get3A_1000, %broadcast_in_dim3A_1104 : vector<16xi1>, vector<16xf32>
    %reduce_sum3A_1106 = arith.constant true
    %reduce_sum3A_1107 = vector.broadcast %reduce_sum3A_1106 : i1 to vector<16xi1>
    %reduce_sum3A_1108 = tpu.scan <sum>, %select_n3A_1105 masked %reduce_sum3A_1107 : vector<16xf32>, vector<16xi1> -> vector<16xf32>
    %reduce_sum3A_1109 = vector.extract %reduce_sum3A_1108[15] : f32 from vector<16xf32>
    %add3A_1110 = arith.addf %add3A_967, %reduce_sum3A_1109 : f32
    %lt3A_1111 = arith.cmpi slt, %select_n3A_1057, %broadcast_in_dim3A : vector<16xi32>
    %and3A_1112 = arith.andi %eq3A_1102, %lt3A_1111 : vector<16xi1>
    %jit3A_1113 = arith.constant 0.000000e+00 : f32
    %broadcast_in_dim3A_1114 = vector.broadcast %jit3A_1113 : f32 to vector<16xf32>
    %select_n3A_1115 = arith.select %and3A_1112, %get3A_1000, %broadcast_in_dim3A_1114 : vector<16xi1>, vector<16xf32>
    %reduce_sum3A_1116 = arith.constant true
    %reduce_sum3A_1117 = vector.broadcast %reduce_sum3A_1116 : i1 to vector<16xi1>
    %reduce_sum3A_1118 = tpu.scan <sum>, %select_n3A_1115 masked %reduce_sum3A_1117 : vector<16xf32>, vector<16xi1> -> vector<16xf32>
    %reduce_sum3A_1119 = vector.extract %reduce_sum3A_1118[15] : f32 from vector<16xf32>
    %add3A_1120 = arith.addf %add3A_977, %reduce_sum3A_1119 : f32
    %eq3A_1121 = arith.constant 3 : i32
    %eq3A_1122 = vector.broadcast %eq3A_1121 : i32 to vector<16xi32>
    %eq3A_1123 = arith.cmpi eq, %select_n3A_1026, %eq3A_1122 : vector<16xi32>
    %jit3A_1124 = arith.constant 0.000000e+00 : f32
    %broadcast_in_dim3A_1125 = vector.broadcast %jit3A_1124 : f32 to vector<16xf32>
    %select_n3A_1126 = arith.select %eq3A_1123, %get3A_1000, %broadcast_in_dim3A_1125 : vector<16xi1>, vector<16xf32>
    %reduce_sum3A_1127 = arith.constant true
    %reduce_sum3A_1128 = vector.broadcast %reduce_sum3A_1127 : i1 to vector<16xi1>
    %reduce_sum3A_1129 = tpu.scan <sum>, %select_n3A_1126 masked %reduce_sum3A_1128 : vector<16xf32>, vector<16xi1> -> vector<16xf32>
    %reduce_sum3A_1130 = vector.extract %reduce_sum3A_1129[15] : f32 from vector<16xf32>
    %add3A_1131 = arith.addf %add3A_988, %reduce_sum3A_1130 : f32
    %lt3A_1132 = arith.cmpi slt, %select_n3A_1057, %broadcast_in_dim3A : vector<16xi32>
    %and3A_1133 = arith.andi %eq3A_1123, %lt3A_1132 : vector<16xi1>
    %jit3A_1134 = arith.constant 0.000000e+00 : f32
    %broadcast_in_dim3A_1135 = vector.broadcast %jit3A_1134 : f32 to vector<16xf32>
    %select_n3A_1136 = arith.select %and3A_1133, %get3A_1000, %broadcast_in_dim3A_1135 : vector<16xi1>, vector<16xf32>
    %reduce_sum3A_1137 = arith.constant true
    %reduce_sum3A_1138 = vector.broadcast %reduce_sum3A_1137 : i1 to vector<16xi1>
    %reduce_sum3A_1139 = tpu.scan <sum>, %select_n3A_1136 masked %reduce_sum3A_1138 : vector<16xf32>, vector<16xi1> -> vector<16xf32>
    %reduce_sum3A_1140 = vector.extract %reduce_sum3A_1139[15] : f32 from vector<16xf32>
    %add3A_1141 = arith.addf %add3A_998, %reduce_sum3A_1140 : f32
    %convert_element_type3A = arith.fptosi %add3A_1078 : f32 to i32
    %add3A_1142 = arith.constant 0 : i32
    %add3A_1143 = arith.addi %add3A_1142, %convert_element_type3A : i32
    %broadcast_in_dim3A_1144 = vector.broadcast %add3A_1143 : i32 to vector<16xi32>
    %convert_element_type3A_1145 = arith.fptosi %add3A_1068 : f32 to i32
    %add3A_1146 = arith.constant 511 : i32
    %add3A_1147 = arith.addi %convert_element_type3A_1145, %add3A_1146 : i32
    %jit3A_1148 = arith.constant 512 : i32
    %div3A_1149 = arith.divsi %add3A_1147, %jit3A_1148 : i32
    %sign3A_1150 = arith.constant 0 : i32
    %sign3A_1151 = arith.cmpi sgt, %add3A_1147, %sign3A_1150 : i32
    %sign3A_1152 = arith.extui %sign3A_1151 : i1 to i32
    %sign3A_1153 = arith.constant 0 : i32
    %sign3A_1154 = arith.cmpi slt, %add3A_1147, %sign3A_1153 : i32
    %sign3A_1155 = arith.extui %sign3A_1154 : i1 to i32
    %sign3A_1156 = arith.subi %sign3A_1152, %sign3A_1155 : i32
    %sign3A_1157 = arith.constant 0 : i32
    %sign3A_1158 = arith.cmpi sgt, %jit3A_1148, %sign3A_1157 : i32
    %sign3A_1159 = arith.extui %sign3A_1158 : i1 to i32
    %sign3A_1160 = arith.constant 0 : i32
    %sign3A_1161 = arith.cmpi slt, %jit3A_1148, %sign3A_1160 : i32
    %sign3A_1162 = arith.extui %sign3A_1161 : i1 to i32
    %sign3A_1163 = arith.subi %sign3A_1159, %sign3A_1162 : i32
    %ne3A_1164 = arith.cmpi ne, %sign3A_1156, %sign3A_1163 : i32
    %rem3A_1165 = arith.remsi %add3A_1147, %jit3A_1148 : i32
    %ne3A_1166 = arith.constant 0 : i32
    %ne3A_1167 = arith.cmpi ne, %rem3A_1165, %ne3A_1166 : i32
    %and3A_1168 = arith.andi %ne3A_1164, %ne3A_1167 : i1
    %sub3A_1169 = arith.constant 1 : i32
    %sub3A_1170 = arith.subi %div3A_1149, %sub3A_1169 : i32
    %select_n3A_1171 = arith.select %and3A_1168, %sub3A_1170, %div3A_1149 : i32
    %mul3A_1172 = arith.constant 512 : i32
    %mul3A_1173 = arith.muli %select_n3A_1171, %mul3A_1172 : i32
    %add3A_1174 = arith.constant 0 : i32
    %add3A_1175 = arith.addi %add3A_1174, %mul3A_1173 : i32
    %convert_element_type3A_1176 = arith.fptosi %add3A_1099 : f32 to i32
    %add3A_1177 = arith.addi %add3A_1175, %convert_element_type3A_1176 : i32
    %broadcast_in_dim3A_1178 = vector.broadcast %add3A_1177 : i32 to vector<16xi32>
    %convert_element_type3A_1179 = arith.fptosi %add3A_1089 : f32 to i32
    %add3A_1180 = arith.constant 511 : i32
    %add3A_1181 = arith.addi %convert_element_type3A_1179, %add3A_1180 : i32
    %jit3A_1182 = arith.constant 512 : i32
    %div3A_1183 = arith.divsi %add3A_1181, %jit3A_1182 : i32
    %sign3A_1184 = arith.constant 0 : i32
    %sign3A_1185 = arith.cmpi sgt, %add3A_1181, %sign3A_1184 : i32
    %sign3A_1186 = arith.extui %sign3A_1185 : i1 to i32
    %sign3A_1187 = arith.constant 0 : i32
    %sign3A_1188 = arith.cmpi slt, %add3A_1181, %sign3A_1187 : i32
    %sign3A_1189 = arith.extui %sign3A_1188 : i1 to i32
    %sign3A_1190 = arith.subi %sign3A_1186, %sign3A_1189 : i32
    %sign3A_1191 = arith.constant 0 : i32
    %sign3A_1192 = arith.cmpi sgt, %jit3A_1182, %sign3A_1191 : i32
    %sign3A_1193 = arith.extui %sign3A_1192 : i1 to i32
    %sign3A_1194 = arith.constant 0 : i32
    %sign3A_1195 = arith.cmpi slt, %jit3A_1182, %sign3A_1194 : i32
    %sign3A_1196 = arith.extui %sign3A_1195 : i1 to i32
    %sign3A_1197 = arith.subi %sign3A_1193, %sign3A_1196 : i32
    %ne3A_1198 = arith.cmpi ne, %sign3A_1190, %sign3A_1197 : i32
    %rem3A_1199 = arith.remsi %add3A_1181, %jit3A_1182 : i32
    %ne3A_1200 = arith.constant 0 : i32
    %ne3A_1201 = arith.cmpi ne, %rem3A_1199, %ne3A_1200 : i32
    %and3A_1202 = arith.andi %ne3A_1198, %ne3A_1201 : i1
    %sub3A_1203 = arith.constant 1 : i32
    %sub3A_1204 = arith.subi %div3A_1183, %sub3A_1203 : i32
    %select_n3A_1205 = arith.select %and3A_1202, %sub3A_1204, %div3A_1183 : i32
    %mul3A_1206 = arith.constant 512 : i32
    %mul3A_1207 = arith.muli %select_n3A_1205, %mul3A_1206 : i32
    %add3A_1208 = arith.addi %add3A_1175, %mul3A_1207 : i32
    %convert_element_type3A_1209 = arith.fptosi %add3A_1120 : f32 to i32
    %add3A_1210 = arith.addi %add3A_1208, %convert_element_type3A_1209 : i32
    %broadcast_in_dim3A_1211 = vector.broadcast %add3A_1210 : i32 to vector<16xi32>
    %convert_element_type3A_1212 = arith.fptosi %add3A_1110 : f32 to i32
    %add3A_1213 = arith.constant 511 : i32
    %add3A_1214 = arith.addi %convert_element_type3A_1212, %add3A_1213 : i32
    %jit3A_1215 = arith.constant 512 : i32
    %div3A_1216 = arith.divsi %add3A_1214, %jit3A_1215 : i32
    %sign3A_1217 = arith.constant 0 : i32
    %sign3A_1218 = arith.cmpi sgt, %add3A_1214, %sign3A_1217 : i32
    %sign3A_1219 = arith.extui %sign3A_1218 : i1 to i32
    %sign3A_1220 = arith.constant 0 : i32
    %sign3A_1221 = arith.cmpi slt, %add3A_1214, %sign3A_1220 : i32
    %sign3A_1222 = arith.extui %sign3A_1221 : i1 to i32
    %sign3A_1223 = arith.subi %sign3A_1219, %sign3A_1222 : i32
    %sign3A_1224 = arith.constant 0 : i32
    %sign3A_1225 = arith.cmpi sgt, %jit3A_1215, %sign3A_1224 : i32
    %sign3A_1226 = arith.extui %sign3A_1225 : i1 to i32
    %sign3A_1227 = arith.constant 0 : i32
    %sign3A_1228 = arith.cmpi slt, %jit3A_1215, %sign3A_1227 : i32
    %sign3A_1229 = arith.extui %sign3A_1228 : i1 to i32
    %sign3A_1230 = arith.subi %sign3A_1226, %sign3A_1229 : i32
    %ne3A_1231 = arith.cmpi ne, %sign3A_1223, %sign3A_1230 : i32
    %rem3A_1232 = arith.remsi %add3A_1214, %jit3A_1215 : i32
    %ne3A_1233 = arith.constant 0 : i32
    %ne3A_1234 = arith.cmpi ne, %rem3A_1232, %ne3A_1233 : i32
    %and3A_1235 = arith.andi %ne3A_1231, %ne3A_1234 : i1
    %sub3A_1236 = arith.constant 1 : i32
    %sub3A_1237 = arith.subi %div3A_1216, %sub3A_1236 : i32
    %select_n3A_1238 = arith.select %and3A_1235, %sub3A_1237, %div3A_1216 : i32
    %mul3A_1239 = arith.constant 512 : i32
    %mul3A_1240 = arith.muli %select_n3A_1238, %mul3A_1239 : i32
    %add3A_1241 = arith.addi %add3A_1208, %mul3A_1240 : i32
    %convert_element_type3A_1242 = arith.fptosi %add3A_1141 : f32 to i32
    %add3A_1243 = arith.addi %add3A_1241, %convert_element_type3A_1242 : i32
    %broadcast_in_dim3A_1244 = vector.broadcast %add3A_1243 : i32 to vector<16xi32>
    %convert_element_type3A_1245 = arith.fptosi %add3A_1131 : f32 to i32
    %add3A_1246 = arith.constant 511 : i32
    %add3A_1247 = arith.addi %convert_element_type3A_1245, %add3A_1246 : i32
    %jit3A_1248 = arith.constant 512 : i32
    %div3A_1249 = arith.divsi %add3A_1247, %jit3A_1248 : i32
    %sign3A_1250 = arith.constant 0 : i32
    %sign3A_1251 = arith.cmpi sgt, %add3A_1247, %sign3A_1250 : i32
    %sign3A_1252 = arith.extui %sign3A_1251 : i1 to i32
    %sign3A_1253 = arith.constant 0 : i32
    %sign3A_1254 = arith.cmpi slt, %add3A_1247, %sign3A_1253 : i32
    %sign3A_1255 = arith.extui %sign3A_1254 : i1 to i32
    %sign3A_1256 = arith.subi %sign3A_1252, %sign3A_1255 : i32
    %sign3A_1257 = arith.constant 0 : i32
    %sign3A_1258 = arith.cmpi sgt, %jit3A_1248, %sign3A_1257 : i32
    %sign3A_1259 = arith.extui %sign3A_1258 : i1 to i32
    %sign3A_1260 = arith.constant 0 : i32
    %sign3A_1261 = arith.cmpi slt, %jit3A_1248, %sign3A_1260 : i32
    %sign3A_1262 = arith.extui %sign3A_1261 : i1 to i32
    %sign3A_1263 = arith.subi %sign3A_1259, %sign3A_1262 : i32
    %ne3A_1264 = arith.cmpi ne, %sign3A_1256, %sign3A_1263 : i32
    %rem3A_1265 = arith.remsi %add3A_1247, %jit3A_1248 : i32
    %ne3A_1266 = arith.constant 0 : i32
    %ne3A_1267 = arith.cmpi ne, %rem3A_1265, %ne3A_1266 : i32
    %and3A_1268 = arith.andi %ne3A_1264, %ne3A_1267 : i1
    %sub3A_1269 = arith.constant 1 : i32
    %sub3A_1270 = arith.subi %div3A_1249, %sub3A_1269 : i32
    %select_n3A_1271 = arith.select %and3A_1268, %sub3A_1270, %div3A_1249 : i32
    %mul3A_1272 = arith.constant 512 : i32
    %mul3A_1273 = arith.muli %select_n3A_1271, %mul3A_1272 : i32
    %add3A_1274 = arith.addi %add3A_1241, %mul3A_1273 : i32
    %get3A_1275 = arith.constant 0 : index
    %get3A_1276 = tpu.vector_load %arg9[%get3A_1275] {strides = array<i32>} : memref<64xi32, #tpu.memory_space<vmem>>, vector<16xi32>,
    %broadcast_in_dim3A_1277 = arith.constant 0 : i32
    %broadcast_in_dim3A_1278 = vector.broadcast %broadcast_in_dim3A_1277 : i32 to vector<16xi32>
    %eq3A_1279 = arith.constant 0 : i32
    %eq3A_1280 = vector.broadcast %eq3A_1279 : i32 to vector<16xi32>
    %eq3A_1281 = arith.cmpi eq, %get3A_1276, %eq3A_1280 : vector<16xi32>
    %convert_element_type3A_1282 = arith.extui %eq3A_1281 : vector<16xi1> to vector<16xi32>
    %broadcast_in_dim3A_1283 = arith.constant true
    %broadcast_in_dim3A_1284 = vector.broadcast %broadcast_in_dim3A_1283 : i1 to vector<16xi1>
    %masked_cumsum3A = tpu.scan <sum>, %convert_element_type3A_1282 masked %broadcast_in_dim3A_1284 : vector<16xi32>, vector<16xi1> -> vector<16xi32>
    %add3A_1285 = arith.addi %broadcast_in_dim3A_1144, %masked_cumsum3A : vector<16xi32>
    %sub3A_1286 = arith.constant 1 : i32
    %sub3A_1287 = vector.broadcast %sub3A_1286 : i32 to vector<16xi32>
    %sub3A_1288 = arith.subi %add3A_1285, %sub3A_1287 : vector<16xi32>
    %select_n3A_1289 = arith.select %eq3A_1281, %sub3A_1288, %broadcast_in_dim3A_1278 : vector<16xi1>, vector<16xi32>
    %reduce_sum3A_1290 = arith.constant true
    %reduce_sum3A_1291 = vector.broadcast %reduce_sum3A_1290 : i1 to vector<16xi1>
    %reduce_sum3A_1292 = tpu.scan <sum>, %convert_element_type3A_1282 masked %reduce_sum3A_1291 : vector<16xi32>, vector<16xi1> -> vector<16xi32>
    %reduce_sum3A_1293 = vector.extract %reduce_sum3A_1292[15] : i32 from vector<16xi32>
    %broadcast_in_dim3A_1294 = vector.broadcast %reduce_sum3A_1293 : i32 to vector<16xi32>
    %add3A_1295 = arith.addi %broadcast_in_dim3A_1144, %broadcast_in_dim3A_1294 : vector<16xi32>
    %eq3A_1296 = arith.constant 1 : i32
    %eq3A_1297 = vector.broadcast %eq3A_1296 : i32 to vector<16xi32>
    %eq3A_1298 = arith.cmpi eq, %get3A_1276, %eq3A_1297 : vector<16xi32>
    %convert_element_type3A_1299 = arith.extui %eq3A_1298 : vector<16xi1> to vector<16xi32>
    %broadcast_in_dim3A_1300 = arith.constant true
    %broadcast_in_dim3A_1301 = vector.broadcast %broadcast_in_dim3A_1300 : i1 to vector<16xi1>
    %masked_cumsum3A_1302 = tpu.scan <sum>, %convert_element_type3A_1299 masked %broadcast_in_dim3A_1301 : vector<16xi32>, vector<16xi1> -> vector<16xi32>
    %add3A_1303 = arith.addi %broadcast_in_dim3A_1178, %masked_cumsum3A_1302 : vector<16xi32>
    %sub3A_1304 = arith.constant 1 : i32
    %sub3A_1305 = vector.broadcast %sub3A_1304 : i32 to vector<16xi32>
    %sub3A_1306 = arith.subi %add3A_1303, %sub3A_1305 : vector<16xi32>
    %select_n3A_1307 = arith.select %eq3A_1298, %sub3A_1306, %select_n3A_1289 : vector<16xi1>, vector<16xi32>
    %reduce_sum3A_1308 = arith.constant true
    %reduce_sum3A_1309 = vector.broadcast %reduce_sum3A_1308 : i1 to vector<16xi1>
    %reduce_sum3A_1310 = tpu.scan <sum>, %convert_element_type3A_1299 masked %reduce_sum3A_1309 : vector<16xi32>, vector<16xi1> -> vector<16xi32>
    %reduce_sum3A_1311 = vector.extract %reduce_sum3A_1310[15] : i32 from vector<16xi32>
    %broadcast_in_dim3A_1312 = vector.broadcast %reduce_sum3A_1311 : i32 to vector<16xi32>
    %add3A_1313 = arith.addi %broadcast_in_dim3A_1178, %broadcast_in_dim3A_1312 : vector<16xi32>
    %eq3A_1314 = arith.constant 2 : i32
    %eq3A_1315 = vector.broadcast %eq3A_1314 : i32 to vector<16xi32>
    %eq3A_1316 = arith.cmpi eq, %get3A_1276, %eq3A_1315 : vector<16xi32>
    %convert_element_type3A_1317 = arith.extui %eq3A_1316 : vector<16xi1> to vector<16xi32>
    %broadcast_in_dim3A_1318 = arith.constant true
    %broadcast_in_dim3A_1319 = vector.broadcast %broadcast_in_dim3A_1318 : i1 to vector<16xi1>
    %masked_cumsum3A_1320 = tpu.scan <sum>, %convert_element_type3A_1317 masked %broadcast_in_dim3A_1319 : vector<16xi32>, vector<16xi1> -> vector<16xi32>
    %add3A_1321 = arith.addi %broadcast_in_dim3A_1211, %masked_cumsum3A_1320 : vector<16xi32>
    %sub3A_1322 = arith.constant 1 : i32
    %sub3A_1323 = vector.broadcast %sub3A_1322 : i32 to vector<16xi32>
    %sub3A_1324 = arith.subi %add3A_1321, %sub3A_1323 : vector<16xi32>
    %select_n3A_1325 = arith.select %eq3A_1316, %sub3A_1324, %select_n3A_1307 : vector<16xi1>, vector<16xi32>
    %reduce_sum3A_1326 = arith.constant true
    %reduce_sum3A_1327 = vector.broadcast %reduce_sum3A_1326 : i1 to vector<16xi1>
    %reduce_sum3A_1328 = tpu.scan <sum>, %convert_element_type3A_1317 masked %reduce_sum3A_1327 : vector<16xi32>, vector<16xi1> -> vector<16xi32>
    %reduce_sum3A_1329 = vector.extract %reduce_sum3A_1328[15] : i32 from vector<16xi32>
    %broadcast_in_dim3A_1330 = vector.broadcast %reduce_sum3A_1329 : i32 to vector<16xi32>
    %add3A_1331 = arith.addi %broadcast_in_dim3A_1211, %broadcast_in_dim3A_1330 : vector<16xi32>
    %eq3A_1332 = arith.constant 3 : i32
    %eq3A_1333 = vector.broadcast %eq3A_1332 : i32 to vector<16xi32>
    %eq3A_1334 = arith.cmpi eq, %get3A_1276, %eq3A_1333 : vector<16xi32>
    %convert_element_type3A_1335 = arith.extui %eq3A_1334 : vector<16xi1> to vector<16xi32>
    %broadcast_in_dim3A_1336 = arith.constant true
    %broadcast_in_dim3A_1337 = vector.broadcast %broadcast_in_dim3A_1336 : i1 to vector<16xi1>
    %masked_cumsum3A_1338 = tpu.scan <sum>, %convert_element_type3A_1335 masked %broadcast_in_dim3A_1337 : vector<16xi32>, vector<16xi1> -> vector<16xi32>
    %add3A_1339 = arith.addi %broadcast_in_dim3A_1244, %masked_cumsum3A_1338 : vector<16xi32>
    %sub3A_1340 = arith.constant 1 : i32
    %sub3A_1341 = vector.broadcast %sub3A_1340 : i32 to vector<16xi32>
    %sub3A_1342 = arith.subi %add3A_1339, %sub3A_1341 : vector<16xi32>
    %select_n3A_1343 = arith.select %eq3A_1334, %sub3A_1342, %select_n3A_1325 : vector<16xi1>, vector<16xi32>
    %reduce_sum3A_1344 = arith.constant true
    %reduce_sum3A_1345 = vector.broadcast %reduce_sum3A_1344 : i1 to vector<16xi1>
    %reduce_sum3A_1346 = tpu.scan <sum>, %convert_element_type3A_1335 masked %reduce_sum3A_1345 : vector<16xi32>, vector<16xi1> -> vector<16xi32>
    %reduce_sum3A_1347 = vector.extract %reduce_sum3A_1346[15] : i32 from vector<16xi32>
    %broadcast_in_dim3A_1348 = vector.broadcast %reduce_sum3A_1347 : i32 to vector<16xi32>
    %add3A_1349 = arith.addi %broadcast_in_dim3A_1244, %broadcast_in_dim3A_1348 : vector<16xi32>
    %swap3A = arith.constant 0 : index
    %swap3A_1350 = tpu.vector_load %arg12[%swap3A] {strides = array<i32>} : memref<64xi32, #tpu.memory_space<vmem>>, vector<16xi32>,
    tpu.vector_store %arg12[%swap3A], %select_n3A_1343 {strides = array<i32>} : memref<64xi32, #tpu.memory_space<vmem>>, vector<16xi32>,
    %get3A_1351 = arith.constant 16 : index
    %get3A_1352 = tpu.vector_load %arg9[%get3A_1351] {strides = array<i32>} : memref<64xi32, #tpu.memory_space<vmem>>, vector<16xi32>,
    %broadcast_in_dim3A_1353 = arith.constant 0 : i32
    %broadcast_in_dim3A_1354 = vector.broadcast %broadcast_in_dim3A_1353 : i32 to vector<16xi32>
    %eq3A_1355 = arith.constant 0 : i32
    %eq3A_1356 = vector.broadcast %eq3A_1355 : i32 to vector<16xi32>
    %eq3A_1357 = arith.cmpi eq, %get3A_1352, %eq3A_1356 : vector<16xi32>
    %convert_element_type3A_1358 = arith.extui %eq3A_1357 : vector<16xi1> to vector<16xi32>
    %broadcast_in_dim3A_1359 = arith.constant true
    %broadcast_in_dim3A_1360 = vector.broadcast %broadcast_in_dim3A_1359 : i1 to vector<16xi1>
    %masked_cumsum3A_1361 = tpu.scan <sum>, %convert_element_type3A_1358 masked %broadcast_in_dim3A_1360 : vector<16xi32>, vector<16xi1> -> vector<16xi32>
    %add3A_1362 = arith.addi %add3A_1295, %masked_cumsum3A_1361 : vector<16xi32>
    %sub3A_1363 = arith.constant 1 : i32
    %sub3A_1364 = vector.broadcast %sub3A_1363 : i32 to vector<16xi32>
    %sub3A_1365 = arith.subi %add3A_1362, %sub3A_1364 : vector<16xi32>
    %select_n3A_1366 = arith.select %eq3A_1357, %sub3A_1365, %broadcast_in_dim3A_1354 : vector<16xi1>, vector<16xi32>
    %reduce_sum3A_1367 = arith.constant true
    %reduce_sum3A_1368 = vector.broadcast %reduce_sum3A_1367 : i1 to vector<16xi1>
    %reduce_sum3A_1369 = tpu.scan <sum>, %convert_element_type3A_1358 masked %reduce_sum3A_1368 : vector<16xi32>, vector<16xi1> -> vector<16xi32>
    %reduce_sum3A_1370 = vector.extract %reduce_sum3A_1369[15] : i32 from vector<16xi32>
    %broadcast_in_dim3A_1371 = vector.broadcast %reduce_sum3A_1370 : i32 to vector<16xi32>
    %add3A_1372 = arith.addi %add3A_1295, %broadcast_in_dim3A_1371 : vector<16xi32>
    %eq3A_1373 = arith.constant 1 : i32
    %eq3A_1374 = vector.broadcast %eq3A_1373 : i32 to vector<16xi32>
    %eq3A_1375 = arith.cmpi eq, %get3A_1352, %eq3A_1374 : vector<16xi32>
    %convert_element_type3A_1376 = arith.extui %eq3A_1375 : vector<16xi1> to vector<16xi32>
    %broadcast_in_dim3A_1377 = arith.constant true
    %broadcast_in_dim3A_1378 = vector.broadcast %broadcast_in_dim3A_1377 : i1 to vector<16xi1>
    %masked_cumsum3A_1379 = tpu.scan <sum>, %convert_element_type3A_1376 masked %broadcast_in_dim3A_1378 : vector<16xi32>, vector<16xi1> -> vector<16xi32>
    %add3A_1380 = arith.addi %add3A_1313, %masked_cumsum3A_1379 : vector<16xi32>
    %sub3A_1381 = arith.constant 1 : i32
    %sub3A_1382 = vector.broadcast %sub3A_1381 : i32 to vector<16xi32>
    %sub3A_1383 = arith.subi %add3A_1380, %sub3A_1382 : vector<16xi32>
    %select_n3A_1384 = arith.select %eq3A_1375, %sub3A_1383, %select_n3A_1366 : vector<16xi1>, vector<16xi32>
    %reduce_sum3A_1385 = arith.constant true
    %reduce_sum3A_1386 = vector.broadcast %reduce_sum3A_1385 : i1 to vector<16xi1>
    %reduce_sum3A_1387 = tpu.scan <sum>, %convert_element_type3A_1376 masked %reduce_sum3A_1386 : vector<16xi32>, vector<16xi1> -> vector<16xi32>
    %reduce_sum3A_1388 = vector.extract %reduce_sum3A_1387[15] : i32 from vector<16xi32>
    %broadcast_in_dim3A_1389 = vector.broadcast %reduce_sum3A_1388 : i32 to vector<16xi32>
    %add3A_1390 = arith.addi %add3A_1313, %broadcast_in_dim3A_1389 : vector<16xi32>
    %eq3A_1391 = arith.constant 2 : i32
    %eq3A_1392 = vector.broadcast %eq3A_1391 : i32 to vector<16xi32>
    %eq3A_1393 = arith.cmpi eq, %get3A_1352, %eq3A_1392 : vector<16xi32>
    %convert_element_type3A_1394 = arith.extui %eq3A_1393 : vector<16xi1> to vector<16xi32>
    %broadcast_in_dim3A_1395 = arith.constant true
    %broadcast_in_dim3A_1396 = vector.broadcast %broadcast_in_dim3A_1395 : i1 to vector<16xi1>
    %masked_cumsum3A_1397 = tpu.scan <sum>, %convert_element_type3A_1394 masked %broadcast_in_dim3A_1396 : vector<16xi32>, vector<16xi1> -> vector<16xi32>
    %add3A_1398 = arith.addi %add3A_1331, %masked_cumsum3A_1397 : vector<16xi32>
    %sub3A_1399 = arith.constant 1 : i32
    %sub3A_1400 = vector.broadcast %sub3A_1399 : i32 to vector<16xi32>
    %sub3A_1401 = arith.subi %add3A_1398, %sub3A_1400 : vector<16xi32>
    %select_n3A_1402 = arith.select %eq3A_1393, %sub3A_1401, %select_n3A_1384 : vector<16xi1>, vector<16xi32>
    %reduce_sum3A_1403 = arith.constant true
    %reduce_sum3A_1404 = vector.broadcast %reduce_sum3A_1403 : i1 to vector<16xi1>
    %reduce_sum3A_1405 = tpu.scan <sum>, %convert_element_type3A_1394 masked %reduce_sum3A_1404 : vector<16xi32>, vector<16xi1> -> vector<16xi32>
    %reduce_sum3A_1406 = vector.extract %reduce_sum3A_1405[15] : i32 from vector<16xi32>
    %broadcast_in_dim3A_1407 = vector.broadcast %reduce_sum3A_1406 : i32 to vector<16xi32>
    %add3A_1408 = arith.addi %add3A_1331, %broadcast_in_dim3A_1407 : vector<16xi32>
    %eq3A_1409 = arith.constant 3 : i32
    %eq3A_1410 = vector.broadcast %eq3A_1409 : i32 to vector<16xi32>
    %eq3A_1411 = arith.cmpi eq, %get3A_1352, %eq3A_1410 : vector<16xi32>
    %convert_element_type3A_1412 = arith.extui %eq3A_1411 : vector<16xi1> to vector<16xi32>
    %broadcast_in_dim3A_1413 = arith.constant true
    %broadcast_in_dim3A_1414 = vector.broadcast %broadcast_in_dim3A_1413 : i1 to vector<16xi1>
    %masked_cumsum3A_1415 = tpu.scan <sum>, %convert_element_type3A_1412 masked %broadcast_in_dim3A_1414 : vector<16xi32>, vector<16xi1> -> vector<16xi32>
    %add3A_1416 = arith.addi %add3A_1349, %masked_cumsum3A_1415 : vector<16xi32>
    %sub3A_1417 = arith.constant 1 : i32
    %sub3A_1418 = vector.broadcast %sub3A_1417 : i32 to vector<16xi32>
    %sub3A_1419 = arith.subi %add3A_1416, %sub3A_1418 : vector<16xi32>
    %select_n3A_1420 = arith.select %eq3A_1411, %sub3A_1419, %select_n3A_1402 : vector<16xi1>, vector<16xi32>
    %reduce_sum3A_1421 = arith.constant true
    %reduce_sum3A_1422 = vector.broadcast %reduce_sum3A_1421 : i1 to vector<16xi1>
    %reduce_sum3A_1423 = tpu.scan <sum>, %convert_element_type3A_1412 masked %reduce_sum3A_1422 : vector<16xi32>, vector<16xi1> -> vector<16xi32>
    %reduce_sum3A_1424 = vector.extract %reduce_sum3A_1423[15] : i32 from vector<16xi32>
    %broadcast_in_dim3A_1425 = vector.broadcast %reduce_sum3A_1424 : i32 to vector<16xi32>
    %add3A_1426 = arith.addi %add3A_1349, %broadcast_in_dim3A_1425 : vector<16xi32>
    %swap3A_1427 = arith.constant 16 : index
    %swap3A_1428 = tpu.vector_load %arg12[%swap3A_1427] {strides = array<i32>} : memref<64xi32, #tpu.memory_space<vmem>>, vector<16xi32>,
    tpu.vector_store %arg12[%swap3A_1427], %select_n3A_1420 {strides = array<i32>} : memref<64xi32, #tpu.memory_space<vmem>>, vector<16xi32>,
    %get3A_1429 = arith.constant 32 : index
    %get3A_1430 = tpu.vector_load %arg9[%get3A_1429] {strides = array<i32>} : memref<64xi32, #tpu.memory_space<vmem>>, vector<16xi32>,
    %broadcast_in_dim3A_1431 = arith.constant 0 : i32
    %broadcast_in_dim3A_1432 = vector.broadcast %broadcast_in_dim3A_1431 : i32 to vector<16xi32>
    %eq3A_1433 = arith.constant 0 : i32
    %eq3A_1434 = vector.broadcast %eq3A_1433 : i32 to vector<16xi32>
    %eq3A_1435 = arith.cmpi eq, %get3A_1430, %eq3A_1434 : vector<16xi32>
    %convert_element_type3A_1436 = arith.extui %eq3A_1435 : vector<16xi1> to vector<16xi32>
    %broadcast_in_dim3A_1437 = arith.constant true
    %broadcast_in_dim3A_1438 = vector.broadcast %broadcast_in_dim3A_1437 : i1 to vector<16xi1>
    %masked_cumsum3A_1439 = tpu.scan <sum>, %convert_element_type3A_1436 masked %broadcast_in_dim3A_1438 : vector<16xi32>, vector<16xi1> -> vector<16xi32>
    %add3A_1440 = arith.addi %add3A_1372, %masked_cumsum3A_1439 : vector<16xi32>
    %sub3A_1441 = arith.constant 1 : i32
    %sub3A_1442 = vector.broadcast %sub3A_1441 : i32 to vector<16xi32>
    %sub3A_1443 = arith.subi %add3A_1440, %sub3A_1442 : vector<16xi32>
    %select_n3A_1444 = arith.select %eq3A_1435, %sub3A_1443, %broadcast_in_dim3A_1432 : vector<16xi1>, vector<16xi32>
    %reduce_sum3A_1445 = arith.constant true
    %reduce_sum3A_1446 = vector.broadcast %reduce_sum3A_1445 : i1 to vector<16xi1>
    %reduce_sum3A_1447 = tpu.scan <sum>, %convert_element_type3A_1436 masked %reduce_sum3A_1446 : vector<16xi32>, vector<16xi1> -> vector<16xi32>
    %reduce_sum3A_1448 = vector.extract %reduce_sum3A_1447[15] : i32 from vector<16xi32>
    %broadcast_in_dim3A_1449 = vector.broadcast %reduce_sum3A_1448 : i32 to vector<16xi32>
    %add3A_1450 = arith.addi %add3A_1372, %broadcast_in_dim3A_1449 : vector<16xi32>
    %eq3A_1451 = arith.constant 1 : i32
    %eq3A_1452 = vector.broadcast %eq3A_1451 : i32 to vector<16xi32>
    %eq3A_1453 = arith.cmpi eq, %get3A_1430, %eq3A_1452 : vector<16xi32>
    %convert_element_type3A_1454 = arith.extui %eq3A_1453 : vector<16xi1> to vector<16xi32>
    %broadcast_in_dim3A_1455 = arith.constant true
    %broadcast_in_dim3A_1456 = vector.broadcast %broadcast_in_dim3A_1455 : i1 to vector<16xi1>
    %masked_cumsum3A_1457 = tpu.scan <sum>, %convert_element_type3A_1454 masked %broadcast_in_dim3A_1456 : vector<16xi32>, vector<16xi1> -> vector<16xi32>
    %add3A_1458 = arith.addi %add3A_1390, %masked_cumsum3A_1457 : vector<16xi32>
    %sub3A_1459 = arith.constant 1 : i32
    %sub3A_1460 = vector.broadcast %sub3A_1459 : i32 to vector<16xi32>
    %sub3A_1461 = arith.subi %add3A_1458, %sub3A_1460 : vector<16xi32>
    %select_n3A_1462 = arith.select %eq3A_1453, %sub3A_1461, %select_n3A_1444 : vector<16xi1>, vector<16xi32>
    %reduce_sum3A_1463 = arith.constant true
    %reduce_sum3A_1464 = vector.broadcast %reduce_sum3A_1463 : i1 to vector<16xi1>
    %reduce_sum3A_1465 = tpu.scan <sum>, %convert_element_type3A_1454 masked %reduce_sum3A_1464 : vector<16xi32>, vector<16xi1> -> vector<16xi32>
    %reduce_sum3A_1466 = vector.extract %reduce_sum3A_1465[15] : i32 from vector<16xi32>
    %broadcast_in_dim3A_1467 = vector.broadcast %reduce_sum3A_1466 : i32 to vector<16xi32>
    %add3A_1468 = arith.addi %add3A_1390, %broadcast_in_dim3A_1467 : vector<16xi32>
    %eq3A_1469 = arith.constant 2 : i32
    %eq3A_1470 = vector.broadcast %eq3A_1469 : i32 to vector<16xi32>
    %eq3A_1471 = arith.cmpi eq, %get3A_1430, %eq3A_1470 : vector<16xi32>
    %convert_element_type3A_1472 = arith.extui %eq3A_1471 : vector<16xi1> to vector<16xi32>
    %broadcast_in_dim3A_1473 = arith.constant true
    %broadcast_in_dim3A_1474 = vector.broadcast %broadcast_in_dim3A_1473 : i1 to vector<16xi1>
    %masked_cumsum3A_1475 = tpu.scan <sum>, %convert_element_type3A_1472 masked %broadcast_in_dim3A_1474 : vector<16xi32>, vector<16xi1> -> vector<16xi32>
    %add3A_1476 = arith.addi %add3A_1408, %masked_cumsum3A_1475 : vector<16xi32>
    %sub3A_1477 = arith.constant 1 : i32
    %sub3A_1478 = vector.broadcast %sub3A_1477 : i32 to vector<16xi32>
    %sub3A_1479 = arith.subi %add3A_1476, %sub3A_1478 : vector<16xi32>
    %select_n3A_1480 = arith.select %eq3A_1471, %sub3A_1479, %select_n3A_1462 : vector<16xi1>, vector<16xi32>
    %reduce_sum3A_1481 = arith.constant true
    %reduce_sum3A_1482 = vector.broadcast %reduce_sum3A_1481 : i1 to vector<16xi1>
    %reduce_sum3A_1483 = tpu.scan <sum>, %convert_element_type3A_1472 masked %reduce_sum3A_1482 : vector<16xi32>, vector<16xi1> -> vector<16xi32>
    %reduce_sum3A_1484 = vector.extract %reduce_sum3A_1483[15] : i32 from vector<16xi32>
    %broadcast_in_dim3A_1485 = vector.broadcast %reduce_sum3A_1484 : i32 to vector<16xi32>
    %add3A_1486 = arith.addi %add3A_1408, %broadcast_in_dim3A_1485 : vector<16xi32>
    %eq3A_1487 = arith.constant 3 : i32
    %eq3A_1488 = vector.broadcast %eq3A_1487 : i32 to vector<16xi32>
    %eq3A_1489 = arith.cmpi eq, %get3A_1430, %eq3A_1488 : vector<16xi32>
    %convert_element_type3A_1490 = arith.extui %eq3A_1489 : vector<16xi1> to vector<16xi32>
    %broadcast_in_dim3A_1491 = arith.constant true
    %broadcast_in_dim3A_1492 = vector.broadcast %broadcast_in_dim3A_1491 : i1 to vector<16xi1>
    %masked_cumsum3A_1493 = tpu.scan <sum>, %convert_element_type3A_1490 masked %broadcast_in_dim3A_1492 : vector<16xi32>, vector<16xi1> -> vector<16xi32>
    %add3A_1494 = arith.addi %add3A_1426, %masked_cumsum3A_1493 : vector<16xi32>
    %sub3A_1495 = arith.constant 1 : i32
    %sub3A_1496 = vector.broadcast %sub3A_1495 : i32 to vector<16xi32>
    %sub3A_1497 = arith.subi %add3A_1494, %sub3A_1496 : vector<16xi32>
    %select_n3A_1498 = arith.select %eq3A_1489, %sub3A_1497, %select_n3A_1480 : vector<16xi1>, vector<16xi32>
    %reduce_sum3A_1499 = arith.constant true
    %reduce_sum3A_1500 = vector.broadcast %reduce_sum3A_1499 : i1 to vector<16xi1>
    %reduce_sum3A_1501 = tpu.scan <sum>, %convert_element_type3A_1490 masked %reduce_sum3A_1500 : vector<16xi32>, vector<16xi1> -> vector<16xi32>
    %reduce_sum3A_1502 = vector.extract %reduce_sum3A_1501[15] : i32 from vector<16xi32>
    %broadcast_in_dim3A_1503 = vector.broadcast %reduce_sum3A_1502 : i32 to vector<16xi32>
    %add3A_1504 = arith.addi %add3A_1426, %broadcast_in_dim3A_1503 : vector<16xi32>
    %swap3A_1505 = arith.constant 32 : index
    %swap3A_1506 = tpu.vector_load %arg12[%swap3A_1505] {strides = array<i32>} : memref<64xi32, #tpu.memory_space<vmem>>, vector<16xi32>,
    tpu.vector_store %arg12[%swap3A_1505], %select_n3A_1498 {strides = array<i32>} : memref<64xi32, #tpu.memory_space<vmem>>, vector<16xi32>,
    %get3A_1507 = arith.constant 48 : index
    %get3A_1508 = tpu.vector_load %arg9[%get3A_1507] {strides = array<i32>} : memref<64xi32, #tpu.memory_space<vmem>>, vector<16xi32>,
    %broadcast_in_dim3A_1509 = arith.constant 0 : i32
    %broadcast_in_dim3A_1510 = vector.broadcast %broadcast_in_dim3A_1509 : i32 to vector<16xi32>
    %eq3A_1511 = arith.constant 0 : i32
    %eq3A_1512 = vector.broadcast %eq3A_1511 : i32 to vector<16xi32>
    %eq3A_1513 = arith.cmpi eq, %get3A_1508, %eq3A_1512 : vector<16xi32>
    %convert_element_type3A_1514 = arith.extui %eq3A_1513 : vector<16xi1> to vector<16xi32>
    %broadcast_in_dim3A_1515 = arith.constant true
    %broadcast_in_dim3A_1516 = vector.broadcast %broadcast_in_dim3A_1515 : i1 to vector<16xi1>
    %masked_cumsum3A_1517 = tpu.scan <sum>, %convert_element_type3A_1514 masked %broadcast_in_dim3A_1516 : vector<16xi32>, vector<16xi1> -> vector<16xi32>
    %add3A_1518 = arith.addi %add3A_1450, %masked_cumsum3A_1517 : vector<16xi32>
    %sub3A_1519 = arith.constant 1 : i32
    %sub3A_1520 = vector.broadcast %sub3A_1519 : i32 to vector<16xi32>
    %sub3A_1521 = arith.subi %add3A_1518, %sub3A_1520 : vector<16xi32>
    %select_n3A_1522 = arith.select %eq3A_1513, %sub3A_1521, %broadcast_in_dim3A_1510 : vector<16xi1>, vector<16xi32>
    %reduce_sum3A_1523 = arith.constant true
    %reduce_sum3A_1524 = vector.broadcast %reduce_sum3A_1523 : i1 to vector<16xi1>
    %reduce_sum3A_1525 = tpu.scan <sum>, %convert_element_type3A_1514 masked %reduce_sum3A_1524 : vector<16xi32>, vector<16xi1> -> vector<16xi32>
    %reduce_sum3A_1526 = vector.extract %reduce_sum3A_1525[15] : i32 from vector<16xi32>
    %broadcast_in_dim3A_1527 = vector.broadcast %reduce_sum3A_1526 : i32 to vector<16xi32>
    %add3A_1528 = arith.addi %add3A_1450, %broadcast_in_dim3A_1527 : vector<16xi32>
    %eq3A_1529 = arith.constant 1 : i32
    %eq3A_1530 = vector.broadcast %eq3A_1529 : i32 to vector<16xi32>
    %eq3A_1531 = arith.cmpi eq, %get3A_1508, %eq3A_1530 : vector<16xi32>
    %convert_element_type3A_1532 = arith.extui %eq3A_1531 : vector<16xi1> to vector<16xi32>
    %broadcast_in_dim3A_1533 = arith.constant true
    %broadcast_in_dim3A_1534 = vector.broadcast %broadcast_in_dim3A_1533 : i1 to vector<16xi1>
    %masked_cumsum3A_1535 = tpu.scan <sum>, %convert_element_type3A_1532 masked %broadcast_in_dim3A_1534 : vector<16xi32>, vector<16xi1> -> vector<16xi32>
    %add3A_1536 = arith.addi %add3A_1468, %masked_cumsum3A_1535 : vector<16xi32>
    %sub3A_1537 = arith.constant 1 : i32
    %sub3A_1538 = vector.broadcast %sub3A_1537 : i32 to vector<16xi32>
    %sub3A_1539 = arith.subi %add3A_1536, %sub3A_1538 : vector<16xi32>
    %select_n3A_1540 = arith.select %eq3A_1531, %sub3A_1539, %select_n3A_1522 : vector<16xi1>, vector<16xi32>
    %reduce_sum3A_1541 = arith.constant true
    %reduce_sum3A_1542 = vector.broadcast %reduce_sum3A_1541 : i1 to vector<16xi1>
    %reduce_sum3A_1543 = tpu.scan <sum>, %convert_element_type3A_1532 masked %reduce_sum3A_1542 : vector<16xi32>, vector<16xi1> -> vector<16xi32>
    %reduce_sum3A_1544 = vector.extract %reduce_sum3A_1543[15] : i32 from vector<16xi32>
    %broadcast_in_dim3A_1545 = vector.broadcast %reduce_sum3A_1544 : i32 to vector<16xi32>
    %add3A_1546 = arith.addi %add3A_1468, %broadcast_in_dim3A_1545 : vector<16xi32>
    %eq3A_1547 = arith.constant 2 : i32
    %eq3A_1548 = vector.broadcast %eq3A_1547 : i32 to vector<16xi32>
    %eq3A_1549 = arith.cmpi eq, %get3A_1508, %eq3A_1548 : vector<16xi32>
    %convert_element_type3A_1550 = arith.extui %eq3A_1549 : vector<16xi1> to vector<16xi32>
    %broadcast_in_dim3A_1551 = arith.constant true
    %broadcast_in_dim3A_1552 = vector.broadcast %broadcast_in_dim3A_1551 : i1 to vector<16xi1>
    %masked_cumsum3A_1553 = tpu.scan <sum>, %convert_element_type3A_1550 masked %broadcast_in_dim3A_1552 : vector<16xi32>, vector<16xi1> -> vector<16xi32>
    %add3A_1554 = arith.addi %add3A_1486, %masked_cumsum3A_1553 : vector<16xi32>
    %sub3A_1555 = arith.constant 1 : i32
    %sub3A_1556 = vector.broadcast %sub3A_1555 : i32 to vector<16xi32>
    %sub3A_1557 = arith.subi %add3A_1554, %sub3A_1556 : vector<16xi32>
    %select_n3A_1558 = arith.select %eq3A_1549, %sub3A_1557, %select_n3A_1540 : vector<16xi1>, vector<16xi32>
    %reduce_sum3A_1559 = arith.constant true
    %reduce_sum3A_1560 = vector.broadcast %reduce_sum3A_1559 : i1 to vector<16xi1>
    %reduce_sum3A_1561 = tpu.scan <sum>, %convert_element_type3A_1550 masked %reduce_sum3A_1560 : vector<16xi32>, vector<16xi1> -> vector<16xi32>
    %reduce_sum3A_1562 = vector.extract %reduce_sum3A_1561[15] : i32 from vector<16xi32>
    %broadcast_in_dim3A_1563 = vector.broadcast %reduce_sum3A_1562 : i32 to vector<16xi32>
    %add3A_1564 = arith.addi %add3A_1486, %broadcast_in_dim3A_1563 : vector<16xi32>
    %eq3A_1565 = arith.constant 3 : i32
    %eq3A_1566 = vector.broadcast %eq3A_1565 : i32 to vector<16xi32>
    %eq3A_1567 = arith.cmpi eq, %get3A_1508, %eq3A_1566 : vector<16xi32>
    %convert_element_type3A_1568 = arith.extui %eq3A_1567 : vector<16xi1> to vector<16xi32>
    %broadcast_in_dim3A_1569 = arith.constant true
    %broadcast_in_dim3A_1570 = vector.broadcast %broadcast_in_dim3A_1569 : i1 to vector<16xi1>
    %masked_cumsum3A_1571 = tpu.scan <sum>, %convert_element_type3A_1568 masked %broadcast_in_dim3A_1570 : vector<16xi32>, vector<16xi1> -> vector<16xi32>
    %add3A_1572 = arith.addi %add3A_1504, %masked_cumsum3A_1571 : vector<16xi32>
    %sub3A_1573 = arith.constant 1 : i32
    %sub3A_1574 = vector.broadcast %sub3A_1573 : i32 to vector<16xi32>
    %sub3A_1575 = arith.subi %add3A_1572, %sub3A_1574 : vector<16xi32>
    %select_n3A_1576 = arith.select %eq3A_1567, %sub3A_1575, %select_n3A_1558 : vector<16xi1>, vector<16xi32>
    %reduce_sum3A_1577 = arith.constant true
    %reduce_sum3A_1578 = vector.broadcast %reduce_sum3A_1577 : i1 to vector<16xi1>
    %reduce_sum3A_1579 = tpu.scan <sum>, %convert_element_type3A_1568 masked %reduce_sum3A_1578 : vector<16xi32>, vector<16xi1> -> vector<16xi32>
    %reduce_sum3A_1580 = vector.extract %reduce_sum3A_1579[15] : i32 from vector<16xi32>
    %broadcast_in_dim3A_1581 = vector.broadcast %reduce_sum3A_1580 : i32 to vector<16xi32>
    %add3A_1582 = arith.addi %add3A_1504, %broadcast_in_dim3A_1581 : vector<16xi32>
    %swap3A_1583 = arith.constant 48 : index
    %swap3A_1584 = tpu.vector_load %arg12[%swap3A_1583] {strides = array<i32>} : memref<64xi32, #tpu.memory_space<vmem>>, vector<16xi32>,
    tpu.vector_store %arg12[%swap3A_1583], %select_n3A_1576 {strides = array<i32>} : memref<64xi32, #tpu.memory_space<vmem>>, vector<16xi32>,
    %get3A_1585 = arith.constant 0 : index
    %get3A_1586 = tpu.vector_load %arg10[%get3A_1585] {strides = array<i32>} : memref<64xi32, #tpu.memory_space<vmem>>, vector<16xi32>,
    %broadcast_in_dim3A_1587 = arith.constant 0 : i32
    %broadcast_in_dim3A_1588 = vector.broadcast %broadcast_in_dim3A_1587 : i32 to vector<16xi32>
    %eq3A_1589 = arith.constant 0 : i32
    %eq3A_1590 = vector.broadcast %eq3A_1589 : i32 to vector<16xi32>
    %eq3A_1591 = arith.cmpi eq, %get3A_1586, %eq3A_1590 : vector<16xi32>
    %convert_element_type3A_1592 = arith.extui %eq3A_1591 : vector<16xi1> to vector<16xi32>
    %broadcast_in_dim3A_1593 = arith.constant true
    %broadcast_in_dim3A_1594 = vector.broadcast %broadcast_in_dim3A_1593 : i1 to vector<16xi1>
    %masked_cumsum3A_1595 = tpu.scan <sum>, %convert_element_type3A_1592 masked %broadcast_in_dim3A_1594 : vector<16xi32>, vector<16xi1> -> vector<16xi32>
    %add3A_1596 = arith.addi %add3A_1528, %masked_cumsum3A_1595 : vector<16xi32>
    %sub3A_1597 = arith.constant 1 : i32
    %sub3A_1598 = vector.broadcast %sub3A_1597 : i32 to vector<16xi32>
    %sub3A_1599 = arith.subi %add3A_1596, %sub3A_1598 : vector<16xi32>
    %select_n3A_1600 = arith.select %eq3A_1591, %sub3A_1599, %broadcast_in_dim3A_1588 : vector<16xi1>, vector<16xi32>
    %reduce_sum3A_1601 = arith.constant true
    %reduce_sum3A_1602 = vector.broadcast %reduce_sum3A_1601 : i1 to vector<16xi1>
    %reduce_sum3A_1603 = tpu.scan <sum>, %convert_element_type3A_1592 masked %reduce_sum3A_1602 : vector<16xi32>, vector<16xi1> -> vector<16xi32>
    %reduce_sum3A_1604 = vector.extract %reduce_sum3A_1603[15] : i32 from vector<16xi32>
    %broadcast_in_dim3A_1605 = vector.broadcast %reduce_sum3A_1604 : i32 to vector<16xi32>
    %add3A_1606 = arith.addi %add3A_1528, %broadcast_in_dim3A_1605 : vector<16xi32>
    %eq3A_1607 = arith.constant 1 : i32
    %eq3A_1608 = vector.broadcast %eq3A_1607 : i32 to vector<16xi32>
    %eq3A_1609 = arith.cmpi eq, %get3A_1586, %eq3A_1608 : vector<16xi32>
    %convert_element_type3A_1610 = arith.extui %eq3A_1609 : vector<16xi1> to vector<16xi32>
    %broadcast_in_dim3A_1611 = arith.constant true
    %broadcast_in_dim3A_1612 = vector.broadcast %broadcast_in_dim3A_1611 : i1 to vector<16xi1>
    %masked_cumsum3A_1613 = tpu.scan <sum>, %convert_element_type3A_1610 masked %broadcast_in_dim3A_1612 : vector<16xi32>, vector<16xi1> -> vector<16xi32>
    %add3A_1614 = arith.addi %add3A_1546, %masked_cumsum3A_1613 : vector<16xi32>
    %sub3A_1615 = arith.constant 1 : i32
    %sub3A_1616 = vector.broadcast %sub3A_1615 : i32 to vector<16xi32>
    %sub3A_1617 = arith.subi %add3A_1614, %sub3A_1616 : vector<16xi32>
    %select_n3A_1618 = arith.select %eq3A_1609, %sub3A_1617, %select_n3A_1600 : vector<16xi1>, vector<16xi32>
    %reduce_sum3A_1619 = arith.constant true
    %reduce_sum3A_1620 = vector.broadcast %reduce_sum3A_1619 : i1 to vector<16xi1>
    %reduce_sum3A_1621 = tpu.scan <sum>, %convert_element_type3A_1610 masked %reduce_sum3A_1620 : vector<16xi32>, vector<16xi1> -> vector<16xi32>
    %reduce_sum3A_1622 = vector.extract %reduce_sum3A_1621[15] : i32 from vector<16xi32>
    %broadcast_in_dim3A_1623 = vector.broadcast %reduce_sum3A_1622 : i32 to vector<16xi32>
    %add3A_1624 = arith.addi %add3A_1546, %broadcast_in_dim3A_1623 : vector<16xi32>
    %eq3A_1625 = arith.constant 2 : i32
    %eq3A_1626 = vector.broadcast %eq3A_1625 : i32 to vector<16xi32>
    %eq3A_1627 = arith.cmpi eq, %get3A_1586, %eq3A_1626 : vector<16xi32>
    %convert_element_type3A_1628 = arith.extui %eq3A_1627 : vector<16xi1> to vector<16xi32>
    %broadcast_in_dim3A_1629 = arith.constant true
    %broadcast_in_dim3A_1630 = vector.broadcast %broadcast_in_dim3A_1629 : i1 to vector<16xi1>
    %masked_cumsum3A_1631 = tpu.scan <sum>, %convert_element_type3A_1628 masked %broadcast_in_dim3A_1630 : vector<16xi32>, vector<16xi1> -> vector<16xi32>
    %add3A_1632 = arith.addi %add3A_1564, %masked_cumsum3A_1631 : vector<16xi32>
    %sub3A_1633 = arith.constant 1 : i32
    %sub3A_1634 = vector.broadcast %sub3A_1633 : i32 to vector<16xi32>
    %sub3A_1635 = arith.subi %add3A_1632, %sub3A_1634 : vector<16xi32>
    %select_n3A_1636 = arith.select %eq3A_1627, %sub3A_1635, %select_n3A_1618 : vector<16xi1>, vector<16xi32>
    %reduce_sum3A_1637 = arith.constant true
    %reduce_sum3A_1638 = vector.broadcast %reduce_sum3A_1637 : i1 to vector<16xi1>
    %reduce_sum3A_1639 = tpu.scan <sum>, %convert_element_type3A_1628 masked %reduce_sum3A_1638 : vector<16xi32>, vector<16xi1> -> vector<16xi32>
    %reduce_sum3A_1640 = vector.extract %reduce_sum3A_1639[15] : i32 from vector<16xi32>
    %broadcast_in_dim3A_1641 = vector.broadcast %reduce_sum3A_1640 : i32 to vector<16xi32>
    %add3A_1642 = arith.addi %add3A_1564, %broadcast_in_dim3A_1641 : vector<16xi32>
    %eq3A_1643 = arith.constant 3 : i32
    %eq3A_1644 = vector.broadcast %eq3A_1643 : i32 to vector<16xi32>
    %eq3A_1645 = arith.cmpi eq, %get3A_1586, %eq3A_1644 : vector<16xi32>
    %convert_element_type3A_1646 = arith.extui %eq3A_1645 : vector<16xi1> to vector<16xi32>
    %broadcast_in_dim3A_1647 = arith.constant true
    %broadcast_in_dim3A_1648 = vector.broadcast %broadcast_in_dim3A_1647 : i1 to vector<16xi1>
    %masked_cumsum3A_1649 = tpu.scan <sum>, %convert_element_type3A_1646 masked %broadcast_in_dim3A_1648 : vector<16xi32>, vector<16xi1> -> vector<16xi32>
    %add3A_1650 = arith.addi %add3A_1582, %masked_cumsum3A_1649 : vector<16xi32>
    %sub3A_1651 = arith.constant 1 : i32
    %sub3A_1652 = vector.broadcast %sub3A_1651 : i32 to vector<16xi32>
    %sub3A_1653 = arith.subi %add3A_1650, %sub3A_1652 : vector<16xi32>
    %select_n3A_1654 = arith.select %eq3A_1645, %sub3A_1653, %select_n3A_1636 : vector<16xi1>, vector<16xi32>
    %reduce_sum3A_1655 = arith.constant true
    %reduce_sum3A_1656 = vector.broadcast %reduce_sum3A_1655 : i1 to vector<16xi1>
    %reduce_sum3A_1657 = tpu.scan <sum>, %convert_element_type3A_1646 masked %reduce_sum3A_1656 : vector<16xi32>, vector<16xi1> -> vector<16xi32>
    %reduce_sum3A_1658 = vector.extract %reduce_sum3A_1657[15] : i32 from vector<16xi32>
    %broadcast_in_dim3A_1659 = vector.broadcast %reduce_sum3A_1658 : i32 to vector<16xi32>
    %add3A_1660 = arith.addi %add3A_1582, %broadcast_in_dim3A_1659 : vector<16xi32>
    %swap3A_1661 = arith.constant 0 : index
    %swap3A_1662 = tpu.vector_load %arg13[%swap3A_1661] {strides = array<i32>} : memref<64xi32, #tpu.memory_space<vmem>>, vector<16xi32>,
    tpu.vector_store %arg13[%swap3A_1661], %select_n3A_1654 {strides = array<i32>} : memref<64xi32, #tpu.memory_space<vmem>>, vector<16xi32>,
    %get3A_1663 = arith.constant 16 : index
    %get3A_1664 = tpu.vector_load %arg10[%get3A_1663] {strides = array<i32>} : memref<64xi32, #tpu.memory_space<vmem>>, vector<16xi32>,
    %broadcast_in_dim3A_1665 = arith.constant 0 : i32
    %broadcast_in_dim3A_1666 = vector.broadcast %broadcast_in_dim3A_1665 : i32 to vector<16xi32>
    %eq3A_1667 = arith.constant 0 : i32
    %eq3A_1668 = vector.broadcast %eq3A_1667 : i32 to vector<16xi32>
    %eq3A_1669 = arith.cmpi eq, %get3A_1664, %eq3A_1668 : vector<16xi32>
    %convert_element_type3A_1670 = arith.extui %eq3A_1669 : vector<16xi1> to vector<16xi32>
    %broadcast_in_dim3A_1671 = arith.constant true
    %broadcast_in_dim3A_1672 = vector.broadcast %broadcast_in_dim3A_1671 : i1 to vector<16xi1>
    %masked_cumsum3A_1673 = tpu.scan <sum>, %convert_element_type3A_1670 masked %broadcast_in_dim3A_1672 : vector<16xi32>, vector<16xi1> -> vector<16xi32>
    %add3A_1674 = arith.addi %add3A_1606, %masked_cumsum3A_1673 : vector<16xi32>
    %sub3A_1675 = arith.constant 1 : i32
    %sub3A_1676 = vector.broadcast %sub3A_1675 : i32 to vector<16xi32>
    %sub3A_1677 = arith.subi %add3A_1674, %sub3A_1676 : vector<16xi32>
    %select_n3A_1678 = arith.select %eq3A_1669, %sub3A_1677, %broadcast_in_dim3A_1666 : vector<16xi1>, vector<16xi32>
    %reduce_sum3A_1679 = arith.constant true
    %reduce_sum3A_1680 = vector.broadcast %reduce_sum3A_1679 : i1 to vector<16xi1>
    %reduce_sum3A_1681 = tpu.scan <sum>, %convert_element_type3A_1670 masked %reduce_sum3A_1680 : vector<16xi32>, vector<16xi1> -> vector<16xi32>
    %reduce_sum3A_1682 = vector.extract %reduce_sum3A_1681[15] : i32 from vector<16xi32>
    %broadcast_in_dim3A_1683 = vector.broadcast %reduce_sum3A_1682 : i32 to vector<16xi32>
    %add3A_1684 = arith.addi %add3A_1606, %broadcast_in_dim3A_1683 : vector<16xi32>
    %eq3A_1685 = arith.constant 1 : i32
    %eq3A_1686 = vector.broadcast %eq3A_1685 : i32 to vector<16xi32>
    %eq3A_1687 = arith.cmpi eq, %get3A_1664, %eq3A_1686 : vector<16xi32>
    %convert_element_type3A_1688 = arith.extui %eq3A_1687 : vector<16xi1> to vector<16xi32>
    %broadcast_in_dim3A_1689 = arith.constant true
    %broadcast_in_dim3A_1690 = vector.broadcast %broadcast_in_dim3A_1689 : i1 to vector<16xi1>
    %masked_cumsum3A_1691 = tpu.scan <sum>, %convert_element_type3A_1688 masked %broadcast_in_dim3A_1690 : vector<16xi32>, vector<16xi1> -> vector<16xi32>
    %add3A_1692 = arith.addi %add3A_1624, %masked_cumsum3A_1691 : vector<16xi32>
    %sub3A_1693 = arith.constant 1 : i32
    %sub3A_1694 = vector.broadcast %sub3A_1693 : i32 to vector<16xi32>
    %sub3A_1695 = arith.subi %add3A_1692, %sub3A_1694 : vector<16xi32>
    %select_n3A_1696 = arith.select %eq3A_1687, %sub3A_1695, %select_n3A_1678 : vector<16xi1>, vector<16xi32>
    %reduce_sum3A_1697 = arith.constant true
    %reduce_sum3A_1698 = vector.broadcast %reduce_sum3A_1697 : i1 to vector<16xi1>
    %reduce_sum3A_1699 = tpu.scan <sum>, %convert_element_type3A_1688 masked %reduce_sum3A_1698 : vector<16xi32>, vector<16xi1> -> vector<16xi32>
    %reduce_sum3A_1700 = vector.extract %reduce_sum3A_1699[15] : i32 from vector<16xi32>
    %broadcast_in_dim3A_1701 = vector.broadcast %reduce_sum3A_1700 : i32 to vector<16xi32>
    %add3A_1702 = arith.addi %add3A_1624, %broadcast_in_dim3A_1701 : vector<16xi32>
    %eq3A_1703 = arith.constant 2 : i32
    %eq3A_1704 = vector.broadcast %eq3A_1703 : i32 to vector<16xi32>
    %eq3A_1705 = arith.cmpi eq, %get3A_1664, %eq3A_1704 : vector<16xi32>
    %convert_element_type3A_1706 = arith.extui %eq3A_1705 : vector<16xi1> to vector<16xi32>
    %broadcast_in_dim3A_1707 = arith.constant true
    %broadcast_in_dim3A_1708 = vector.broadcast %broadcast_in_dim3A_1707 : i1 to vector<16xi1>
    %masked_cumsum3A_1709 = tpu.scan <sum>, %convert_element_type3A_1706 masked %broadcast_in_dim3A_1708 : vector<16xi32>, vector<16xi1> -> vector<16xi32>
    %add3A_1710 = arith.addi %add3A_1642, %masked_cumsum3A_1709 : vector<16xi32>
    %sub3A_1711 = arith.constant 1 : i32
    %sub3A_1712 = vector.broadcast %sub3A_1711 : i32 to vector<16xi32>
    %sub3A_1713 = arith.subi %add3A_1710, %sub3A_1712 : vector<16xi32>
    %select_n3A_1714 = arith.select %eq3A_1705, %sub3A_1713, %select_n3A_1696 : vector<16xi1>, vector<16xi32>
    %reduce_sum3A_1715 = arith.constant true
    %reduce_sum3A_1716 = vector.broadcast %reduce_sum3A_1715 : i1 to vector<16xi1>
    %reduce_sum3A_1717 = tpu.scan <sum>, %convert_element_type3A_1706 masked %reduce_sum3A_1716 : vector<16xi32>, vector<16xi1> -> vector<16xi32>
    %reduce_sum3A_1718 = vector.extract %reduce_sum3A_1717[15] : i32 from vector<16xi32>
    %broadcast_in_dim3A_1719 = vector.broadcast %reduce_sum3A_1718 : i32 to vector<16xi32>
    %add3A_1720 = arith.addi %add3A_1642, %broadcast_in_dim3A_1719 : vector<16xi32>
    %eq3A_1721 = arith.constant 3 : i32
    %eq3A_1722 = vector.broadcast %eq3A_1721 : i32 to vector<16xi32>
    %eq3A_1723 = arith.cmpi eq, %get3A_1664, %eq3A_1722 : vector<16xi32>
    %convert_element_type3A_1724 = arith.extui %eq3A_1723 : vector<16xi1> to vector<16xi32>
    %broadcast_in_dim3A_1725 = arith.constant true
    %broadcast_in_dim3A_1726 = vector.broadcast %broadcast_in_dim3A_1725 : i1 to vector<16xi1>
    %masked_cumsum3A_1727 = tpu.scan <sum>, %convert_element_type3A_1724 masked %broadcast_in_dim3A_1726 : vector<16xi32>, vector<16xi1> -> vector<16xi32>
    %add3A_1728 = arith.addi %add3A_1660, %masked_cumsum3A_1727 : vector<16xi32>
    %sub3A_1729 = arith.constant 1 : i32
    %sub3A_1730 = vector.broadcast %sub3A_1729 : i32 to vector<16xi32>
    %sub3A_1731 = arith.subi %add3A_1728, %sub3A_1730 : vector<16xi32>
    %select_n3A_1732 = arith.select %eq3A_1723, %sub3A_1731, %select_n3A_1714 : vector<16xi1>, vector<16xi32>
    %reduce_sum3A_1733 = arith.constant true
    %reduce_sum3A_1734 = vector.broadcast %reduce_sum3A_1733 : i1 to vector<16xi1>
    %reduce_sum3A_1735 = tpu.scan <sum>, %convert_element_type3A_1724 masked %reduce_sum3A_1734 : vector<16xi32>, vector<16xi1> -> vector<16xi32>
    %reduce_sum3A_1736 = vector.extract %reduce_sum3A_1735[15] : i32 from vector<16xi32>
    %broadcast_in_dim3A_1737 = vector.broadcast %reduce_sum3A_1736 : i32 to vector<16xi32>
    %add3A_1738 = arith.addi %add3A_1660, %broadcast_in_dim3A_1737 : vector<16xi32>
    %swap3A_1739 = arith.constant 16 : index
    %swap3A_1740 = tpu.vector_load %arg13[%swap3A_1739] {strides = array<i32>} : memref<64xi32, #tpu.memory_space<vmem>>, vector<16xi32>,
    tpu.vector_store %arg13[%swap3A_1739], %select_n3A_1732 {strides = array<i32>} : memref<64xi32, #tpu.memory_space<vmem>>, vector<16xi32>,
    %get3A_1741 = arith.constant 32 : index
    %get3A_1742 = tpu.vector_load %arg10[%get3A_1741] {strides = array<i32>} : memref<64xi32, #tpu.memory_space<vmem>>, vector<16xi32>,
    %broadcast_in_dim3A_1743 = arith.constant 0 : i32
    %broadcast_in_dim3A_1744 = vector.broadcast %broadcast_in_dim3A_1743 : i32 to vector<16xi32>
    %eq3A_1745 = arith.constant 0 : i32
    %eq3A_1746 = vector.broadcast %eq3A_1745 : i32 to vector<16xi32>
    %eq3A_1747 = arith.cmpi eq, %get3A_1742, %eq3A_1746 : vector<16xi32>
    %convert_element_type3A_1748 = arith.extui %eq3A_1747 : vector<16xi1> to vector<16xi32>
    %broadcast_in_dim3A_1749 = arith.constant true
    %broadcast_in_dim3A_1750 = vector.broadcast %broadcast_in_dim3A_1749 : i1 to vector<16xi1>
    %masked_cumsum3A_1751 = tpu.scan <sum>, %convert_element_type3A_1748 masked %broadcast_in_dim3A_1750 : vector<16xi32>, vector<16xi1> -> vector<16xi32>
    %add3A_1752 = arith.addi %add3A_1684, %masked_cumsum3A_1751 : vector<16xi32>
    %sub3A_1753 = arith.constant 1 : i32
    %sub3A_1754 = vector.broadcast %sub3A_1753 : i32 to vector<16xi32>
    %sub3A_1755 = arith.subi %add3A_1752, %sub3A_1754 : vector<16xi32>
    %select_n3A_1756 = arith.select %eq3A_1747, %sub3A_1755, %broadcast_in_dim3A_1744 : vector<16xi1>, vector<16xi32>
    %reduce_sum3A_1757 = arith.constant true
    %reduce_sum3A_1758 = vector.broadcast %reduce_sum3A_1757 : i1 to vector<16xi1>
    %reduce_sum3A_1759 = tpu.scan <sum>, %convert_element_type3A_1748 masked %reduce_sum3A_1758 : vector<16xi32>, vector<16xi1> -> vector<16xi32>
    %reduce_sum3A_1760 = vector.extract %reduce_sum3A_1759[15] : i32 from vector<16xi32>
    %broadcast_in_dim3A_1761 = vector.broadcast %reduce_sum3A_1760 : i32 to vector<16xi32>
    %add3A_1762 = arith.addi %add3A_1684, %broadcast_in_dim3A_1761 : vector<16xi32>
    %eq3A_1763 = arith.constant 1 : i32
    %eq3A_1764 = vector.broadcast %eq3A_1763 : i32 to vector<16xi32>
    %eq3A_1765 = arith.cmpi eq, %get3A_1742, %eq3A_1764 : vector<16xi32>
    %convert_element_type3A_1766 = arith.extui %eq3A_1765 : vector<16xi1> to vector<16xi32>
    %broadcast_in_dim3A_1767 = arith.constant true
    %broadcast_in_dim3A_1768 = vector.broadcast %broadcast_in_dim3A_1767 : i1 to vector<16xi1>
    %masked_cumsum3A_1769 = tpu.scan <sum>, %convert_element_type3A_1766 masked %broadcast_in_dim3A_1768 : vector<16xi32>, vector<16xi1> -> vector<16xi32>
    %add3A_1770 = arith.addi %add3A_1702, %masked_cumsum3A_1769 : vector<16xi32>
    %sub3A_1771 = arith.constant 1 : i32
    %sub3A_1772 = vector.broadcast %sub3A_1771 : i32 to vector<16xi32>
    %sub3A_1773 = arith.subi %add3A_1770, %sub3A_1772 : vector<16xi32>
    %select_n3A_1774 = arith.select %eq3A_1765, %sub3A_1773, %select_n3A_1756 : vector<16xi1>, vector<16xi32>
    %reduce_sum3A_1775 = arith.constant true
    %reduce_sum3A_1776 = vector.broadcast %reduce_sum3A_1775 : i1 to vector<16xi1>
    %reduce_sum3A_1777 = tpu.scan <sum>, %convert_element_type3A_1766 masked %reduce_sum3A_1776 : vector<16xi32>, vector<16xi1> -> vector<16xi32>
    %reduce_sum3A_1778 = vector.extract %reduce_sum3A_1777[15] : i32 from vector<16xi32>
    %broadcast_in_dim3A_1779 = vector.broadcast %reduce_sum3A_1778 : i32 to vector<16xi32>
    %add3A_1780 = arith.addi %add3A_1702, %broadcast_in_dim3A_1779 : vector<16xi32>
    %eq3A_1781 = arith.constant 2 : i32
    %eq3A_1782 = vector.broadcast %eq3A_1781 : i32 to vector<16xi32>
    %eq3A_1783 = arith.cmpi eq, %get3A_1742, %eq3A_1782 : vector<16xi32>
    %convert_element_type3A_1784 = arith.extui %eq3A_1783 : vector<16xi1> to vector<16xi32>
    %broadcast_in_dim3A_1785 = arith.constant true
    %broadcast_in_dim3A_1786 = vector.broadcast %broadcast_in_dim3A_1785 : i1 to vector<16xi1>
    %masked_cumsum3A_1787 = tpu.scan <sum>, %convert_element_type3A_1784 masked %broadcast_in_dim3A_1786 : vector<16xi32>, vector<16xi1> -> vector<16xi32>
    %add3A_1788 = arith.addi %add3A_1720, %masked_cumsum3A_1787 : vector<16xi32>
    %sub3A_1789 = arith.constant 1 : i32
    %sub3A_1790 = vector.broadcast %sub3A_1789 : i32 to vector<16xi32>
    %sub3A_1791 = arith.subi %add3A_1788, %sub3A_1790 : vector<16xi32>
    %select_n3A_1792 = arith.select %eq3A_1783, %sub3A_1791, %select_n3A_1774 : vector<16xi1>, vector<16xi32>
    %reduce_sum3A_1793 = arith.constant true
    %reduce_sum3A_1794 = vector.broadcast %reduce_sum3A_1793 : i1 to vector<16xi1>
    %reduce_sum3A_1795 = tpu.scan <sum>, %convert_element_type3A_1784 masked %reduce_sum3A_1794 : vector<16xi32>, vector<16xi1> -> vector<16xi32>
    %reduce_sum3A_1796 = vector.extract %reduce_sum3A_1795[15] : i32 from vector<16xi32>
    %broadcast_in_dim3A_1797 = vector.broadcast %reduce_sum3A_1796 : i32 to vector<16xi32>
    %add3A_1798 = arith.addi %add3A_1720, %broadcast_in_dim3A_1797 : vector<16xi32>
    %eq3A_1799 = arith.constant 3 : i32
    %eq3A_1800 = vector.broadcast %eq3A_1799 : i32 to vector<16xi32>
    %eq3A_1801 = arith.cmpi eq, %get3A_1742, %eq3A_1800 : vector<16xi32>
    %convert_element_type3A_1802 = arith.extui %eq3A_1801 : vector<16xi1> to vector<16xi32>
    %broadcast_in_dim3A_1803 = arith.constant true
    %broadcast_in_dim3A_1804 = vector.broadcast %broadcast_in_dim3A_1803 : i1 to vector<16xi1>
    %masked_cumsum3A_1805 = tpu.scan <sum>, %convert_element_type3A_1802 masked %broadcast_in_dim3A_1804 : vector<16xi32>, vector<16xi1> -> vector<16xi32>
    %add3A_1806 = arith.addi %add3A_1738, %masked_cumsum3A_1805 : vector<16xi32>
    %sub3A_1807 = arith.constant 1 : i32
    %sub3A_1808 = vector.broadcast %sub3A_1807 : i32 to vector<16xi32>
    %sub3A_1809 = arith.subi %add3A_1806, %sub3A_1808 : vector<16xi32>
    %select_n3A_1810 = arith.select %eq3A_1801, %sub3A_1809, %select_n3A_1792 : vector<16xi1>, vector<16xi32>
    %reduce_sum3A_1811 = arith.constant true
    %reduce_sum3A_1812 = vector.broadcast %reduce_sum3A_1811 : i1 to vector<16xi1>
    %reduce_sum3A_1813 = tpu.scan <sum>, %convert_element_type3A_1802 masked %reduce_sum3A_1812 : vector<16xi32>, vector<16xi1> -> vector<16xi32>
    %reduce_sum3A_1814 = vector.extract %reduce_sum3A_1813[15] : i32 from vector<16xi32>
    %broadcast_in_dim3A_1815 = vector.broadcast %reduce_sum3A_1814 : i32 to vector<16xi32>
    %add3A_1816 = arith.addi %add3A_1738, %broadcast_in_dim3A_1815 : vector<16xi32>
    %swap3A_1817 = arith.constant 32 : index
    %swap3A_1818 = tpu.vector_load %arg13[%swap3A_1817] {strides = array<i32>} : memref<64xi32, #tpu.memory_space<vmem>>, vector<16xi32>,
    tpu.vector_store %arg13[%swap3A_1817], %select_n3A_1810 {strides = array<i32>} : memref<64xi32, #tpu.memory_space<vmem>>, vector<16xi32>,
    %get3A_1819 = arith.constant 48 : index
    %get3A_1820 = tpu.vector_load %arg10[%get3A_1819] {strides = array<i32>} : memref<64xi32, #tpu.memory_space<vmem>>, vector<16xi32>,
    %broadcast_in_dim3A_1821 = arith.constant 0 : i32
    %broadcast_in_dim3A_1822 = vector.broadcast %broadcast_in_dim3A_1821 : i32 to vector<16xi32>
    %eq3A_1823 = arith.constant 0 : i32
    %eq3A_1824 = vector.broadcast %eq3A_1823 : i32 to vector<16xi32>
    %eq3A_1825 = arith.cmpi eq, %get3A_1820, %eq3A_1824 : vector<16xi32>
    %convert_element_type3A_1826 = arith.extui %eq3A_1825 : vector<16xi1> to vector<16xi32>
    %broadcast_in_dim3A_1827 = arith.constant true
    %broadcast_in_dim3A_1828 = vector.broadcast %broadcast_in_dim3A_1827 : i1 to vector<16xi1>
    %masked_cumsum3A_1829 = tpu.scan <sum>, %convert_element_type3A_1826 masked %broadcast_in_dim3A_1828 : vector<16xi32>, vector<16xi1> -> vector<16xi32>
    %add3A_1830 = arith.addi %add3A_1762, %masked_cumsum3A_1829 : vector<16xi32>
    %sub3A_1831 = arith.constant 1 : i32
    %sub3A_1832 = vector.broadcast %sub3A_1831 : i32 to vector<16xi32>
    %sub3A_1833 = arith.subi %add3A_1830, %sub3A_1832 : vector<16xi32>
    %select_n3A_1834 = arith.select %eq3A_1825, %sub3A_1833, %broadcast_in_dim3A_1822 : vector<16xi1>, vector<16xi32>
    %reduce_sum3A_1835 = arith.constant true
    %reduce_sum3A_1836 = vector.broadcast %reduce_sum3A_1835 : i1 to vector<16xi1>
    %reduce_sum3A_1837 = tpu.scan <sum>, %convert_element_type3A_1826 masked %reduce_sum3A_1836 : vector<16xi32>, vector<16xi1> -> vector<16xi32>
    %reduce_sum3A_1838 = vector.extract %reduce_sum3A_1837[15] : i32 from vector<16xi32>
    %broadcast_in_dim3A_1839 = vector.broadcast %reduce_sum3A_1838 : i32 to vector<16xi32>
    %add3A_1840 = arith.addi %add3A_1762, %broadcast_in_dim3A_1839 : vector<16xi32>
    %eq3A_1841 = arith.constant 1 : i32
    %eq3A_1842 = vector.broadcast %eq3A_1841 : i32 to vector<16xi32>
    %eq3A_1843 = arith.cmpi eq, %get3A_1820, %eq3A_1842 : vector<16xi32>
    %convert_element_type3A_1844 = arith.extui %eq3A_1843 : vector<16xi1> to vector<16xi32>
    %broadcast_in_dim3A_1845 = arith.constant true
    %broadcast_in_dim3A_1846 = vector.broadcast %broadcast_in_dim3A_1845 : i1 to vector<16xi1>
    %masked_cumsum3A_1847 = tpu.scan <sum>, %convert_element_type3A_1844 masked %broadcast_in_dim3A_1846 : vector<16xi32>, vector<16xi1> -> vector<16xi32>
    %add3A_1848 = arith.addi %add3A_1780, %masked_cumsum3A_1847 : vector<16xi32>
    %sub3A_1849 = arith.constant 1 : i32
    %sub3A_1850 = vector.broadcast %sub3A_1849 : i32 to vector<16xi32>
    %sub3A_1851 = arith.subi %add3A_1848, %sub3A_1850 : vector<16xi32>
    %select_n3A_1852 = arith.select %eq3A_1843, %sub3A_1851, %select_n3A_1834 : vector<16xi1>, vector<16xi32>
    %reduce_sum3A_1853 = arith.constant true
    %reduce_sum3A_1854 = vector.broadcast %reduce_sum3A_1853 : i1 to vector<16xi1>
    %reduce_sum3A_1855 = tpu.scan <sum>, %convert_element_type3A_1844 masked %reduce_sum3A_1854 : vector<16xi32>, vector<16xi1> -> vector<16xi32>
    %reduce_sum3A_1856 = vector.extract %reduce_sum3A_1855[15] : i32 from vector<16xi32>
    %broadcast_in_dim3A_1857 = vector.broadcast %reduce_sum3A_1856 : i32 to vector<16xi32>
    %add3A_1858 = arith.addi %add3A_1780, %broadcast_in_dim3A_1857 : vector<16xi32>
    %eq3A_1859 = arith.constant 2 : i32
    %eq3A_1860 = vector.broadcast %eq3A_1859 : i32 to vector<16xi32>
    %eq3A_1861 = arith.cmpi eq, %get3A_1820, %eq3A_1860 : vector<16xi32>
    %convert_element_type3A_1862 = arith.extui %eq3A_1861 : vector<16xi1> to vector<16xi32>
    %broadcast_in_dim3A_1863 = arith.constant true
    %broadcast_in_dim3A_1864 = vector.broadcast %broadcast_in_dim3A_1863 : i1 to vector<16xi1>
    %masked_cumsum3A_1865 = tpu.scan <sum>, %convert_element_type3A_1862 masked %broadcast_in_dim3A_1864 : vector<16xi32>, vector<16xi1> -> vector<16xi32>
    %add3A_1866 = arith.addi %add3A_1798, %masked_cumsum3A_1865 : vector<16xi32>
    %sub3A_1867 = arith.constant 1 : i32
    %sub3A_1868 = vector.broadcast %sub3A_1867 : i32 to vector<16xi32>
    %sub3A_1869 = arith.subi %add3A_1866, %sub3A_1868 : vector<16xi32>
    %select_n3A_1870 = arith.select %eq3A_1861, %sub3A_1869, %select_n3A_1852 : vector<16xi1>, vector<16xi32>
    %reduce_sum3A_1871 = arith.constant true
    %reduce_sum3A_1872 = vector.broadcast %reduce_sum3A_1871 : i1 to vector<16xi1>
    %reduce_sum3A_1873 = tpu.scan <sum>, %convert_element_type3A_1862 masked %reduce_sum3A_1872 : vector<16xi32>, vector<16xi1> -> vector<16xi32>
    %reduce_sum3A_1874 = vector.extract %reduce_sum3A_1873[15] : i32 from vector<16xi32>
    %broadcast_in_dim3A_1875 = vector.broadcast %reduce_sum3A_1874 : i32 to vector<16xi32>
    %add3A_1876 = arith.addi %add3A_1798, %broadcast_in_dim3A_1875 : vector<16xi32>
    %eq3A_1877 = arith.constant 3 : i32
    %eq3A_1878 = vector.broadcast %eq3A_1877 : i32 to vector<16xi32>
    %eq3A_1879 = arith.cmpi eq, %get3A_1820, %eq3A_1878 : vector<16xi32>
    %convert_element_type3A_1880 = arith.extui %eq3A_1879 : vector<16xi1> to vector<16xi32>
    %broadcast_in_dim3A_1881 = arith.constant true
    %broadcast_in_dim3A_1882 = vector.broadcast %broadcast_in_dim3A_1881 : i1 to vector<16xi1>
    %masked_cumsum3A_1883 = tpu.scan <sum>, %convert_element_type3A_1880 masked %broadcast_in_dim3A_1882 : vector<16xi32>, vector<16xi1> -> vector<16xi32>
    %add3A_1884 = arith.addi %add3A_1816, %masked_cumsum3A_1883 : vector<16xi32>
    %sub3A_1885 = arith.constant 1 : i32
    %sub3A_1886 = vector.broadcast %sub3A_1885 : i32 to vector<16xi32>
    %sub3A_1887 = arith.subi %add3A_1884, %sub3A_1886 : vector<16xi32>
    %select_n3A_1888 = arith.select %eq3A_1879, %sub3A_1887, %select_n3A_1870 : vector<16xi1>, vector<16xi32>
    %reduce_sum3A_1889 = arith.constant true
    %reduce_sum3A_1890 = vector.broadcast %reduce_sum3A_1889 : i1 to vector<16xi1>
    %reduce_sum3A_1891 = tpu.scan <sum>, %convert_element_type3A_1880 masked %reduce_sum3A_1890 : vector<16xi32>, vector<16xi1> -> vector<16xi32>
    %reduce_sum3A_1892 = vector.extract %reduce_sum3A_1891[15] : i32 from vector<16xi32>
    %broadcast_in_dim3A_1893 = vector.broadcast %reduce_sum3A_1892 : i32 to vector<16xi32>
    %add3A_1894 = arith.addi %add3A_1816, %broadcast_in_dim3A_1893 : vector<16xi32>
    %swap3A_1895 = arith.constant 48 : index
    %swap3A_1896 = tpu.vector_load %arg13[%swap3A_1895] {strides = array<i32>} : memref<64xi32, #tpu.memory_space<vmem>>, vector<16xi32>,
    tpu.vector_store %arg13[%swap3A_1895], %select_n3A_1888 {strides = array<i32>} : memref<64xi32, #tpu.memory_space<vmem>>, vector<16xi32>,
    "tpu.region"() ({
      %run_scoped3A = tpu.sem_alloc : memref<!tpu.dma_semaphore, #tpu.memory_space<semaphore_mem>>
      %dma_start3A_1907 = tpu.memref_slice %arg7[%mul3A_2] : memref<2048xi32, #tpu.memory_space<hbm>> -> memref<64xi32, #tpu.memory_space<hbm>>
      %dma_start3A_1908 = tpu.memref_slice %arg7[%mul3A_2] : memref<2048xi32, #tpu.memory_space<hbm>> -> memref<64xi32, #tpu.memory_space<hbm>>
      tpu.enqueue_dma source(%arg12 : memref<64xi32, #tpu.memory_space<vmem>>) target(%dma_start3A_1908 : memref<64xi32, #tpu.memory_space<hbm>>) target_semaphore(%run_scoped3A : memref<!tpu.dma_semaphore, #tpu.memory_space<semaphore_mem>>)
      %dma_wait3A_1909 = tpu.memref_slice %arg7[%mul3A_2] : memref<2048xi32, #tpu.memory_space<hbm>> -> memref<64xi32, #tpu.memory_space<hbm>>
      %dma_wait3A_1910 = tpu.memref_slice %arg7[%mul3A_2] : memref<2048xi32, #tpu.memory_space<hbm>> -> memref<64xi32, #tpu.memory_space<hbm>>
      tpu.wait_dma2 semaphore(%run_scoped3A : memref<!tpu.dma_semaphore, #tpu.memory_space<semaphore_mem>>) src(%arg12 : memref<64xi32, #tpu.memory_space<vmem>>) dst(%dma_wait3A_1910 : memref<64xi32, #tpu.memory_space<hbm>>)
      tpu.yield
    }) : () -> ()
    "tpu.region"() ({
      %run_scoped3A = tpu.sem_alloc : memref<!tpu.dma_semaphore, #tpu.memory_space<semaphore_mem>>
      %dma_start3A_1907 = tpu.memref_slice %arg8[%mul3A_2] : memref<2048xi32, #tpu.memory_space<hbm>> -> memref<64xi32, #tpu.memory_space<hbm>>
      %dma_start3A_1908 = tpu.memref_slice %arg8[%mul3A_2] : memref<2048xi32, #tpu.memory_space<hbm>> -> memref<64xi32, #tpu.memory_space<hbm>>
      tpu.enqueue_dma source(%arg13 : memref<64xi32, #tpu.memory_space<vmem>>) target(%dma_start3A_1908 : memref<64xi32, #tpu.memory_space<hbm>>) target_semaphore(%run_scoped3A : memref<!tpu.dma_semaphore, #tpu.memory_space<semaphore_mem>>)
      %dma_wait3A_1909 = tpu.memref_slice %arg8[%mul3A_2] : memref<2048xi32, #tpu.memory_space<hbm>> -> memref<64xi32, #tpu.memory_space<hbm>>
      %dma_wait3A_1910 = tpu.memref_slice %arg8[%mul3A_2] : memref<2048xi32, #tpu.memory_space<hbm>> -> memref<64xi32, #tpu.memory_space<hbm>>
      tpu.wait_dma2 semaphore(%run_scoped3A : memref<!tpu.dma_semaphore, #tpu.memory_space<semaphore_mem>>) src(%arg13 : memref<64xi32, #tpu.memory_space<vmem>>) dst(%dma_wait3A_1910 : memref<64xi32, #tpu.memory_space<hbm>>)
      tpu.yield
    }) : () -> ()
    "tpu.region"() ({
      %run_scoped3A = tpu.sem_alloc : memref<!tpu.dma_semaphore, #tpu.memory_space<semaphore_mem>>
      %dma_start3A_1907 = arith.constant 0 : i32
      %dma_start3A_1908 = tpu.memref_slice %arg2[%mul3A_2, %dma_start3A_1907] : memref<2048x896xf32, #tpu.memory_space<hbm>> -> memref<64x896xf32, #tpu.memory_space<hbm>>
      %dma_start3A_1909 = arith.constant 0 : i32
      %dma_start3A_1910 = tpu.memref_slice %arg2[%mul3A_2, %dma_start3A_1909] : memref<2048x896xf32, #tpu.memory_space<hbm>> -> memref<64x896xf32, #tpu.memory_space<hbm>>
      tpu.enqueue_dma source(%dma_start3A_1910 : memref<64x896xf32, #tpu.memory_space<hbm>>) target(%arg14 : memref<64x896xf32, #tpu.memory_space<vmem>>) target_semaphore(%run_scoped3A : memref<!tpu.dma_semaphore, #tpu.memory_space<semaphore_mem>>)
      %dma_wait3A_1911 = arith.constant 0 : i32
      %dma_wait3A_1912 = tpu.memref_slice %arg2[%mul3A_2, %dma_wait3A_1911] : memref<2048x896xf32, #tpu.memory_space<hbm>> -> memref<64x896xf32, #tpu.memory_space<hbm>>
      %dma_wait3A_1913 = arith.constant 0 : i32
      %dma_wait3A_1914 = tpu.memref_slice %arg2[%mul3A_2, %dma_wait3A_1913] : memref<2048x896xf32, #tpu.memory_space<hbm>> -> memref<64x896xf32, #tpu.memory_space<hbm>>
      tpu.wait_dma2 semaphore(%run_scoped3A : memref<!tpu.dma_semaphore, #tpu.memory_space<semaphore_mem>>) src(%dma_wait3A_1914 : memref<64x896xf32, #tpu.memory_space<hbm>>) dst(%arg14 : memref<64x896xf32, #tpu.memory_space<vmem>>)
      tpu.yield
    }) : () -> ()
    %dma_start3A = arith.constant 0 : i32
    %dma_start3A_1897 = arith.constant 0 : i32
    %dma_start3A_1898 = tpu.memref_slice %arg6[%dma_start3A, %dma_start3A_1897] : memref<5632x896xf32, #tpu.memory_space<hbm>> -> memref<5632x896xf32, #tpu.memory_space<hbm>>
    tpu.enqueue_indirect_dma source(%arg14 : memref<64x896xf32, #tpu.memory_space<vmem>>) target(%dma_start3A_1898 : memref<5632x896xf32, #tpu.memory_space<hbm>>) offsets(%arg12 : memref<64xi32, #tpu.memory_space<vmem>>) semaphore(%arg15 : memref<!tpu.dma_semaphore, #tpu.memory_space<semaphore_mem>>)
    %dma_wait3A = arith.constant 0 : i32
    %dma_wait3A_1899 = arith.constant 0 : i32
    %dma_wait3A_1900 = tpu.memref_slice %arg6[%dma_wait3A, %dma_wait3A_1899] : memref<5632x896xf32, #tpu.memory_space<hbm>> -> memref<5632x896xf32, #tpu.memory_space<hbm>>
    tpu.wait_indirect_dma semaphore(%arg15 : memref<!tpu.dma_semaphore, #tpu.memory_space<semaphore_mem>>) src(%arg14 : memref<64x896xf32, #tpu.memory_space<vmem>>) dst(%dma_wait3A_1900 : memref<5632x896xf32, #tpu.memory_space<hbm>>)
    %dma_start3A_1901 = arith.constant 0 : i32
    %dma_start3A_1902 = arith.constant 0 : i32
    %dma_start3A_1903 = tpu.memref_slice %arg6[%dma_start3A_1901, %dma_start3A_1902] : memref<5632x896xf32, #tpu.memory_space<hbm>> -> memref<5632x896xf32, #tpu.memory_space<hbm>>
    tpu.enqueue_indirect_dma source(%arg14 : memref<64x896xf32, #tpu.memory_space<vmem>>) target(%dma_start3A_1903 : memref<5632x896xf32, #tpu.memory_space<hbm>>) offsets(%arg13 : memref<64xi32, #tpu.memory_space<vmem>>) semaphore(%arg15 : memref<!tpu.dma_semaphore, #tpu.memory_space<semaphore_mem>>)
    %dma_wait3A_1904 = arith.constant 0 : i32
    %dma_wait3A_1905 = arith.constant 0 : i32
    %dma_wait3A_1906 = tpu.memref_slice %arg6[%dma_wait3A_1904, %dma_wait3A_1905] : memref<5632x896xf32, #tpu.memory_space<hbm>> -> memref<5632x896xf32, #tpu.memory_space<hbm>>
    tpu.wait_indirect_dma semaphore(%arg15 : memref<!tpu.dma_semaphore, #tpu.memory_space<semaphore_mem>>) src(%arg14 : memref<64x896xf32, #tpu.memory_space<vmem>>) dst(%dma_wait3A_1906 : memref<5632x896xf32, #tpu.memory_space<hbm>>)
    return
  }
}

#map = affine_map<(d0, d1) -> (0, 0)>
#map1 = affine_map<(d0, d1) -> (0)>
module attributes {stable_mosaic.version = 14 : i64} {
  func.func @k(%arg0: i32, %arg1: i32, %arg2: memref<5632x896xf32, #tpu.memory_space<hbm>>, %arg3: memref<2048xi32, #tpu.memory_space<hbm>>, %arg4: memref<2048xi32, #tpu.memory_space<hbm>>, %arg5: memref<2048x896xf32, #tpu.memory_space<hbm>>, %arg6: memref<2048x896xf32, #tpu.memory_space<hbm>>, %arg7: memref<64xi32, #tpu.memory_space<vmem>>, %arg8: memref<64xi32, #tpu.memory_space<vmem>>, %arg9: memref<64x896xf32, #tpu.memory_space<vmem>>, %arg10: memref<!tpu.dma_semaphore, #tpu.memory_space<semaphore_mem>>) attributes {dimension_semantics = [#tpu.dimension_semantics<core_parallel>, #tpu.dimension_semantics<subcore_parallel>], iteration_bounds = array<i64: 2, 16>, scalar_prefetch = 0 : i64, scratch_operands = 4 : i64, tpu.core_type = #tpu.core_type<sc_vector_subcore>, window_params = [{transform_indices = #map}, {transform_indices = #map1}, {transform_indices = #map1}, {transform_indices = #map}, {transform_indices = #map}]} {
    %mul3A = arith.constant 2 : i32
    %mul3A_0 = arith.muli %arg1, %mul3A : i32
    %add3A = arith.addi %mul3A_0, %arg0 : i32
    %mul3A_1 = arith.constant 64 : i32
    %mul3A_2 = arith.muli %add3A, %mul3A_1 : i32
    "tpu.region"() ({
      %run_scoped3A = tpu.sem_alloc : memref<!tpu.dma_semaphore, #tpu.memory_space<semaphore_mem>>
      %dma_start3A_13 = tpu.memref_slice %arg3[%mul3A_2] : memref<2048xi32, #tpu.memory_space<hbm>> -> memref<64xi32, #tpu.memory_space<hbm>>
      %dma_start3A_14 = tpu.memref_slice %arg3[%mul3A_2] : memref<2048xi32, #tpu.memory_space<hbm>> -> memref<64xi32, #tpu.memory_space<hbm>>
      tpu.enqueue_dma source(%dma_start3A_14 : memref<64xi32, #tpu.memory_space<hbm>>) target(%arg7 : memref<64xi32, #tpu.memory_space<vmem>>) target_semaphore(%run_scoped3A : memref<!tpu.dma_semaphore, #tpu.memory_space<semaphore_mem>>)
      %dma_wait3A_15 = tpu.memref_slice %arg3[%mul3A_2] : memref<2048xi32, #tpu.memory_space<hbm>> -> memref<64xi32, #tpu.memory_space<hbm>>
      %dma_wait3A_16 = tpu.memref_slice %arg3[%mul3A_2] : memref<2048xi32, #tpu.memory_space<hbm>> -> memref<64xi32, #tpu.memory_space<hbm>>
      tpu.wait_dma2 semaphore(%run_scoped3A : memref<!tpu.dma_semaphore, #tpu.memory_space<semaphore_mem>>) src(%dma_wait3A_16 : memref<64xi32, #tpu.memory_space<hbm>>) dst(%arg7 : memref<64xi32, #tpu.memory_space<vmem>>)
      tpu.yield
    }) : () -> ()
    "tpu.region"() ({
      %run_scoped3A = tpu.sem_alloc : memref<!tpu.dma_semaphore, #tpu.memory_space<semaphore_mem>>
      %dma_start3A_13 = tpu.memref_slice %arg4[%mul3A_2] : memref<2048xi32, #tpu.memory_space<hbm>> -> memref<64xi32, #tpu.memory_space<hbm>>
      %dma_start3A_14 = tpu.memref_slice %arg4[%mul3A_2] : memref<2048xi32, #tpu.memory_space<hbm>> -> memref<64xi32, #tpu.memory_space<hbm>>
      tpu.enqueue_dma source(%dma_start3A_14 : memref<64xi32, #tpu.memory_space<hbm>>) target(%arg8 : memref<64xi32, #tpu.memory_space<vmem>>) target_semaphore(%run_scoped3A : memref<!tpu.dma_semaphore, #tpu.memory_space<semaphore_mem>>)
      %dma_wait3A_15 = tpu.memref_slice %arg4[%mul3A_2] : memref<2048xi32, #tpu.memory_space<hbm>> -> memref<64xi32, #tpu.memory_space<hbm>>
      %dma_wait3A_16 = tpu.memref_slice %arg4[%mul3A_2] : memref<2048xi32, #tpu.memory_space<hbm>> -> memref<64xi32, #tpu.memory_space<hbm>>
      tpu.wait_dma2 semaphore(%run_scoped3A : memref<!tpu.dma_semaphore, #tpu.memory_space<semaphore_mem>>) src(%dma_wait3A_16 : memref<64xi32, #tpu.memory_space<hbm>>) dst(%arg8 : memref<64xi32, #tpu.memory_space<vmem>>)
      tpu.yield
    }) : () -> ()
    %dma_start3A = arith.constant 0 : i32
    %dma_start3A_3 = arith.constant 0 : i32
    %dma_start3A_4 = tpu.memref_slice %arg2[%dma_start3A, %dma_start3A_3] : memref<5632x896xf32, #tpu.memory_space<hbm>> -> memref<5632x896xf32, #tpu.memory_space<hbm>>
    tpu.enqueue_indirect_dma source(%dma_start3A_4 : memref<5632x896xf32, #tpu.memory_space<hbm>>) target(%arg9 : memref<64x896xf32, #tpu.memory_space<vmem>>) offsets(%arg7 : memref<64xi32, #tpu.memory_space<vmem>>) semaphore(%arg10 : memref<!tpu.dma_semaphore, #tpu.memory_space<semaphore_mem>>)
    %dma_wait3A = arith.constant 0 : i32
    %dma_wait3A_5 = arith.constant 0 : i32
    %dma_wait3A_6 = tpu.memref_slice %arg2[%dma_wait3A, %dma_wait3A_5] : memref<5632x896xf32, #tpu.memory_space<hbm>> -> memref<5632x896xf32, #tpu.memory_space<hbm>>
    tpu.wait_indirect_dma semaphore(%arg10 : memref<!tpu.dma_semaphore, #tpu.memory_space<semaphore_mem>>) src(%dma_wait3A_6 : memref<5632x896xf32, #tpu.memory_space<hbm>>) dst(%arg9 : memref<64x896xf32, #tpu.memory_space<vmem>>)
    "tpu.region"() ({
      %run_scoped3A = tpu.sem_alloc : memref<!tpu.dma_semaphore, #tpu.memory_space<semaphore_mem>>
      %dma_start3A_13 = arith.constant 0 : i32
      %dma_start3A_14 = tpu.memref_slice %arg5[%mul3A_2, %dma_start3A_13] : memref<2048x896xf32, #tpu.memory_space<hbm>> -> memref<64x896xf32, #tpu.memory_space<hbm>>
      %dma_start3A_15 = arith.constant 0 : i32
      %dma_start3A_16 = tpu.memref_slice %arg5[%mul3A_2, %dma_start3A_15] : memref<2048x896xf32, #tpu.memory_space<hbm>> -> memref<64x896xf32, #tpu.memory_space<hbm>>
      tpu.enqueue_dma source(%arg9 : memref<64x896xf32, #tpu.memory_space<vmem>>) target(%dma_start3A_16 : memref<64x896xf32, #tpu.memory_space<hbm>>) target_semaphore(%run_scoped3A : memref<!tpu.dma_semaphore, #tpu.memory_space<semaphore_mem>>)
      %dma_wait3A_17 = arith.constant 0 : i32
      %dma_wait3A_18 = tpu.memref_slice %arg5[%mul3A_2, %dma_wait3A_17] : memref<2048x896xf32, #tpu.memory_space<hbm>> -> memref<64x896xf32, #tpu.memory_space<hbm>>
      %dma_wait3A_19 = arith.constant 0 : i32
      %dma_wait3A_20 = tpu.memref_slice %arg5[%mul3A_2, %dma_wait3A_19] : memref<2048x896xf32, #tpu.memory_space<hbm>> -> memref<64x896xf32, #tpu.memory_space<hbm>>
      tpu.wait_dma2 semaphore(%run_scoped3A : memref<!tpu.dma_semaphore, #tpu.memory_space<semaphore_mem>>) src(%arg9 : memref<64x896xf32, #tpu.memory_space<vmem>>) dst(%dma_wait3A_20 : memref<64x896xf32, #tpu.memory_space<hbm>>)
      tpu.yield
    }) : () -> ()
    %dma_start3A_7 = arith.constant 0 : i32
    %dma_start3A_8 = arith.constant 0 : i32
    %dma_start3A_9 = tpu.memref_slice %arg2[%dma_start3A_7, %dma_start3A_8] : memref<5632x896xf32, #tpu.memory_space<hbm>> -> memref<5632x896xf32, #tpu.memory_space<hbm>>
    tpu.enqueue_indirect_dma source(%dma_start3A_9 : memref<5632x896xf32, #tpu.memory_space<hbm>>) target(%arg9 : memref<64x896xf32, #tpu.memory_space<vmem>>) offsets(%arg8 : memref<64xi32, #tpu.memory_space<vmem>>) semaphore(%arg10 : memref<!tpu.dma_semaphore, #tpu.memory_space<semaphore_mem>>)
    %dma_wait3A_10 = arith.constant 0 : i32
    %dma_wait3A_11 = arith.constant 0 : i32
    %dma_wait3A_12 = tpu.memref_slice %arg2[%dma_wait3A_10, %dma_wait3A_11] : memref<5632x896xf32, #tpu.memory_space<hbm>> -> memref<5632x896xf32, #tpu.memory_space<hbm>>
    tpu.wait_indirect_dma semaphore(%arg10 : memref<!tpu.dma_semaphore, #tpu.memory_space<semaphore_mem>>) src(%dma_wait3A_12 : memref<5632x896xf32, #tpu.memory_space<hbm>>) dst(%arg9 : memref<64x896xf32, #tpu.memory_space<vmem>>)
    "tpu.region"() ({
      %run_scoped3A = tpu.sem_alloc : memref<!tpu.dma_semaphore, #tpu.memory_space<semaphore_mem>>
      %dma_start3A_13 = arith.constant 0 : i32
      %dma_start3A_14 = tpu.memref_slice %arg6[%mul3A_2, %dma_start3A_13] : memref<2048x896xf32, #tpu.memory_space<hbm>> -> memref<64x896xf32, #tpu.memory_space<hbm>>
      %dma_start3A_15 = arith.constant 0 : i32
      %dma_start3A_16 = tpu.memref_slice %arg6[%mul3A_2, %dma_start3A_15] : memref<2048x896xf32, #tpu.memory_space<hbm>> -> memref<64x896xf32, #tpu.memory_space<hbm>>
      tpu.enqueue_dma source(%arg9 : memref<64x896xf32, #tpu.memory_space<vmem>>) target(%dma_start3A_16 : memref<64x896xf32, #tpu.memory_space<hbm>>) target_semaphore(%run_scoped3A : memref<!tpu.dma_semaphore, #tpu.memory_space<semaphore_mem>>)
      %dma_wait3A_17 = arith.constant 0 : i32
      %dma_wait3A_18 = tpu.memref_slice %arg6[%mul3A_2, %dma_wait3A_17] : memref<2048x896xf32, #tpu.memory_space<hbm>> -> memref<64x896xf32, #tpu.memory_space<hbm>>
      %dma_wait3A_19 = arith.constant 0 : i32
      %dma_wait3A_20 = tpu.memref_slice %arg6[%mul3A_2, %dma_wait3A_19] : memref<2048x896xf32, #tpu.memory_space<hbm>> -> memref<64x896xf32, #tpu.memory_space<hbm>>
      tpu.wait_dma2 semaphore(%run_scoped3A : memref<!tpu.dma_semaphore, #tpu.memory_space<semaphore_mem>>) src(%arg9 : memref<64x896xf32, #tpu.memory_space<vmem>>) dst(%dma_wait3A_20 : memref<64x896xf32, #tpu.memory_space<hbm>>)
      tpu.yield
    }) : () -> ()
    return
  }
}

module attributes {stable_mosaic.version = 14 : i64} {
  func.func @_qkv_body(%arg0: i32, %arg1: memref<256x896xf32, #tpu.memory_space<vmem>>, %arg2: memref<1x896xf32, #tpu.memory_space<vmem>>, %arg3: memref<896x896xf32, #tpu.memory_space<vmem>>, %arg4: memref<1x896xf32, #tpu.memory_space<vmem>>, %arg5: memref<896x128xf32, #tpu.memory_space<vmem>>, %arg6: memref<1x128xf32, #tpu.memory_space<vmem>>, %arg7: memref<896x128xf32, #tpu.memory_space<vmem>>, %arg8: memref<1x128xf32, #tpu.memory_space<vmem>>, %arg9: memref<256x896xf32, #tpu.memory_space<vmem>>, %arg10: memref<256x128xf32, #tpu.memory_space<vmem>>, %arg11: memref<256x128xf32, #tpu.memory_space<vmem>>) attributes {dimension_semantics = [#tpu.dimension_semantics<arbitrary>], iteration_bounds = array<i64: 8>, scalar_prefetch = 0 : i64, scratch_operands = 0 : i64, tpu.core_type = #tpu.core_type<tc>, window_params = [{transform_indices = @transform_0, window_bounds = array<i64: 256, 896>}, {pipeline_mode = #tpu.pipeline_mode<synchronous>, transform_indices = @transform_1, window_bounds = array<i64: 1, 896>}, {pipeline_mode = #tpu.pipeline_mode<synchronous>, transform_indices = @transform_2, window_bounds = array<i64: 896, 896>}, {pipeline_mode = #tpu.pipeline_mode<synchronous>, transform_indices = @transform_3, window_bounds = array<i64: 1, 896>}, {pipeline_mode = #tpu.pipeline_mode<synchronous>, transform_indices = @transform_4, window_bounds = array<i64: 896, 128>}, {pipeline_mode = #tpu.pipeline_mode<synchronous>, transform_indices = @transform_5, window_bounds = array<i64: 1, 128>}, {pipeline_mode = #tpu.pipeline_mode<synchronous>, transform_indices = @transform_6, window_bounds = array<i64: 896, 128>}, {pipeline_mode = #tpu.pipeline_mode<synchronous>, transform_indices = @transform_7, window_bounds = array<i64: 1, 128>}, {transform_indices = @transform_8, window_bounds = array<i64: 256, 896>}, {transform_indices = @transform_9, window_bounds = array<i64: 256, 128>}, {transform_indices = @transform_10, window_bounds = array<i64: 256, 128>}]} {
    %get3A = arith.constant 0 : index
    %get3A_0 = arith.constant 0 : index
    %get3A_1 = vector.load %arg1[%get3A, %get3A_0] : memref<256x896xf32, #tpu.memory_space<vmem>>, vector<256x896xf32>
    %square3A = arith.mulf %get3A_1, %get3A_1 : vector<256x896xf32>
    %reduce_sum3A = arith.constant dense<0.000000e+00> : vector<256xf32>
    %reduce_sum3A_2 = vector.multi_reduction <add>, %square3A, %reduce_sum3A [1] : vector<256x896xf32> to vector<256xf32>
    %broadcast_in_dim3A = vector.shape_cast %reduce_sum3A_2 : vector<256xf32> to vector<256x1xf32>
    %div3A = arith.constant 8.960000e+02 : f32
    %div3A_3 = vector.broadcast %div3A : f32 to vector<256x1xf32>
    %div3A_4 = arith.divf %broadcast_in_dim3A, %div3A_3 : vector<256x1xf32>
    %add3A = arith.constant 9.99999974E-6 : f32
    %add3A_5 = vector.broadcast %add3A : f32 to vector<256x1xf32>
    %add3A_6 = arith.addf %div3A_4, %add3A_5 : vector<256x1xf32>
    %rsqrt3A = math.rsqrt %add3A_6 : vector<256x1xf32>
    %mul3A = vector.broadcast %rsqrt3A : vector<256x1xf32> to vector<256x896xf32>
    %mul3A_7 = arith.mulf %get3A_1, %mul3A : vector<256x896xf32>
    %get3A_8 = arith.constant 0 : index
    %get3A_9 = arith.constant 0 : index
    %get3A_10 = vector.load %arg2[%get3A_8, %get3A_9] : memref<1x896xf32, #tpu.memory_space<vmem>>, vector<1x896xf32>
    %mul3A_11 = vector.broadcast %get3A_10 : vector<1x896xf32> to vector<256x896xf32>
    %mul3A_12 = arith.mulf %mul3A_7, %mul3A_11 : vector<256x896xf32>
    %convert_element_type3A = arith.truncf %mul3A_12 : vector<256x896xf32> to vector<256x896xbf16>
    %get3A_13 = arith.constant 0 : index
    %get3A_14 = arith.constant 0 : index
    %get3A_15 = vector.load %arg3[%get3A_13, %get3A_14] : memref<896x896xf32, #tpu.memory_space<vmem>>, vector<896x896xf32>
    %convert_element_type3A_16 = arith.truncf %get3A_15 : vector<896x896xf32> to vector<896x896xbf16>
    %dot_general3A = arith.constant dense<0.000000e+00> : vector<256x896xf32>
    %dot_general3A_17 = tpu.matmul %convert_element_type3A, %convert_element_type3A_16, %dot_general3A {dimension_numbers = #tpu.dot_dimension_numbers<[1], [0], [0], [1], [0, 0, 1, 1], [], []>, transpose_lhs_hint = false} : vector<256x896xbf16>, vector<896x896xbf16>, vector<256x896xf32> -> vector<256x896xf32>
    %get3A_18 = arith.constant 0 : index
    %get3A_19 = arith.constant 0 : index
    %get3A_20 = vector.load %arg4[%get3A_18, %get3A_19] : memref<1x896xf32, #tpu.memory_space<vmem>>, vector<1x896xf32>
    %add3A_21 = vector.broadcast %get3A_20 : vector<1x896xf32> to vector<256x896xf32>
    %add3A_22 = arith.addf %dot_general3A_17, %add3A_21 : vector<256x896xf32>
    %get3A_23 = arith.constant 0 : index
    %get3A_24 = arith.constant 0 : index
    %get3A_25 = vector.load %arg5[%get3A_23, %get3A_24] : memref<896x128xf32, #tpu.memory_space<vmem>>, vector<896x128xf32>
    %convert_element_type3A_26 = arith.truncf %get3A_25 : vector<896x128xf32> to vector<896x128xbf16>
    %dot_general3A_27 = arith.constant dense<0.000000e+00> : vector<256x128xf32>
    %dot_general3A_28 = tpu.matmul %convert_element_type3A, %convert_element_type3A_26, %dot_general3A_27 {dimension_numbers = #tpu.dot_dimension_numbers<[1], [0], [0], [1], [0, 0, 1, 1], [], []>, transpose_lhs_hint = false} : vector<256x896xbf16>, vector<896x128xbf16>, vector<256x128xf32> -> vector<256x128xf32>
    %get3A_29 = arith.constant 0 : index
    %get3A_30 = arith.constant 0 : index
    %get3A_31 = vector.load %arg6[%get3A_29, %get3A_30] : memref<1x128xf32, #tpu.memory_space<vmem>>, vector<1x128xf32>
    %add3A_32 = vector.broadcast %get3A_31 : vector<1x128xf32> to vector<256x128xf32>
    %add3A_33 = arith.addf %dot_general3A_28, %add3A_32 : vector<256x128xf32>
    %get3A_34 = arith.constant 0 : index
    %get3A_35 = arith.constant 0 : index
    %get3A_36 = vector.load %arg7[%get3A_34, %get3A_35] : memref<896x128xf32, #tpu.memory_space<vmem>>, vector<896x128xf32>
    %convert_element_type3A_37 = arith.truncf %get3A_36 : vector<896x128xf32> to vector<896x128xbf16>
    %dot_general3A_38 = arith.constant dense<0.000000e+00> : vector<256x128xf32>
    %dot_general3A_39 = tpu.matmul %convert_element_type3A, %convert_element_type3A_37, %dot_general3A_38 {dimension_numbers = #tpu.dot_dimension_numbers<[1], [0], [0], [1], [0, 0, 1, 1], [], []>, transpose_lhs_hint = false} : vector<256x896xbf16>, vector<896x128xbf16>, vector<256x128xf32> -> vector<256x128xf32>
    %get3A_40 = arith.constant 0 : index
    %get3A_41 = arith.constant 0 : index
    %get3A_42 = vector.load %arg8[%get3A_40, %get3A_41] : memref<1x128xf32, #tpu.memory_space<vmem>>, vector<1x128xf32>
    %add3A_43 = vector.broadcast %get3A_42 : vector<1x128xf32> to vector<256x128xf32>
    %add3A_44 = arith.addf %dot_general3A_39, %add3A_43 : vector<256x128xf32>
    %swap3A = arith.constant 0 : index
    %swap3A_45 = arith.constant 0 : index
    %swap3A_46 = vector.load %arg9[%swap3A, %swap3A_45] : memref<256x896xf32, #tpu.memory_space<vmem>>, vector<256x896xf32>
    tpu.vector_store %arg9[%swap3A, %swap3A_45], %add3A_22 {strides = array<i32>} : memref<256x896xf32, #tpu.memory_space<vmem>>, vector<256x896xf32>,
    %swap3A_47 = arith.constant 0 : index
    %swap3A_48 = arith.constant 0 : index
    %swap3A_49 = vector.load %arg10[%swap3A_47, %swap3A_48] : memref<256x128xf32, #tpu.memory_space<vmem>>, vector<256x128xf32>
    tpu.vector_store %arg10[%swap3A_47, %swap3A_48], %add3A_33 {strides = array<i32>} : memref<256x128xf32, #tpu.memory_space<vmem>>, vector<256x128xf32>,
    %swap3A_50 = arith.constant 0 : index
    %swap3A_51 = arith.constant 0 : index
    %swap3A_52 = vector.load %arg11[%swap3A_50, %swap3A_51] : memref<256x128xf32, #tpu.memory_space<vmem>>, vector<256x128xf32>
    tpu.vector_store %arg11[%swap3A_50, %swap3A_51], %add3A_44 {strides = array<i32>} : memref<256x128xf32, #tpu.memory_space<vmem>>, vector<256x128xf32>,
    return
  }
  func.func @transform_0(%arg0: i32) -> (i32, i32) {
    %c0_i32 = arith.constant 0 : i32
    %c0_i32_0 = arith.constant 0 : i32
    return %arg0, %c0_i32 : i32, i32
  }
  func.func @transform_1(%arg0: i32) -> (i32, i32) {
    %c0_i32 = arith.constant 0 : i32
    %c0_i32_0 = arith.constant 0 : i32
    %c0_i32_1 = arith.constant 0 : i32
    return %c0_i32, %c0_i32_0 : i32, i32
  }
  func.func @transform_2(%arg0: i32) -> (i32, i32) {
    %c0_i32 = arith.constant 0 : i32
    %c0_i32_0 = arith.constant 0 : i32
    %c0_i32_1 = arith.constant 0 : i32
    return %c0_i32, %c0_i32_0 : i32, i32
  }
  func.func @transform_3(%arg0: i32) -> (i32, i32) {
    %c0_i32 = arith.constant 0 : i32
    %c0_i32_0 = arith.constant 0 : i32
    %c0_i32_1 = arith.constant 0 : i32
    return %c0_i32, %c0_i32_0 : i32, i32
  }
  func.func @transform_4(%arg0: i32) -> (i32, i32) {
    %c0_i32 = arith.constant 0 : i32
    %c0_i32_0 = arith.constant 0 : i32
    %c0_i32_1 = arith.constant 0 : i32
    return %c0_i32, %c0_i32_0 : i32, i32
  }
  func.func @transform_5(%arg0: i32) -> (i32, i32) {
    %c0_i32 = arith.constant 0 : i32
    %c0_i32_0 = arith.constant 0 : i32
    %c0_i32_1 = arith.constant 0 : i32
    return %c0_i32, %c0_i32_0 : i32, i32
  }
  func.func @transform_6(%arg0: i32) -> (i32, i32) {
    %c0_i32 = arith.constant 0 : i32
    %c0_i32_0 = arith.constant 0 : i32
    %c0_i32_1 = arith.constant 0 : i32
    return %c0_i32, %c0_i32_0 : i32, i32
  }
  func.func @transform_7(%arg0: i32) -> (i32, i32) {
    %c0_i32 = arith.constant 0 : i32
    %c0_i32_0 = arith.constant 0 : i32
    %c0_i32_1 = arith.constant 0 : i32
    return %c0_i32, %c0_i32_0 : i32, i32
  }
  func.func @transform_8(%arg0: i32) -> (i32, i32) {
    %c0_i32 = arith.constant 0 : i32
    %c0_i32_0 = arith.constant 0 : i32
    return %arg0, %c0_i32 : i32, i32
  }
  func.func @transform_9(%arg0: i32) -> (i32, i32) {
    %c0_i32 = arith.constant 0 : i32
    %c0_i32_0 = arith.constant 0 : i32
    return %arg0, %c0_i32 : i32, i32
  }
  func.func @transform_10(%arg0: i32) -> (i32, i32) {
    %c0_i32 = arith.constant 0 : i32
    %c0_i32_0 = arith.constant 0 : i32
    return %arg0, %c0_i32 : i32, i32
  }
}

module attributes {stable_mosaic.version = 14 : i64} {
  func.func @_attn_body(%arg0: i32, %arg1: i32, %arg2: memref<1x512x64xf32, #tpu.memory_space<vmem>>, %arg3: memref<1x2048x64xf32, #tpu.memory_space<vmem>>, %arg4: memref<1x2048x64xf32, #tpu.memory_space<vmem>>, %arg5: memref<1x512x64xf32, #tpu.memory_space<vmem>>) attributes {dimension_semantics = [#tpu.dimension_semantics<arbitrary>, #tpu.dimension_semantics<arbitrary>], iteration_bounds = array<i64: 14, 4>, scalar_prefetch = 0 : i64, scratch_operands = 0 : i64, tpu.core_type = #tpu.core_type<tc>, window_params = [{transform_indices = @transform_0, window_bounds = array<i64: 1, 512, 64>}, {transform_indices = @transform_1, window_bounds = array<i64: 1, 2048, 64>}, {transform_indices = @transform_2, window_bounds = array<i64: 1, 2048, 64>}, {transform_indices = @transform_3, window_bounds = array<i64: 1, 512, 64>}]} {
    %get3A = arith.constant 0 : index
    %get3A_0 = arith.constant 0 : index
    %get3A_1 = arith.constant 0 : index
    %get3A_2 = vector.load %arg2[%get3A, %get3A_0, %get3A_1] : memref<1x512x64xf32, #tpu.memory_space<vmem>>, vector<1x512x64xf32>
    %get3A_3 = vector.shape_cast %get3A_2 : vector<1x512x64xf32> to vector<512x64xf32>
    %get3A_4 = arith.constant 0 : index
    %get3A_5 = arith.constant 0 : index
    %get3A_6 = arith.constant 0 : index
    %get3A_7 = vector.load %arg3[%get3A_4, %get3A_5, %get3A_6] : memref<1x2048x64xf32, #tpu.memory_space<vmem>>, vector<1x2048x64xf32>
    %get3A_8 = vector.shape_cast %get3A_7 : vector<1x2048x64xf32> to vector<2048x64xf32>
    %dot_general3A = arith.constant dense<0.000000e+00> : vector<512x2048xf32>
    %dot_general3A_9 = tpu.matmul %get3A_3, %get3A_8, %dot_general3A {dimension_numbers = #tpu.dot_dimension_numbers<[1], [1], [0], [0], [0, 0, 1, 0], [], []>, transpose_lhs_hint = false} : vector<512x64xf32>, vector<2048x64xf32>, vector<512x2048xf32> -> vector<512x2048xf32>
    %mul3A = arith.constant 1.250000e-01 : f32
    %mul3A_10 = vector.broadcast %mul3A : f32 to vector<512x2048xf32>
    %mul3A_11 = arith.mulf %dot_general3A_9, %mul3A_10 : vector<512x2048xf32>
    %exp3A = math.exp %mul3A_11 : vector<512x2048xf32>
    %reduce_sum3A = arith.constant dense<0.000000e+00> : vector<512xf32>
    %reduce_sum3A_12 = vector.multi_reduction <add>, %exp3A, %reduce_sum3A [1] : vector<512x2048xf32> to vector<512xf32>
    %broadcast_in_dim3A = vector.shape_cast %reduce_sum3A_12 : vector<512xf32> to vector<512x1xf32>
    %convert_element_type3A = arith.truncf %exp3A : vector<512x2048xf32> to vector<512x2048xbf16>
    %get3A_13 = arith.constant 0 : index
    %get3A_14 = arith.constant 0 : index
    %get3A_15 = arith.constant 0 : index
    %get3A_16 = vector.load %arg4[%get3A_13, %get3A_14, %get3A_15] : memref<1x2048x64xf32, #tpu.memory_space<vmem>>, vector<1x2048x64xf32>
    %get3A_17 = vector.shape_cast %get3A_16 : vector<1x2048x64xf32> to vector<2048x64xf32>
    %convert_element_type3A_18 = arith.truncf %get3A_17 : vector<2048x64xf32> to vector<2048x64xbf16>
    %dot_general3A_19 = arith.constant dense<0.000000e+00> : vector<512x64xf32>
    %dot_general3A_20 = tpu.matmul %convert_element_type3A, %convert_element_type3A_18, %dot_general3A_19 {dimension_numbers = #tpu.dot_dimension_numbers<[1], [0], [0], [1], [0, 0, 1, 1], [], []>, transpose_lhs_hint = false} : vector<512x2048xbf16>, vector<2048x64xbf16>, vector<512x64xf32> -> vector<512x64xf32>
    %div3A = arith.constant 1.000000e+00 : f32
    %div3A_21 = vector.broadcast %div3A : f32 to vector<512x1xf32>
    %div3A_22 = arith.divf %div3A_21, %broadcast_in_dim3A : vector<512x1xf32>
    %mul3A_23 = vector.broadcast %div3A_22 : vector<512x1xf32> to vector<512x64xf32>
    %mul3A_24 = arith.mulf %dot_general3A_20, %mul3A_23 : vector<512x64xf32>
    %swap3A = arith.constant 0 : index
    %swap3A_25 = arith.constant 0 : index
    %swap3A_26 = arith.constant 0 : index
    %swap3A_27 = vector.load %arg5[%swap3A, %swap3A_25, %swap3A_26] : memref<1x512x64xf32, #tpu.memory_space<vmem>>, vector<1x512x64xf32>
    %swap3A_28 = vector.shape_cast %swap3A_27 : vector<1x512x64xf32> to vector<512x64xf32>
    %swap3A_29 = vector.shape_cast %mul3A_24 : vector<512x64xf32> to vector<1x512x64xf32>
    tpu.vector_store %arg5[%swap3A, %swap3A_25, %swap3A_26], %swap3A_29 {strides = array<i32>} : memref<1x512x64xf32, #tpu.memory_space<vmem>>, vector<1x512x64xf32>,
    return
  }
  func.func @transform_0(%arg0: i32, %arg1: i32) -> (i32, i32, i32) {
    %c0_i32 = arith.constant 0 : i32
    %c0_i32_0 = arith.constant 0 : i32
    return %arg0, %arg1, %c0_i32 : i32, i32, i32
  }
  func.func @transform_1(%arg0: i32, %arg1: i32) -> (i32, i32, i32) {
    %jit3A = arith.constant 7 : i32
    %div3A = arith.divsi %arg0, %jit3A : i32
    %sign3A = arith.constant 0 : i32
    %sign3A_0 = arith.cmpi sgt, %arg0, %sign3A : i32
    %sign3A_1 = arith.extui %sign3A_0 : i1 to i32
    %sign3A_2 = arith.constant 0 : i32
    %sign3A_3 = arith.cmpi slt, %arg0, %sign3A_2 : i32
    %sign3A_4 = arith.extui %sign3A_3 : i1 to i32
    %sign3A_5 = arith.subi %sign3A_1, %sign3A_4 : i32
    %sign3A_6 = arith.constant 0 : i32
    %sign3A_7 = arith.cmpi sgt, %jit3A, %sign3A_6 : i32
    %sign3A_8 = arith.extui %sign3A_7 : i1 to i32
    %sign3A_9 = arith.constant 0 : i32
    %sign3A_10 = arith.cmpi slt, %jit3A, %sign3A_9 : i32
    %sign3A_11 = arith.extui %sign3A_10 : i1 to i32
    %sign3A_12 = arith.subi %sign3A_8, %sign3A_11 : i32
    %ne3A = arith.cmpi ne, %sign3A_5, %sign3A_12 : i32
    %rem3A = arith.remsi %arg0, %jit3A : i32
    %ne3A_13 = arith.constant 0 : i32
    %ne3A_14 = arith.cmpi ne, %rem3A, %ne3A_13 : i32
    %and3A = arith.andi %ne3A, %ne3A_14 : i1
    %sub3A = arith.constant 1 : i32
    %sub3A_15 = arith.subi %div3A, %sub3A : i32
    %select_n3A = arith.select %and3A, %sub3A_15, %div3A : i32
    %c0_i32 = arith.constant 0 : i32
    %c0_i32_16 = arith.constant 0 : i32
    %c0_i32_17 = arith.constant 0 : i32
    return %select_n3A, %c0_i32, %c0_i32_16 : i32, i32, i32
  }
  func.func @transform_2(%arg0: i32, %arg1: i32) -> (i32, i32, i32) {
    %jit3A = arith.constant 7 : i32
    %div3A = arith.divsi %arg0, %jit3A : i32
    %sign3A = arith.constant 0 : i32
    %sign3A_0 = arith.cmpi sgt, %arg0, %sign3A : i32
    %sign3A_1 = arith.extui %sign3A_0 : i1 to i32
    %sign3A_2 = arith.constant 0 : i32
    %sign3A_3 = arith.cmpi slt, %arg0, %sign3A_2 : i32
    %sign3A_4 = arith.extui %sign3A_3 : i1 to i32
    %sign3A_5 = arith.subi %sign3A_1, %sign3A_4 : i32
    %sign3A_6 = arith.constant 0 : i32
    %sign3A_7 = arith.cmpi sgt, %jit3A, %sign3A_6 : i32
    %sign3A_8 = arith.extui %sign3A_7 : i1 to i32
    %sign3A_9 = arith.constant 0 : i32
    %sign3A_10 = arith.cmpi slt, %jit3A, %sign3A_9 : i32
    %sign3A_11 = arith.extui %sign3A_10 : i1 to i32
    %sign3A_12 = arith.subi %sign3A_8, %sign3A_11 : i32
    %ne3A = arith.cmpi ne, %sign3A_5, %sign3A_12 : i32
    %rem3A = arith.remsi %arg0, %jit3A : i32
    %ne3A_13 = arith.constant 0 : i32
    %ne3A_14 = arith.cmpi ne, %rem3A, %ne3A_13 : i32
    %and3A = arith.andi %ne3A, %ne3A_14 : i1
    %sub3A = arith.constant 1 : i32
    %sub3A_15 = arith.subi %div3A, %sub3A : i32
    %select_n3A = arith.select %and3A, %sub3A_15, %div3A : i32
    %c0_i32 = arith.constant 0 : i32
    %c0_i32_16 = arith.constant 0 : i32
    %c0_i32_17 = arith.constant 0 : i32
    return %select_n3A, %c0_i32, %c0_i32_16 : i32, i32, i32
  }
  func.func @transform_3(%arg0: i32, %arg1: i32) -> (i32, i32, i32) {
    %c0_i32 = arith.constant 0 : i32
    %c0_i32_0 = arith.constant 0 : i32
    return %arg0, %arg1, %c0_i32 : i32, i32, i32
  }
}

module attributes {stable_mosaic.version = 14 : i64} {
  func.func @_post_body(%arg0: i32, %arg1: memref<256x896xf32, #tpu.memory_space<vmem>>, %arg2: memref<256x896xf32, #tpu.memory_space<vmem>>, %arg3: memref<896x896xf32, #tpu.memory_space<vmem>>, %arg4: memref<1x896xf32, #tpu.memory_space<vmem>>, %arg5: memref<896x128xf32, #tpu.memory_space<vmem>>, %arg6: memref<256x896xf32, #tpu.memory_space<vmem>>, %arg7: memref<256x896xf32, #tpu.memory_space<vmem>>, %arg8: memref<256x2xi32, #tpu.memory_space<vmem>>, %arg9: memref<256x2xf32, #tpu.memory_space<vmem>>, %arg10: memref<1x4x4xf32, #tpu.memory_space<vmem>>) attributes {dimension_semantics = [#tpu.dimension_semantics<arbitrary>], iteration_bounds = array<i64: 8>, scalar_prefetch = 0 : i64, scratch_operands = 0 : i64, tpu.core_type = #tpu.core_type<tc>, window_params = [{transform_indices = @transform_0, window_bounds = array<i64: 256, 896>}, {transform_indices = @transform_1, window_bounds = array<i64: 256, 896>}, {pipeline_mode = #tpu.pipeline_mode<synchronous>, transform_indices = @transform_2, window_bounds = array<i64: 896, 896>}, {pipeline_mode = #tpu.pipeline_mode<synchronous>, transform_indices = @transform_3, window_bounds = array<i64: 1, 896>}, {pipeline_mode = #tpu.pipeline_mode<synchronous>, transform_indices = @transform_4, window_bounds = array<i64: 896, 128>}, {transform_indices = @transform_5, window_bounds = array<i64: 256, 896>}, {transform_indices = @transform_6, window_bounds = array<i64: 256, 896>}, {transform_indices = @transform_7, window_bounds = array<i64: 256, 2>}, {transform_indices = @transform_8, window_bounds = array<i64: 256, 2>}, {transform_indices = @transform_9, window_bounds = array<i64: 1, 4, 4>}]} {
    %get3A = arith.constant 0 : index
    %get3A_0 = arith.constant 0 : index
    %get3A_1 = vector.load %arg1[%get3A, %get3A_0] : memref<256x896xf32, #tpu.memory_space<vmem>>, vector<256x896xf32>
    %convert_element_type3A = arith.truncf %get3A_1 : vector<256x896xf32> to vector<256x896xbf16>
    %get3A_2 = arith.constant 0 : index
    %get3A_3 = arith.constant 0 : index
    %get3A_4 = vector.load %arg3[%get3A_2, %get3A_3] : memref<896x896xf32, #tpu.memory_space<vmem>>, vector<896x896xf32>
    %convert_element_type3A_5 = arith.truncf %get3A_4 : vector<896x896xf32> to vector<896x896xbf16>
    %dot_general3A = arith.constant dense<0.000000e+00> : vector<256x896xf32>
    %dot_general3A_6 = tpu.matmul %convert_element_type3A, %convert_element_type3A_5, %dot_general3A {dimension_numbers = #tpu.dot_dimension_numbers<[1], [0], [0], [1], [0, 0, 1, 1], [], []>, transpose_lhs_hint = false} : vector<256x896xbf16>, vector<896x896xbf16>, vector<256x896xf32> -> vector<256x896xf32>
    %get3A_7 = arith.constant 0 : index
    %get3A_8 = arith.constant 0 : index
    %get3A_9 = vector.load %arg2[%get3A_7, %get3A_8] : memref<256x896xf32, #tpu.memory_space<vmem>>, vector<256x896xf32>
    %add3A = arith.addf %get3A_9, %dot_general3A_6 : vector<256x896xf32>
    %swap3A = arith.constant 0 : index
    %swap3A_10 = arith.constant 0 : index
    %swap3A_11 = vector.load %arg6[%swap3A, %swap3A_10] : memref<256x896xf32, #tpu.memory_space<vmem>>, vector<256x896xf32>
    tpu.vector_store %arg6[%swap3A, %swap3A_10], %add3A {strides = array<i32>} : memref<256x896xf32, #tpu.memory_space<vmem>>, vector<256x896xf32>,
    %square3A = arith.mulf %add3A, %add3A : vector<256x896xf32>
    %reduce_sum3A = arith.constant dense<0.000000e+00> : vector<256xf32>
    %reduce_sum3A_12 = vector.multi_reduction <add>, %square3A, %reduce_sum3A [1] : vector<256x896xf32> to vector<256xf32>
    %broadcast_in_dim3A = vector.shape_cast %reduce_sum3A_12 : vector<256xf32> to vector<256x1xf32>
    %div3A = arith.constant 8.960000e+02 : f32
    %div3A_13 = vector.broadcast %div3A : f32 to vector<256x1xf32>
    %div3A_14 = arith.divf %broadcast_in_dim3A, %div3A_13 : vector<256x1xf32>
    %add3A_15 = arith.constant 9.99999974E-6 : f32
    %add3A_16 = vector.broadcast %add3A_15 : f32 to vector<256x1xf32>
    %add3A_17 = arith.addf %div3A_14, %add3A_16 : vector<256x1xf32>
    %rsqrt3A = math.rsqrt %add3A_17 : vector<256x1xf32>
    %mul3A = vector.broadcast %rsqrt3A : vector<256x1xf32> to vector<256x896xf32>
    %mul3A_18 = arith.mulf %add3A, %mul3A : vector<256x896xf32>
    %get3A_19 = arith.constant 0 : index
    %get3A_20 = arith.constant 0 : index
    %get3A_21 = vector.load %arg4[%get3A_19, %get3A_20] : memref<1x896xf32, #tpu.memory_space<vmem>>, vector<1x896xf32>
    %mul3A_22 = vector.broadcast %get3A_21 : vector<1x896xf32> to vector<256x896xf32>
    %mul3A_23 = arith.mulf %mul3A_18, %mul3A_22 : vector<256x896xf32>
    %swap3A_24 = arith.constant 0 : index
    %swap3A_25 = arith.constant 0 : index
    %swap3A_26 = vector.load %arg7[%swap3A_24, %swap3A_25] : memref<256x896xf32, #tpu.memory_space<vmem>>, vector<256x896xf32>
    tpu.vector_store %arg7[%swap3A_24, %swap3A_25], %mul3A_23 {strides = array<i32>} : memref<256x896xf32, #tpu.memory_space<vmem>>, vector<256x896xf32>,
    %convert_element_type3A_27 = arith.truncf %mul3A_23 : vector<256x896xf32> to vector<256x896xbf16>
    %get3A_28 = arith.constant 0 : index
    %get3A_29 = arith.constant 0 : index
    %get3A_30 = vector.load %arg5[%get3A_28, %get3A_29] : memref<896x128xf32, #tpu.memory_space<vmem>>, vector<896x128xf32>
    %convert_element_type3A_31 = arith.truncf %get3A_30 : vector<896x128xf32> to vector<896x128xbf16>
    %dot_general3A_32 = arith.constant dense<0.000000e+00> : vector<256x128xf32>
    %dot_general3A_33 = tpu.matmul %convert_element_type3A_27, %convert_element_type3A_31, %dot_general3A_32 {dimension_numbers = #tpu.dot_dimension_numbers<[1], [0], [0], [1], [0, 0, 1, 1], [], []>, transpose_lhs_hint = false} : vector<256x896xbf16>, vector<896x128xbf16>, vector<256x128xf32> -> vector<256x128xf32>
    %slice3A = vector.extract_strided_slice %dot_general3A_33 {offsets = [0, 0], sizes = [256, 4], strides = [1, 1]} : vector<256x128xf32> to vector<256x4xf32>
    %reduce_max3A = arith.constant dense<0xFF800000> : vector<256xf32>
    %reduce_max3A_34 = vector.multi_reduction <maximumf>, %slice3A, %reduce_max3A [1] : vector<256x4xf32> to vector<256xf32>
    %broadcast_in_dim3A_35 = vector.shape_cast %reduce_max3A_34 : vector<256xf32> to vector<256x1xf32>
    %sub3A = vector.broadcast %broadcast_in_dim3A_35 : vector<256x1xf32> to vector<256x4xf32>
    %sub3A_36 = arith.subf %slice3A, %sub3A : vector<256x4xf32>
    %exp3A = math.exp %sub3A_36 : vector<256x4xf32>
    %reduce_sum3A_37 = arith.constant dense<0.000000e+00> : vector<256xf32>
    %reduce_sum3A_38 = vector.multi_reduction <add>, %exp3A, %reduce_sum3A_37 [1] : vector<256x4xf32> to vector<256xf32>
    %broadcast_in_dim3A_39 = vector.shape_cast %reduce_sum3A_38 : vector<256xf32> to vector<256x1xf32>
    %div3A_40 = vector.broadcast %broadcast_in_dim3A_39 : vector<256x1xf32> to vector<256x4xf32>
    %div3A_41 = arith.divf %exp3A, %div3A_40 : vector<256x4xf32>
    %slice3A_42 = vector.extract_strided_slice %div3A_41 {offsets = [0, 0], sizes = [256, 1], strides = [1, 1]} : vector<256x4xf32> to vector<256x1xf32>
    %slice3A_43 = vector.extract_strided_slice %div3A_41 {offsets = [0, 1], sizes = [256, 1], strides = [1, 1]} : vector<256x4xf32> to vector<256x1xf32>
    %slice3A_44 = vector.extract_strided_slice %div3A_41 {offsets = [0, 2], sizes = [256, 1], strides = [1, 1]} : vector<256x4xf32> to vector<256x1xf32>
    %slice3A_45 = vector.extract_strided_slice %div3A_41 {offsets = [0, 3], sizes = [256, 1], strides = [1, 1]} : vector<256x4xf32> to vector<256x1xf32>
    %broadcast_in_dim3A_46 = arith.constant 0 : i32
    %broadcast_in_dim3A_47 = vector.broadcast %broadcast_in_dim3A_46 : i32 to vector<256x1xi32>
    %gt3A = arith.cmpf ogt, %slice3A_43, %slice3A_42 : vector<256x1xf32>
    %convert_element_type3A_48 = arith.extui %gt3A : vector<256x1xi1> to vector<256x1xi32>
    %add3A_49 = arith.addi %broadcast_in_dim3A_47, %convert_element_type3A_48 : vector<256x1xi32>
    %gt3A_50 = arith.cmpf ogt, %slice3A_44, %slice3A_42 : vector<256x1xf32>
    %convert_element_type3A_51 = arith.extui %gt3A_50 : vector<256x1xi1> to vector<256x1xi32>
    %add3A_52 = arith.addi %add3A_49, %convert_element_type3A_51 : vector<256x1xi32>
    %gt3A_53 = arith.cmpf ogt, %slice3A_45, %slice3A_42 : vector<256x1xf32>
    %convert_element_type3A_54 = arith.extui %gt3A_53 : vector<256x1xi1> to vector<256x1xi32>
    %add3A_55 = arith.addi %add3A_52, %convert_element_type3A_54 : vector<256x1xi32>
    %broadcast_in_dim3A_56 = arith.constant 0 : i32
    %broadcast_in_dim3A_57 = vector.broadcast %broadcast_in_dim3A_56 : i32 to vector<256x1xi32>
    %ge3A = arith.cmpf oge, %slice3A_42, %slice3A_43 : vector<256x1xf32>
    %convert_element_type3A_58 = arith.extui %ge3A : vector<256x1xi1> to vector<256x1xi32>
    %add3A_59 = arith.addi %broadcast_in_dim3A_57, %convert_element_type3A_58 : vector<256x1xi32>
    %gt3A_60 = arith.cmpf ogt, %slice3A_44, %slice3A_43 : vector<256x1xf32>
    %convert_element_type3A_61 = arith.extui %gt3A_60 : vector<256x1xi1> to vector<256x1xi32>
    %add3A_62 = arith.addi %add3A_59, %convert_element_type3A_61 : vector<256x1xi32>
    %gt3A_63 = arith.cmpf ogt, %slice3A_45, %slice3A_43 : vector<256x1xf32>
    %convert_element_type3A_64 = arith.extui %gt3A_63 : vector<256x1xi1> to vector<256x1xi32>
    %add3A_65 = arith.addi %add3A_62, %convert_element_type3A_64 : vector<256x1xi32>
    %broadcast_in_dim3A_66 = arith.constant 0 : i32
    %broadcast_in_dim3A_67 = vector.broadcast %broadcast_in_dim3A_66 : i32 to vector<256x1xi32>
    %ge3A_68 = arith.cmpf oge, %slice3A_42, %slice3A_44 : vector<256x1xf32>
    %convert_element_type3A_69 = arith.extui %ge3A_68 : vector<256x1xi1> to vector<256x1xi32>
    %add3A_70 = arith.addi %broadcast_in_dim3A_67, %convert_element_type3A_69 : vector<256x1xi32>
    %ge3A_71 = arith.cmpf oge, %slice3A_43, %slice3A_44 : vector<256x1xf32>
    %convert_element_type3A_72 = arith.extui %ge3A_71 : vector<256x1xi1> to vector<256x1xi32>
    %add3A_73 = arith.addi %add3A_70, %convert_element_type3A_72 : vector<256x1xi32>
    %gt3A_74 = arith.cmpf ogt, %slice3A_45, %slice3A_44 : vector<256x1xf32>
    %convert_element_type3A_75 = arith.extui %gt3A_74 : vector<256x1xi1> to vector<256x1xi32>
    %add3A_76 = arith.addi %add3A_73, %convert_element_type3A_75 : vector<256x1xi32>
    %broadcast_in_dim3A_77 = arith.constant 0 : i32
    %broadcast_in_dim3A_78 = vector.broadcast %broadcast_in_dim3A_77 : i32 to vector<256x1xi32>
    %ge3A_79 = arith.cmpf oge, %slice3A_42, %slice3A_45 : vector<256x1xf32>
    %convert_element_type3A_80 = arith.extui %ge3A_79 : vector<256x1xi1> to vector<256x1xi32>
    %add3A_81 = arith.addi %broadcast_in_dim3A_78, %convert_element_type3A_80 : vector<256x1xi32>
    %ge3A_82 = arith.cmpf oge, %slice3A_43, %slice3A_45 : vector<256x1xf32>
    %convert_element_type3A_83 = arith.extui %ge3A_82 : vector<256x1xi1> to vector<256x1xi32>
    %add3A_84 = arith.addi %add3A_81, %convert_element_type3A_83 : vector<256x1xi32>
    %ge3A_85 = arith.cmpf oge, %slice3A_44, %slice3A_45 : vector<256x1xf32>
    %convert_element_type3A_86 = arith.extui %ge3A_85 : vector<256x1xi1> to vector<256x1xi32>
    %add3A_87 = arith.addi %add3A_84, %convert_element_type3A_86 : vector<256x1xi32>
    %lt3A = arith.constant 2 : i32
    %lt3A_88 = vector.broadcast %lt3A : i32 to vector<256x1xi32>
    %lt3A_89 = arith.cmpi slt, %add3A_55, %lt3A_88 : vector<256x1xi32>
    %lt3A_90 = arith.constant 2 : i32
    %lt3A_91 = vector.broadcast %lt3A_90 : i32 to vector<256x1xi32>
    %lt3A_92 = arith.cmpi slt, %add3A_65, %lt3A_91 : vector<256x1xi32>
    %lt3A_93 = arith.constant 2 : i32
    %lt3A_94 = vector.broadcast %lt3A_93 : i32 to vector<256x1xi32>
    %lt3A_95 = arith.cmpi slt, %add3A_76, %lt3A_94 : vector<256x1xi32>
    %lt3A_96 = arith.constant 2 : i32
    %lt3A_97 = vector.broadcast %lt3A_96 : i32 to vector<256x1xi32>
    %lt3A_98 = arith.cmpi slt, %add3A_87, %lt3A_97 : vector<256x1xi32>
    %jit3A = arith.constant 0.000000e+00 : f32
    %broadcast_in_dim3A_99 = vector.broadcast %jit3A : f32 to vector<256x1xf32>
    %select_n3A = arith.select %lt3A_89, %slice3A_42, %broadcast_in_dim3A_99 : vector<256x1xi1>, vector<256x1xf32>
    %add3A_100 = arith.constant 0.000000e+00 : f32
    %add3A_101 = vector.broadcast %add3A_100 : f32 to vector<256x1xf32>
    %add3A_102 = arith.addf %add3A_101, %select_n3A : vector<256x1xf32>
    %jit3A_103 = arith.constant 0.000000e+00 : f32
    %broadcast_in_dim3A_104 = vector.broadcast %jit3A_103 : f32 to vector<256x1xf32>
    %select_n3A_105 = arith.select %lt3A_92, %slice3A_43, %broadcast_in_dim3A_104 : vector<256x1xi1>, vector<256x1xf32>
    %add3A_106 = arith.addf %add3A_102, %select_n3A_105 : vector<256x1xf32>
    %jit3A_107 = arith.constant 0.000000e+00 : f32
    %broadcast_in_dim3A_108 = vector.broadcast %jit3A_107 : f32 to vector<256x1xf32>
    %select_n3A_109 = arith.select %lt3A_95, %slice3A_44, %broadcast_in_dim3A_108 : vector<256x1xi1>, vector<256x1xf32>
    %add3A_110 = arith.addf %add3A_106, %select_n3A_109 : vector<256x1xf32>
    %jit3A_111 = arith.constant 0.000000e+00 : f32
    %broadcast_in_dim3A_112 = vector.broadcast %jit3A_111 : f32 to vector<256x1xf32>
    %select_n3A_113 = arith.select %lt3A_98, %slice3A_45, %broadcast_in_dim3A_112 : vector<256x1xi1>, vector<256x1xf32>
    %add3A_114 = arith.addf %add3A_110, %select_n3A_113 : vector<256x1xf32>
    %eq3A = arith.constant 0 : i32
    %eq3A_115 = vector.broadcast %eq3A : i32 to vector<256x1xi32>
    %eq3A_116 = arith.cmpi eq, %add3A_55, %eq3A_115 : vector<256x1xi32>
    %jit3A_117 = arith.constant 0 : i32
    %jit3A_118 = arith.constant 0 : i32
    %broadcast_in_dim3A_119 = vector.broadcast %jit3A_117 : i32 to vector<256x1xi32>
    %broadcast_in_dim3A_120 = vector.broadcast %jit3A_118 : i32 to vector<256x1xi32>
    %select_n3A_121 = arith.select %eq3A_116, %broadcast_in_dim3A_119, %broadcast_in_dim3A_120 : vector<256x1xi1>, vector<256x1xi32>
    %add3A_122 = arith.constant 0 : i32
    %add3A_123 = vector.broadcast %add3A_122 : i32 to vector<256x1xi32>
    %add3A_124 = arith.addi %add3A_123, %select_n3A_121 : vector<256x1xi32>
    %eq3A_125 = arith.constant 0 : i32
    %eq3A_126 = vector.broadcast %eq3A_125 : i32 to vector<256x1xi32>
    %eq3A_127 = arith.cmpi eq, %add3A_65, %eq3A_126 : vector<256x1xi32>
    %jit3A_128 = arith.constant 1 : i32
    %jit3A_129 = arith.constant 0 : i32
    %broadcast_in_dim3A_130 = vector.broadcast %jit3A_128 : i32 to vector<256x1xi32>
    %broadcast_in_dim3A_131 = vector.broadcast %jit3A_129 : i32 to vector<256x1xi32>
    %select_n3A_132 = arith.select %eq3A_127, %broadcast_in_dim3A_130, %broadcast_in_dim3A_131 : vector<256x1xi1>, vector<256x1xi32>
    %add3A_133 = arith.addi %add3A_124, %select_n3A_132 : vector<256x1xi32>
    %eq3A_134 = arith.constant 0 : i32
    %eq3A_135 = vector.broadcast %eq3A_134 : i32 to vector<256x1xi32>
    %eq3A_136 = arith.cmpi eq, %add3A_76, %eq3A_135 : vector<256x1xi32>
    %jit3A_137 = arith.constant 2 : i32
    %jit3A_138 = arith.constant 0 : i32
    %broadcast_in_dim3A_139 = vector.broadcast %jit3A_137 : i32 to vector<256x1xi32>
    %broadcast_in_dim3A_140 = vector.broadcast %jit3A_138 : i32 to vector<256x1xi32>
    %select_n3A_141 = arith.select %eq3A_136, %broadcast_in_dim3A_139, %broadcast_in_dim3A_140 : vector<256x1xi1>, vector<256x1xi32>
    %add3A_142 = arith.addi %add3A_133, %select_n3A_141 : vector<256x1xi32>
    %eq3A_143 = arith.constant 0 : i32
    %eq3A_144 = vector.broadcast %eq3A_143 : i32 to vector<256x1xi32>
    %eq3A_145 = arith.cmpi eq, %add3A_87, %eq3A_144 : vector<256x1xi32>
    %jit3A_146 = arith.constant 3 : i32
    %jit3A_147 = arith.constant 0 : i32
    %broadcast_in_dim3A_148 = vector.broadcast %jit3A_146 : i32 to vector<256x1xi32>
    %broadcast_in_dim3A_149 = vector.broadcast %jit3A_147 : i32 to vector<256x1xi32>
    %select_n3A_150 = arith.select %eq3A_145, %broadcast_in_dim3A_148, %broadcast_in_dim3A_149 : vector<256x1xi1>, vector<256x1xi32>
    %add3A_151 = arith.addi %add3A_142, %select_n3A_150 : vector<256x1xi32>
    %eq3A_152 = arith.constant 1 : i32
    %eq3A_153 = vector.broadcast %eq3A_152 : i32 to vector<256x1xi32>
    %eq3A_154 = arith.cmpi eq, %add3A_55, %eq3A_153 : vector<256x1xi32>
    %jit3A_155 = arith.constant 0 : i32
    %jit3A_156 = arith.constant 0 : i32
    %broadcast_in_dim3A_157 = vector.broadcast %jit3A_155 : i32 to vector<256x1xi32>
    %broadcast_in_dim3A_158 = vector.broadcast %jit3A_156 : i32 to vector<256x1xi32>
    %select_n3A_159 = arith.select %eq3A_154, %broadcast_in_dim3A_157, %broadcast_in_dim3A_158 : vector<256x1xi1>, vector<256x1xi32>
    %add3A_160 = arith.constant 0 : i32
    %add3A_161 = vector.broadcast %add3A_160 : i32 to vector<256x1xi32>
    %add3A_162 = arith.addi %add3A_161, %select_n3A_159 : vector<256x1xi32>
    %eq3A_163 = arith.constant 1 : i32
    %eq3A_164 = vector.broadcast %eq3A_163 : i32 to vector<256x1xi32>
    %eq3A_165 = arith.cmpi eq, %add3A_65, %eq3A_164 : vector<256x1xi32>
    %jit3A_166 = arith.constant 1 : i32
    %jit3A_167 = arith.constant 0 : i32
    %broadcast_in_dim3A_168 = vector.broadcast %jit3A_166 : i32 to vector<256x1xi32>
    %broadcast_in_dim3A_169 = vector.broadcast %jit3A_167 : i32 to vector<256x1xi32>
    %select_n3A_170 = arith.select %eq3A_165, %broadcast_in_dim3A_168, %broadcast_in_dim3A_169 : vector<256x1xi1>, vector<256x1xi32>
    %add3A_171 = arith.addi %add3A_162, %select_n3A_170 : vector<256x1xi32>
    %eq3A_172 = arith.constant 1 : i32
    %eq3A_173 = vector.broadcast %eq3A_172 : i32 to vector<256x1xi32>
    %eq3A_174 = arith.cmpi eq, %add3A_76, %eq3A_173 : vector<256x1xi32>
    %jit3A_175 = arith.constant 2 : i32
    %jit3A_176 = arith.constant 0 : i32
    %broadcast_in_dim3A_177 = vector.broadcast %jit3A_175 : i32 to vector<256x1xi32>
    %broadcast_in_dim3A_178 = vector.broadcast %jit3A_176 : i32 to vector<256x1xi32>
    %select_n3A_179 = arith.select %eq3A_174, %broadcast_in_dim3A_177, %broadcast_in_dim3A_178 : vector<256x1xi1>, vector<256x1xi32>
    %add3A_180 = arith.addi %add3A_171, %select_n3A_179 : vector<256x1xi32>
    %eq3A_181 = arith.constant 1 : i32
    %eq3A_182 = vector.broadcast %eq3A_181 : i32 to vector<256x1xi32>
    %eq3A_183 = arith.cmpi eq, %add3A_87, %eq3A_182 : vector<256x1xi32>
    %jit3A_184 = arith.constant 3 : i32
    %jit3A_185 = arith.constant 0 : i32
    %broadcast_in_dim3A_186 = vector.broadcast %jit3A_184 : i32 to vector<256x1xi32>
    %broadcast_in_dim3A_187 = vector.broadcast %jit3A_185 : i32 to vector<256x1xi32>
    %select_n3A_188 = arith.select %eq3A_183, %broadcast_in_dim3A_186, %broadcast_in_dim3A_187 : vector<256x1xi1>, vector<256x1xi32>
    %add3A_189 = arith.addi %add3A_180, %select_n3A_188 : vector<256x1xi32>
    %eq3A_190 = arith.constant 0 : i32
    %eq3A_191 = vector.broadcast %eq3A_190 : i32 to vector<256x1xi32>
    %eq3A_192 = arith.cmpi eq, %add3A_55, %eq3A_191 : vector<256x1xi32>
    %jit3A_193 = arith.constant 0.000000e+00 : f32
    %broadcast_in_dim3A_194 = vector.broadcast %jit3A_193 : f32 to vector<256x1xf32>
    %select_n3A_195 = arith.select %eq3A_192, %slice3A_42, %broadcast_in_dim3A_194 : vector<256x1xi1>, vector<256x1xf32>
    %add3A_196 = arith.constant 0.000000e+00 : f32
    %add3A_197 = vector.broadcast %add3A_196 : f32 to vector<256x1xf32>
    %add3A_198 = arith.addf %add3A_197, %select_n3A_195 : vector<256x1xf32>
    %eq3A_199 = arith.constant 0 : i32
    %eq3A_200 = vector.broadcast %eq3A_199 : i32 to vector<256x1xi32>
    %eq3A_201 = arith.cmpi eq, %add3A_65, %eq3A_200 : vector<256x1xi32>
    %jit3A_202 = arith.constant 0.000000e+00 : f32
    %broadcast_in_dim3A_203 = vector.broadcast %jit3A_202 : f32 to vector<256x1xf32>
    %select_n3A_204 = arith.select %eq3A_201, %slice3A_43, %broadcast_in_dim3A_203 : vector<256x1xi1>, vector<256x1xf32>
    %add3A_205 = arith.addf %add3A_198, %select_n3A_204 : vector<256x1xf32>
    %eq3A_206 = arith.constant 0 : i32
    %eq3A_207 = vector.broadcast %eq3A_206 : i32 to vector<256x1xi32>
    %eq3A_208 = arith.cmpi eq, %add3A_76, %eq3A_207 : vector<256x1xi32>
    %jit3A_209 = arith.constant 0.000000e+00 : f32
    %broadcast_in_dim3A_210 = vector.broadcast %jit3A_209 : f32 to vector<256x1xf32>
    %select_n3A_211 = arith.select %eq3A_208, %slice3A_44, %broadcast_in_dim3A_210 : vector<256x1xi1>, vector<256x1xf32>
    %add3A_212 = arith.addf %add3A_205, %select_n3A_211 : vector<256x1xf32>
    %eq3A_213 = arith.constant 0 : i32
    %eq3A_214 = vector.broadcast %eq3A_213 : i32 to vector<256x1xi32>
    %eq3A_215 = arith.cmpi eq, %add3A_87, %eq3A_214 : vector<256x1xi32>
    %jit3A_216 = arith.constant 0.000000e+00 : f32
    %broadcast_in_dim3A_217 = vector.broadcast %jit3A_216 : f32 to vector<256x1xf32>
    %select_n3A_218 = arith.select %eq3A_215, %slice3A_45, %broadcast_in_dim3A_217 : vector<256x1xi1>, vector<256x1xf32>
    %add3A_219 = arith.addf %add3A_212, %select_n3A_218 : vector<256x1xf32>
    %div3A_220 = arith.divf %add3A_219, %add3A_114 : vector<256x1xf32>
    %eq3A_221 = arith.constant 1 : i32
    %eq3A_222 = vector.broadcast %eq3A_221 : i32 to vector<256x1xi32>
    %eq3A_223 = arith.cmpi eq, %add3A_55, %eq3A_222 : vector<256x1xi32>
    %jit3A_224 = arith.constant 0.000000e+00 : f32
    %broadcast_in_dim3A_225 = vector.broadcast %jit3A_224 : f32 to vector<256x1xf32>
    %select_n3A_226 = arith.select %eq3A_223, %slice3A_42, %broadcast_in_dim3A_225 : vector<256x1xi1>, vector<256x1xf32>
    %add3A_227 = arith.constant 0.000000e+00 : f32
    %add3A_228 = vector.broadcast %add3A_227 : f32 to vector<256x1xf32>
    %add3A_229 = arith.addf %add3A_228, %select_n3A_226 : vector<256x1xf32>
    %eq3A_230 = arith.constant 1 : i32
    %eq3A_231 = vector.broadcast %eq3A_230 : i32 to vector<256x1xi32>
    %eq3A_232 = arith.cmpi eq, %add3A_65, %eq3A_231 : vector<256x1xi32>
    %jit3A_233 = arith.constant 0.000000e+00 : f32
    %broadcast_in_dim3A_234 = vector.broadcast %jit3A_233 : f32 to vector<256x1xf32>
    %select_n3A_235 = arith.select %eq3A_232, %slice3A_43, %broadcast_in_dim3A_234 : vector<256x1xi1>, vector<256x1xf32>
    %add3A_236 = arith.addf %add3A_229, %select_n3A_235 : vector<256x1xf32>
    %eq3A_237 = arith.constant 1 : i32
    %eq3A_238 = vector.broadcast %eq3A_237 : i32 to vector<256x1xi32>
    %eq3A_239 = arith.cmpi eq, %add3A_76, %eq3A_238 : vector<256x1xi32>
    %jit3A_240 = arith.constant 0.000000e+00 : f32
    %broadcast_in_dim3A_241 = vector.broadcast %jit3A_240 : f32 to vector<256x1xf32>
    %select_n3A_242 = arith.select %eq3A_239, %slice3A_44, %broadcast_in_dim3A_241 : vector<256x1xi1>, vector<256x1xf32>
    %add3A_243 = arith.addf %add3A_236, %select_n3A_242 : vector<256x1xf32>
    %eq3A_244 = arith.constant 1 : i32
    %eq3A_245 = vector.broadcast %eq3A_244 : i32 to vector<256x1xi32>
    %eq3A_246 = arith.cmpi eq, %add3A_87, %eq3A_245 : vector<256x1xi32>
    %jit3A_247 = arith.constant 0.000000e+00 : f32
    %broadcast_in_dim3A_248 = vector.broadcast %jit3A_247 : f32 to vector<256x1xf32>
    %select_n3A_249 = arith.select %eq3A_246, %slice3A_45, %broadcast_in_dim3A_248 : vector<256x1xi1>, vector<256x1xf32>
    %add3A_250 = arith.addf %add3A_243, %select_n3A_249 : vector<256x1xf32>
    %div3A_251 = arith.divf %add3A_250, %add3A_114 : vector<256x1xf32>
    %concatenate3A = tpu.concatenate %add3A_151, %add3A_189 in 1 : vector<256x1xi32>, vector<256x1xi32> -> vector<256x2xi32>
    %swap3A_252 = arith.constant 0 : index
    %swap3A_253 = arith.constant 0 : index
    %swap3A_254 = vector.load %arg8[%swap3A_252, %swap3A_253] : memref<256x2xi32, #tpu.memory_space<vmem>>, vector<256x2xi32>
    tpu.vector_store %arg8[%swap3A_252, %swap3A_253], %concatenate3A {strides = array<i32>} : memref<256x2xi32, #tpu.memory_space<vmem>>, vector<256x2xi32>,
    %concatenate3A_255 = tpu.concatenate %div3A_220, %div3A_251 in 1 : vector<256x1xf32>, vector<256x1xf32> -> vector<256x2xf32>
    %swap3A_256 = arith.constant 0 : index
    %swap3A_257 = arith.constant 0 : index
    %swap3A_258 = vector.load %arg9[%swap3A_256, %swap3A_257] : memref<256x2xf32, #tpu.memory_space<vmem>>, vector<256x2xf32>
    tpu.vector_store %arg9[%swap3A_256, %swap3A_257], %concatenate3A_255 {strides = array<i32>} : memref<256x2xf32, #tpu.memory_space<vmem>>, vector<256x2xf32>,
    %convert_element_type3A_259 = arith.extui %lt3A_89 : vector<256x1xi1> to vector<256x1xi32>
    %convert_element_type3A_260 = arith.sitofp %convert_element_type3A_259 : vector<256x1xi32> to vector<256x1xf32>
    %convert_element_type3A_261 = arith.extui %lt3A_92 : vector<256x1xi1> to vector<256x1xi32>
    %convert_element_type3A_262 = arith.sitofp %convert_element_type3A_261 : vector<256x1xi32> to vector<256x1xf32>
    %convert_element_type3A_263 = arith.extui %lt3A_95 : vector<256x1xi1> to vector<256x1xi32>
    %convert_element_type3A_264 = arith.sitofp %convert_element_type3A_263 : vector<256x1xi32> to vector<256x1xf32>
    %convert_element_type3A_265 = arith.extui %lt3A_98 : vector<256x1xi1> to vector<256x1xi32>
    %convert_element_type3A_266 = arith.sitofp %convert_element_type3A_265 : vector<256x1xi32> to vector<256x1xf32>
    %concatenate3A_267 = tpu.concatenate %convert_element_type3A_260, %convert_element_type3A_262, %convert_element_type3A_264, %convert_element_type3A_266 in 1 : vector<256x1xf32>, vector<256x1xf32>, vector<256x1xf32>, vector<256x1xf32> -> vector<256x4xf32>
    %iota3A = tpu.iota {dimensions = array<i32: 1>} : vector<4x256xi32>
    %jit3A_268 = arith.constant 64 : i32
    %div3A_269 = vector.broadcast %jit3A_268 : i32 to vector<4x256xi32>
    %div3A_270 = arith.divsi %iota3A, %div3A_269 : vector<4x256xi32>
    %sign3A = arith.constant 0 : i32
    %sign3A_271 = vector.broadcast %sign3A : i32 to vector<4x256xi32>
    %sign3A_272 = arith.cmpi sgt, %iota3A, %sign3A_271 : vector<4x256xi32>
    %sign3A_273 = arith.extui %sign3A_272 : vector<4x256xi1> to vector<4x256xi32>
    %sign3A_274 = arith.constant 0 : i32
    %sign3A_275 = vector.broadcast %sign3A_274 : i32 to vector<4x256xi32>
    %sign3A_276 = arith.cmpi slt, %iota3A, %sign3A_275 : vector<4x256xi32>
    %sign3A_277 = arith.extui %sign3A_276 : vector<4x256xi1> to vector<4x256xi32>
    %sign3A_278 = arith.subi %sign3A_273, %sign3A_277 : vector<4x256xi32>
    %sign3A_279 = arith.constant 0 : i32
    %sign3A_280 = arith.cmpi sgt, %jit3A_268, %sign3A_279 : i32
    %sign3A_281 = arith.extui %sign3A_280 : i1 to i32
    %sign3A_282 = arith.constant 0 : i32
    %sign3A_283 = arith.cmpi slt, %jit3A_268, %sign3A_282 : i32
    %sign3A_284 = arith.extui %sign3A_283 : i1 to i32
    %sign3A_285 = arith.subi %sign3A_281, %sign3A_284 : i32
    %ne3A = vector.broadcast %sign3A_285 : i32 to vector<4x256xi32>
    %ne3A_286 = arith.cmpi ne, %sign3A_278, %ne3A : vector<4x256xi32>
    %rem3A = vector.broadcast %jit3A_268 : i32 to vector<4x256xi32>
    %rem3A_287 = arith.remsi %iota3A, %rem3A : vector<4x256xi32>
    %ne3A_288 = arith.constant 0 : i32
    %ne3A_289 = vector.broadcast %ne3A_288 : i32 to vector<4x256xi32>
    %ne3A_290 = arith.cmpi ne, %rem3A_287, %ne3A_289 : vector<4x256xi32>
    %and3A = arith.andi %ne3A_286, %ne3A_290 : vector<4x256xi1>
    %sub3A_291 = arith.constant 1 : i32
    %sub3A_292 = vector.broadcast %sub3A_291 : i32 to vector<4x256xi32>
    %sub3A_293 = arith.subi %div3A_270, %sub3A_292 : vector<4x256xi32>
    %select_n3A_294 = arith.select %and3A, %sub3A_293, %div3A_270 : vector<4x256xi1>, vector<4x256xi32>
    %iota3A_295 = tpu.iota {dimensions = array<i32: 0>} : vector<4x256xi32>
    %eq3A_296 = arith.cmpi eq, %select_n3A_294, %iota3A_295 : vector<4x256xi32>
    %convert_element_type3A_297 = arith.extui %eq3A_296 : vector<4x256xi1> to vector<4x256xi32>
    %convert_element_type3A_298 = arith.sitofp %convert_element_type3A_297 : vector<4x256xi32> to vector<4x256xf32>
    %dot_general3A_299 = arith.constant dense<0.000000e+00> : vector<4x4xf32>
    %dot_general3A_300 = tpu.matmul %convert_element_type3A_298, %concatenate3A_267, %dot_general3A_299 {dimension_numbers = #tpu.dot_dimension_numbers<[1], [0], [0], [1], [0, 0, 1, 1], [], []>, transpose_lhs_hint = false} : vector<4x256xf32>, vector<256x4xf32>, vector<4x4xf32> -> vector<4x4xf32>
    %swap3A_301 = arith.constant 0 : index
    %swap3A_302 = arith.constant 0 : index
    %swap3A_303 = arith.constant 0 : index
    %swap3A_304 = vector.load %arg10[%swap3A_301, %swap3A_302, %swap3A_303] : memref<1x4x4xf32, #tpu.memory_space<vmem>>, vector<1x4x4xf32>
    %swap3A_305 = vector.shape_cast %swap3A_304 : vector<1x4x4xf32> to vector<4x4xf32>
    %swap3A_306 = vector.shape_cast %dot_general3A_300 : vector<4x4xf32> to vector<1x4x4xf32>
    tpu.vector_store %arg10[%swap3A_301, %swap3A_302, %swap3A_303], %swap3A_306 {strides = array<i32>} : memref<1x4x4xf32, #tpu.memory_space<vmem>>, vector<1x4x4xf32>,
    return
  }
  func.func @transform_0(%arg0: i32) -> (i32, i32) {
    %c0_i32 = arith.constant 0 : i32
    %c0_i32_0 = arith.constant 0 : i32
    return %arg0, %c0_i32 : i32, i32
  }
  func.func @transform_1(%arg0: i32) -> (i32, i32) {
    %c0_i32 = arith.constant 0 : i32
    %c0_i32_0 = arith.constant 0 : i32
    return %arg0, %c0_i32 : i32, i32
  }
  func.func @transform_2(%arg0: i32) -> (i32, i32) {
    %c0_i32 = arith.constant 0 : i32
    %c0_i32_0 = arith.constant 0 : i32
    %c0_i32_1 = arith.constant 0 : i32
    return %c0_i32, %c0_i32_0 : i32, i32
  }
  func.func @transform_3(%arg0: i32) -> (i32, i32) {
    %c0_i32 = arith.constant 0 : i32
    %c0_i32_0 = arith.constant 0 : i32
    %c0_i32_1 = arith.constant 0 : i32
    return %c0_i32, %c0_i32_0 : i32, i32
  }
  func.func @transform_4(%arg0: i32) -> (i32, i32) {
    %c0_i32 = arith.constant 0 : i32
    %c0_i32_0 = arith.constant 0 : i32
    %c0_i32_1 = arith.constant 0 : i32
    return %c0_i32, %c0_i32_0 : i32, i32
  }
  func.func @transform_5(%arg0: i32) -> (i32, i32) {
    %c0_i32 = arith.constant 0 : i32
    %c0_i32_0 = arith.constant 0 : i32
    return %arg0, %c0_i32 : i32, i32
  }
  func.func @transform_6(%arg0: i32) -> (i32, i32) {
    %c0_i32 = arith.constant 0 : i32
    %c0_i32_0 = arith.constant 0 : i32
    return %arg0, %c0_i32 : i32, i32
  }
  func.func @transform_7(%arg0: i32) -> (i32, i32) {
    %c0_i32 = arith.constant 0 : i32
    %c0_i32_0 = arith.constant 0 : i32
    return %arg0, %c0_i32 : i32, i32
  }
  func.func @transform_8(%arg0: i32) -> (i32, i32) {
    %c0_i32 = arith.constant 0 : i32
    %c0_i32_0 = arith.constant 0 : i32
    return %arg0, %c0_i32 : i32, i32
  }
  func.func @transform_9(%arg0: i32) -> (i32, i32, i32) {
    %c0_i32 = arith.constant 0 : i32
    %c0_i32_0 = arith.constant 0 : i32
    %c0_i32_1 = arith.constant 0 : i32
    return %arg0, %c0_i32, %c0_i32_0 : i32, i32, i32
  }
}

module attributes {stable_mosaic.version = 14 : i64} {
  func.func @_moeg_body(%arg0: i32, %arg1: i32, %arg2: memref<12xi32, #tpu.memory_space<smem>>, %arg3: memref<5632x896xf32, #tpu.memory_space<vmem>>, %arg4: memref<1x896x256xf32, #tpu.memory_space<vmem>>, %arg5: memref<1x896x256xf32, #tpu.memory_space<vmem>>, %arg6: memref<1x256x896xf32, #tpu.memory_space<vmem>>, %arg7: memref<5632x896xf32, #tpu.memory_space<vmem>>) attributes {dimension_semantics = [#tpu.dimension_semantics<arbitrary>, #tpu.dimension_semantics<arbitrary>], iteration_bounds = array<i64: 19, 11>, scalar_prefetch = 1 : i64, scratch_operands = 0 : i64, tpu.core_type = #tpu.core_type<tc>, window_params = [{pipeline_mode = #tpu.pipeline_mode<synchronous>, transform_indices = @transform_0, window_bounds = array<i64: 5632, 896>}, {transform_indices = @transform_1, window_bounds = array<i64: 1, 896, 256>}, {transform_indices = @transform_2, window_bounds = array<i64: 1, 896, 256>}, {transform_indices = @transform_3, window_bounds = array<i64: 1, 256, 896>}, {pipeline_mode = #tpu.pipeline_mode<synchronous>, transform_indices = @transform_4, window_bounds = array<i64: 5632, 896>}]} {
    %get3A = arith.constant 11 : index
    %get3A_0 = memref.load %arg2[%get3A] : memref<12xi32, #tpu.memory_space<smem>>
    %lt3A = arith.cmpi slt, %arg1, %get3A_0 : i32
    %convert_element_type3A = arith.extui %lt3A : i1 to i32
    %cond3A = arith.constant 0 : i32
    %cond3A_1 = arith.cmpi ne, %convert_element_type3A, %cond3A : i32
    scf.if %cond3A_1 {
      %mul3A = arith.constant 512 : i32
      %mul3A_2 = arith.muli %arg1, %mul3A : i32
      %get3A_3 = arith.index_cast %mul3A_2 : i32 to index
      %get3A_4 = arith.constant 0 : index
      %get3A_5 = vector.load %arg3[%get3A_3, %get3A_4] : memref<5632x896xf32, #tpu.memory_space<vmem>>, vector<512x896xf32>
      %convert_element_type3A_6 = arith.truncf %get3A_5 : vector<512x896xf32> to vector<512x896xbf16>
      %get3A_7 = arith.constant 0 : index
      %get3A_8 = arith.constant 0 : index
      %get3A_9 = arith.constant 0 : index
      %get3A_10 = vector.load %arg4[%get3A_7, %get3A_8, %get3A_9] : memref<1x896x256xf32, #tpu.memory_space<vmem>>, vector<1x896x256xf32>
      %get3A_11 = vector.shape_cast %get3A_10 : vector<1x896x256xf32> to vector<896x256xf32>
      %convert_element_type3A_12 = arith.truncf %get3A_11 : vector<896x256xf32> to vector<896x256xbf16>
      %dot_general3A = arith.constant dense<0.000000e+00> : vector<512x256xf32>
      %dot_general3A_13 = tpu.matmul %convert_element_type3A_6, %convert_element_type3A_12, %dot_general3A {dimension_numbers = #tpu.dot_dimension_numbers<[1], [0], [0], [1], [0, 0, 1, 1], [], []>, transpose_lhs_hint = false} : vector<512x896xbf16>, vector<896x256xbf16>, vector<512x256xf32> -> vector<512x256xf32>
      %get3A_14 = arith.constant 0 : index
      %get3A_15 = arith.constant 0 : index
      %get3A_16 = arith.constant 0 : index
      %get3A_17 = vector.load %arg5[%get3A_14, %get3A_15, %get3A_16] : memref<1x896x256xf32, #tpu.memory_space<vmem>>, vector<1x896x256xf32>
      %get3A_18 = vector.shape_cast %get3A_17 : vector<1x896x256xf32> to vector<896x256xf32>
      %convert_element_type3A_19 = arith.truncf %get3A_18 : vector<896x256xf32> to vector<896x256xbf16>
      %dot_general3A_20 = arith.constant dense<0.000000e+00> : vector<512x256xf32>
      %dot_general3A_21 = tpu.matmul %convert_element_type3A_6, %convert_element_type3A_19, %dot_general3A_20 {dimension_numbers = #tpu.dot_dimension_numbers<[1], [0], [0], [1], [0, 0, 1, 1], [], []>, transpose_lhs_hint = false} : vector<512x896xbf16>, vector<896x256xbf16>, vector<512x256xf32> -> vector<512x256xf32>
      %neg3A = arith.constant 0.000000e+00 : f32
      %neg3A_22 = vector.broadcast %neg3A : f32 to vector<512x256xf32>
      %neg3A_23 = arith.subf %neg3A_22, %dot_general3A_13 : vector<512x256xf32>
      %exp3A = math.exp %neg3A_23 : vector<512x256xf32>
      %add3A = arith.constant 1.000000e+00 : f32
      %add3A_24 = vector.broadcast %add3A : f32 to vector<512x256xf32>
      %add3A_25 = arith.addf %add3A_24, %exp3A : vector<512x256xf32>
      %div3A = arith.divf %dot_general3A_13, %add3A_25 : vector<512x256xf32>
      %mul3A_26 = arith.mulf %div3A, %dot_general3A_21 : vector<512x256xf32>
      %convert_element_type3A_27 = arith.truncf %mul3A_26 : vector<512x256xf32> to vector<512x256xbf16>
      %get3A_28 = arith.constant 0 : index
      %get3A_29 = arith.constant 0 : index
      %get3A_30 = arith.constant 0 : index
      %get3A_31 = vector.load %arg6[%get3A_28, %get3A_29, %get3A_30] : memref<1x256x896xf32, #tpu.memory_space<vmem>>, vector<1x256x896xf32>
      %get3A_32 = vector.shape_cast %get3A_31 : vector<1x256x896xf32> to vector<256x896xf32>
      %convert_element_type3A_33 = arith.truncf %get3A_32 : vector<256x896xf32> to vector<256x896xbf16>
      %dot_general3A_34 = arith.constant dense<0.000000e+00> : vector<512x896xf32>
      %dot_general3A_35 = tpu.matmul %convert_element_type3A_27, %convert_element_type3A_33, %dot_general3A_34 {dimension_numbers = #tpu.dot_dimension_numbers<[1], [0], [0], [1], [0, 0, 1, 1], [], []>, transpose_lhs_hint = false} : vector<512x256xbf16>, vector<256x896xbf16>, vector<512x896xf32> -> vector<512x896xf32>
      %eq3A = arith.constant 0 : i32
      %eq3A_36 = arith.cmpi eq, %arg0, %eq3A : i32
      %convert_element_type3A_37 = arith.extui %eq3A_36 : i1 to i32
      %cond3A_38 = arith.constant 0 : i32
      %cond3A_39 = arith.cmpi ne, %convert_element_type3A_37, %cond3A_38 : i32
      scf.if %cond3A_39 {
        %mul3A_44 = arith.constant 512 : i32
        %mul3A_45 = arith.muli %arg1, %mul3A_44 : i32
        %swap3A = arith.index_cast %mul3A_45 : i32 to index
        %swap3A_46 = arith.constant 0 : index
        %swap3A_47 = vector.load %arg7[%swap3A, %swap3A_46] : memref<5632x896xf32, #tpu.memory_space<vmem>>, vector<512x896xf32>
        tpu.vector_store %arg7[%swap3A, %swap3A_46], %dot_general3A_35 {strides = array<i32>} : memref<5632x896xf32, #tpu.memory_space<vmem>>, vector<512x896xf32>,
      } else {
      }
      %gt3A = arith.constant 0 : i32
      %gt3A_40 = arith.cmpi sgt, %arg0, %gt3A : i32
      %convert_element_type3A_41 = arith.extui %gt3A_40 : i1 to i32
      %cond3A_42 = arith.constant 0 : i32
      %cond3A_43 = arith.cmpi ne, %convert_element_type3A_41, %cond3A_42 : i32
      scf.if %cond3A_43 {
        %mul3A_44 = arith.constant 512 : i32
        %mul3A_45 = arith.muli %arg1, %mul3A_44 : i32
        %get3A_46 = arith.index_cast %mul3A_45 : i32 to index
        %get3A_47 = arith.constant 0 : index
        %get3A_48 = vector.load %arg7[%get3A_46, %get3A_47] : memref<5632x896xf32, #tpu.memory_space<vmem>>, vector<512x896xf32>
        %add3A_49 = arith.addf %get3A_48, %dot_general3A_35 : vector<512x896xf32>
        %swap3A = arith.index_cast %mul3A_45 : i32 to index
        %swap3A_50 = arith.constant 0 : index
        %swap3A_51 = vector.load %arg7[%swap3A, %swap3A_50] : memref<5632x896xf32, #tpu.memory_space<vmem>>, vector<512x896xf32>
        tpu.vector_store %arg7[%swap3A, %swap3A_50], %add3A_49 {strides = array<i32>} : memref<5632x896xf32, #tpu.memory_space<vmem>>, vector<512x896xf32>,
      } else {
      }
    } else {
    }
    return
  }
  func.func @transform_0(%arg0: i32, %arg1: i32, %arg2: memref<12xi32, #tpu.memory_space<smem>>) -> (i32, i32) {
    %c0_i32 = arith.constant 0 : i32
    %c0_i32_0 = arith.constant 0 : i32
    %c0_i32_1 = arith.constant 0 : i32
    return %c0_i32, %c0_i32_0 : i32, i32
  }
  func.func @transform_1(%arg0: i32, %arg1: i32, %arg2: memref<12xi32, #tpu.memory_space<smem>>) -> (i32, i32, i32) {
    %get3A = arith.index_cast %arg1 : i32 to index
    %get3A_0 = memref.load %arg2[%get3A] : memref<12xi32, #tpu.memory_space<smem>>
    %c0_i32 = arith.constant 0 : i32
    %c0_i32_1 = arith.constant 0 : i32
    return %get3A_0, %c0_i32, %arg0 : i32, i32, i32
  }
  func.func @transform_2(%arg0: i32, %arg1: i32, %arg2: memref<12xi32, #tpu.memory_space<smem>>) -> (i32, i32, i32) {
    %get3A = arith.index_cast %arg1 : i32 to index
    %get3A_0 = memref.load %arg2[%get3A] : memref<12xi32, #tpu.memory_space<smem>>
    %c0_i32 = arith.constant 0 : i32
    %c0_i32_1 = arith.constant 0 : i32
    return %get3A_0, %c0_i32, %arg0 : i32, i32, i32
  }
  func.func @transform_3(%arg0: i32, %arg1: i32, %arg2: memref<12xi32, #tpu.memory_space<smem>>) -> (i32, i32, i32) {
    %get3A = arith.index_cast %arg1 : i32 to index
    %get3A_0 = memref.load %arg2[%get3A] : memref<12xi32, #tpu.memory_space<smem>>
    %c0_i32 = arith.constant 0 : i32
    %c0_i32_1 = arith.constant 0 : i32
    return %get3A_0, %arg0, %c0_i32 : i32, i32, i32
  }
  func.func @transform_4(%arg0: i32, %arg1: i32, %arg2: memref<12xi32, #tpu.memory_space<smem>>) -> (i32, i32) {
    %c0_i32 = arith.constant 0 : i32
    %c0_i32_0 = arith.constant 0 : i32
    %c0_i32_1 = arith.constant 0 : i32
    return %c0_i32, %c0_i32_0 : i32, i32
  }
}

module attributes {stable_mosaic.version = 14 : i64} {
  func.func @_comb_body(%arg0: i32, %arg1: memref<256x896xf32, #tpu.memory_space<vmem>>, %arg2: memref<256x896xf32, #tpu.memory_space<vmem>>, %arg3: memref<256x896xf32, #tpu.memory_space<vmem>>, %arg4: memref<256x2xf32, #tpu.memory_space<vmem>>, %arg5: memref<256x896xf32, #tpu.memory_space<vmem>>) attributes {dimension_semantics = [#tpu.dimension_semantics<arbitrary>], iteration_bounds = array<i64: 8>, scalar_prefetch = 0 : i64, scratch_operands = 0 : i64, tpu.core_type = #tpu.core_type<tc>, window_params = [{transform_indices = @transform_0, window_bounds = array<i64: 256, 896>}, {transform_indices = @transform_1, window_bounds = array<i64: 256, 896>}, {transform_indices = @transform_2, window_bounds = array<i64: 256, 896>}, {transform_indices = @transform_3, window_bounds = array<i64: 256, 2>}, {transform_indices = @transform_4, window_bounds = array<i64: 256, 896>}]} {
    %get3A = arith.constant 0 : index
    %get3A_0 = arith.constant 0 : index
    %get3A_1 = vector.load %arg4[%get3A, %get3A_0] : memref<256x2xf32, #tpu.memory_space<vmem>>, vector<256x2xf32>
    %get3A_2 = arith.constant 0 : index
    %get3A_3 = arith.constant 0 : index
    %get3A_4 = vector.load %arg1[%get3A_2, %get3A_3] : memref<256x896xf32, #tpu.memory_space<vmem>>, vector<256x896xf32>
    %slice3A = vector.extract_strided_slice %get3A_1 {offsets = [0, 0], sizes = [256, 1], strides = [1, 1]} : vector<256x2xf32> to vector<256x1xf32>
    %get3A_5 = arith.constant 0 : index
    %get3A_6 = arith.constant 0 : index
    %get3A_7 = vector.load %arg2[%get3A_5, %get3A_6] : memref<256x896xf32, #tpu.memory_space<vmem>>, vector<256x896xf32>
    %mul3A = vector.broadcast %slice3A : vector<256x1xf32> to vector<256x896xf32>
    %mul3A_8 = arith.mulf %mul3A, %get3A_7 : vector<256x896xf32>
    %add3A = arith.addf %get3A_4, %mul3A_8 : vector<256x896xf32>
    %slice3A_9 = vector.extract_strided_slice %get3A_1 {offsets = [0, 1], sizes = [256, 1], strides = [1, 1]} : vector<256x2xf32> to vector<256x1xf32>
    %get3A_10 = arith.constant 0 : index
    %get3A_11 = arith.constant 0 : index
    %get3A_12 = vector.load %arg3[%get3A_10, %get3A_11] : memref<256x896xf32, #tpu.memory_space<vmem>>, vector<256x896xf32>
    %mul3A_13 = vector.broadcast %slice3A_9 : vector<256x1xf32> to vector<256x896xf32>
    %mul3A_14 = arith.mulf %mul3A_13, %get3A_12 : vector<256x896xf32>
    %add3A_15 = arith.addf %add3A, %mul3A_14 : vector<256x896xf32>
    %swap3A = arith.constant 0 : index
    %swap3A_16 = arith.constant 0 : index
    %swap3A_17 = vector.load %arg5[%swap3A, %swap3A_16] : memref<256x896xf32, #tpu.memory_space<vmem>>, vector<256x896xf32>
    tpu.vector_store %arg5[%swap3A, %swap3A_16], %add3A_15 {strides = array<i32>} : memref<256x896xf32, #tpu.memory_space<vmem>>, vector<256x896xf32>,
    return
  }
  func.func @transform_0(%arg0: i32) -> (i32, i32) {
    %c0_i32 = arith.constant 0 : i32
    %c0_i32_0 = arith.constant 0 : i32
    return %arg0, %c0_i32 : i32, i32
  }
  func.func @transform_1(%arg0: i32) -> (i32, i32) {
    %c0_i32 = arith.constant 0 : i32
    %c0_i32_0 = arith.constant 0 : i32
    return %arg0, %c0_i32 : i32, i32
  }
  func.func @transform_2(%arg0: i32) -> (i32, i32) {
    %c0_i32 = arith.constant 0 : i32
    %c0_i32_0 = arith.constant 0 : i32
    return %arg0, %c0_i32 : i32, i32
  }
  func.func @transform_3(%arg0: i32) -> (i32, i32) {
    %c0_i32 = arith.constant 0 : i32
    %c0_i32_0 = arith.constant 0 : i32
    return %arg0, %c0_i32 : i32, i32
  }
  func.func @transform_4(%arg0: i32) -> (i32, i32) {
    %c0_i32 = arith.constant 0 : i32
    %c0_i32_0 = arith.constant 0 : i32
    return %arg0, %c0_i32 : i32, i32
  }
}

</mosaic_0001>

<sc_bundles>
// kernel: kernel.12.cloned.1.call-start
scs
__scs_entry_jumppad:
0x0: {  	(pc) =	sbr.rel $0x88, $3  }
0x1: {  	(tag) =	ssettag $0x0;
	lr =	simm.s32 $0x1  }
0x2: {  	[smem:$0x3F93] =	sst lr;
	_ =	strace $0xD0000000  }
0x3: {  	_ = 	snop  }
0x4: {  	_ = 	snop  }
0x5: {  	_ = 	snop  }
0x6: {  	_ = 	snop  }
0x7: {  	_ = 	snop  }
__scs_overlays_trampoline_lowered:
0x8: {  	[smem:$0x3FA2] =	sst s0  }
0x9: {  	[smem:$0x3FA3] =	sst s1  }
0xa: {  	[smem:$0x3FA4] =	sst s2  }
0xb: {  	[smem:$0x3FA5] =	sst s3  }
0xc: {  	[smem:$0x3FA6] =	sst s4  }
0xd: {  	[smem:$0x3FA7] =	sst s5  }
0xe: {  	[smem:$0x3FA8] =	sst s6  }
0xf: {  	[smem:$0x3FA9] =	sst s7  }
0x10: {  	[smem:$0x3FAA] =	sst s8  }
0x11: {  	[smem:$0x3FAB] =	sst s9;
	s0 =	simm.s32 @!p0 $0x0  }
0x12: {  	s1 =	sld [smem:$0x3F91];
	s0 =	simm.s32 @p0 $0x1  }
0x13: {  	[smem:$0x3FAC] =	sst s0;
	s0 =	simm.s32 @!p1 $0x0  }
0x14: {  	s2 =	sld [smem:$0x3F90];
	s0 =	simm.s32 @p1 $0x1  }
0x15: {  	[smem:$0x3FAD] =	sst s0;
	s0 =	simm.s32 @!p2 $0x0  }
0x16: {  	s3 =	sld [smem:$0x3FDB];
	s0 =	simm.s32 @p2 $0x1  }
0x17: {  	s4 =	simm.s32 $0x1BF5;
	[smem:$0x3FAF] =	sst s0  }
0x18: {  	s0 =	sld [smem:$0x3F92];
	_ =	swait.ge [sflag:s4], $0x0  }
0x19: {  	s7 =	sld [smem:$0x3F93]  }
0x1a: {  	s8 =	sadd.s32 $0xFFFFE003, lr  }
0x1b: {  	s9 =	sadd.s32 $0xFFFFFEF7, lr;
	s5 =	simm.s32 $0xFFFFFFFF;
	p2 =	slt.u32 s8, $0xFFFFF086  }
0x1c: {  	p1 =	slt.u32 s9, $0xF7A;
	s5 =	simm.s32 @!p2 $0x0  }
0x1d: {  	s5 =	simm.s32 @p1 $0x1;
	p0 =	seq.s32 s7, s2  }
0x1e: {  	s7 =	smul.u32 @!p0 $0xF7A, s2;
	p2 =	seq.s32 @!p0 s5, $0x0  }
0x1f: {  	s9 =	smul.u32 $0xF7A, s1;
	s8 =	simm.s32 @!p0 $0x1BF5;
	p2 =	por !p2, p0  }
0x20: {  	[sflag:s8] =	ssyncset.s32 @!p0 $0xFFFFF086;
	s6 =	sadd.s32 @!p0 s3, s7;
	s7 =	simm.s32 @!p0 $0x108  }
0x21: {  	s3 =	sadd.s32 s3, s9;
	s6 =	sadd.s32 @!p0 $0x88, s6;
	s7 =	simm.s32 @p2 $0x1082  }
0x22: {  	[simem:s7], [sflag:s8] =	dma.local @!p0 [hbm:s6], $0xF7A  }
0x23: {  	s9 =	sor.u32 $0xD0000000, s2;
	s6 =	simm.s32 $0x108;
	_ =	swait.ge @!p0 [sflag:s8], $0x0  }
0x24: {  	s3 =	sadd.s32 $0x88, s3;
	s6 =	simm.s32 @!p1 $0x1082;
	[sflag:s4] =	ssyncset.s32 $0xFFFFF086  }
0x25: {  	[simem:s6], [sflag:s4] =	dma.local [hbm:s3], $0xF7A  }
0x26: {  	[smem:$0x3F93] =	sst s1;
	(tag) =	ssettag s2;
	_ =	strace s9  }
0x27: {  	s1 =	sld [smem:$0x3FA3]  }
0x28: {  	s2 =	sld [smem:$0x3FA4]  }
0x29: {  	s4 =	sld [smem:$0x3FA6]  }
0x2a: {  	p0 =	seq.s32 s5, $0x0;
	s5 =	sld [smem:$0x3FA7]  }
0x2b: {  	s6 =	sld [smem:$0x3FA8]  }
0x2c: {  	s7 =	sld [smem:$0x3FA9]  }
0x2d: {  	s3 =	simm.s32 $0x108;
	s8 =	sld [smem:$0x3FAA]  }
0x2e: {  	s3 =	simm.s32 @!p0 $0x1082;
	s9 =	sld [smem:$0x3FAB]  }
0x2f: {  	lr =	sadd.s32 s0, s3;
	s0 =	sld [smem:$0x3FA2]  }
0x30: {  	s3 =	sld [smem:$0x3FA5]  }
0x31: {  	[smem:$0x3FAE] =	sst s10  }
0x32: {  	s10 =	sld [smem:$0x3FAC];
	_ =	sdelay $0x3  }
0x33: {  	p0 =	seq.s32 s10, $0x1;
	s10 =	sld [smem:$0x3FAE];
	_ =	sdelay $0x3  }
0x34: {  	[smem:$0x3FAE] =	sst s10  }
0x35: {  	s10 =	sld [smem:$0x3FAD];
	_ =	sdelay $0x3  }
0x36: {  	p1 =	seq.s32 s10, $0x1;
	s10 =	sld [smem:$0x3FAE];
	_ =	sdelay $0x3  }
0x37: {  	[smem:$0x3FAE] =	sst s10  }
0x38: {  	s10 =	sld [smem:$0x3FAF]  }
0x39: {  	_ = 	snop;
	(pc) =	sbr.ind lr, $3  }
0x3a: {  	_ = 	snop  }
0x3b: {  	_ = 	snop  }
0x3c: {  	p2 =	seq.s32 s10, $0x1;
	s10 =	sld [smem:$0x3FAE]  }
0x3d: {  	_ =	shalt  }
0x3e: {  	_ =	shalt  }
0x3f: {  	_ =	shalt  }
0x40: {  	_ =	shalt  }
0x41: {  	_ =	shalt  }
0x42: {  	_ =	shalt  }
0x43: {  	_ =	shalt  }
0x44: {  	_ =	shalt  }
0x45: {  	_ =	shalt  }
0x46: {  	_ =	shalt  }
0x47: {  	_ =	shalt  }
0x48: {  	_ =	shalt  }
0x49: {  	_ =	shalt  }
0x4a: {  	_ =	shalt  }
0x4b: {  	_ =	shalt  }
0x4c: {  	_ =	shalt  }
0x4d: {  	_ =	shalt  }
0x4e: {  	_ =	shalt  }
0x4f: {  	_ =	shalt  }
0x50: {  	_ =	shalt  }
0x51: {  	_ =	shalt  }
0x52: {  	_ =	shalt  }
0x53: {  	_ =	shalt  }
0x54: {  	_ =	shalt  }
0x55: {  	_ =	shalt  }
0x56: {  	_ =	shalt  }
0x57: {  	_ =	shalt  }
0x58: {  	_ =	shalt  }
0x59: {  	_ =	shalt  }
0x5a: {  	_ =	shalt  }
0x5b: {  	_ =	shalt  }
0x5c: {  	_ =	shalt  }
0x5d: {  	_ =	shalt  }
0x5e: {  	_ =	shalt  }
0x5f: {  	_ =	shalt  }
0x60: {  	_ =	shalt  }
0x61: {  	_ =	shalt  }
0x62: {  	_ =	shalt  }
0x63: {  	_ =	shalt  }
0x64: {  	_ =	shalt  }
0x65: {  	_ =	shalt  }
0x66: {  	_ =	shalt  }
0x67: {  	_ =	shalt  }
0x68: {  	_ =	shalt  }
0x69: {  	_ =	shalt  }
0x6a: {  	_ =	shalt  }
0x6b: {  	_ =	shalt  }
0x6c: {  	_ =	shalt  }
0x6d: {  	_ =	shalt  }
0x6e: {  	_ =	shalt  }
0x6f: {  	_ =	shalt  }
0x70: {  	_ =	shalt  }
0x71: {  	_ =	shalt  }
0x72: {  	_ =	shalt  }
0x73: {  	_ =	shalt  }
0x74: {  	_ =	shalt  }
0x75: {  	_ =	shalt  }
0x76: {  	_ =	shalt  }
0x77: {  	_ =	shalt  }
0x78: {  	_ =	shalt  }
0x79: {  	_ =	shalt  }
0x7a: {  	_ =	shalt  }
0x7b: {  	_ =	shalt  }
0x7c: {  	_ =	shalt  }
0x7d: {  	_ =	shalt  }
0x7e: {  	_ =	shalt  }
0x7f: {  	_ =	shalt  }
0x80: {  	_ =	shalt  }
0x81: {  	_ =	shalt  }
0x82: {  	_ =	shalt  }
0x83: {  	_ =	shalt  }
0x84: {  	_ =	shalt  }
0x85: {  	_ =	shalt  }
0x86: {  	_ =	shalt  }
0x87: {  	_ =	shalt  }
.Lfunc_end0:
.L_simem_size_0:
called_computation.1_lowered:
.L_overlay_start_0:
0x88: {  	s2 =	sld [smem:$0x3FD9]  }
0x89: {  	s3 =	sld [smem:$0x3FFE];
	_ =	sdelay $0x1  }
0x8a: {  	s1 =	srdreg.scid  }
0x8b: {  	s0 =	sand.u32 $0x1, s1  }
0x8c: {  	s17 =	sshll.u32 s0, $0xA;
	s2 =	sadd.s32 s3, s2  }
0x8d: {  	s2 =	sadd.s32 s2, s17  }
0x8e: {  	[smem:$0x3FBA] =	sst s2  }
0x8f: {  	_ = 	snop  }
0x90: {  	s2 =	sld [smem:$0x3FD0];
	(tm) =	ssettm $0x1  }
0x91: {  	s18 =	sld [smem:$0x3FFB];
	_ =	sdelay $0x3  }
0x92: {  	_ =	strace s18  }
0x93: {  	s3 =	sld [smem:$0x3FFC];
	_ =	sdelay $0x3  }
0x94: {  	_ =	strace s3  }
0x95: {  	s3 =	sld [smem:$0x3FFD];
	_ =	sdelay $0x3  }
0x96: {  	_ =	strace s3  }
0x97: {  	_ =	strace $0x8FFFFFFF  }
0x98: {  	s19 =	sld [smem:$0x3FDB];
	_ =	sdelay $0x1  }
0x99: {  	s4 =	simm.s32 $_scs_section_size  }
0x9a: {  	s5 =	simm.s32 $_size__tile_overlayer_lowered;
	s6 =	simm.s32 $_tile_overlayer_lowered  }
0x9b: {  	s22 =	simm.s32 $0x1BFF;
	s21 =	sshll.u32 s6, $0x1;
	s3 =	sadd.s32 s4, s19  }
0x9c: {  	s7 =	simm.s32 $0x0;
	s20 =	sshll.u32 s5, $0x1;
	s5 =	sadd.s32 s21, s3  }
0x9d: {  	[timem:s7], [sflag:s22] =	dma.local [hbm:s5], s20  }
0x9e: {  	_ =	swait.ge [sflag:s22], s20  }
0x9f: {  	s4 =	ssub.s32 $0x0, s20;
	[sflag:s22] =	ssyncset.done $0x0  }
0xa0: {  	[sflag:s22] =	ssyncadd.s32 s4;
	_ =	sdelay $0x1  }
0xa1: {  	s23 =	simm.s32 $0x1B8B  }
0xa2: {  	_ =	swait.ge [sflag:s23], $0x1  }
0xa3: {  	[sflag:s23] =	ssyncset.done $0x0  }
0xa4: {  	s25 =	simm.s32 $0x1B8E;
	s24 =	sld [smem:$0x3FFE];
	[sflag:s23] =	ssyncadd.s32 $0xFFFFFFFF  }
0xa5: {  	s26 =	simm.s32 $execute0_lowered;
	[smem:$0x3FD2] =	sst s25  }
0xa6: {  	s5 =	sshll.u32 s26, $0x1;
	_ =	strace $0x80000049;
	[dreg:$0x1] =	wrdreg $0xFFFFFFFF  }
0xa7: {  	s28 =	simm.s32 $_size_execute0_lowered;
	s3 =	sadd.s32 s3, s5;
	[dreg:$0x0] =	wrdreg $0x0  }
0xa8: {  	s5 =	sshll.u32 s28, $0x1;
	[dreg:$0x2] =	wrdreg s3  }
0xa9: {  	[dreg:$0x3] =	wrdreg s5  }
0xaa: {  	[dreg:$0x4] =	wrdreg $0xC0  }
0xab: {  	_ =	task [dreg:s7], $0x5FFFF  }
0xac: {  	[dreg:$0x1] =	wrdreg $0xFFFFFFFF  }
0xad: {  	[dreg:$0x0] =	wrdreg $0x60  }
0xae: {  	[dreg:$0x2] =	wrdreg s24  }
0xaf: {  	[dreg:$0x3] =	wrdreg s2  }
0xb0: {  	[dreg:$0x4] =	wrdreg $0x9  }
0xb1: {  	_ =	task.clear_ibuf [dreg:s7], $0x5FFFF;
	_ =	strace $0x90000049  }
0xb2: {  	s29 =	simm.s32 $0x9;
	_ =	strace $0x8000004B  }
0xb3: {  	_ =	swait.ge [sflag:s29], $0x1  }
0xb4: {  	[sflag:s29] =	ssyncadd.s32 $0xFFFFFFFF  }
0xb5: {  	_ =	strace $0x9000004B  }
0xb6: {  	_ =	sfence  }
0xb7: {  	s30 =	sld [smem:$0x0];
	_ =	sdelay $0x2  }
0xb8: {  	s31 =	sshll.u32 s1, $0xD;
	s1 =	sshrl.u32 s1, $0x2  }
0xb9: {  	s3 =	sand.u32 $0x4000, s31;
	s1 =	sadd.s32 s1, s30  }
0xba: {  	s0 =	sor.u32 s3, s0;
	s1 =	sshll.u32 s1, $0x11  }
0xbb: {  	s0 =	sor.u32 s1, s0  }
0xbc: {  	s0 =	sadd.s32 $0x8F2B, s0  }
0xbd: {  	[sflag:s0] =	ssyncadd.remote.s32 $0x1  }
0xbe: {  	_ =	sfence.sel $0xFFFF  }
0xbf: {  	[dreg:$0x0] =	wrdreg $0xFFFFFFFF;
	(pc) =	sbr.abs _section_cstart, $3  }
0xc0: {  	[dreg:$0x1] =	wrdreg $0xFFFFFFFF  }
0xc1: {  	_ =	task.clear_ibuf [dreg:s7], $0x2FFFF;
	_ =	strace $0x9FFFFFFF  }
0xc2: {  	(tm) =	ssettm $0x7FFFFFFF  }
0xc3: {  	_ =	shalt  }
tec
execute0_lowered:
.L_overlay_start_1:
0x0: {  	(tag) =	ssettag $0x1  }
0x1: {  	s0 =	rddreg [dreg:$0x0]  }
0x2: {  	s1 =	rddreg [dreg:$0x1];
	s2 =	srdreg.scid  }
0x3: {  	s3 =	stileid.u32;
	s26 =	simm.s32 $0x80;
	s18 =	simm.s32 $0x1  }
0x4: {  	s21 =	simm.s32 $0x1100;
	s22 =	simm.s32 $0x1900;
	s23 =	simm.s32 $0x1D00  }
0x5: {  	s28 =	simm.s32 $0x3900;
	s29 =	simm.s32 $0x4100;
	s30 =	simm.s32 $0x4900  }
0x6: {  	s31 =	simm.s32 $0x5100;
	s10 =	simm.s32 $0x6500;
	s11 =	simm.s32 $0x6D00  }
0x7: {  	s12 =	simm.s32 $0x7100;
	s13 =	simm.s32 $0x7900;
	s14 =	simm.s32 $0x8100  }
0x8: {  	s15 =	simm.s32 $0x8900;
	s16 =	simm.s32 $0x8D00;
	s17 =	simm.s32 $0x9500  }
0x9: {  	s4 =	sand.u32 $0x1, s2;
	s2 =	simm.s32 $0x0;
	s3 =	sshll.u32 s3, $0x4  }
0xa: {  	s5 =	sshll.u32 s4, $0x3;
	[smem:$0x7FF] =	sst s2;
	s4 =	ssub.s32 $0x2, s4  }
0xb: {  	s5 =	sor.u32 s5, s3;
	_ =	strace $0x8000004A;
	s3 =	sadd.s32 $0xE00, s0  }
0xc: {  	s8 =	sshrl.u32 s4, $0x1;
	[dreg:$0x7] =	wrdreg s26;
	s26 =	simm.s32 $0x3500  }
0xd: {  	s6 =	smul.u32 $0x380, s5;
	s5 =	sadd.s32 s5, s0;
	s8 =	ssub.s32 s4, s8  }
0xe: {  	s4 =	sadd.s32 $0xF00, s0;
	s9 =	sadd.s32 $0x9B400, s5;
	s24 =	sadd.s32 $0x9B600, s5  }
0xf: {  	s5 =	sadd.s32 $0x1000, s0;
	s7 =	sadd.s32 s6, s0;
	[dreg:$0x3] =	wrdreg s9  }
0x10: {  	[dreg:$0x4] =	wrdreg s24;
	s1 =	sadd.s32 s1, s6;
	s6 =	sadd.s32 $0x1100, s0  }
0x11: {  	v2 =	vlaneseq.u32;
	s0 =	simm.s32 $0x100;
	s24 =	simm.s32 $0x2500;
	s9 =	simm.s32 $0x9D00  }
0x12: {  	vm0 =	vmmov $0xffff;
	vm1 =	vmmov $0xff;
	v1 =	vshrl.u32 v2, $0x3;
	[dreg:$0x5] =	wrdreg s1;
	s25 =	sadd.s32 $0x9B800, s7;
	s7 =	smax.u32 s8, $0x1  }
0x13: {  	v0 =	vand.u32 $0x7, v2;
	v2 =	vor.u32 $0x8, v2;
	v1 =	vmul.u32 $0x8, v1;
	s8 =	simm.s32 $0x2;
	[dreg:$0x6] =	wrdreg s25;
	s25 =	simm.s32 $0x2D00  }
.LBB2_1:
0x14: {  	s19 =	rddreg [dreg:$0x3]  }
0x15: {  	[tilespmem:s2], [sflag:$0x2] =	stream.linear.gather [hbm4b:s19+s2], $0x40, $0x38;
	[tilespmem:$0xE100] =	vst v63  }
0x16: {  	_ =	swait.ge [sflag:s8], $0x40  }
0x17: {  	s1 =	rddreg [dreg:$0x4];
	[sflag:s8] =	ssyncset.done $0x0  }
0x18: {  	s20 =	rddreg [dreg:$0x7];
	[sflag:s8] =	ssyncadd.s32 $0xFFFFFFC0  }
0x19: {  	[tilespmem:s20], [sflag:$0x2] =	stream.linear.gather [hbm4b:s1+s2], $0x40, $0x38;
	[tilespmem:$0xE100] =	vst v63  }
0x1a: {  	_ =	swait.ge [sflag:s8], $0x40  }
0x1b: {  	[sflag:s8] =	ssyncset.done $0x0  }
0x1c: {  	[sflag:s8] =	ssyncadd.s32 $0xFFFFFFC0  }
0x1d: {  	v3 =	vld [tilespmem:$0x0];
	_ =	sdelay $0x4  }
0x1e: {  	v4 =	vshrl.u32 v3, $0x3  }
0x1f: {  	v4 =	vmul.u32 $0x38, v4  }
0x20: {  	v3 =	vand.u32 $0x7, v3  }
0x21: {  	v3 =	vor.u32 v3, v4  }
0x22: {  	v4 =	vperm.xlane v3, v0;
	_ =	sdelay $0x1  }
0x23: {  	v4 =	vadd.s32 v1, v4;
	_ =	sdelay $0x4  }
0x24: {  	[tilespmem:s0], [sflag:$0x1] =	stream.indirect_vreg.gather [hbm4b:s3+s2], $0x80, v4, vm0, $0xb8;
	[tilespmem:$0xE100] =	vst v63  }
0x25: {  	s20 =	simm.s32 $0x900;
	v3 =	vperm.xlane v3, v2  }
0x26: {  	[tilespmem:s20], [sflag:$0x1] =	stream.indirect_vreg.gather [hbm4b:s4+s2], $0x80, v4, vm0, $0xb8;
	[tilespmem:$0xE100] =	vst v63  }
0x27: {  	v3 =	vadd.s32 v1, v3  }
0x28: {  	[tilespmem:s21], [sflag:$0x1] =	stream.indirect_vreg.gather [hbm4b:s5+s2], $0x80, v4, vm0, $0xb8;
	[tilespmem:$0xE100] =	vst v63  }
0x29: {  	_ = 	snop  }
0x2a: {  	[tilespmem:s22], [sflag:$0x1] =	stream.indirect_vreg.gather [hbm4b:s6+s2], $0x80, v4, vm1, $0xb8;
	[tilespmem:$0xE100] =	vst v63  }
0x2b: {  	_ = 	snop  }
0x2c: {  	[tilespmem:s23], [sflag:$0x1] =	stream.indirect_vreg.gather [hbm4b:s3+s2], $0x80, v3, vm0, $0xb8;
	[tilespmem:$0xE100] =	vst v63  }
0x2d: {  	_ = 	snop  }
0x2e: {  	[tilespmem:s24], [sflag:$0x1] =	stream.indirect_vreg.gather [hbm4b:s4+s2], $0x80, v3, vm0, $0xb8;
	[tilespmem:$0xE100] =	vst v63  }
0x2f: {  	_ = 	snop  }
0x30: {  	[tilespmem:s25], [sflag:$0x1] =	stream.indirect_vreg.gather [hbm4b:s5+s2], $0x80, v3, vm0, $0xb8;
	[tilespmem:$0xE100] =	vst v63  }
0x31: {  	_ = 	snop  }
0x32: {  	[tilespmem:s26], [sflag:$0x1] =	stream.indirect_vreg.gather [hbm4b:s6+s2], $0x80, v3, vm1, $0xb8;
	[tilespmem:$0xE100] =	vst v63  }
0x33: {  	v3 =	vld [tilespmem:$0x10];
	_ =	sdelay $0x4  }
0x34: {  	v57 =	vshrl.u32 v3, $0x3  }
0x35: {  	v4 =	vmul.u32 $0x38, v57  }
0x36: {  	v3 =	vand.u32 $0x7, v3  }
0x37: {  	v3 =	vor.u32 v3, v4  }
0x38: {  	v4 =	vperm.xlane v3, v0;
	_ =	sdelay $0x1  }
0x39: {  	v4 =	vadd.s32 v1, v4;
	_ =	sdelay $0x4  }
0x3a: {  	[tilespmem:s28], [sflag:$0x1] =	stream.indirect_vreg.gather [hbm4b:s3+s2], $0x80, v4, vm0, $0xb8;
	[tilespmem:$0xE100] =	vst v63  }
0x3b: {  	v3 =	vperm.xlane v3, v2  }
0x3c: {  	[tilespmem:s29], [sflag:$0x1] =	stream.indirect_vreg.gather [hbm4b:s4+s2], $0x80, v4, vm0, $0xb8;
	[tilespmem:$0xE100] =	vst v63  }
0x3d: {  	v3 =	vadd.s32 v1, v3  }
0x3e: {  	[tilespmem:s30], [sflag:$0x1] =	stream.indirect_vreg.gather [hbm4b:s5+s2], $0x80, v4, vm0, $0xb8;
	[tilespmem:$0xE100] =	vst v63  }
0x3f: {  	_ = 	snop  }
0x40: {  	[tilespmem:s31], [sflag:$0x1] =	stream.indirect_vreg.gather [hbm4b:s6+s2], $0x80, v4, vm1, $0xb8;
	[tilespmem:$0xE100] =	vst v63  }
0x41: {  	s1 =	simm.s32 $0x5500  }
0x42: {  	[tilespmem:s1], [sflag:$0x1] =	stream.indirect_vreg.gather [hbm4b:s3+s2], $0x80, v3, vm0, $0xb8;
	[tilespmem:$0xE100] =	vst v63  }
0x43: {  	s1 =	simm.s32 $0x5D00  }
0x44: {  	[tilespmem:s1], [sflag:$0x1] =	stream.indirect_vreg.gather [hbm4b:s4+s2], $0x80, v3, vm0, $0xb8;
	[tilespmem:$0xE100] =	vst v63  }
0x45: {  	_ = 	snop  }
0x46: {  	[tilespmem:s10], [sflag:$0x1] =	stream.indirect_vreg.gather [hbm4b:s5+s2], $0x80, v3, vm0, $0xb8;
	[tilespmem:$0xE100] =	vst v63  }
0x47: {  	_ = 	snop  }
0x48: {  	[tilespmem:s11], [sflag:$0x1] =	stream.indirect_vreg.gather [hbm4b:s6+s2], $0x80, v3, vm1, $0xb8;
	[tilespmem:$0xE100] =	vst v63  }
0x49: {  	v3 =	vld [tilespmem:$0x20];
	_ =	sdelay $0x4  }
0x4a: {  	v58 =	vshrl.u32 v3, $0x3  }
0x4b: {  	v4 =	vmul.u32 $0x38, v58  }
0x4c: {  	v3 =	vand.u32 $0x7, v3  }
0x4d: {  	v3 =	vor.u32 v3, v4  }
0x4e: {  	v4 =	vperm.xlane v3, v0;
	_ =	sdelay $0x1  }
0x4f: {  	v4 =	vadd.s32 v1, v4;
	_ =	sdelay $0x4  }
0x50: {  	[tilespmem:s12], [sflag:$0x1] =	stream.indirect_vreg.gather [hbm4b:s3+s2], $0x80, v4, vm0, $0xb8;
	[tilespmem:$0xE100] =	vst v63  }
0x51: {  	v3 =	vperm.xlane v3, v2  }
0x52: {  	[tilespmem:s13], [sflag:$0x1] =	stream.indirect_vreg.gather [hbm4b:s4+s2], $0x80, v4, vm0, $0xb8;
	[tilespmem:$0xE100] =	vst v63  }
0x53: {  	v3 =	vadd.s32 v1, v3  }
0x54: {  	[tilespmem:s14], [sflag:$0x1] =	stream.indirect_vreg.gather [hbm4b:s5+s2], $0x80, v4, vm0, $0xb8;
	[tilespmem:$0xE100] =	vst v63  }
0x55: {  	_ = 	snop  }
0x56: {  	[tilespmem:s15], [sflag:$0x1] =	stream.indirect_vreg.gather [hbm4b:s6+s2], $0x80, v4, vm1, $0xb8;
	[tilespmem:$0xE100] =	vst v63  }
0x57: {  	_ = 	snop  }
0x58: {  	[tilespmem:s16], [sflag:$0x1] =	stream.indirect_vreg.gather [hbm4b:s3+s2], $0x80, v3, vm0, $0xb8;
	[tilespmem:$0xE100] =	vst v63  }
0x59: {  	_ = 	snop  }
0x5a: {  	[tilespmem:s17], [sflag:$0x1] =	stream.indirect_vreg.gather [hbm4b:s4+s2], $0x80, v3, vm0, $0xb8;
	[tilespmem:$0xE100] =	vst v63  }
0x5b: {  	_ = 	snop  }
0x5c: {  	[tilespmem:s9], [sflag:$0x1] =	stream.indirect_vreg.gather [hbm4b:s5+s2], $0x80, v3, vm0, $0xb8;
	[tilespmem:$0xE100] =	vst v63  }
0x5d: {  	s19 =	simm.s32 $0xA500  }
0x5e: {  	[tilespmem:s19], [sflag:$0x1] =	stream.indirect_vreg.gather [hbm4b:s6+s2], $0x80, v3, vm1, $0xb8;
	[tilespmem:$0xE100] =	vst v63  }
0x5f: {  	v3 =	vld [tilespmem:$0x30];
	_ =	sdelay $0x4  }
0x60: {  	v59 =	vshrl.u32 v3, $0x3  }
0x61: {  	v4 =	vmul.u32 $0x38, v59  }
0x62: {  	v3 =	vand.u32 $0x7, v3  }
0x63: {  	v3 =	vor.u32 v3, v4  }
0x64: {  	v4 =	vperm.xlane v3, v0;
	_ =	sdelay $0x1  }
0x65: {  	v4 =	vadd.s32 v1, v4;
	_ =	sdelay $0x3  }
0x66: {  	s19 =	simm.s32 $0xA900  }
0x67: {  	[tilespmem:s19], [sflag:$0x1] =	stream.indirect_vreg.gather [hbm4b:s3+s2], $0x80, v4, vm0, $0xb8;
	[tilespmem:$0xE100] =	vst v63  }
0x68: {  	v3 =	vperm.xlane v3, v2;
	s19 =	simm.s32 $0xB100  }
0x69: {  	[tilespmem:s19], [sflag:$0x1] =	stream.indirect_vreg.gather [hbm4b:s4+s2], $0x80, v4, vm0, $0xb8;
	[tilespmem:$0xE100] =	vst v63  }
0x6a: {  	v3 =	vadd.s32 v1, v3;
	s19 =	simm.s32 $0xB900  }
0x6b: {  	[tilespmem:s19], [sflag:$0x1] =	stream.indirect_vreg.gather [hbm4b:s5+s2], $0x80, v4, vm0, $0xb8;
	[tilespmem:$0xE100] =	vst v63  }
0x6c: {  	s19 =	simm.s32 $0xC100  }
0x6d: {  	[tilespmem:s19], [sflag:$0x1] =	stream.indirect_vreg.gather [hbm4b:s6+s2], $0x80, v4, vm1, $0xb8;
	[tilespmem:$0xE100] =	vst v63  }
0x6e: {  	s19 =	simm.s32 $0xC500  }
0x6f: {  	[tilespmem:s19], [sflag:$0x1] =	stream.indirect_vreg.gather [hbm4b:s3+s2], $0x80, v3, vm0, $0xb8;
	[tilespmem:$0xE100] =	vst v63  }
0x70: {  	s19 =	simm.s32 $0xCD00  }
0x71: {  	[tilespmem:s19], [sflag:$0x1] =	stream.indirect_vreg.gather [hbm4b:s4+s2], $0x80, v3, vm0, $0xb8;
	[tilespmem:$0xE100] =	vst v63  }
0x72: {  	s19 =	simm.s32 $0xD500  }
0x73: {  	[tilespmem:s19], [sflag:$0x1] =	stream.indirect_vreg.gather [hbm4b:s5+s2], $0x80, v3, vm0, $0xb8;
	[tilespmem:$0xE100] =	vst v63  }
0x74: {  	s19 =	simm.s32 $0xDD00  }
0x75: {  	[tilespmem:s19], [sflag:$0x1] =	stream.indirect_vreg.gather [hbm4b:s6+s2], $0x80, v3, vm1, $0xb8;
	[tilespmem:$0xE100] =	vst v63  }
0x76: {  	_ =	swait.ge [sflag:s18], $0xE000  }
0x77: {  	[sflag:s18] =	ssyncset.done $0x0  }
0x78: {  	s19 =	rddreg [dreg:$0x5];
	[sflag:s18] =	ssyncadd.s32 $0xFFFF2000  }
0x79: {  	[hbm4b:s19+s2] =	stream.linear.scatter [tilespmem:s0], [sflag:$0x2], $0xE000, $0x38;
	[tilespmem:$0xE100] =	vst v63  }
0x7a: {  	_ =	swait.ge [sflag:s8], $0xE000  }
0x7b: {  	[sflag:s8] =	ssyncset.done $0x0  }
0x7c: {  	[sflag:s8] =	ssyncadd.s32 $0xFFFF2000  }
0x7d: {  	v3 =	vld [tilespmem:$0x80];
	_ =	sdelay $0x4  }
0x7e: {  	v60 =	vshrl.u32 v3, $0x3  }
0x7f: {  	v4 =	vmul.u32 $0x38, v60  }
0x80: {  	v3 =	vand.u32 $0x7, v3  }
0x81: {  	v3 =	vor.u32 v3, v4  }
0x82: {  	v4 =	vperm.xlane v3, v0;
	_ =	sdelay $0x1  }
0x83: {  	v4 =	vadd.s32 v1, v4;
	_ =	sdelay $0x4  }
0x84: {  	[tilespmem:s0], [sflag:$0x1] =	stream.indirect_vreg.gather [hbm4b:s3+s2], $0x80, v4, vm0, $0xb8;
	[tilespmem:$0xE100] =	vst v63  }
0x85: {  	v3 =	vperm.xlane v3, v2  }
0x86: {  	[tilespmem:s20], [sflag:$0x1] =	stream.indirect_vreg.gather [hbm4b:s4+s2], $0x80, v4, vm0, $0xb8;
	[tilespmem:$0xE100] =	vst v63  }
0x87: {  	v3 =	vadd.s32 v1, v3  }
0x88: {  	[tilespmem:s21], [sflag:$0x1] =	stream.indirect_vreg.gather [hbm4b:s5+s2], $0x80, v4, vm0, $0xb8;
	[tilespmem:$0xE100] =	vst v63  }
0x89: {  	_ = 	snop  }
0x8a: {  	[tilespmem:s22], [sflag:$0x1] =	stream.indirect_vreg.gather [hbm4b:s6+s2], $0x80, v4, vm1, $0xb8;
	[tilespmem:$0xE100] =	vst v63  }
0x8b: {  	_ = 	snop  }
0x8c: {  	[tilespmem:s23], [sflag:$0x1] =	stream.indirect_vreg.gather [hbm4b:s3+s2], $0x80, v3, vm0, $0xb8;
	[tilespmem:$0xE100] =	vst v63  }
0x8d: {  	_ = 	snop  }
0x8e: {  	[tilespmem:s24], [sflag:$0x1] =	stream.indirect_vreg.gather [hbm4b:s4+s2], $0x80, v3, vm0, $0xb8;
	[tilespmem:$0xE100] =	vst v63  }
0x8f: {  	_ = 	snop  }
0x90: {  	[tilespmem:s25], [sflag:$0x1] =	stream.indirect_vreg.gather [hbm4b:s5+s2], $0x80, v3, vm0, $0xb8;
	[tilespmem:$0xE100] =	vst v63  }
0x91: {  	_ = 	snop  }
0x92: {  	[tilespmem:s26], [sflag:$0x1] =	stream.indirect_vreg.gather [hbm4b:s6+s2], $0x80, v3, vm1, $0xb8;
	[tilespmem:$0xE100] =	vst v63  }
0x93: {  	v3 =	vld [tilespmem:$0x90];
	_ =	sdelay $0x4  }
0x94: {  	v61 =	vshrl.u32 v3, $0x3  }
0x95: {  	v4 =	vmul.u32 $0x38, v61  }
0x96: {  	v3 =	vand.u32 $0x7, v3  }
0x97: {  	v3 =	vor.u32 v3, v4  }
0x98: {  	v4 =	vperm.xlane v3, v0;
	_ =	sdelay $0x1  }
0x99: {  	v4 =	vadd.s32 v1, v4;
	_ =	sdelay $0x4  }
0x9a: {  	[tilespmem:s28], [sflag:$0x1] =	stream.indirect_vreg.gather [hbm4b:s3+s2], $0x80, v4, vm0, $0xb8;
	[tilespmem:$0xE100] =	vst v63  }
0x9b: {  	v3 =	vperm.xlane v3, v2  }
0x9c: {  	[tilespmem:s29], [sflag:$0x1] =	stream.indirect_vreg.gather [hbm4b:s4+s2], $0x80, v4, vm0, $0xb8;
	[tilespmem:$0xE100] =	vst v63  }
0x9d: {  	v3 =	vadd.s32 v1, v3  }
0x9e: {  	[tilespmem:s30], [sflag:$0x1] =	stream.indirect_vreg.gather [hbm4b:s5+s2], $0x80, v4, vm0, $0xb8;
	[tilespmem:$0xE100] =	vst v63  }
0x9f: {  	_ = 	snop  }
0xa0: {  	[tilespmem:s31], [sflag:$0x1] =	stream.indirect_vreg.gather [hbm4b:s6+s2], $0x80, v4, vm1, $0xb8;
	[tilespmem:$0xE100] =	vst v63  }
0xa1: {  	s20 =	simm.s32 $0x5500  }
0xa2: {  	[tilespmem:s20], [sflag:$0x1] =	stream.indirect_vreg.gather [hbm4b:s3+s2], $0x80, v3, vm0, $0xb8;
	[tilespmem:$0xE100] =	vst v63  }
0xa3: {  	_ = 	snop  }
0xa4: {  	[tilespmem:s1], [sflag:$0x1] =	stream.indirect_vreg.gather [hbm4b:s4+s2], $0x80, v3, vm0, $0xb8;
	[tilespmem:$0xE100] =	vst v63  }
0xa5: {  	_ = 	snop  }
0xa6: {  	[tilespmem:s10], [sflag:$0x1] =	stream.indirect_vreg.gather [hbm4b:s5+s2], $0x80, v3, vm0, $0xb8;
	[tilespmem:$0xE100] =	vst v63  }
0xa7: {  	_ = 	snop  }
0xa8: {  	[tilespmem:s11], [sflag:$0x1] =	stream.indirect_vreg.gather [hbm4b:s6+s2], $0x80, v3, vm1, $0xb8;
	[tilespmem:$0xE100] =	vst v63  }
0xa9: {  	v3 =	vld [tilespmem:$0xA0];
	_ =	sdelay $0x4  }
0xaa: {  	v62 =	vshrl.u32 v3, $0x3  }
0xab: {  	v4 =	vmul.u32 $0x38, v62  }
0xac: {  	v3 =	vand.u32 $0x7, v3  }
0xad: {  	v3 =	vor.u32 v3, v4  }
0xae: {  	v4 =	vperm.xlane v3, v0;
	_ =	sdelay $0x1  }
0xaf: {  	v4 =	vadd.s32 v1, v4;
	_ =	sdelay $0x4  }
0xb0: {  	[tilespmem:s12], [sflag:$0x1] =	stream.indirect_vreg.gather [hbm4b:s3+s2], $0x80, v4, vm0, $0xb8;
	[tilespmem:$0xE100] =	vst v63  }
0xb1: {  	v3 =	vperm.xlane v3, v2  }
0xb2: {  	[tilespmem:s13], [sflag:$0x1] =	stream.indirect_vreg.gather [hbm4b:s4+s2], $0x80, v4, vm0, $0xb8;
	[tilespmem:$0xE100] =	vst v63  }
0xb3: {  	v3 =	vadd.s32 v1, v3  }
0xb4: {  	[tilespmem:s14], [sflag:$0x1] =	stream.indirect_vreg.gather [hbm4b:s5+s2], $0x80, v4, vm0, $0xb8;
	[tilespmem:$0xE100] =	vst v63  }
0xb5: {  	_ = 	snop  }
0xb6: {  	[tilespmem:s15], [sflag:$0x1] =	stream.indirect_vreg.gather [hbm4b:s6+s2], $0x80, v4, vm1, $0xb8;
	[tilespmem:$0xE100] =	vst v63  }
0xb7: {  	_ = 	snop  }
0xb8: {  	[tilespmem:s16], [sflag:$0x1] =	stream.indirect_vreg.gather [hbm4b:s3+s2], $0x80, v3, vm0, $0xb8;
	[tilespmem:$0xE100] =	vst v63  }
0xb9: {  	_ = 	snop  }
0xba: {  	[tilespmem:s17], [sflag:$0x1] =	stream.indirect_vreg.gather [hbm4b:s4+s2], $0x80, v3, vm0, $0xb8;
	[tilespmem:$0xE100] =	vst v63  }
0xbb: {  	_ = 	snop  }
0xbc: {  	[tilespmem:s9], [sflag:$0x1] =	stream.indirect_vreg.gather [hbm4b:s5+s2], $0x80, v3, vm0, $0xb8;
	[tilespmem:$0xE100] =	vst v63  }
0xbd: {  	s19 =	simm.s32 $0xA500  }
0xbe: {  	[tilespmem:s19], [sflag:$0x1] =	stream.indirect_vreg.gather [hbm4b:s6+s2], $0x80, v3, vm1, $0xb8;
	[tilespmem:$0xE100] =	vst v63  }
0xbf: {  	v3 =	vld [tilespmem:$0xB0];
	_ =	sdelay $0x4  }
0xc0: {  	v63 =	vshrl.u32 v3, $0x3  }
0xc1: {  	v4 =	vmul.u32 $0x38, v63  }
0xc2: {  	v3 =	vand.u32 $0x7, v3  }
0xc3: {  	v3 =	vor.u32 v3, v4  }
0xc4: {  	v4 =	vperm.xlane v3, v0;
	_ =	sdelay $0x1  }
0xc5: {  	v4 =	vadd.s32 v1, v4;
	_ =	sdelay $0x3  }
0xc6: {  	s20 =	simm.s32 $0xA900  }
0xc7: {  	[tilespmem:s20], [sflag:$0x1] =	stream.indirect_vreg.gather [hbm4b:s3+s2], $0x80, v4, vm0, $0xb8;
	[tilespmem:$0xE100] =	vst v63  }
0xc8: {  	s19 =	simm.s32 $0xB100;
	v3 =	vperm.xlane v3, v2  }
0xc9: {  	[tilespmem:s19], [sflag:$0x1] =	stream.indirect_vreg.gather [hbm4b:s4+s2], $0x80, v4, vm0, $0xb8;
	[tilespmem:$0xE100] =	vst v63  }
0xca: {  	v3 =	vadd.s32 v1, v3;
	s20 =	simm.s32 $0xB900  }
0xcb: {  	[tilespmem:s20], [sflag:$0x1] =	stream.indirect_vreg.gather [hbm4b:s5+s2], $0x80, v4, vm0, $0xb8;
	[tilespmem:$0xE100] =	vst v63  }
0xcc: {  	s19 =	simm.s32 $0xC100  }
0xcd: {  	[tilespmem:s19], [sflag:$0x1] =	stream.indirect_vreg.gather [hbm4b:s6+s2], $0x80, v4, vm1, $0xb8;
	[tilespmem:$0xE100] =	vst v63  }
0xce: {  	s20 =	simm.s32 $0xC500  }
0xcf: {  	[tilespmem:s20], [sflag:$0x1] =	stream.indirect_vreg.gather [hbm4b:s3+s2], $0x80, v3, vm0, $0xb8;
	[tilespmem:$0xE100] =	vst v63  }
0xd0: {  	s19 =	simm.s32 $0xCD00  }
0xd1: {  	[tilespmem:s19], [sflag:$0x1] =	stream.indirect_vreg.gather [hbm4b:s4+s2], $0x80, v3, vm0, $0xb8;
	[tilespmem:$0xE100] =	vst v63  }
0xd2: {  	s20 =	simm.s32 $0xD500  }
0xd3: {  	[tilespmem:s20], [sflag:$0x1] =	stream.indirect_vreg.gather [hbm4b:s5+s2], $0x80, v3, vm0, $0xb8;
	[tilespmem:$0xE100] =	vst v63  }
0xd4: {  	s19 =	simm.s32 $0xDD00  }
0xd5: {  	[tilespmem:s19], [sflag:$0x1] =	stream.indirect_vreg.gather [hbm4b:s6+s2], $0x80, v3, vm1, $0xb8;
	[tilespmem:$0xE100] =	vst v63  }
0xd6: {  	_ =	swait.ge [sflag:s18], $0xE000  }
0xd7: {  	p0 =	sne.s32 s7, $0x1;
	[sflag:s18] =	ssyncset.done $0x0  }
.Ltmp0:
0xd8: {  	s20 =	rddreg [dreg:$0x6];
	[sflag:s18] =	ssyncadd.s32 $0xFFFF2000;
	(pc) =	sbr.rel @p0 .LBB2_1-.Ltmp0, $4  }
0xd9: {  	[hbm4b:s20+s2] =	stream.linear.scatter [tilespmem:s0], [sflag:$0x2], $0xE000, $0x38;
	[tilespmem:$0xE100] =	vst v63  }
0xda: {  	_ =	swait.ge [sflag:s8], $0xE000  }
0xdb: {  	[sflag:s8] =	ssyncset.done $0x0  }
0xdc: {  	s7 =	sadd.s32 $0xFFFFFFFF, s7;
	[sflag:s8] =	ssyncadd.s32 $0xFFFF2000  }
0xdd: {  	_ =	sfence.sel $0x180000  }
0xde: {  	[bflag:$0x0] =	sbarrier.arrive $0xFFFF  }
0xdf: {  	_ =	strace $0x9000004A  }
0xe0: {  	s0 =	stileid.u32;
	[bflag:$0x2] =	sbarrier.arrive $0xFFFF  }
0xe1: {  	p0 =	sne.s32 s0, $0x0;
	s0 =	rddreg [dreg:$0x2]  }
0xe2: {  	s0 =	sadd.s32 @!p0 $0x100000, s0  }
0xe3: {  	[sflag:s0] =	ssyncadd.tile.s32 @!p0 $0x1;
	_ =	shalt  }
.Lfunc_end2:
_tile_overlayer_lowered:
.L_overlay_start_2:
0xe4: {  	(tag) =	ssettag $0x2  }
0xe5: {  	s0 =	rddreg [dreg:$0x0];
	s2 =	stileid.u32  }
0xe6: {  	s1 =	rddreg [dreg:$0x1];
	p0 =	sne.s32 s2, $0x0  }
0xe7: {  	s3 =	rddreg [dreg:$0x2];
	[bflag:$0x3] =	sbarrier.arrive $0xFFFF;
	s2 =	simm.s32 @!p0 $0x1C02  }
0xe8: {  	[timem:s3], [sflag:s2] =	dma.local @!p0 [hbm:s0], s1  }
0xe9: {  	s0 =	simm.s32 @!p0 $0x2  }
0xea: {  	_ =	swait.ge @!p0 [sflag:s0], s1  }
0xeb: {  	s1 =	ssub.s32 @!p0 $0x0, s1;
	[sflag:s0] =	ssyncset.done @!p0 $0x0  }
0xec: {  	[sflag:s0] =	ssyncadd.s32 @!p0 s1  }
0xed: {  	[bflag:$0x3] =	sbarrier.arrive $0xFFFF  }
0xee: {  	_ =	shalt  }

// kernel: kernel.9.cloned.1.call-start
scs
__scs_entry_jumppad:
0x0: {  	(pc) =	sbr.rel $0x88, $3  }
0x1: {  	(tag) =	ssettag $0x0;
	lr =	simm.s32 $0x1  }
0x2: {  	[smem:$0x3F93] =	sst lr;
	_ =	strace $0xD0000000  }
0x3: {  	_ = 	snop  }
0x4: {  	_ = 	snop  }
0x5: {  	_ = 	snop  }
0x6: {  	_ = 	snop  }
0x7: {  	_ = 	snop  }
__scs_overlays_trampoline_lowered:
0x8: {  	[smem:$0x3FA2] =	sst s0  }
0x9: {  	[smem:$0x3FA3] =	sst s1  }
0xa: {  	[smem:$0x3FA4] =	sst s2  }
0xb: {  	[smem:$0x3FA5] =	sst s3  }
0xc: {  	[smem:$0x3FA6] =	sst s4  }
0xd: {  	[smem:$0x3FA7] =	sst s5  }
0xe: {  	[smem:$0x3FA8] =	sst s6  }
0xf: {  	[smem:$0x3FA9] =	sst s7  }
0x10: {  	[smem:$0x3FAA] =	sst s8  }
0x11: {  	[smem:$0x3FAB] =	sst s9;
	s0 =	simm.s32 @!p0 $0x0  }
0x12: {  	s1 =	sld [smem:$0x3F91];
	s0 =	simm.s32 @p0 $0x1  }
0x13: {  	[smem:$0x3FAC] =	sst s0;
	s0 =	simm.s32 @!p1 $0x0  }
0x14: {  	s2 =	sld [smem:$0x3F90];
	s0 =	simm.s32 @p1 $0x1  }
0x15: {  	[smem:$0x3FAD] =	sst s0;
	s0 =	simm.s32 @!p2 $0x0  }
0x16: {  	s3 =	sld [smem:$0x3FDB];
	s0 =	simm.s32 @p2 $0x1  }
0x17: {  	s4 =	simm.s32 $0x1BF5;
	[smem:$0x3FAF] =	sst s0  }
0x18: {  	s0 =	sld [smem:$0x3F92];
	_ =	swait.ge [sflag:s4], $0x0  }
0x19: {  	s7 =	sld [smem:$0x3F93]  }
0x1a: {  	s8 =	sadd.s32 $0xFFFFE003, lr  }
0x1b: {  	s9 =	sadd.s32 $0xFFFFFEF7, lr;
	s5 =	simm.s32 $0xFFFFFFFF;
	p2 =	slt.u32 s8, $0xFFFFF086  }
0x1c: {  	p1 =	slt.u32 s9, $0xF7A;
	s5 =	simm.s32 @!p2 $0x0  }
0x1d: {  	s5 =	simm.s32 @p1 $0x1;
	p0 =	seq.s32 s7, s2  }
0x1e: {  	s7 =	smul.u32 @!p0 $0xF7A, s2;
	p2 =	seq.s32 @!p0 s5, $0x0  }
0x1f: {  	s9 =	smul.u32 $0xF7A, s1;
	s8 =	simm.s32 @!p0 $0x1BF5;
	p2 =	por !p2, p0  }
0x20: {  	[sflag:s8] =	ssyncset.s32 @!p0 $0xFFFFF086;
	s6 =	sadd.s32 @!p0 s3, s7;
	s7 =	simm.s32 @!p0 $0x108  }
0x21: {  	s3 =	sadd.s32 s3, s9;
	s6 =	sadd.s32 @!p0 $0x88, s6;
	s7 =	simm.s32 @p2 $0x1082  }
0x22: {  	[simem:s7], [sflag:s8] =	dma.local @!p0 [hbm:s6], $0xF7A  }
0x23: {  	s9 =	sor.u32 $0xD0000000, s2;
	s6 =	simm.s32 $0x108;
	_ =	swait.ge @!p0 [sflag:s8], $0x0  }
0x24: {  	s3 =	sadd.s32 $0x88, s3;
	s6 =	simm.s32 @!p1 $0x1082;
	[sflag:s4] =	ssyncset.s32 $0xFFFFF086  }
0x25: {  	[simem:s6], [sflag:s4] =	dma.local [hbm:s3], $0xF7A  }
0x26: {  	[smem:$0x3F93] =	sst s1;
	(tag) =	ssettag s2;
	_ =	strace s9  }
0x27: {  	s1 =	sld [smem:$0x3FA3]  }
0x28: {  	s2 =	sld [smem:$0x3FA4]  }
0x29: {  	s4 =	sld [smem:$0x3FA6]  }
0x2a: {  	p0 =	seq.s32 s5, $0x0;
	s5 =	sld [smem:$0x3FA7]  }
0x2b: {  	s6 =	sld [smem:$0x3FA8]  }
0x2c: {  	s7 =	sld [smem:$0x3FA9]  }
0x2d: {  	s3 =	simm.s32 $0x108;
	s8 =	sld [smem:$0x3FAA]  }
0x2e: {  	s3 =	simm.s32 @!p0 $0x1082;
	s9 =	sld [smem:$0x3FAB]  }
0x2f: {  	lr =	sadd.s32 s0, s3;
	s0 =	sld [smem:$0x3FA2]  }
0x30: {  	s3 =	sld [smem:$0x3FA5]  }
0x31: {  	[smem:$0x3FAE] =	sst s10  }
0x32: {  	s10 =	sld [smem:$0x3FAC];
	_ =	sdelay $0x3  }
0x33: {  	p0 =	seq.s32 s10, $0x1;
	s10 =	sld [smem:$0x3FAE];
	_ =	sdelay $0x3  }
0x34: {  	[smem:$0x3FAE] =	sst s10  }
0x35: {  	s10 =	sld [smem:$0x3FAD];
	_ =	sdelay $0x3  }
0x36: {  	p1 =	seq.s32 s10, $0x1;
	s10 =	sld [smem:$0x3FAE];
	_ =	sdelay $0x3  }
0x37: {  	[smem:$0x3FAE] =	sst s10  }
0x38: {  	s10 =	sld [smem:$0x3FAF]  }
0x39: {  	_ = 	snop;
	(pc) =	sbr.ind lr, $3  }
0x3a: {  	_ = 	snop  }
0x3b: {  	_ = 	snop  }
0x3c: {  	p2 =	seq.s32 s10, $0x1;
	s10 =	sld [smem:$0x3FAE]  }
0x3d: {  	_ =	shalt  }
0x3e: {  	_ =	shalt  }
0x3f: {  	_ =	shalt  }
0x40: {  	_ =	shalt  }
0x41: {  	_ =	shalt  }
0x42: {  	_ =	shalt  }
0x43: {  	_ =	shalt  }
0x44: {  	_ =	shalt  }
0x45: {  	_ =	shalt  }
0x46: {  	_ =	shalt  }
0x47: {  	_ =	shalt  }
0x48: {  	_ =	shalt  }
0x49: {  	_ =	shalt  }
0x4a: {  	_ =	shalt  }
0x4b: {  	_ =	shalt  }
0x4c: {  	_ =	shalt  }
0x4d: {  	_ =	shalt  }
0x4e: {  	_ =	shalt  }
0x4f: {  	_ =	shalt  }
0x50: {  	_ =	shalt  }
0x51: {  	_ =	shalt  }
0x52: {  	_ =	shalt  }
0x53: {  	_ =	shalt  }
0x54: {  	_ =	shalt  }
0x55: {  	_ =	shalt  }
0x56: {  	_ =	shalt  }
0x57: {  	_ =	shalt  }
0x58: {  	_ =	shalt  }
0x59: {  	_ =	shalt  }
0x5a: {  	_ =	shalt  }
0x5b: {  	_ =	shalt  }
0x5c: {  	_ =	shalt  }
0x5d: {  	_ =	shalt  }
0x5e: {  	_ =	shalt  }
0x5f: {  	_ =	shalt  }
0x60: {  	_ =	shalt  }
0x61: {  	_ =	shalt  }
0x62: {  	_ =	shalt  }
0x63: {  	_ =	shalt  }
0x64: {  	_ =	shalt  }
0x65: {  	_ =	shalt  }
0x66: {  	_ =	shalt  }
0x67: {  	_ =	shalt  }
0x68: {  	_ =	shalt  }
0x69: {  	_ =	shalt  }
0x6a: {  	_ =	shalt  }
0x6b: {  	_ =	shalt  }
0x6c: {  	_ =	shalt  }
0x6d: {  	_ =	shalt  }
0x6e: {  	_ =	shalt  }
0x6f: {  	_ =	shalt  }
0x70: {  	_ =	shalt  }
0x71: {  	_ =	shalt  }
0x72: {  	_ =	shalt  }
0x73: {  	_ =	shalt  }
0x74: {  	_ =	shalt  }
0x75: {  	_ =	shalt  }
0x76: {  	_ =	shalt  }
0x77: {  	_ =	shalt  }
0x78: {  	_ =	shalt  }
0x79: {  	_ =	shalt  }
0x7a: {  	_ =	shalt  }
0x7b: {  	_ =	shalt  }
0x7c: {  	_ =	shalt  }
0x7d: {  	_ =	shalt  }
0x7e: {  	_ =	shalt  }
0x7f: {  	_ =	shalt  }
0x80: {  	_ =	shalt  }
0x81: {  	_ =	shalt  }
0x82: {  	_ =	shalt  }
0x83: {  	_ =	shalt  }
0x84: {  	_ =	shalt  }
0x85: {  	_ =	shalt  }
0x86: {  	_ =	shalt  }
0x87: {  	_ =	shalt  }
.Lfunc_end0:
.L_simem_size_0:
called_computation_lowered:
.L_overlay_start_0:
0x88: {  	s2 =	sld [smem:$0x3FD9]  }
0x89: {  	s3 =	sld [smem:$0x3FFE];
	_ =	sdelay $0x1  }
0x8a: {  	s1 =	srdreg.scid  }
0x8b: {  	s0 =	sand.u32 $0x1, s1  }
0x8c: {  	s17 =	sshll.u32 s0, $0xA;
	s2 =	sadd.s32 s3, s2  }
0x8d: {  	s2 =	sadd.s32 s2, s17  }
0x8e: {  	[smem:$0x3FBA] =	sst s2  }
0x8f: {  	_ = 	snop  }
0x90: {  	s2 =	sld [smem:$0x3FD0];
	(tm) =	ssettm $0x1  }
0x91: {  	s18 =	sld [smem:$0x3FFB];
	_ =	sdelay $0x3  }
0x92: {  	_ =	strace s18  }
0x93: {  	s3 =	sld [smem:$0x3FFC];
	_ =	sdelay $0x3  }
0x94: {  	_ =	strace s3  }
0x95: {  	s3 =	sld [smem:$0x3FFD];
	_ =	sdelay $0x3  }
0x96: {  	_ =	strace s3  }
0x97: {  	_ =	strace $0x8FFFFFFF  }
0x98: {  	s19 =	sld [smem:$0x3FDB];
	_ =	sdelay $0x1  }
0x99: {  	s4 =	simm.s32 $_scs_section_size  }
0x9a: {  	s5 =	simm.s32 $_size__tile_overlayer_lowered;
	s6 =	simm.s32 $_tile_overlayer_lowered  }
0x9b: {  	s22 =	simm.s32 $0x1BFF;
	s21 =	sshll.u32 s6, $0x1;
	s3 =	sadd.s32 s4, s19  }
0x9c: {  	s7 =	simm.s32 $0x0;
	s20 =	sshll.u32 s5, $0x1;
	s5 =	sadd.s32 s21, s3  }
0x9d: {  	[timem:s7], [sflag:s22] =	dma.local [hbm:s5], s20  }
0x9e: {  	_ =	swait.ge [sflag:s22], s20  }
0x9f: {  	s4 =	ssub.s32 $0x0, s20;
	[sflag:s22] =	ssyncset.done $0x0  }
0xa0: {  	[sflag:s22] =	ssyncadd.s32 s4;
	_ =	sdelay $0x1  }
0xa1: {  	s23 =	simm.s32 $0x1B8B  }
0xa2: {  	_ =	swait.ge [sflag:s23], $0x1  }
0xa3: {  	[sflag:s23] =	ssyncset.done $0x0  }
0xa4: {  	s25 =	simm.s32 $0x1B8E;
	s24 =	sld [smem:$0x3FFE];
	[sflag:s23] =	ssyncadd.s32 $0xFFFFFFFF  }
0xa5: {  	s26 =	simm.s32 $execute0_lowered;
	[smem:$0x3FD2] =	sst s25  }
0xa6: {  	s5 =	sshll.u32 s26, $0x1;
	_ =	strace $0x80000046;
	[dreg:$0x1] =	wrdreg $0xFFFFFFFF  }
0xa7: {  	s28 =	simm.s32 $_size_execute0_lowered;
	s3 =	sadd.s32 s3, s5;
	[dreg:$0x0] =	wrdreg $0x0  }
0xa8: {  	s5 =	sshll.u32 s28, $0x1;
	[dreg:$0x2] =	wrdreg s3  }
0xa9: {  	[dreg:$0x3] =	wrdreg s5  }
0xaa: {  	[dreg:$0x4] =	wrdreg $0xC0  }
0xab: {  	_ =	task [dreg:s7], $0x5FFFF  }
0xac: {  	[dreg:$0x1] =	wrdreg $0xFFFFFFFF  }
0xad: {  	[dreg:$0x0] =	wrdreg $0x60  }
0xae: {  	[dreg:$0x2] =	wrdreg s2  }
0xaf: {  	[dreg:$0x3] =	wrdreg s24  }
0xb0: {  	[dreg:$0x4] =	wrdreg $0x9  }
0xb1: {  	_ =	task.clear_ibuf [dreg:s7], $0x5FFFF;
	_ =	strace $0x90000046  }
0xb2: {  	s29 =	simm.s32 $0x9;
	_ =	strace $0x80000048  }
0xb3: {  	_ =	swait.ge [sflag:s29], $0x1  }
0xb4: {  	[sflag:s29] =	ssyncadd.s32 $0xFFFFFFFF  }
0xb5: {  	_ =	strace $0x90000048  }
0xb6: {  	_ =	sfence  }
0xb7: {  	s30 =	sld [smem:$0x0];
	_ =	sdelay $0x2  }
0xb8: {  	s31 =	sshll.u32 s1, $0xD;
	s1 =	sshrl.u32 s1, $0x2  }
0xb9: {  	s3 =	sand.u32 $0x4000, s31;
	s1 =	sadd.s32 s1, s30  }
0xba: {  	s0 =	sor.u32 s3, s0;
	s1 =	sshll.u32 s1, $0x11  }
0xbb: {  	s0 =	sor.u32 s1, s0  }
0xbc: {  	s0 =	sadd.s32 $0x8F2B, s0  }
0xbd: {  	[sflag:s0] =	ssyncadd.remote.s32 $0x1  }
0xbe: {  	_ =	sfence.sel $0xFFFF  }
0xbf: {  	[dreg:$0x0] =	wrdreg $0xFFFFFFFF;
	(pc) =	sbr.abs _section_cstart, $3  }
0xc0: {  	[dreg:$0x1] =	wrdreg $0xFFFFFFFF  }
0xc1: {  	_ =	task.clear_ibuf [dreg:s7], $0x2FFFF;
	_ =	strace $0x9FFFFFFF  }
0xc2: {  	(tm) =	ssettm $0x7FFFFFFF  }
0xc3: {  	_ =	shalt  }
tec
execute0_lowered:
.L_overlay_start_1:
0x0: {  	(tag) =	ssettag $0x1  }
0x1: {  	v3 =	vlaneseq.u32;
	vm0 =	vcmask $0x1310  }
0x2: {  	s0 =	srdreg.scid;
	s1 =	stileid.u32;
	vm1 =	vcmask $0x300;
	vm2 =	vcmask $0x704;
	vm3 =	vcmask $0x3330  }
0x3: {  	vm4 =	vcmask $0x2724;
	vm5 =	vcmask $0xB08;
	v2 =	vimm.s32 $0x0;
	s0 =	sand.u32 $0x1, s0;
	s1 =	sshll.u32 s1, $0x1  }
0x4: {  	v1 =	vshrl.u32 v3, $0x2;
	vm0 =	vmor vm1, vm0;
	vm1 =	vcmask $0x2320;
	s1 =	sor.u32 s0, s1  }
0x5: {  	vm0 =	vmor vm0, vm1;
	vm1 =	vcmask $0x1714;
	v0 =	vmov s1  }
0x6: {  	vm2 =	vmor vm2, vm1;
	vm0 =	vmor vm0, vm3;
	vm3 =	vcmask $0x3734  }
0x7: {  	vm1 =	vgt.u32 v0, v1;
	vm2 =	vmor vm2, vm4;
	vm4 =	vcmask $0x1B18  }
0x8: {  	vm3 =	vmor vm2, vm3;
	vm2 =	vmor vm5, vm4;
	vm5 =	vmand vm1, vm0  }
0x9: {  	vm6 =	vcmask $0xF0C;
	vm4 =	vcmask $0x2B28;
	v2 =	vsel vm5, $0xFFFFFFFF, v2  }
0xa: {  	vm5 =	vmand vm1, vm3;
	vm2 =	vmor vm2, vm4;
	[tilespmem:$0x1FE40] =	vst v2;
	v2 =	vimm.s32 $0x0  }
0xb: {  	vm4 =	vcmask $0x3B38;
	v2 =	vsel vm5, $0xFFFFFFFF, v2;
	vm5 =	vcmask $0x1F1C  }
0xc: {  	vm4 =	vmor vm2, vm4;
	vm2 =	vmor vm6, vm5;
	vm5 =	vcmask $0x2F2C  }
0xd: {  	vm2 =	vmor vm2, vm5;
	vm5 =	vcmask $0x3F3C  }
0xe: {  	[tilespmem:$0x1FE50] =	vst v2;
	v2 =	vor.u32 $0x4, v1;
	vm6 =	vmand vm1, vm4;
	vm5 =	vmor vm2, vm5  }
0xf: {  	s4 =	rddreg [dreg:$0x0];
	s2 =	simm.s32 $0x0;
	vm2 =	vgt.u32 v0, v2;
	v2 =	vimm.s32 $0x0;
	vm1 =	vmand vm1, vm5  }
0x10: {  	[smem:$0x7FF] =	sst s2;
	v2 =	vsel vm1, $0xFFFFFFFF, v2  }
0x11: {  	s6 =	rddreg [dreg:$0x1];
	_ =	strace $0x80000047;
	vm1 =	vmand vm2, vm0;
	[tilespmem:$0x1FE70] =	vst v2;
	v2 =	vimm.s32 $0x0  }
0x12: {  	v2 =	vsel vm1, $0xFFFFFFFF, v2  }
0x13: {  	vm1 =	vmand vm2, vm3;
	[tilespmem:$0x1FE80] =	vst v2;
	v2 =	vimm.s32 $0x0  }
0x14: {  	v4 =	vimm.s32 $0x0;
	vm7 =	vcmask $0x73C;
	v2 =	vsel vm1, $0xFFFFFFFF, v2  }
0x15: {  	v4 =	vsel vm6, $0xFFFFFFFF, v4;
	vm1 =	vmand vm2, vm4;
	[tilespmem:$0x1FE90] =	vst v2;
	v2 =	vimm.s32 $0x0  }
0x16: {  	vm6 =	vcmask $0x338;
	v2 =	vsel vm1, $0xFFFFFFFF, v2;
	vm1 =	vcmask $0x1308  }
0x17: {  	vm2 =	vmand vm2, vm5;
	[tilespmem:$0x1FEA0] =	vst v2;
	v2 =	vimm.s32 $0x0;
	vm1 =	vmor vm6, vm1  }
0x18: {  	vm6 =	vcmask $0x170C;
	v2 =	vsel vm2, $0xFFFFFFFF, v2;
	vm2 =	vcmask $0x2318  }
0x19: {  	vm1 =	vmor vm1, vm2;
	vm2 =	vmor vm7, vm6;
	vm6 =	vcmask $0x271C  }
0x1a: {  	[tilespmem:$0x1FEB0] =	vst v2;
	v2 =	vor.u32 $0x8, v1;
	vm7 =	vcmask $0x3328;
	vm2 =	vmor vm2, vm6  }
0x1b: {  	vm6 =	vcmask $0x372C;
	vm9 =	vmor vm1, vm7;
	vm1 =	vgt.u32 v0, v2  }
0x1c: {  	v2 =	vimm.s32 $0x0;
	vm10 =	vmor vm2, vm6;
	vm2 =	vmand vm1, vm0  }
0x1d: {  	[tilespmem:$0x1FE60] =	vst v4;
	v4 =	vimm.s32 $0x0;
	v2 =	vsel vm2, $0xFFFFFFFF, v2;
	vm2 =	vmand vm1, vm3  }
0x1e: {  	v4 =	vsel vm2, $0xFFFFFFFF, v4  }
0x1f: {  	vm2 =	vmand vm1, vm4;
	[tilespmem:$0x1FED0] =	vst v4;
	v4 =	vimm.s32 $0x0  }
0x20: {  	[tilespmem:$0x1FEC0] =	vst v2;
	v4 =	vsel vm2, $0xFFFFFFFF, v4  }
0x21: {  	v2 =	vor.u32 $0xC, v1;
	vm1 =	vmand vm1, vm5;
	[tilespmem:$0x1FEE0] =	vst v4;
	v4 =	vimm.s32 $0x0  }
0x22: {  	v4 =	vsel vm1, $0xFFFFFFFF, v4;
	vm1 =	vgt.u32 v0, v2  }
0x23: {  	[tilespmem:$0x1FEF0] =	vst v4;
	vm2 =	vmand vm1, vm0;
	v4 =	vimm.s32 $0x0  }
0x24: {  	v4 =	vsel vm2, $0xFFFFFFFF, v4  }
0x25: {  	vm2 =	vmand vm1, vm3;
	[tilespmem:$0x1FF00] =	vst v4;
	v4 =	vimm.s32 $0x0  }
0x26: {  	v4 =	vsel vm2, $0xFFFFFFFF, v4  }
0x27: {  	vm2 =	vmand vm1, vm4;
	[tilespmem:$0x1FF10] =	vst v4;
	v4 =	vimm.s32 $0x0  }
0x28: {  	v4 =	vsel vm2, $0xFFFFFFFF, v4  }
0x29: {  	v2 =	vor.u32 $0x10, v1;
	vm1 =	vmand vm1, vm5;
	[tilespmem:$0x1FF20] =	vst v4;
	v4 =	vimm.s32 $0x0  }
0x2a: {  	v4 =	vsel vm1, $0xFFFFFFFF, v4;
	vm1 =	vgt.u32 v0, v2  }
0x2b: {  	[tilespmem:$0x1FF30] =	vst v4;
	vm2 =	vmand vm1, vm0;
	v4 =	vimm.s32 $0x0  }
0x2c: {  	v4 =	vsel vm2, $0xFFFFFFFF, v4  }
0x2d: {  	vm2 =	vmand vm1, vm3;
	[tilespmem:$0x1FF40] =	vst v4;
	v4 =	vimm.s32 $0x0  }
0x2e: {  	v4 =	vsel vm2, $0xFFFFFFFF, v4  }
0x2f: {  	vm2 =	vmand vm1, vm4;
	[tilespmem:$0x1FF50] =	vst v4;
	v4 =	vimm.s32 $0x0  }
0x30: {  	v4 =	vsel vm2, $0xFFFFFFFF, v4  }
0x31: {  	v2 =	vor.u32 $0x14, v1;
	vm1 =	vmand vm1, vm5;
	[tilespmem:$0x1FF60] =	vst v4;
	v4 =	vimm.s32 $0x0  }
0x32: {  	v4 =	vsel vm1, $0xFFFFFFFF, v4;
	vm1 =	vgt.u32 v0, v2  }
0x33: {  	[tilespmem:$0x1FF70] =	vst v4;
	vm2 =	vmand vm1, vm0;
	v4 =	vimm.s32 $0x0  }
0x34: {  	v4 =	vsel vm2, $0xFFFFFFFF, v4  }
0x35: {  	vm2 =	vmand vm1, vm3;
	[tilespmem:$0x1FF80] =	vst v4;
	v4 =	vimm.s32 $0x0  }
0x36: {  	v4 =	vsel vm2, $0xFFFFFFFF, v4  }
0x37: {  	s25 =	simm.s32 $0x80;
	s26 =	simm.s32 $0x100;
	vm2 =	vmand vm1, vm4;
	[tilespmem:$0x1FF90] =	vst v4;
	v4 =	vimm.s32 $0x0  }
0x38: {  	s28 =	simm.s32 $0x180;
	s29 =	simm.s32 $0x200;
	s30 =	simm.s32 $0x4A80;
	v4 =	vsel vm2, $0xFFFFFFFF, v4  }
0x39: {  	s31 =	simm.s32 $0x5280;
	s11 =	simm.s32 $0x6680;
	s12 =	simm.s32 $0x6E80;
	v2 =	vor.u32 $0x18, v1;
	vm1 =	vmand vm1, vm5;
	[tilespmem:$0x1FFA0] =	vst v4;
	v4 =	vimm.s32 $0x0  }
0x3a: {  	s13 =	simm.s32 $0x7280;
	s14 =	simm.s32 $0x7A80;
	s3 =	sshll.u32 s1, $0x3;
	v4 =	vsel vm1, $0xFFFFFFFF, v4;
	vm1 =	vgt.u32 v0, v2  }
0x3b: {  	s15 =	simm.s32 $0x8280;
	s5 =	sadd.s32 $0xE00, s6;
	s7 =	sadd.s32 s3, s6;
	v2 =	vimm.s32 $0x0;
	vm2 =	vmand vm1, vm0  }
0x3c: {  	s16 =	simm.s32 $0x8A80;
	s20 =	sadd.s32 $0x1200, s7;
	[dreg:$0x3] =	wrdreg s5;
	v2 =	vsel vm2, $0xFFFFFFFF, v2  }
0x3d: {  	s17 =	simm.s32 $0x8E80;
	s21 =	sadd.s32 $0x1000, s7;
	[dreg:$0x4] =	wrdreg s20;
	vm2 =	vmand vm1, vm3;
	[tilespmem:$0x1FFC0] =	vst v2;
	v2 =	vimm.s32 $0x0  }
0x3e: {  	s1 =	smul.u32 $0x1C00, s1;
	s22 =	sadd.s32 $0x9B400, s7;
	[dreg:$0x5] =	wrdreg s21;
	v2 =	vsel vm2, $0xFFFFFFFF, v2  }
0x3f: {  	s18 =	simm.s32 $0x9680;
	s23 =	sadd.s32 $0x9B600, s7;
	[dreg:$0x6] =	wrdreg s22;
	vm2 =	vmand vm1, vm4;
	[tilespmem:$0x1FFD0] =	vst v2;
	v2 =	vimm.s32 $0x0  }
0x40: {  	s19 =	simm.s32 $0x9E80;
	s1 =	sadd.s32 s4, s1;
	[dreg:$0x7] =	wrdreg s23;
	v2 =	vsel vm2, $0xFFFFFFFF, v2  }
0x41: {  	s10 =	simm.s32 $0xA680;
	s0 =	ssub.s32 $0x2, s0;
	[dreg:$0x8] =	wrdreg s1;
	v1 =	vor.u32 $0x1C, v1;
	vm1 =	vmand vm1, vm5;
	[tilespmem:$0x1FFE0] =	vst v2;
	v2 =	vimm.s32 $0x0  }
0x42: {  	s24 =	sshrl.u32 s0, $0x1;
	s3 =	sadd.s32 $0x1400, s6;
	[dreg:$0x9] =	wrdreg s25;
	v2 =	vsel vm1, $0xFFFFFFFF, v2;
	vm1 =	vgt.u32 v0, v1  }
0x43: {  	s0 =	ssub.s32 s0, s24;
	s4 =	sadd.s32 $0x1500, s6;
	[dreg:$0xa] =	wrdreg s26;
	v0 =	vimm.s32 $0x0;
	v1 =	vand.u32 $0x7, v3;
	vm3 =	vmand vm1, vm3  }
0x44: {  	s9 =	smax.u32 s0, $0x1;
	s5 =	sadd.s32 $0x1600, s6;
	[dreg:$0xb] =	wrdreg s28;
	[tilespmem:$0x1FFF0] =	vst v2;
	vm4 =	vmand vm1, vm4;
	vm5 =	vmand vm1, vm5;
	v2 =	vshrl.u32 v3, $0x3  }
0x45: {  	s6 =	sadd.s32 $0x1700, s6;
	[dreg:$0xc] =	wrdreg s29;
	s1 =	simm.s32 $0x5680;
	[tilespmem:$0x1FFB0] =	vst v4;
	vm6 =	vmand vm1, vm0;
	v3 =	vor.u32 $0x8, v3;
	v2 =	vmul.u32 $0x8, v2  }
.LBB2_1:
0x46: {  	s20 =	rddreg [dreg:$0x4];
	s0 =	simm.s32 $0x2  }
0x47: {  	[tilespmem:s2], [sflag:$0x2] =	stream.linear.gather [hbm4b:s20+s2], $0x40, $0x38;
	[tilespmem:$0xE280] =	vst v63  }
0x48: {  	_ =	swait.ge [sflag:s0], $0x40  }
0x49: {  	s25 =	rddreg [dreg:$0x5];
	[sflag:s0] =	ssyncset.done $0x0  }
0x4a: {  	s21 =	rddreg [dreg:$0x9];
	[sflag:s0] =	ssyncadd.s32 $0xFFFFFFC0  }
0x4b: {  	[tilespmem:s21], [sflag:$0x2] =	stream.linear.gather [hbm4b:s25+s2], $0x40, $0x38;
	[tilespmem:$0xE280] =	vst v63  }
0x4c: {  	_ =	swait.ge [sflag:s0], $0x40  }
0x4d: {  	s26 =	rddreg [dreg:$0x3];
	[sflag:s0] =	ssyncset.done $0x0  }
0x4e: {  	s28 =	rddreg [dreg:$0xa];
	[sflag:s0] =	ssyncadd.s32 $0xFFFFFFC0  }
0x4f: {  	[tilespmem:s28], [sflag:$0x2] =	stream.linear.gather [hbm4b:s26+s2], $0x80, $0x38;
	[tilespmem:$0xE280] =	vst v63  }
0x50: {  	_ =	swait.ge [sflag:s0], $0x80  }
0x51: {  	[sflag:s0] =	ssyncset.done $0x0  }
0x52: {  	[sflag:s0] =	ssyncadd.s32 $0xFFFFFF80  }
0x53: {  	v4 =	vld [tilespmem:$0x100];
	_ =	sdelay $0x4  }
0x54: {  	v5 =	vnsel vm0, $0x0, v4  }
0x55: {  	(xrf2) =	vadd.scan.msk.f32 $0xffff, v5;
	v5 =	vld [tilespmem:$0x1FE40];
	_ =	sdelay $0x4  }
0x56: {  	vm1 =	vnez.u8 v5  }
0x57: {  	v5 =	vnsel vm1, $0x0, v4  }
0x58: {  	(xrf2) =	vadd.scan.msk.f32 $0xffff, v5;
	v5 =	vsel vm9, $0x0, v4  }
0x59: {  	(xrf2) =	vadd.scan.msk.f32 $0xffff, v5;
	v5 =	vld [tilespmem:$0x1FE50];
	_ =	sdelay $0x4  }
0x5a: {  	vm1 =	vnez.u8 v5  }
0x5b: {  	v5 =	vnsel vm1, $0x0, v4  }
0x5c: {  	(xrf2) =	vadd.scan.msk.f32 $0xffff, v5;
	v5 =	vsel vm10, $0x0, v4  }
0x5d: {  	(xrf2) =	vadd.scan.msk.f32 $0xffff, v5;
	v5 =	vld [tilespmem:$0x1FE60];
	_ =	sdelay $0x4  }
0x5e: {  	vm1 =	vnez.u8 v5  }
0x5f: {  	v5 =	vnsel vm1, $0x0, v4  }
0x60: {  	(xrf2) =	vadd.scan.msk.f32 $0xffff, v5;
	v5 =	vld [tilespmem:$0x1FE70];
	_ =	sdelay $0x1  }
0x61: {  	v6 =	vld [tilespmem:$0x110];
	_ =	sdelay $0x2  }
0x62: {  	vm1 =	vnez.u8 v5  }
0x63: {  	v4 =	vnsel vm1, $0x0, v4  }
0x64: {  	(xrf2) =	vadd.scan.msk.f32 $0xffff, v4;
	v4 =	vnsel vm0, $0x0, v6  }
0x65: {  	(xrf2) =	vadd.scan.msk.f32 $0xffff, v4;
	v4 =	vld [tilespmem:$0x1FE80];
	_ =	sdelay $0x4  }
0x66: {  	vm1 =	vnez.u8 v4  }
0x67: {  	v4 =	vnsel vm1, $0x0, v6  }
0x68: {  	(xrf2) =	vadd.scan.msk.f32 $0xffff, v4;
	v4 =	vsel vm9, $0x0, v6  }
0x69: {  	(xrf2) =	vadd.scan.msk.f32 $0xffff, v4;
	v4 =	vld [tilespmem:$0x1FE90];
	_ =	sdelay $0x4  }
0x6a: {  	vm1 =	vnez.u8 v4  }
0x6b: {  	v4 =	vnsel vm1, $0x0, v6  }
0x6c: {  	(xrf2) =	vadd.scan.msk.f32 $0xffff, v4;
	v4 =	vsel vm10, $0x0, v6  }
0x6d: {  	(xrf2) =	vadd.scan.msk.f32 $0xffff, v4;
	v4 =	vld [tilespmem:$0x1FEA0];
	_ =	sdelay $0x4  }
0x6e: {  	v7, _, _ =	vpop (xrf2);
	vm1 =	vnez.u8 v4  }
0x6f: {  	v31, _, _ =	vpop (xrf2);
	v4 =	vnsel vm1, $0x0, v6  }
0x70: {  	v32, _, _ =	vpop (xrf2);
	(xrf2) =	vadd.scan.msk.f32 $0xffff, v4;
	v4 =	vld [tilespmem:$0x1FEB0];
	_ =	sdelay $0x1  }
0x71: {  	v5 =	vld [tilespmem:$0x120];
	_ =	sdelay $0x2  }
0x72: {  	vm1 =	vnez.u8 v4  }
0x73: {  	v4 =	vnsel vm1, $0x0, v6  }
0x74: {  	v33, _, _ =	vpop (xrf2);
	(xrf2) =	vadd.scan.msk.f32 $0xffff, v4;
	v4 =	vnsel vm0, $0x0, v5  }
0x75: {  	v34, _, _ =	vpop (xrf2);
	(xrf2) =	vadd.scan.msk.f32 $0xffff, v4;
	v4 =	vld [tilespmem:$0x1FEC0];
	_ =	sdelay $0x4  }
0x76: {  	vm1 =	vnez.u8 v4  }
0x77: {  	v4 =	vnsel vm1, $0x0, v5  }
0x78: {  	v35, _, _ =	vpop (xrf2);
	(xrf2) =	vadd.scan.msk.f32 $0xffff, v4;
	v4 =	vsel vm9, $0x0, v5  }
0x79: {  	v37, _, _ =	vpop (xrf2);
	(xrf2) =	vadd.scan.msk.f32 $0xffff, v4;
	v4 =	vld [tilespmem:$0x1FED0];
	_ =	sdelay $0x4  }
0x7a: {  	vm1 =	vnez.u8 v4  }
0x7b: {  	v4 =	vnsel vm1, $0x0, v5  }
0x7c: {  	v38, _, _ =	vpop (xrf2);
	(xrf2) =	vadd.scan.msk.f32 $0xffff, v4;
	v4 =	vsel vm10, $0x0, v5  }
0x7d: {  	(xrf2) =	vadd.scan.msk.f32 $0xffff, v4;
	v4 =	vld [tilespmem:$0x1FEE0];
	_ =	sdelay $0x4  }
0x7e: {  	(v2sf) =	vpush v7, $0xF;
	vm1 =	vnez.u8 v4  }
0x7f: {  	(v2sf) =	vpush v31, $0xF;
	v4 =	vnsel vm1, $0x0, v5  }
0x80: {  	(v2sf) =	vpush v32, $0xF;
	(xrf2) =	vadd.scan.msk.f32 $0xffff, v4;
	v4 =	vld [tilespmem:$0x1FEF0]  }
0x81: {  	(v2sf) =	vpush v33, $0xF  }
0x82: {  	v36 =	vld [tilespmem:$0x130];
	(v2sf) =	vpush v34, $0xF  }
0x83: {  	(v2sf) =	vpush v35, $0xF  }
0x84: {  	(v2sf) =	vpush v37, $0xF  }
0x85: {  	(v2sf) =	vpush v38, $0xF;
	v39, _, _ =	vpop (xrf2);
	vm1 =	vnez.u8 v4  }
0x86: {  	(v2sf) =	vpush v39, $0xF;
	v40, _, _ =	vpop (xrf2);
	v4 =	vnsel vm1, $0x0, v5  }
0x87: {  	(v2sf) =	vpush v40, $0xF;
	v5, _, _ =	vpop (xrf2);
	(xrf2) =	vadd.scan.msk.f32 $0xffff, v4;
	v4 =	vnsel vm0, $0x0, v36  }
0x88: {  	(v2sf) =	vpush v5, $0xF;
	v5, _, _ =	vpop (xrf2);
	(xrf2) =	vadd.scan.msk.f32 $0xffff, v4;
	v4 =	vld [tilespmem:$0x1FF00];
	_ =	sdelay $0x4  }
0x89: {  	vm1 =	vnez.u8 v4  }
0x8a: {  	v4 =	vnsel vm1, $0x0, v36  }
0x8b: {  	(xrf2) =	vadd.scan.msk.f32 $0xffff, v4;
	v4 =	vsel vm9, $0x0, v36  }
0x8c: {  	(xrf2) =	vadd.scan.msk.f32 $0xffff, v4;
	v4 =	vld [tilespmem:$0x1FF10];
	_ =	sdelay $0x4  }
0x8d: {  	vm1 =	vnez.u8 v4  }
0x8e: {  	(v2sf) =	vpush v5, $0xF;
	v5, _, _ =	vpop (xrf2);
	v4 =	vnsel vm1, $0x0, v36  }
0x8f: {  	(v2sf) =	vpush v5, $0xF;
	v5, _, _ =	vpop (xrf2);
	(xrf2) =	vadd.scan.msk.f32 $0xffff, v4;
	v4 =	vsel vm10, $0x0, v36  }
0x90: {  	(v2sf) =	vpush v5, $0xF;
	v5, _, _ =	vpop (xrf2);
	(xrf2) =	vadd.scan.msk.f32 $0xffff, v4;
	v4 =	vld [tilespmem:$0x1FF20];
	_ =	sdelay $0x4  }
0x91: {  	vm1 =	vnez.u8 v4  }
0x92: {  	v4 =	vnsel vm1, $0x0, v36  }
0x93: {  	(v2sf) =	vpush v5, $0xF;
	v5, _, _ =	vpop (xrf2);
	(xrf2) =	vadd.scan.msk.f32 $0xffff, v4;
	v4 =	vld [tilespmem:$0x1FF30];
	_ =	sdelay $0x1  }
0x94: {  	v41 =	vld [tilespmem:$0x140];
	_ =	sdelay $0x2  }
0x95: {  	vm1 =	vnez.u8 v4  }
0x96: {  	v4 =	vnsel vm1, $0x0, v36  }
0x97: {  	(xrf2) =	vadd.scan.msk.f32 $0xffff, v4;
	v4 =	vnsel vm0, $0x0, v41  }
0x98: {  	(v2sf) =	vpush v5, $0xF;
	v5, _, _ =	vpop (xrf2);
	(xrf2) =	vadd.scan.msk.f32 $0xffff, v4;
	v4 =	vld [tilespmem:$0x1FF40];
	_ =	sdelay $0x4  }
0x99: {  	vm1 =	vnez.u8 v4  }
0x9a: {  	s29 =	spop (v2sf);
	v4 =	vnsel vm1, $0x0, v41  }
0x9b: {  	s7 =	spop (v2sf);
	(v2sf) =	vpush v5, $0xF;
	v5, _, _ =	vpop (xrf2);
	(xrf2) =	vadd.scan.msk.f32 $0xffff, v4;
	v4 =	vsel vm9, $0x0, v41  }
0x9c: {  	s22 =	spop (v2sf);
	(v2sf) =	vpush v5, $0xF;
	v5, _, _ =	vpop (xrf2);
	(xrf2) =	vadd.scan.msk.f32 $0xffff, v4;
	v4 =	vld [tilespmem:$0x1FF50];
	_ =	sdelay $0x4  }
0x9d: {  	(v2sf) =	vpush v5, $0xF;
	v5, _, _ =	vpop (xrf2);
	vm1 =	vnez.u8 v4  }
0x9e: {  	s23 =	spop (v2sf);
	(v2sf) =	vpush v5, $0xF;
	v5, _, _ =	vpop (xrf2);
	v4 =	vnsel vm1, $0x0, v41  }
0x9f: {  	s24 =	spop (v2sf);
	(v2sf) =	vpush v5, $0xF;
	v5, _, _ =	vpop (xrf2);
	(xrf2) =	vadd.scan.msk.f32 $0xffff, v4;
	v4 =	vsel vm10, $0x0, v41  }
0xa0: {  	s25 =	spop (v2sf);
	(v2sf) =	vpush v5, $0xF;
	v5, _, _ =	vpop (xrf2);
	(xrf2) =	vadd.scan.msk.f32 $0xffff, v4;
	v4 =	vld [tilespmem:$0x1FF60];
	_ =	sdelay $0x4  }
0xa1: {  	vm1 =	vnez.u8 v4  }
0xa2: {  	v4 =	vnsel vm1, $0x0, v41  }
0xa3: {  	s26 =	spop (v2sf);
	(v2sf) =	vpush v5, $0xF;
	v5, _, _ =	vpop (xrf2);
	(xrf2) =	vadd.scan.msk.f32 $0xffff, v4;
	v4 =	vld [tilespmem:$0x1FF70];
	_ =	sdelay $0x1  }
0xa4: {  	v42 =	vld [tilespmem:$0x150];
	_ =	sdelay $0x2  }
0xa5: {  	vm1 =	vnez.u8 v4  }
0xa6: {  	v4 =	vnsel vm1, $0x0, v41  }
0xa7: {  	s28 =	spop (v2sf);
	(v2sf) =	vpush v5, $0xF;
	v5, _, _ =	vpop (xrf2);
	(xrf2) =	vadd.scan.msk.f32 $0xffff, v4;
	v4 =	vnsel vm0, $0x0, v42  }
0xa8: {  	s20 =	sadd.f32 $0.0e+00, s29;
	s29 =	spop (v2sf);
	(v2sf) =	vpush v5, $0xF;
	v5, _, _ =	vpop (xrf2);
	(xrf2) =	vadd.scan.msk.f32 $0xffff, v4;
	v4 =	vld [tilespmem:$0x1FF80]  }
0xa9: {  	_ =	sdelay $0x3  }
0xaa: {  	vm1 =	vnez.u8 v4  }
0xab: {  	s22 =	sadd.f32 $0.0e+00, s22;
	s8 =	spop (v2sf);
	v4 =	vnsel vm1, $0x0, v42  }
0xac: {  	s21 =	sadd.f32 $0.0e+00, s7;
	s7 =	spop (v2sf);
	(v2sf) =	vpush v5, $0xF;
	v5, _, _ =	vpop (xrf2);
	(xrf2) =	vadd.scan.msk.f32 $0xffff, v4;
	v4 =	vsel vm9, $0x0, v42  }
0xad: {  	s22 =	sadd.f32 s8, s22;
	s8 =	spop (v2sf);
	(v2sf) =	vpush v5, $0xF;
	v5, _, _ =	vpop (xrf2);
	(xrf2) =	vadd.scan.msk.f32 $0xffff, v4;
	v4 =	vld [tilespmem:$0x1FF90]  }
0xae: {  	_ =	sdelay $0x3  }
0xaf: {  	s23 =	sadd.f32 $0.0e+00, s23;
	vm1 =	vnez.u8 v4  }
0xb0: {  	s24 =	sadd.f32 $0.0e+00, s24;
	v4 =	vnsel vm1, $0x0, v42  }
0xb1: {  	s23 =	sadd.f32 s7, s23;
	s7 =	spop (v2sf);
	(v2sf) =	vpush v5, $0xF;
	v5, _, _ =	vpop (xrf2);
	(xrf2) =	vadd.scan.msk.f32 $0xffff, v4;
	v4 =	vsel vm10, $0x0, v42  }
0xb2: {  	s24 =	sadd.f32 s8, s24;
	s8 =	spop (v2sf);
	(v2sf) =	vpush v5, $0xF;
	v5, _, _ =	vpop (xrf2);
	(xrf2) =	vadd.scan.msk.f32 $0xffff, v4;
	v4 =	vld [tilespmem:$0x1FFA0]  }
0xb3: {  	_ =	sdelay $0x3  }
0xb4: {  	s25 =	sadd.f32 $0.0e+00, s25;
	vm1 =	vnez.u8 v4  }
0xb5: {  	v4 =	vnsel vm1, $0x0, v42  }
0xb6: {  	s25 =	sadd.f32 s7, s25;
	s7 =	spop (v2sf);
	(v2sf) =	vpush v5, $0xF;
	v5, _, _ =	vpop (xrf2);
	(xrf2) =	vadd.scan.msk.f32 $0xffff, v4;
	v4 =	vld [tilespmem:$0x1FFB0]  }
0xb7: {  	_ = 	snop  }
0xb8: {  	v43 =	vld [tilespmem:$0x160];
	_ =	sdelay $0x2  }
0xb9: {  	s26 =	sadd.f32 $0.0e+00, s26;
	vm1 =	vnez.u8 v4  }
0xba: {  	s20 =	sadd.f32 s28, s20;
	v4 =	vnsel vm1, $0x0, v42  }
0xbb: {  	s26 =	sadd.f32 s8, s26;
	s8 =	spop (v2sf);
	(v2sf) =	vpush v5, $0xF;
	v5, _, _ =	vpop (xrf2);
	(xrf2) =	vadd.scan.msk.f32 $0xffff, v4;
	v4 =	vnsel vm0, $0x0, v43  }
0xbc: {  	s20 =	sadd.f32 s7, s20;
	s7 =	spop (v2sf);
	(v2sf) =	vpush v5, $0xF;
	v5, _, _ =	vpop (xrf2);
	(xrf2) =	vadd.scan.msk.f32 $0xffff, v4;
	v4 =	vld [tilespmem:$0x1FFC0]  }
0xbd: {  	_ =	sdelay $0x3  }
0xbe: {  	s21 =	sadd.f32 s29, s21;
	vm1 =	vnez.u8 v4  }
0xbf: {  	v4 =	vnsel vm1, $0x0, v43  }
0xc0: {  	s21 =	sadd.f32 s8, s21;
	s8 =	spop (v2sf);
	(v2sf) =	vpush v5, $0xF;
	v5, _, _ =	vpop (xrf2);
	(xrf2) =	vadd.scan.msk.f32 $0xffff, v4;
	v4 =	vsel vm9, $0x0, v43  }
0xc1: {  	s22 =	sadd.f32 s7, s22;
	s7 =	spop (v2sf);
	(v2sf) =	vpush v5, $0xF;
	v5, _, _ =	vpop (xrf2);
	(xrf2) =	vadd.scan.msk.f32 $0xffff, v4;
	v4 =	vld [tilespmem:$0x1FFD0]  }
0xc2: {  	_ =	sdelay $0x3  }
0xc3: {  	vm1 =	vnez.u8 v4  }
0xc4: {  	v4 =	vnsel vm1, $0x0, v43  }
0xc5: {  	(xrf2) =	vadd.scan.msk.f32 $0xffff, v4;
	v4 =	vsel vm10, $0x0, v43  }
0xc6: {  	s23 =	sadd.f32 s8, s23;
	s8 =	spop (v2sf);
	(v2sf) =	vpush v5, $0xF;
	v5, _, _ =	vpop (xrf2);
	(xrf2) =	vadd.scan.msk.f32 $0xffff, v4;
	v4 =	vld [tilespmem:$0x1FFE0]  }
0xc7: {  	_ =	sdelay $0x3  }
0xc8: {  	vm1 =	vnez.u8 v4  }
0xc9: {  	s24 =	sadd.f32 s7, s24;
	s7 =	spop (v2sf);
	(v2sf) =	vpush v5, $0xF;
	v5, _, _ =	vpop (xrf2);
	v4 =	vnsel vm1, $0x0, v43  }
0xca: {  	s25 =	sadd.f32 s8, s25;
	s8 =	spop (v2sf);
	(v2sf) =	vpush v5, $0xF;
	v5, _, _ =	vpop (xrf2);
	(xrf2) =	vadd.scan.msk.f32 $0xffff, v4;
	v4 =	vld [tilespmem:$0x1FFF0]  }
0xcb: {  	_ = 	snop  }
0xcc: {  	v44 =	vld [tilespmem:$0x170];
	_ =	sdelay $0x2  }
0xcd: {  	vm1 =	vnez.u8 v4  }
0xce: {  	v4 =	vnsel vm1, $0x0, v43  }
0xcf: {  	s26 =	sadd.f32 s7, s26;
	s7 =	spop (v2sf);
	(v2sf) =	vpush v5, $0xF;
	v5, _, _ =	vpop (xrf2);
	(xrf2) =	vadd.scan.msk.f32 $0xffff, v4;
	v4 =	vnsel vm0, $0x0, v44  }
0xd0: {  	s20 =	sadd.f32 s8, s20;
	s8 =	spop (v2sf);
	(v2sf) =	vpush v5, $0xF;
	v5, _, _ =	vpop (xrf2);
	(xrf2) =	vadd.scan.msk.f32 $0xffff, v4;
	v4 =	vnsel vm6, $0x0, v44  }
0xd1: {  	(xrf2) =	vadd.scan.msk.f32 $0xffff, v4;
	v4 =	vsel vm9, $0x0, v44  }
0xd2: {  	s21 =	sadd.f32 s7, s21;
	s7 =	spop (v2sf);
	(v2sf) =	vpush v5, $0xF;
	v5, _, _ =	vpop (xrf2);
	(xrf2) =	vadd.scan.msk.f32 $0xffff, v4;
	v4 =	vnsel vm3, $0x0, v44  }
0xd3: {  	s22 =	sadd.f32 s8, s22;
	s8 =	spop (v2sf);
	(v2sf) =	vpush v5, $0xF;
	v5, _, _ =	vpop (xrf2);
	(xrf2) =	vadd.scan.msk.f32 $0xffff, v4;
	v4 =	vsel vm10, $0x0, v44  }
0xd4: {  	s23 =	sadd.f32 s7, s23;
	s7 =	spop (v2sf);
	(v2sf) =	vpush v5, $0xF;
	v5, _, _ =	vpop (xrf2)  }
0xd5: {  	s24 =	sadd.f32 s8, s24;
	s8 =	spop (v2sf);
	(v2sf) =	vpush v5, $0xF;
	v5, _, _ =	vpop (xrf2)  }
0xd6: {  	s25 =	sadd.f32 s7, s25;
	s7 =	spop (v2sf);
	(v2sf) =	vpush v5, $0xF;
	v5 =	vnsel vm4, $0x0, v44;
	(xrf2) =	vadd.scan.msk.f32 $0xffff, v4;
	v4, _, _ =	vpop (xrf2)  }
0xd7: {  	s26 =	sadd.f32 s8, s26;
	s8 =	spop (v2sf);
	(v2sf) =	vpush v4, $0xF;
	v4, _, _ =	vpop (xrf2);
	(xrf2) =	vadd.scan.msk.f32 $0xffff, v5;
	v5 =	vnsel vm5, $0x0, v44  }
0xd8: {  	_ = 	snop  }
0xd9: {  	s20 =	sadd.f32 s7, s20;
	s7 =	spop (v2sf);
	(v2sf) =	vpush v4, $0xF;
	v4, _, _ =	vpop (xrf2)  }
0xda: {  	s21 =	sadd.f32 s8, s21;
	s8 =	spop (v2sf);
	(xrf2) =	vadd.scan.msk.f32 $0xffff, v5;
	(v2sf) =	vpush v4, $0xF;
	v5, _, _ =	vpop (xrf2)  }
0xdb: {  	s22 =	sadd.f32 s7, s22;
	s7 =	spop (v2sf);
	v4, _, _ =	vpop (xrf2);
	(v2sf) =	vpush v5, $0xF  }
0xdc: {  	s23 =	sadd.f32 s8, s23;
	s8 =	spop (v2sf);
	v5, _, _ =	vpop (xrf2);
	(v2sf) =	vpush v4, $0xF  }
0xdd: {  	s24 =	sadd.f32 s7, s24;
	s7 =	spop (v2sf);
	v4, _, _ =	vpop (xrf2);
	(v2sf) =	vpush v5, $0xF  }
0xde: {  	s25 =	sadd.f32 s8, s25;
	s8 =	spop (v2sf);
	v5, _, _ =	vpop (xrf2);
	(v2sf) =	vpush v4, $0xF  }
0xdf: {  	s26 =	sadd.f32 s7, s26;
	s7 =	spop (v2sf);
	v4, _, _ =	vpop (xrf2);
	(v2sf) =	vpush v5, $0xF  }
0xe0: {  	s20 =	sadd.f32 s8, s20;
	s8 =	spop (v2sf);
	(v2sf) =	vpush v4, $0xF  }
0xe1: {  	s21 =	sadd.f32 s7, s21;
	s7 =	spop (v2sf);
	v5, _, _ =	vpop (xrf2)  }
0xe2: {  	s22 =	sadd.f32 s8, s22;
	s8 =	spop (v2sf);
	(v2sf) =	vpush v5, $0xF;
	v4, _, _ =	vpop (xrf2)  }
0xe3: {  	s23 =	sadd.f32 s7, s23;
	s7 =	spop (v2sf);
	(v2sf) =	vpush v4, $0xF  }
0xe4: {  	s24 =	sadd.f32 s8, s24;
	s8 =	spop (v2sf);
	v4, _, _ =	vpop (xrf2)  }
0xe5: {  	s25 =	sadd.f32 s7, s25;
	s7 =	spop (v2sf);
	(v2sf) =	vpush v4, $0xF  }
0xe6: {  	s26 =	sadd.f32 s8, s26;
	s8 =	spop (v2sf)  }
0xe7: {  	s20 =	sadd.f32 s7, s20;
	s7 =	spop (v2sf)  }
0xe8: {  	s21 =	sadd.f32 s8, s21;
	s8 =	spop (v2sf)  }
0xe9: {  	s22 =	sadd.f32 s7, s22;
	s7 =	spop (v2sf)  }
0xea: {  	s23 =	sadd.f32 s8, s23;
	s8 =	spop (v2sf)  }
0xeb: {  	v4 =	vld [tilespmem:$0x0];
	s24 =	sadd.f32 s7, s24;
	s7 =	spop (v2sf)  }
0xec: {  	s25 =	sadd.f32 s8, s25;
	s8 =	spop (v2sf)  }
0xed: {  	s26 =	sadd.f32 s7, s26;
	s7 =	spop (v2sf)  }
0xee: {  	s20 =	sadd.f32 s8, s20;
	s8 =	spop (v2sf)  }
0xef: {  	s21 =	sadd.f32 s7, s21;
	s7 =	spop (v2sf)  }
0xf0: {  	vm7 =	veq.s32 v4, $0x0;
	s22 =	sadd.f32 s8, s22;
	s20 =	scvt.f32.s32 s20  }
0xf1: {  	v5 =	vsel vm7, $0x1, v0;
	s8 =	spop (v2sf);
	s23 =	sadd.f32 s7, s23  }
0xf2: {  	(xrf0) =	vadd.scan.msk.s32 $0xffff, v5;
	s21 =	scvt.f32.s32 s21;
	s7 =	spop (v2sf)  }
0xf3: {  	s28 =	simm.s32 $0x1;
	s24 =	sadd.f32 s8, s24;
	s22 =	scvt.f32.s32 s22  }
0xf4: {  	vm11 =	veq.s32 v4, $0x1;
	s29 =	sadd.s32 $0x1FF, s20;
	s25 =	sadd.f32 s7, s25;
	s8 =	spop (v2sf)  }
0xf5: {  	v5 =	vsel vm11, $0x1, v0;
	s7 =	sand.u32 $0x1FF, s29;
	p0 =	slt.s32 s29, $0x1;
	s23 =	scvt.f32.s32 s23  }
0xf6: {  	vm8 =	veq.s32 v4, $0x2;
	(xrf0) =	vadd.scan.msk.s32 $0xffff, v5;
	v5 =	vld [tilespmem:$0x10];
	s20 =	sadd.f32 s8, s26;
	s8 =	sshra.s32 s29, $0x1F;
	p1 =	sne.s32 s7, $0x0  }
0xf7: {  	v45 =	vsel vm8, $0x1, v0;
	s22 =	sadd.s32 $0x1FF, s22;
	s24 =	scvt.f32.s32 s24;
	s7 =	sshrl.u32 s8, $0x17  }
0xf8: {  	(xrf0) =	vadd.scan.msk.s32 $0xffff, v45;
	v46, _, _ =	vpop (xrf0);
	p0 =	por !p0, !p1;
	s8 =	sshra.s32 s22, $0x1F;
	p3 =	slt.s32 s22, $0x1  }
0xf9: {  	vm12 =	veq.s32 v4, $0x3;
	v4 =	vbroadcast v46, $0xF;
	s25 =	scvt.f32.s32 s25;
	s26 =	sadd.s32 s7, s29;
	p0 =	por !p0, !p0  }
0xfa: {  	v61 =	vld [tilespmem:$0x30];
	s7 =	sand.u32 $0x1FF, s22;
	s24 =	sadd.s32 $0x1FF, s24;
	s26 =	sshra.s32 s26, $0x9  }
0xfb: {  	v52 =	vld [tilespmem:$0x20];
	v47 =	vsel vm12, $0x1, v0;
	vm13 =	veq.s32 v5, $0x0;
	s28 =	simm.s32 @!p0 $0x0;
	p4 =	sne.s32 s7, $0x0;
	s29 =	sand.u32 $0x1FF, s24  }
0xfc: {  	(xrf0) =	vadd.scan.msk.s32 $0xffff, v47;
	vm14 =	veq.s32 v5, $0x1;
	v8 =	vsel vm13, $0x1, v0;
	s7 =	sshra.s32 s24, $0x1F;
	p6 =	slt.s32 s24, $0x1;
	s26 =	ssub.s32 s26, s28  }
0xfd: {  	v10 =	vsel vm14, $0x1, v0;
	(xrf0) =	vadd.scan.msk.s32 $0xffff, v8;
	v48 =	vadd.s32 s21, v4;
	v4, _, _ =	vpop (xrf0);
	s28 =	sshrl.u32 s8, $0x17;
	p0 =	por !p3, !p4;
	p5 =	sne.s32 s29, $0x0  }
0xfe: {  	v50, _, _ =	vpop (xrf0);
	(xrf0) =	vadd.scan.msk.s32 $0xffff, v10;
	s22 =	sadd.s32 s28, s22;
	p0 =	por !p0, !p0;
	s28 =	simm.s32 $0x1  }
0xff: {  	vm15 =	veq.s32 v61, $0x3;
	v6 =	vadd.s32 s21, v46;
	s8 =	sshll.u32 s26, $0x9;
	s22 =	sshra.s32 s22, $0x9;
	s28 =	simm.s32 @!p0 $0x0  }
0x100: {  	v40 =	vsel vm15, $0x1, v0;
	vm1 =	veq.s32 v52, $0x0;
	v6 =	vadd.s32 $0xFFFFFFFF, v6;
	s23 =	sadd.s32 s23, s8;
	p0 =	por !p6, !p5;
	s22 =	ssub.s32 s22, s28  }
0x101: {  	v13 =	vsel vm1, $0x1, v0;
	v6 =	vnsel vm7, $0x0, v6;
	p0 =	por !p0, !p0;
	v9 =	vadd.s32 s23, v4;
	s22 =	sadd.s32 s26, s22;
	s26 =	sshrl.u32 s7, $0x17  }
0x102: {  	vm7 =	veq.s32 v5, $0x3;
	v53, _, _ =	vpop (xrf0);
	v4 =	vbroadcast v4, $0xF;
	v49 =	vadd.s32 $0xFFFFFFFF, v9;
	s24 =	sadd.s32 s26, s24;
	s26 =	simm.s32 $0x1;
	s8 =	sshll.u32 s22, $0x9  }
0x103: {  	v55, _, _ =	vpop (xrf0);
	v9 =	vbroadcast v50, $0xF;
	v6 =	vsel vm11, v49, v6;
	vm11 =	veq.s32 v5, $0x2;
	s24 =	sshrl.u32 s24, $0x9;
	s26 =	simm.s32 @!p0 $0x0;
	s21 =	sadd.s32 s25, s8  }
0x104: {  	v11 =	vadd.s32 s23, v4;
	v57, _, _ =	vpop (xrf0);
	v54 =	vsel vm11, $0x1, v0;
	s24 =	ssub.s32 s24, s26;
	v51 =	vadd.s32 s21, v50  }
0x105: {  	s20 =	scvt.f32.s32 s20;
	v56 =	vsel vm7, $0x1, v0;
	v14 =	vadd.s32 v11, v57;
	(xrf0) =	vadd.scan.msk.s32 $0xffff, v54;
	s22 =	sadd.s32 s22, s24;
	v8 =	vadd.s32 $0xFFFFFFFF, v51  }
0x106: {  	v9 =	vadd.s32 s21, v9;
	(xrf0) =	vadd.scan.msk.s32 $0xffff, v56;
	s22 =	sshll.u32 s22, $0x9;
	v4 =	vsel vm8, v8, v6;
	v6 =	vbroadcast v53, $0xF  }
0x107: {  	v58 =	vadd.s32 $0xFFFFFFFF, v14;
	v8 =	vbroadcast v55, $0xF;
	vm8 =	veq.s32 v52, $0x3;
	s20 =	sadd.s32 s20, s22  }
0x108: {  	(xrf0) =	vadd.scan.msk.s32 $0xffff, v13;
	v21 =	vsel vm8, $0x1, v0;
	v12 =	vadd.s32 s20, v53;
	v6 =	vadd.s32 s20, v6  }
0x109: {  	v7 =	vadd.s32 v8, v48;
	v5 =	vadd.s32 $0xFFFFFFFF, v12;
	v12 =	vbroadcast v57, $0xF  }
0x10a: {  	v4 =	vsel vm12, v5, v4;
	v5 =	vadd.s32 v48, v55;
	vm12 =	veq.s32 v52, $0x1  }
0x10b: {  	v59, _, _ =	vpop (xrf0);
	v5 =	vadd.s32 $0xFFFFFFFF, v5;
	v60 =	vsel vm12, $0x1, v0;
	v11 =	vadd.s32 v12, v11  }
0x10c: {  	v62 =	vadd.s32 v9, v59;
	v8 =	vbroadcast v59, $0xF;
	v63, _, _ =	vpop (xrf0);
	v5 =	vnsel vm13, $0x0, v5  }
0x10d: {  	(xrf0) =	vadd.scan.msk.s32 $0xffff, v60;
	vm13 =	veq.s32 v52, $0x2;
	v12 =	vadd.s32 $0xFFFFFFFF, v62;
	v18 =	vadd.s32 v6, v63  }
0x10e: {  	v20, _, _ =	vpop (xrf0);
	v13 =	vbroadcast v63, $0xF;
	v5 =	vsel vm14, v58, v5;
	v15 =	vsel vm13, $0x1, v0  }
0x10f: {  	v34 =	vld [tilespmem:$0x80];
	v8 =	vadd.s32 v8, v9;
	v19 =	vadd.s32 $0xFFFFFFFF, v18;
	v22 =	vadd.s32 v7, v20;
	(xrf0) =	vadd.scan.msk.s32 $0xffff, v15  }
0x110: {  	v26 =	vbroadcast v20, $0xF;
	vm14 =	veq.s32 v61, $0x2;
	v5 =	vsel vm11, v12, v5  }
0x111: {  	vm11 =	veq.s32 v61, $0x0;
	v23 =	vadd.s32 $0xFFFFFFFF, v22;
	v13 =	vadd.s32 v13, v6;
	(xrf0) =	vadd.scan.msk.s32 $0xffff, v21  }
0x112: {  	v16 =	vsel vm14, $0x1, v0;
	v5 =	vsel vm7, v19, v5;
	v24 =	vsel vm11, $0x1, v0  }
0x113: {  	v25 =	vnsel vm1, $0x0, v23;
	vm1 =	veq.s32 v61, $0x1;
	v7 =	vadd.s32 v26, v7;
	v27, _, _ =	vpop (xrf0)  }
0x114: {  	vm7 =	veq.s32 v34, $0x0;
	(xrf0) =	vadd.scan.msk.s32 $0xffff, v24;
	v28 =	vadd.s32 v11, v27;
	v10 =	vbroadcast v27, $0xF  }
0x115: {  	v31 =	vsel vm1, $0x1, v0;
	v43 =	vsel vm7, $0x1, v0;
	v29 =	vadd.s32 $0xFFFFFFFF, v28;
	v30, _, _ =	vpop (xrf0)  }
0x116: {  	(xrf0) =	vadd.scan.msk.s32 $0xffff, v31;
	v6 =	vsel vm12, v29, v25;
	v32 =	vadd.s32 v10, v11;
	v33 =	vadd.s32 v8, v30  }
0x117: {  	v12 =	vbroadcast v30, $0xF;
	v35, _, _ =	vpop (xrf0);
	vm12 =	veq.s32 v34, $0x1;
	v10 =	vadd.s32 $0xFFFFFFFF, v33  }
0x118: {  	v31 =	vld [tilespmem:$0xB0];
	(xrf0) =	vadd.scan.msk.s32 $0xffff, v16;
	v36 =	vadd.s32 v13, v35;
	v38 =	vbroadcast v35, $0xF;
	v46 =	vsel vm12, $0x1, v0  }
0x119: {  	v48 =	vld [tilespmem:$0x90];
	v6 =	vsel vm13, v10, v6;
	v8 =	vadd.s32 v12, v8;
	v10 =	vadd.s32 $0xFFFFFFFF, v36  }
0x11a: {  	vm13 =	veq.s32 v34, $0x3;
	v37, _, _ =	vpop (xrf0);
	v6 =	vsel vm8, v10, v6;
	(xrf0) =	vadd.scan.msk.s32 $0xffff, v40;
	v13 =	vadd.s32 v38, v13  }
0x11b: {  	vm8 =	veq.s32 v34, $0x2;
	v52 =	vsel vm13, $0x1, v0;
	v39 =	vadd.s32 v7, v37  }
0x11c: {  	v12 =	vbroadcast v37, $0xF;
	v50 =	vsel vm8, $0x1, v0;
	v41 =	vadd.s32 $0xFFFFFFFF, v39;
	v42, _, _ =	vpop (xrf0)  }
0x11d: {  	vm2 =	veq.s32 v31, $0x1;
	v10 =	vnsel vm11, $0x0, v41;
	v44 =	vadd.s32 v32, v42  }
0x11e: {  	v63 =	vld [tilespmem:$0xA0];
	(xrf0) =	vadd.scan.msk.s32 $0xffff, v43;
	v14 =	vbroadcast v42, $0xF;
	v7 =	vadd.s32 v7, v12;
	v47, _, _ =	vpop (xrf0);
	vm11 =	veq.s32 v48, $0x0  }
0x11f: {  	(xrf0) =	vadd.scan.msk.s32 $0xffff, v46;
	v45 =	vadd.s32 $0xFFFFFFFF, v44;
	v49 =	vadd.s32 v8, v47;
	v12 =	vbroadcast v47, $0xF  }
0x120: {  	v57 =	vsel vm11, $0x1, v0;
	v44 =	vsel vm2, $0x1, v0;
	v10 =	vsel vm1, v45, v10;
	v17, _, _ =	vpop (xrf0);
	(xrf0) =	vadd.scan.msk.s32 $0xffff, v50  }
0x121: {  	v9 =	vadd.s32 v14, v32;
	v14 =	vadd.s32 $0xFFFFFFFF, v49;
	vm1 =	veq.s32 v48, $0x3  }
0x122: {  	v10 =	vsel vm14, v14, v10;
	v8 =	vadd.s32 v12, v8;
	v51 =	vadd.s32 v13, v17  }
0x123: {  	v28 =	vsel vm1, $0x1, v0;
	vm14 =	veq.s32 v63, $0x0;
	v11 =	vadd.s32 $0xFFFFFFFF, v51  }
0x124: {  	v53 =	vbroadcast v17, $0xF;
	v54, _, _ =	vpop (xrf0);
	(xrf0) =	vadd.scan.msk.s32 $0xffff, v52;
	v10 =	vsel vm15, v11, v10;
	vm15 =	veq.s32 v48, $0x1  }
0x125: {  	v30 =	vsel vm14, $0x1, v0;
	v55 =	vadd.s32 v7, v54;
	v56, _, _ =	vpop (xrf0);
	(xrf0) =	vadd.scan.msk.s32 $0xffff, v57;
	v18 =	vsel vm15, $0x1, v0  }
0x126: {  	v12 =	vadd.s32 v53, v13;
	v16 =	vbroadcast v54, $0xF;
	v11 =	vadd.s32 $0xFFFFFFFF, v55;
	v60, _, _ =	vpop (xrf0);
	(xrf0) =	vadd.scan.msk.s32 $0xffff, v18  }
0x127: {  	v58 =	vadd.s32 v9, v56;
	v13 =	vbroadcast v56, $0xF;
	v11 =	vnsel vm7, $0x0, v11  }
0x128: {  	v59 =	vadd.s32 $0xFFFFFFFF, v58;
	v7 =	vadd.s32 v7, v16;
	vm7 =	veq.s32 v63, $0x3  }
0x129: {  	v11 =	vsel vm12, v59, v11;
	vm12 =	veq.s32 v48, $0x2;
	v9 =	vadd.s32 v13, v9  }
0x12a: {  	v38 =	vsel vm7, $0x1, v0;
	v61 =	vadd.s32 v8, v60;
	v17 =	vbroadcast v60, $0xF;
	v62, _, _ =	vpop (xrf0)  }
0x12b: {  	v20 =	vsel vm12, $0x1, v0;
	v14 =	vadd.s32 $0xFFFFFFFF, v61;
	v19 =	vadd.s32 v12, v62;
	v25, _, _ =	vpop (xrf0)  }
0x12c: {  	(xrf0) =	vadd.scan.msk.s32 $0xffff, v20;
	v11 =	vsel vm8, v14, v11;
	v16 =	vbroadcast v62, $0xF;
	v26 =	vadd.s32 v7, v25;
	v27, _, _ =	vpop (xrf0)  }
0x12d: {  	v13 =	vbroadcast v25, $0xF;
	v14 =	vadd.s32 $0xFFFFFFFF, v26;
	v29 =	vadd.s32 v9, v27  }
0x12e: {  	(xrf0) =	vadd.scan.msk.s32 $0xffff, v28;
	v24 =	vadd.s32 $0xFFFFFFFF, v19;
	v14 =	vnsel vm11, $0x0, v14;
	v32 =	vadd.s32 $0xFFFFFFFF, v29  }
0x12f: {  	v7 =	vadd.s32 v7, v13;
	(xrf0) =	vadd.scan.msk.s32 $0xffff, v30;
	v13 =	vsel vm15, v32, v14;
	vm15 =	veq.s32 v63, $0x1  }
0x130: {  	v11 =	vsel vm13, v24, v11;
	vm13 =	veq.s32 v63, $0x2;
	v36 =	vsel vm15, $0x1, v0  }
0x131: {  	v8 =	vadd.s32 v17, v8;
	vm8 =	veq.s32 v31, $0x0;
	v37 =	vsel vm13, $0x1, v0;
	(xrf0) =	vadd.scan.msk.s32 $0xffff, v36  }
0x132: {  	v40 =	vsel vm8, $0x1, v0;
	vm11 =	veq.s32 v31, $0x2;
	v33 =	vbroadcast v27, $0xF;
	v34, _, _ =	vpop (xrf0);
	(xrf0) =	vadd.scan.msk.s32 $0xffff, v37  }
0x133: {  	v12 =	vadd.s32 v16, v12;
	v47 =	vsel vm11, $0x1, v0;
	v35 =	vadd.s32 v8, v34;
	(xrf0) =	vadd.scan.msk.s32 $0xffff, v38  }
0x134: {  	[tilespmem:$0x190] =	vst v5;
	v15 =	vbroadcast v34, $0xF;
	v9 =	vadd.s32 v33, v9;
	v39, _, _ =	vpop (xrf0);
	v16 =	vadd.s32 $0xFFFFFFFF, v35  }
0x135: {  	v41 =	vadd.s32 v12, v39;
	v5 =	vbroadcast v39, $0xF;
	v13 =	vsel vm12, v16, v13;
	v42, _, _ =	vpop (xrf0);
	(xrf0) =	vadd.scan.msk.s32 $0xffff, v40  }
0x136: {  	v8 =	vadd.s32 v15, v8;
	v15 =	vadd.s32 $0xFFFFFFFF, v41;
	v43 =	vadd.s32 $0xFFFFFFFF, v42  }
0x137: {  	vm12 =	veq.s32 v31, $0x3;
	v13 =	vsel vm1, v15, v13;
	v16 =	vbroadcast v43, $0xF;
	(xrf0) =	vadd.scan.msk.s32 $0xffff, v44;
	v46, _, _ =	vpop (xrf0)  }
0x138: {  	v49 =	vsel vm12, $0x1, v0;
	v5 =	vadd.s32 v5, v12;
	v45 =	vadd.s32 v7, v43;
	(xrf0) =	vadd.scan.msk.s32 $0xffff, v47;
	v48, _, _ =	vpop (xrf0)  }
0x139: {  	v15 =	vnsel vm14, $0x0, v45;
	v7 =	vadd.s32 v7, v16;
	v17 =	vadd.s32 $0xFFFFFFFF, v46;
	v50, _, _ =	vpop (xrf0);
	(xrf0) =	vadd.scan.msk.s32 $0xffff, v49  }
0x13a: {  	v51 =	vadd.s32 v9, v17;
	v19 =	vadd.s32 $0xFFFFFFFF, v48;
	v17 =	vbroadcast v17, $0xF  }
0x13b: {  	v15 =	vsel vm15, v51, v15;
	v52, _, _ =	vpop (xrf0);
	v53 =	vadd.s32 v8, v19;
	v56 =	vadd.s32 $0xFFFFFFFF, v50  }
0x13c: {  	[tilespmem:$0x180] =	vst v4;
	v57 =	vbroadcast v19, $0xF;
	v15 =	vsel vm13, v53, v15;
	v4 =	vadd.s32 v52, v7  }
0x13d: {  	[tilespmem:$0x1A0] =	vst v6;
	v54 =	vadd.s32 v9, v17;
	v55, _, _ =	vpop (xrf0);
	v59 =	vbroadcast v56, $0xF;
	v61 =	vadd.s32 v5, v56  }
0x13e: {  	[tilespmem:$0x1B0] =	vst v10;
	v4 =	vnsel vm8, $0x0, v4;
	v58 =	vadd.s32 v55, v54;
	v8 =	vadd.s32 v8, v57;
	v60, _, _ =	vpop (xrf0)  }
0x13f: {  	[tilespmem:$0x200] =	vst v11;
	v4 =	vsel vm2, v58, v4;
	v5 =	vadd.s32 v5, v59;
	v6 =	vadd.s32 v60, v8;
	v62, _, _ =	vpop (xrf0)  }
0x140: {  	[tilespmem:$0x210] =	vst v13;
	v63 =	vsel vm7, v61, v15;
	v4 =	vsel vm11, v6, v4;
	v5 =	vadd.s32 v62, v5  }
0x141: {  	s25 =	rddreg [dreg:$0x6];
	[tilespmem:$0x220] =	vst v63;
	v4 =	vsel vm12, v5, v4  }
0x142: {  	s26 =	rddreg [dreg:$0xb];
	[tilespmem:$0x230] =	vst v4  }
0x143: {  	[hbm4b:s25+s2] =	stream.linear.scatter [tilespmem:s26], [sflag:$0x2], $0x40, $0x38;
	[tilespmem:$0xE280] =	vst v63  }
0x144: {  	_ =	swait.ge [sflag:s0], $0x40  }
0x145: {  	s28 =	rddreg [dreg:$0x7];
	[sflag:s0] =	ssyncset.done $0x0  }
0x146: {  	s29 =	rddreg [dreg:$0xc];
	[sflag:s0] =	ssyncadd.s32 $0xFFFFFFC0  }
0x147: {  	[hbm4b:s28+s2] =	stream.linear.scatter [tilespmem:s29], [sflag:$0x2], $0x40, $0x38;
	[tilespmem:$0xE280] =	vst v63  }
0x148: {  	_ =	swait.ge [sflag:s0], $0x40  }
0x149: {  	[sflag:s0] =	ssyncset.done $0x0  }
0x14a: {  	s8 =	simm.s32 $0x280;
	s7 =	rddreg [dreg:$0x8];
	[sflag:s0] =	ssyncadd.s32 $0xFFFFFFC0  }
0x14b: {  	[tilespmem:s8], [sflag:$0x2] =	stream.linear.gather [hbm4b:s7+s2], $0xE000, $0x38;
	[tilespmem:$0xE280] =	vst v63  }
0x14c: {  	_ =	swait.ge [sflag:s0], $0xE000  }
0x14d: {  	[sflag:s0] =	ssyncset.done $0x0  }
0x14e: {  	[sflag:s0] =	ssyncadd.s32 $0xFFFF2000  }
0x14f: {  	v4 =	vld [tilespmem:$0x180];
	_ =	sdelay $0x4  }
0x150: {  	v5 =	vshrl.u32 v4, $0x3  }
0x151: {  	v5 =	vmul.u32 $0x38, v5  }
0x152: {  	v4 =	vand.u32 $0x7, v4  }
0x153: {  	v4 =	vor.u32 v4, v5  }
0x154: {  	v5 =	vperm.xlane v4, v1;
	_ =	sdelay $0x1  }
0x155: {  	v5 =	vadd.s32 v2, v5;
	_ =	sdelay $0x3  }
0x156: {  	vm7 =	vmmov $0xffff  }
0x157: {  	[hbm4b:s3+s2] =	stream.indirect_vreg.scatter [tilespmem:s8], [sflag:$0x1], $0x80, v5, vm7, $0xb8;
	[tilespmem:$0xE280] =	vst v63  }
0x158: {  	s21 =	simm.s32 $0xA80;
	v4 =	vperm.xlane v4, v3  }
0x159: {  	[hbm4b:s4+s2] =	stream.indirect_vreg.scatter [tilespmem:s21], [sflag:$0x1], $0x80, v5, vm7, $0xb8;
	[tilespmem:$0xE280] =	vst v63  }
0x15a: {  	s22 =	simm.s32 $0x1280;
	v4 =	vadd.s32 v2, v4  }
0x15b: {  	[hbm4b:s5+s2] =	stream.indirect_vreg.scatter [tilespmem:s22], [sflag:$0x1], $0x80, v5, vm7, $0xb8;
	[tilespmem:$0xE280] =	vst v63  }
0x15c: {  	vm8 =	vmmov $0xff;
	s22 =	simm.s32 $0x1A80  }
0x15d: {  	[hbm4b:s6+s2] =	stream.indirect_vreg.scatter [tilespmem:s22], [sflag:$0x1], $0x80, v5, vm8, $0xb8;
	[tilespmem:$0xE280] =	vst v63  }
0x15e: {  	s23 =	simm.s32 $0x1E80  }
0x15f: {  	[hbm4b:s3+s2] =	stream.indirect_vreg.scatter [tilespmem:s23], [sflag:$0x1], $0x80, v4, vm7, $0xb8;
	[tilespmem:$0xE280] =	vst v63  }
0x160: {  	s24 =	simm.s32 $0x2680  }
0x161: {  	[hbm4b:s4+s2] =	stream.indirect_vreg.scatter [tilespmem:s24], [sflag:$0x1], $0x80, v4, vm7, $0xb8;
	[tilespmem:$0xE280] =	vst v63  }
0x162: {  	s25 =	simm.s32 $0x2E80  }
0x163: {  	[hbm4b:s5+s2] =	stream.indirect_vreg.scatter [tilespmem:s25], [sflag:$0x1], $0x80, v4, vm7, $0xb8;
	[tilespmem:$0xE280] =	vst v63  }
0x164: {  	s26 =	simm.s32 $0x3680  }
0x165: {  	[hbm4b:s6+s2] =	stream.indirect_vreg.scatter [tilespmem:s26], [sflag:$0x1], $0x80, v4, vm8, $0xb8;
	[tilespmem:$0xE280] =	vst v63  }
0x166: {  	v4 =	vld [tilespmem:$0x190];
	_ =	sdelay $0x4  }
0x167: {  	v5 =	vshrl.u32 v4, $0x3  }
0x168: {  	v5 =	vmul.u32 $0x38, v5  }
0x169: {  	v4 =	vand.u32 $0x7, v4  }
0x16a: {  	v4 =	vor.u32 v4, v5  }
0x16b: {  	v5 =	vperm.xlane v4, v1;
	_ =	sdelay $0x1  }
0x16c: {  	v5 =	vadd.s32 v2, v5;
	_ =	sdelay $0x3  }
0x16d: {  	s28 =	simm.s32 $0x3A80  }
0x16e: {  	[hbm4b:s3+s2] =	stream.indirect_vreg.scatter [tilespmem:s28], [sflag:$0x1], $0x80, v5, vm7, $0xb8;
	[tilespmem:$0xE280] =	vst v63  }
0x16f: {  	s29 =	simm.s32 $0x4280;
	v4 =	vperm.xlane v4, v3  }
0x170: {  	[hbm4b:s4+s2] =	stream.indirect_vreg.scatter [tilespmem:s29], [sflag:$0x1], $0x80, v5, vm7, $0xb8;
	[tilespmem:$0xE280] =	vst v63  }
0x171: {  	v4 =	vadd.s32 v2, v4  }
0x172: {  	[hbm4b:s5+s2] =	stream.indirect_vreg.scatter [tilespmem:s30], [sflag:$0x1], $0x80, v5, vm7, $0xb8;
	[tilespmem:$0xE280] =	vst v63  }
0x173: {  	_ = 	snop  }
0x174: {  	[hbm4b:s6+s2] =	stream.indirect_vreg.scatter [tilespmem:s31], [sflag:$0x1], $0x80, v5, vm8, $0xb8;
	[tilespmem:$0xE280] =	vst v63  }
0x175: {  	_ = 	snop  }
0x176: {  	[hbm4b:s3+s2] =	stream.indirect_vreg.scatter [tilespmem:s1], [sflag:$0x1], $0x80, v4, vm7, $0xb8;
	[tilespmem:$0xE280] =	vst v63  }
0x177: {  	s0 =	simm.s32 $0x5E80  }
0x178: {  	[hbm4b:s4+s2] =	stream.indirect_vreg.scatter [tilespmem:s0], [sflag:$0x1], $0x80, v4, vm7, $0xb8;
	[tilespmem:$0xE280] =	vst v63  }
0x179: {  	_ = 	snop  }
0x17a: {  	[hbm4b:s5+s2] =	stream.indirect_vreg.scatter [tilespmem:s11], [sflag:$0x1], $0x80, v4, vm7, $0xb8;
	[tilespmem:$0xE280] =	vst v63  }
0x17b: {  	_ = 	snop  }
0x17c: {  	[hbm4b:s6+s2] =	stream.indirect_vreg.scatter [tilespmem:s12], [sflag:$0x1], $0x80, v4, vm8, $0xb8;
	[tilespmem:$0xE280] =	vst v63  }
0x17d: {  	v4 =	vld [tilespmem:$0x1A0];
	_ =	sdelay $0x4  }
0x17e: {  	v5 =	vshrl.u32 v4, $0x3  }
0x17f: {  	v5 =	vmul.u32 $0x38, v5  }
0x180: {  	v4 =	vand.u32 $0x7, v4  }
0x181: {  	v4 =	vor.u32 v4, v5  }
0x182: {  	v5 =	vperm.xlane v4, v1;
	_ =	sdelay $0x1  }
0x183: {  	v5 =	vadd.s32 v2, v5;
	_ =	sdelay $0x4  }
0x184: {  	[hbm4b:s3+s2] =	stream.indirect_vreg.scatter [tilespmem:s13], [sflag:$0x1], $0x80, v5, vm7, $0xb8;
	[tilespmem:$0xE280] =	vst v63  }
0x185: {  	v4 =	vperm.xlane v4, v3  }
0x186: {  	[hbm4b:s4+s2] =	stream.indirect_vreg.scatter [tilespmem:s14], [sflag:$0x1], $0x80, v5, vm7, $0xb8;
	[tilespmem:$0xE280] =	vst v63  }
0x187: {  	v4 =	vadd.s32 v2, v4  }
0x188: {  	[hbm4b:s5+s2] =	stream.indirect_vreg.scatter [tilespmem:s15], [sflag:$0x1], $0x80, v5, vm7, $0xb8;
	[tilespmem:$0xE280] =	vst v63  }
0x189: {  	_ = 	snop  }
0x18a: {  	[hbm4b:s6+s2] =	stream.indirect_vreg.scatter [tilespmem:s16], [sflag:$0x1], $0x80, v5, vm8, $0xb8;
	[tilespmem:$0xE280] =	vst v63  }
0x18b: {  	_ = 	snop  }
0x18c: {  	[hbm4b:s3+s2] =	stream.indirect_vreg.scatter [tilespmem:s17], [sflag:$0x1], $0x80, v4, vm7, $0xb8;
	[tilespmem:$0xE280] =	vst v63  }
0x18d: {  	_ = 	snop  }
0x18e: {  	[hbm4b:s4+s2] =	stream.indirect_vreg.scatter [tilespmem:s18], [sflag:$0x1], $0x80, v4, vm7, $0xb8;
	[tilespmem:$0xE280] =	vst v63  }
0x18f: {  	_ = 	snop  }
0x190: {  	[hbm4b:s5+s2] =	stream.indirect_vreg.scatter [tilespmem:s19], [sflag:$0x1], $0x80, v4, vm7, $0xb8;
	[tilespmem:$0xE280] =	vst v63  }
0x191: {  	_ = 	snop  }
0x192: {  	[hbm4b:s6+s2] =	stream.indirect_vreg.scatter [tilespmem:s10], [sflag:$0x1], $0x80, v4, vm8, $0xb8;
	[tilespmem:$0xE280] =	vst v63  }
0x193: {  	v4 =	vld [tilespmem:$0x1B0];
	_ =	sdelay $0x4  }
0x194: {  	v5 =	vshrl.u32 v4, $0x3  }
0x195: {  	v5 =	vmul.u32 $0x38, v5  }
0x196: {  	v4 =	vand.u32 $0x7, v4  }
0x197: {  	v4 =	vor.u32 v4, v5  }
0x198: {  	v5 =	vperm.xlane v4, v1;
	_ =	sdelay $0x1  }
0x199: {  	v5 =	vadd.s32 v2, v5;
	_ =	sdelay $0x3  }
0x19a: {  	s20 =	simm.s32 $0xAA80  }
0x19b: {  	[hbm4b:s3+s2] =	stream.indirect_vreg.scatter [tilespmem:s20], [sflag:$0x1], $0x80, v5, vm7, $0xb8;
	[tilespmem:$0xE280] =	vst v63  }
0x19c: {  	s21 =	simm.s32 $0xB280;
	v4 =	vperm.xlane v4, v3  }
0x19d: {  	[hbm4b:s4+s2] =	stream.indirect_vreg.scatter [tilespmem:s21], [sflag:$0x1], $0x80, v5, vm7, $0xb8;
	[tilespmem:$0xE280] =	vst v63  }
0x19e: {  	s7 =	simm.s32 $0xBA80;
	v4 =	vadd.s32 v2, v4  }
0x19f: {  	[hbm4b:s5+s2] =	stream.indirect_vreg.scatter [tilespmem:s7], [sflag:$0x1], $0x80, v5, vm7, $0xb8;
	[tilespmem:$0xE280] =	vst v63  }
0x1a0: {  	s7 =	simm.s32 $0xC280  }
0x1a1: {  	[hbm4b:s6+s2] =	stream.indirect_vreg.scatter [tilespmem:s7], [sflag:$0x1], $0x80, v5, vm8, $0xb8;
	[tilespmem:$0xE280] =	vst v63  }
0x1a2: {  	s7 =	simm.s32 $0xC680  }
0x1a3: {  	[hbm4b:s3+s2] =	stream.indirect_vreg.scatter [tilespmem:s7], [sflag:$0x1], $0x80, v4, vm7, $0xb8;
	[tilespmem:$0xE280] =	vst v63  }
0x1a4: {  	s7 =	simm.s32 $0xCE80  }
0x1a5: {  	[hbm4b:s4+s2] =	stream.indirect_vreg.scatter [tilespmem:s7], [sflag:$0x1], $0x80, v4, vm7, $0xb8;
	[tilespmem:$0xE280] =	vst v63  }
0x1a6: {  	s7 =	simm.s32 $0xD680  }
0x1a7: {  	[hbm4b:s5+s2] =	stream.indirect_vreg.scatter [tilespmem:s7], [sflag:$0x1], $0x80, v4, vm7, $0xb8;
	[tilespmem:$0xE280] =	vst v63  }
0x1a8: {  	s7 =	simm.s32 $0xDE80  }
0x1a9: {  	[hbm4b:s6+s2] =	stream.indirect_vreg.scatter [tilespmem:s7], [sflag:$0x1], $0x80, v4, vm8, $0xb8;
	[tilespmem:$0xE280] =	vst v63  }
0x1aa: {  	s7 =	simm.s32 $0x1  }
0x1ab: {  	_ =	swait.ge [sflag:s7], $0xE000  }
0x1ac: {  	[sflag:s7] =	ssyncset.done $0x0  }
0x1ad: {  	[sflag:s7] =	ssyncadd.s32 $0xFFFF2000  }
0x1ae: {  	v4 =	vld [tilespmem:$0x200];
	_ =	sdelay $0x4  }
0x1af: {  	v5 =	vshrl.u32 v4, $0x3  }
0x1b0: {  	v5 =	vmul.u32 $0x38, v5  }
0x1b1: {  	v4 =	vand.u32 $0x7, v4  }
0x1b2: {  	v4 =	vor.u32 v4, v5  }
0x1b3: {  	v5 =	vperm.xlane v4, v1;
	_ =	sdelay $0x1  }
0x1b4: {  	v5 =	vadd.s32 v2, v5;
	_ =	sdelay $0x4  }
0x1b5: {  	[hbm4b:s3+s2] =	stream.indirect_vreg.scatter [tilespmem:s8], [sflag:$0x1], $0x80, v5, vm7, $0xb8;
	[tilespmem:$0xE280] =	vst v63  }
0x1b6: {  	v4 =	vperm.xlane v4, v3;
	s8 =	simm.s32 $0xA80  }
0x1b7: {  	[hbm4b:s4+s2] =	stream.indirect_vreg.scatter [tilespmem:s8], [sflag:$0x1], $0x80, v5, vm7, $0xb8;
	[tilespmem:$0xE280] =	vst v63  }
0x1b8: {  	v4 =	vadd.s32 v2, v4;
	s8 =	simm.s32 $0x1280  }
0x1b9: {  	[hbm4b:s5+s2] =	stream.indirect_vreg.scatter [tilespmem:s8], [sflag:$0x1], $0x80, v5, vm7, $0xb8;
	[tilespmem:$0xE280] =	vst v63  }
0x1ba: {  	_ = 	snop  }
0x1bb: {  	[hbm4b:s6+s2] =	stream.indirect_vreg.scatter [tilespmem:s22], [sflag:$0x1], $0x80, v5, vm8, $0xb8;
	[tilespmem:$0xE280] =	vst v63  }
0x1bc: {  	_ = 	snop  }
0x1bd: {  	[hbm4b:s3+s2] =	stream.indirect_vreg.scatter [tilespmem:s23], [sflag:$0x1], $0x80, v4, vm7, $0xb8;
	[tilespmem:$0xE280] =	vst v63  }
0x1be: {  	_ = 	snop  }
0x1bf: {  	[hbm4b:s4+s2] =	stream.indirect_vreg.scatter [tilespmem:s24], [sflag:$0x1], $0x80, v4, vm7, $0xb8;
	[tilespmem:$0xE280] =	vst v63  }
0x1c0: {  	_ = 	snop  }
0x1c1: {  	[hbm4b:s5+s2] =	stream.indirect_vreg.scatter [tilespmem:s25], [sflag:$0x1], $0x80, v4, vm7, $0xb8;
	[tilespmem:$0xE280] =	vst v63  }
0x1c2: {  	_ = 	snop  }
0x1c3: {  	[hbm4b:s6+s2] =	stream.indirect_vreg.scatter [tilespmem:s26], [sflag:$0x1], $0x80, v4, vm8, $0xb8;
	[tilespmem:$0xE280] =	vst v63  }
0x1c4: {  	v4 =	vld [tilespmem:$0x210];
	_ =	sdelay $0x4  }
0x1c5: {  	v5 =	vshrl.u32 v4, $0x3  }
0x1c6: {  	v5 =	vmul.u32 $0x38, v5  }
0x1c7: {  	v4 =	vand.u32 $0x7, v4  }
0x1c8: {  	v4 =	vor.u32 v4, v5  }
0x1c9: {  	v5 =	vperm.xlane v4, v1;
	_ =	sdelay $0x1  }
0x1ca: {  	v5 =	vadd.s32 v2, v5;
	_ =	sdelay $0x4  }
0x1cb: {  	[hbm4b:s3+s2] =	stream.indirect_vreg.scatter [tilespmem:s28], [sflag:$0x1], $0x80, v5, vm7, $0xb8;
	[tilespmem:$0xE280] =	vst v63  }
0x1cc: {  	v4 =	vperm.xlane v4, v3  }
0x1cd: {  	[hbm4b:s4+s2] =	stream.indirect_vreg.scatter [tilespmem:s29], [sflag:$0x1], $0x80, v5, vm7, $0xb8;
	[tilespmem:$0xE280] =	vst v63  }
0x1ce: {  	v4 =	vadd.s32 v2, v4  }
0x1cf: {  	[hbm4b:s5+s2] =	stream.indirect_vreg.scatter [tilespmem:s30], [sflag:$0x1], $0x80, v5, vm7, $0xb8;
	[tilespmem:$0xE280] =	vst v63  }
0x1d0: {  	_ = 	snop  }
0x1d1: {  	[hbm4b:s6+s2] =	stream.indirect_vreg.scatter [tilespmem:s31], [sflag:$0x1], $0x80, v5, vm8, $0xb8;
	[tilespmem:$0xE280] =	vst v63  }
0x1d2: {  	_ = 	snop  }
0x1d3: {  	[hbm4b:s3+s2] =	stream.indirect_vreg.scatter [tilespmem:s1], [sflag:$0x1], $0x80, v4, vm7, $0xb8;
	[tilespmem:$0xE280] =	vst v63  }
0x1d4: {  	_ = 	snop  }
0x1d5: {  	[hbm4b:s4+s2] =	stream.indirect_vreg.scatter [tilespmem:s0], [sflag:$0x1], $0x80, v4, vm7, $0xb8;
	[tilespmem:$0xE280] =	vst v63  }
0x1d6: {  	_ = 	snop  }
0x1d7: {  	[hbm4b:s5+s2] =	stream.indirect_vreg.scatter [tilespmem:s11], [sflag:$0x1], $0x80, v4, vm7, $0xb8;
	[tilespmem:$0xE280] =	vst v63  }
0x1d8: {  	_ = 	snop  }
0x1d9: {  	[hbm4b:s6+s2] =	stream.indirect_vreg.scatter [tilespmem:s12], [sflag:$0x1], $0x80, v4, vm8, $0xb8;
	[tilespmem:$0xE280] =	vst v63  }
0x1da: {  	v4 =	vld [tilespmem:$0x220];
	_ =	sdelay $0x4  }
0x1db: {  	v5 =	vshrl.u32 v4, $0x3  }
0x1dc: {  	v5 =	vmul.u32 $0x38, v5  }
0x1dd: {  	v4 =	vand.u32 $0x7, v4  }
0x1de: {  	v4 =	vor.u32 v4, v5  }
0x1df: {  	v5 =	vperm.xlane v4, v1;
	_ =	sdelay $0x1  }
0x1e0: {  	v5 =	vadd.s32 v2, v5;
	_ =	sdelay $0x4  }
0x1e1: {  	[hbm4b:s3+s2] =	stream.indirect_vreg.scatter [tilespmem:s13], [sflag:$0x1], $0x80, v5, vm7, $0xb8;
	[tilespmem:$0xE280] =	vst v63  }
0x1e2: {  	v4 =	vperm.xlane v4, v3  }
0x1e3: {  	[hbm4b:s4+s2] =	stream.indirect_vreg.scatter [tilespmem:s14], [sflag:$0x1], $0x80, v5, vm7, $0xb8;
	[tilespmem:$0xE280] =	vst v63  }
0x1e4: {  	v4 =	vadd.s32 v2, v4  }
0x1e5: {  	[hbm4b:s5+s2] =	stream.indirect_vreg.scatter [tilespmem:s15], [sflag:$0x1], $0x80, v5, vm7, $0xb8;
	[tilespmem:$0xE280] =	vst v63  }
0x1e6: {  	_ = 	snop  }
0x1e7: {  	[hbm4b:s6+s2] =	stream.indirect_vreg.scatter [tilespmem:s16], [sflag:$0x1], $0x80, v5, vm8, $0xb8;
	[tilespmem:$0xE280] =	vst v63  }
0x1e8: {  	_ = 	snop  }
0x1e9: {  	[hbm4b:s3+s2] =	stream.indirect_vreg.scatter [tilespmem:s17], [sflag:$0x1], $0x80, v4, vm7, $0xb8;
	[tilespmem:$0xE280] =	vst v63  }
0x1ea: {  	_ = 	snop  }
0x1eb: {  	[hbm4b:s4+s2] =	stream.indirect_vreg.scatter [tilespmem:s18], [sflag:$0x1], $0x80, v4, vm7, $0xb8;
	[tilespmem:$0xE280] =	vst v63  }
0x1ec: {  	_ = 	snop  }
0x1ed: {  	[hbm4b:s5+s2] =	stream.indirect_vreg.scatter [tilespmem:s19], [sflag:$0x1], $0x80, v4, vm7, $0xb8;
	[tilespmem:$0xE280] =	vst v63  }
0x1ee: {  	_ = 	snop  }
0x1ef: {  	[hbm4b:s6+s2] =	stream.indirect_vreg.scatter [tilespmem:s10], [sflag:$0x1], $0x80, v4, vm8, $0xb8;
	[tilespmem:$0xE280] =	vst v63  }
0x1f0: {  	v4 =	vld [tilespmem:$0x230];
	_ =	sdelay $0x4  }
0x1f1: {  	v5 =	vshrl.u32 v4, $0x3  }
0x1f2: {  	v5 =	vmul.u32 $0x38, v5  }
0x1f3: {  	v4 =	vand.u32 $0x7, v4  }
0x1f4: {  	v4 =	vor.u32 v4, v5  }
0x1f5: {  	v5 =	vperm.xlane v4, v1;
	_ =	sdelay $0x1  }
0x1f6: {  	v5 =	vadd.s32 v2, v5;
	_ =	sdelay $0x4  }
0x1f7: {  	[hbm4b:s3+s2] =	stream.indirect_vreg.scatter [tilespmem:s20], [sflag:$0x1], $0x80, v5, vm7, $0xb8;
	[tilespmem:$0xE280] =	vst v63  }
0x1f8: {  	v4 =	vperm.xlane v4, v3  }
0x1f9: {  	[hbm4b:s4+s2] =	stream.indirect_vreg.scatter [tilespmem:s21], [sflag:$0x1], $0x80, v5, vm7, $0xb8;
	[tilespmem:$0xE280] =	vst v63  }
0x1fa: {  	s23 =	simm.s32 $0xBA80;
	v4 =	vadd.s32 v2, v4  }
0x1fb: {  	[hbm4b:s5+s2] =	stream.indirect_vreg.scatter [tilespmem:s23], [sflag:$0x1], $0x80, v5, vm7, $0xb8;
	[tilespmem:$0xE280] =	vst v63  }
0x1fc: {  	s24 =	simm.s32 $0xC280  }
0x1fd: {  	[hbm4b:s6+s2] =	stream.indirect_vreg.scatter [tilespmem:s24], [sflag:$0x1], $0x80, v5, vm8, $0xb8;
	[tilespmem:$0xE280] =	vst v63  }
0x1fe: {  	s25 =	simm.s32 $0xC680  }
0x1ff: {  	[hbm4b:s3+s2] =	stream.indirect_vreg.scatter [tilespmem:s25], [sflag:$0x1], $0x80, v4, vm7, $0xb8;
	[tilespmem:$0xE280] =	vst v63  }
0x200: {  	s26 =	simm.s32 $0xCE80  }
0x201: {  	[hbm4b:s4+s2] =	stream.indirect_vreg.scatter [tilespmem:s26], [sflag:$0x1], $0x80, v4, vm7, $0xb8;
	[tilespmem:$0xE280] =	vst v63  }
0x202: {  	p0 =	sne.s32 s9, $0x1;
	s28 =	simm.s32 $0xD680  }
0x203: {  	[hbm4b:s5+s2] =	stream.indirect_vreg.scatter [tilespmem:s28], [sflag:$0x1], $0x80, v4, vm7, $0xb8;
	[tilespmem:$0xE280] =	vst v63  }
.Ltmp0:
0x204: {  	s29 =	simm.s32 $0xDE80;
	(pc) =	sbr.rel @p0 .LBB2_1-.Ltmp0, $4  }
0x205: {  	[hbm4b:s6+s2] =	stream.indirect_vreg.scatter [tilespmem:s29], [sflag:$0x1], $0x80, v4, vm8, $0xb8;
	[tilespmem:$0xE280] =	vst v63  }
0x206: {  	_ =	swait.ge [sflag:s7], $0xE000  }
0x207: {  	[sflag:s7] =	ssyncset.done $0x0  }
0x208: {  	s9 =	sadd.s32 $0xFFFFFFFF, s9;
	[sflag:s7] =	ssyncadd.s32 $0xFFFF2000  }
0x209: {  	_ =	sfence.sel $0x180000  }
0x20a: {  	[bflag:$0x0] =	sbarrier.arrive $0xFFFF  }
0x20b: {  	_ =	strace $0x90000047  }
0x20c: {  	s0 =	stileid.u32;
	[bflag:$0x2] =	sbarrier.arrive $0xFFFF  }
0x20d: {  	p0 =	sne.s32 s0, $0x0;
	s0 =	rddreg [dreg:$0x2]  }
0x20e: {  	s0 =	sadd.s32 @!p0 $0x100000, s0  }
0x20f: {  	[sflag:s0] =	ssyncadd.tile.s32 @!p0 $0x1;
	_ =	shalt  }
.Lfunc_end2:
_tile_overlayer_lowered:
.L_overlay_start_2:
0x210: {  	(tag) =	ssettag $0x2  }
0x211: {  	s0 =	rddreg [dreg:$0x0];
	s2 =	stileid.u32  }
0x212: {  	s1 =	rddreg [dreg:$0x1];
	p0 =	sne.s32 s2, $0x0  }
0x213: {  	s3 =	rddreg [dreg:$0x2];
	[bflag:$0x3] =	sbarrier.arrive $0xFFFF;
	s2 =	simm.s32 @!p0 $0x1C02  }
0x214: {  	[timem:s3], [sflag:s2] =	dma.local @!p0 [hbm:s0], s1  }
0x215: {  	s0 =	simm.s32 @!p0 $0x2  }
0x216: {  	_ =	swait.ge @!p0 [sflag:s0], s1  }
0x217: {  	s1 =	ssub.s32 @!p0 $0x0, s1;
	[sflag:s0] =	ssyncset.done @!p0 $0x0  }
0x218: {  	[sflag:s0] =	ssyncadd.s32 @!p0 s1  }
0x219: {  	[bflag:$0x3] =	sbarrier.arrive $0xFFFF  }
0x21a: {  	_ =	shalt  }

</sc_bundles>
